<compile_context>
chip_gen: v7x
topology: tpu7x:2x2x1
jax: 0.10.2.dev20260603
libtpu: 0.0.44.dev20260713+nightly
codegen_flags: <defaults>
</compile_context>

<pallas_src>
import functools

import jax
import jax.numpy as jnp
from jax import lax
from jax.experimental import pallas as pl
from jax.experimental.pallas import tpu as pltpu
from jax.experimental.pallas import tpu_sc as plsc

KNN = 16
LANES = 16
NC, NS = 2, 16
NW = NC * NS
QB = 8
NQ_BLK = 4

_GDN = lax.GatherDimensionNumbers(
    offset_dims=(), collapsed_slice_dims=(0,), start_index_map=(0,))


def _permute(v, idx):
    return lax.gather(v, idx[:, None], _GDN, (1,),
                      mode=lax.GatherScatterMode.PROMISE_IN_BOUNDS)


def _splat(v, lane):
    return _permute(v, jnp.full((LANES,), lane, jnp.int32))



def _tr_body(x_ref, o_ref):
    o_ref[...] = x_ref[0].T


def _transpose_key(key_features):
    B, C, Nk = key_features.shape
    TK = 512
    return pl.pallas_call(
        _tr_body,
        grid=(B, Nk // TK),
        in_specs=[pl.BlockSpec((1, C, TK), lambda b, t: (b, 0, t))],
        out_specs=pl.BlockSpec((TK, C), lambda b, t: (b * (Nk // TK) + t, 0)),
        out_shape=jax.ShapeDtypeStruct((B * Nk, C), jnp.float32),
    )(key_features)


def _tr_q_body(x_ref, o_ref):
    o_ref[0] = x_ref[0].T


def _transpose_qf(query_features):
    B, C, Nq = query_features.shape
    TQ = 512
    return pl.pallas_call(
        _tr_q_body,
        grid=(B, Nq // TQ),
        in_specs=[pl.BlockSpec((1, C, TQ), lambda b, t: (b, 0, t))],
        out_specs=pl.BlockSpec((1, TQ, C), lambda b, t: (b, t, 0)),
        out_shape=jax.ShapeDtypeStruct((B, Nq, C), jnp.float32),
    )(query_features)



def _knn_body(Nq, Nk, qc_hbm, kc_hbm, qcb_hbm, kcb_hbm, idx_hbm,
              kc_v, qc_v, kcb_v, qcb_v, kn2_v, pd_v, pi_v, oidx_v):
    nqw = Nq // (NW // 4)
    nchunk = Nk // LANES
    cid = lax.axis_index("c")
    sid = lax.axis_index("s")
    wid = cid * NS + sid
    b = wid // 8
    q0 = (wid % 8) * nqw
    pltpu.sync_copy(kc_hbm.at[b], kc_v)
    pltpu.sync_copy(qc_hbm.at[b, :, pl.ds(q0, nqw)], qc_v)
    pltpu.sync_copy(kcb_hbm.at[b], kcb_v)
    pltpu.sync_copy(qcb_hbm.at[b, :, pl.ds(q0, nqw)], qcb_v)
    iota = lax.iota(jnp.int32, LANES)
    iota_m1 = jnp.maximum(iota - 1, 0)
    lane15 = jnp.full((LANES,), 15, jnp.int32)
    inf = jnp.full((LANES,), jnp.inf, jnp.float32)
    zeros_i = jnp.zeros((LANES,), jnp.int32)

    def kn2_step(j, c):
        kx = kc_v[0, pl.ds(j * LANES, LANES)]
        ky = kc_v[1, pl.ds(j * LANES, LANES)]
        kz = kc_v[2, pl.ds(j * LANES, LANES)]
        kn2_v[pl.ds(j * LANES, LANES)] = (kx * kx + ky * ky) + kz * kz
        return c
    lax.fori_loop(0, nchunk, kn2_step, 0)

    def qgroup(qg, c0):
        base = (qg // 2) * LANES
        off = (qg % 2) * QB
        qxv = qc_v[0, pl.ds(base, LANES)]
        qyv = qc_v[1, pl.ds(base, LANES)]
        qzv = qc_v[2, pl.ds(base, LANES)]
        qxbv = qcb_v[0, pl.ds(base, LANES)]
        qybv = qcb_v[1, pl.ds(base, LANES)]
        qzbv = qcb_v[2, pl.ds(base, LANES)]
        qxb, qyb, qzb, qn2 = [], [], [], []
        for i in range(QB):
            qxb.append(_splat(qxbv, off + i))
            qyb.append(_splat(qybv, off + i))
            qzb.append(_splat(qzbv, off + i))
            qx = _splat(qxv, off + i)
            qy = _splat(qyv, off + i)
            qz = _splat(qzv, off + i)
            qn2.append((qx * qx + qy * qy) + qz * qz)
            pd_v[i] = inf
            pi_v[i] = zeros_i

        def dist(i, kx, ky, kz, kn2):
            qk = (kx * qxb[i] + ky * qyb[i]) + kz * qzb[i]
            return (qn2[i] - 2.0 * qk) + kn2

        def chunk_step(j, thrs):
            kx = kcb_v[0, pl.ds(j * LANES, LANES)]
            ky = kcb_v[1, pl.ds(j * LANES, LANES)]
            kz = kcb_v[2, pl.ds(j * LANES, LANES)]
            kn2 = kn2_v[pl.ds(j * LANES, LANES)]
            mor = dist(0, kx, ky, kz, kn2) < thrs[0]
            for i in range(1, QB):
                mor = mor | (dist(i, kx, ky, kz, kn2) < thrs[i])
            hit = jnp.any(mor)

            def dohit(thrs):
                ivec = iota + j * LANES
                out = []
                for i in range(QB):
                    d0 = dist(i, kx, ky, kz, kn2)

                    def wcond(carry):
                        d, thr = carry
                        return jnp.any(d < thr)

                    def wbody(carry, i=i):
                        d, thr = carry
                        lanev = plsc.all_reduce_ffs(d < thr)
                        cd = _permute(d, lanev)
                        ci = _permute(ivec, lanev)
                        pool_d = pd_v[i]
                        pool_i = pi_v[i]
                        mm = pool_d > cd
                        nd = jnp.where(mm, _permute(pool_d, iota_m1), pool_d)
                        ni = jnp.where(mm, _permute(pool_i, iota_m1), pool_i)
                        posv = plsc.all_reduce_ffs(mm)
                        pm = iota == posv
                        nd = jnp.where(pm, cd, nd)
                        ni = jnp.where(pm, ci, ni)
                        pd_v[i] = nd
                        pi_v[i] = ni
                        d = jnp.where(iota == lanev, jnp.inf, d)
                        return d, _splat(nd, 15)

                    _, nthr = lax.while_loop(wcond, wbody, (d0, thrs[i]))
                    out.append(nthr)
                return tuple(out)

            return lax.cond(hit, dohit, lambda t: t, thrs)

        lax.fori_loop(0, nchunk, chunk_step, (inf,) * QB)

        for i in range(QB):
            ql = qg * QB + i
            row = (ql * NQ_BLK) % (nqw * 2) + iota // NQ_BLK
            colv = (ql // 128) * NQ_BLK + iota % NQ_BLK
            plsc.store_scatter(oidx_v, [row, colv], pi_v[i] + b * Nk)
        return c0
    lax.fori_loop(0, nqw // QB, qgroup, 0)
    w = wid % 8
    pltpu.sync_copy(oidx_v, idx_hbm.at[b, :, pl.ds(w * QB, QB)])


def _knn_sc(query_coords, key_coords):
    B, _, Nq = query_coords.shape
    Nk = key_coords.shape[2]
    nqw = Nq // (NW // B)
    qcb = query_coords.astype(jnp.bfloat16).astype(jnp.float32)
    kcb = key_coords.astype(jnp.bfloat16).astype(jnp.float32)
    mesh = plsc.VectorSubcoreMesh(core_axis_name="c", subcore_axis_name="s")
    return pl.kernel(
        functools.partial(_knn_body, Nq, Nk),
        mesh=mesh,
        compiler_params=pltpu.CompilerParams(
            use_tc_tiling_on_sc=False, needs_layout_passes=False),
        out_type=jax.ShapeDtypeStruct((B, nqw * 2, 64), jnp.int32),
        scratch_types=[
            pltpu.VMEM((3, Nk), jnp.float32),
            pltpu.VMEM((3, nqw), jnp.float32),
            pltpu.VMEM((3, Nk), jnp.float32),
            pltpu.VMEM((3, nqw), jnp.float32),
            pltpu.VMEM((Nk,), jnp.float32),
            pltpu.VMEM((QB, LANES), jnp.float32),
            pltpu.VMEM((QB, LANES), jnp.int32),
            pltpu.VMEM((nqw * 2, QB), jnp.int32),
        ],
    )(query_coords, key_coords, qcb, kcb)



def _edge_body(B, C, Nq, kf_hbm, qf_hbm, idx_hbm, out_hbm,
               idx_v0, idx_v1, nf_v0, nf_v1, qf_v, obuf0, obuf1,
               gsem0, gsem1, osem0, osem1):
    nqw = Nq // (NW // B)
    nblk = nqw // NQ_BLK
    cid = lax.axis_index("c")
    sid = lax.axis_index("s")
    wid = cid * NS + sid
    b = wid // 8
    q0 = (wid % 8) * nqw
    v = wid % 8
    iota = lax.iota(jnp.int32, LANES)
    idx_vs = (idx_v0, idx_v1)
    nf_vs = (nf_v0, nf_v1)
    obufs = (obuf0, obuf1)
    gsems = (gsem0, gsem1)
    osems = (osem0, osem1)

    pltpu.sync_copy(idx_hbm.at[b, v * nblk], idx_v0)
    pltpu.async_copy(kf_hbm.at[idx_v0], nf_v0, gsem0)

    def pair(sp, c):
        for sl in range(2):
            s = sp * 2 + sl
            nq = q0 + s * NQ_BLK
            @pl.when(s + 1 < nblk)
            def _():
                pltpu.sync_copy(idx_hbm.at[b, v * nblk + s + 1], idx_vs[1 - sl])
                pltpu.async_copy(kf_hbm.at[idx_vs[1 - sl]], nf_vs[1 - sl],
                                 gsems[1 - sl])
            pltpu.sync_copy(qf_hbm.at[b, pl.ds(nq, NQ_BLK), :], qf_v)
            pltpu.make_async_copy(kf_hbm.at[idx_vs[sl]], nf_vs[sl],
                                  gsems[sl]).wait()
            @pl.when(s >= 2)
            def _():
                pltpu.make_async_copy(
                    obufs[sl], out_hbm.at[b, :, pl.ds(nq, NQ_BLK), :],
                    osems[sl]).wait()

            nf = nf_vs[sl]
            ob = obufs[sl]

            def col(t, c1):
                nql = t // (C // LANES)
                c0 = (t % (C // LANES)) * LANES
                qv = qf_v[nql, pl.ds(c0, LANES)]
                rowc = c0 + iota
                nqlv = jnp.full((LANES,), nql, jnp.int32)
                for kk in range(KNN):
                    vv = nf[kk * NQ_BLK + nql, pl.ds(c0, LANES)]
                    kv = jnp.full((LANES,), kk, jnp.int32)
                    plsc.store_scatter(ob, [rowc, nqlv, kv], vv - qv)
                    plsc.store_scatter(ob, [rowc + C, nqlv, kv], qv)
                return c1
            lax.fori_loop(0, NQ_BLK * (C // LANES), col, 0)
            pltpu.async_copy(ob, out_hbm.at[b, :, pl.ds(nq, NQ_BLK), :],
                             osems[sl])
        return c
    lax.fori_loop(0, nblk // 2, pair, 0)
    for sl in range(2):
        s = nblk - 2 + sl
        nq = q0 + s * NQ_BLK
        pltpu.make_async_copy(
            obufs[sl], out_hbm.at[b, :, pl.ds(nq, NQ_BLK), :],
            osems[sl]).wait()


def _edge_sc(kf_t, qf_t, idx):
    B, Nq, C = qf_t.shape
    mesh = plsc.VectorSubcoreMesh(core_axis_name="c", subcore_axis_name="s")
    return pl.kernel(
        functools.partial(_edge_body, B, C, Nq),
        mesh=mesh,
        compiler_params=pltpu.CompilerParams(
            use_tc_tiling_on_sc=False, needs_layout_passes=False),
        out_type=jax.ShapeDtypeStruct((B, 2 * C, Nq, KNN), jnp.float32),
        scratch_types=[
            pltpu.VMEM((NQ_BLK * KNN,), jnp.int32),
            pltpu.VMEM((NQ_BLK * KNN,), jnp.int32),
            pltpu.VMEM((NQ_BLK * KNN, C), jnp.float32),
            pltpu.VMEM((NQ_BLK * KNN, C), jnp.float32),
            pltpu.VMEM((NQ_BLK, C), jnp.float32),
            pltpu.VMEM((2 * C, NQ_BLK, KNN), jnp.float32),
            pltpu.VMEM((2 * C, NQ_BLK, KNN), jnp.float32),
            pltpu.SemaphoreType.DMA,
            pltpu.SemaphoreType.DMA,
            pltpu.SemaphoreType.DMA,
            pltpu.SemaphoreType.DMA,
        ],
    )(kf_t, qf_t, idx)


def kernel(query_coords, query_features, key_coords, key_features):
    kf_t = _transpose_key(key_features)
    qf_t = _transpose_qf(query_features)
    idx = _knn_sc(query_coords, key_coords)
    return _edge_sc(kf_t, qf_t, idx)

# --- scband reference (transcript-rebuilt; emitter-appended) ---
"""Pipeline reference for scband-k-nnquery-43997644980253 (READ-ONLY COPY).

The authoritative reference and input builder live on the scoring server;
editing this copy changes nothing except your own understanding.
"""

import jax, jax.numpy as jnp
import numpy as np

K = 16

def _knn_index(k, query_coords, key_coords):
    # query_coords: [B, 3, Nq], key_coords: [B, 3, Nk]
    q = jnp.transpose(query_coords, (0, 2, 1))   # [B, Nq, 3]
    kk = jnp.transpose(key_coords, (0, 2, 1))    # [B, Nk, 3]
    dist = (jnp.sum(q * q, axis=-1, keepdims=True)
            - 2.0 * jnp.einsum('bqc,bkc->bqk', q, kk)
            + jnp.sum(kk * kk, axis=-1)[:, None, :])   # [B, Nq, Nk]
    _, idx = jax.lax.top_k(-dist, k)             # k nearest -> [B, Nq, k]
    return jnp.transpose(idx, (0, 2, 1))         # [B, k, Nq] (matches torch knn_index)


def setup_inputs(seed: int = 0) -> dict:
    key = jax.random.key(seed)
    k1, k2, k3, k4 = jax.random.split(key, 4)
    return {
        'query_coords': jax.random.normal(k1, (4, 3, 2048), dtype=jnp.float32),
        'query_features': jax.random.normal(k2, (4, 256, 2048), dtype=jnp.float32),
        'key_coords': jax.random.normal(k3, (4, 3, 8192), dtype=jnp.float32),
        'key_features': jax.random.normal(k4, (4, 256, 8192), dtype=jnp.float32),
    }


def reference(query_coords, query_features, key_coords, key_features):
    B, C, Nq = query_features.shape
    Nk = key_features.shape[2]
    # _find_knn_indices (torch.no_grad -> stop_gradient)
    knn_idx = jax.lax.stop_gradient(_knn_index(K, query_coords, key_coords))  # [B, K, Nq]
    knn_idx = jnp.transpose(knn_idx, (0, 2, 1))                               # [B, Nq, K]
    batch_offsets = jnp.arange(B).reshape(-1, 1, 1) * Nk
    flat_idx = (knn_idx + batch_offsets).reshape(-1)                          # flat order (b, q, k)
    # _gather_neighbor_features
    key_flat = jnp.transpose(key_features, (0, 2, 1)).reshape(B * Nk, C)      # [(B*Nk), C]
    nf = key_flat[flat_idx, :]                                                # [(B*Nq*K), C]
    # einops '(batch k num_query) c -> batch c num_query k' (faithful to original, incl. its index-order quirk)
    nf = jnp.transpose(nf.reshape(B, K, Nq, C), (0, 3, 2, 1))                 # [B, C, Nq, K]
    # _compute_edge_features
    qf = jnp.broadcast_to(query_features[:, :, :, None], (B, C, Nq, K))
    edge = jnp.concatenate([nf - qf, qf], axis=1)                             # [B, 2C, Nq, K]
    return edge

if __name__ == "__main__":
    import jax
    _d = setup_inputs()
    print(jax.jit(kernel)(*tuple(_d.values())))

</pallas_src>

<mosaic_0001>
#map = affine_map<(d0, d1) -> (0, 0, 0)>
module attributes {stable_mosaic.version = 14 : i64} {
  func.func @_knn_body(%arg0: i32, %arg1: i32, %arg2: memref<4x3x2048xf32, #tpu.memory_space<hbm>>, %arg3: memref<4x3x8192xf32, #tpu.memory_space<hbm>>, %arg4: memref<4x3x2048xf32, #tpu.memory_space<hbm>>, %arg5: memref<4x3x8192xf32, #tpu.memory_space<hbm>>, %arg6: memref<4x512x64xi32, #tpu.memory_space<hbm>>, %arg7: memref<3x8192xf32, #tpu.memory_space<vmem>>, %arg8: memref<3x256xf32, #tpu.memory_space<vmem>>, %arg9: memref<3x8192xf32, #tpu.memory_space<vmem>>, %arg10: memref<3x256xf32, #tpu.memory_space<vmem>>, %arg11: memref<8192xf32, #tpu.memory_space<vmem>>, %arg12: memref<8x16xf32, #tpu.memory_space<vmem>>, %arg13: memref<8x16xi32, #tpu.memory_space<vmem>>, %arg14: memref<512x8xi32, #tpu.memory_space<vmem>>) attributes {dimension_semantics = [#tpu.dimension_semantics<core_parallel>, #tpu.dimension_semantics<subcore_parallel>], iteration_bounds = array<i64: 2, 16>, scalar_prefetch = 0 : i64, scratch_operands = 8 : i64, tpu.core_type = #tpu.core_type<sc_vector_subcore>, window_params = [{transform_indices = #map}, {transform_indices = #map}, {transform_indices = #map}, {transform_indices = #map}, {transform_indices = #map}]} {
    %mul3A = arith.constant 16 : i32
    %mul3A_0 = arith.muli %arg0, %mul3A : i32
    %add3A = arith.addi %mul3A_0, %arg1 : i32
    %jit3A = arith.constant 8 : i32
    %div3A = arith.divsi %add3A, %jit3A : i32
    %sign3A = arith.constant 0 : i32
    %sign3A_1 = arith.cmpi sgt, %add3A, %sign3A : i32
    %sign3A_2 = arith.extui %sign3A_1 : i1 to i32
    %sign3A_3 = arith.constant 0 : i32
    %sign3A_4 = arith.cmpi slt, %add3A, %sign3A_3 : i32
    %sign3A_5 = arith.extui %sign3A_4 : i1 to i32
    %sign3A_6 = arith.subi %sign3A_2, %sign3A_5 : i32
    %sign3A_7 = arith.constant 0 : i32
    %sign3A_8 = arith.cmpi sgt, %jit3A, %sign3A_7 : i32
    %sign3A_9 = arith.extui %sign3A_8 : i1 to i32
    %sign3A_10 = arith.constant 0 : i32
    %sign3A_11 = arith.cmpi slt, %jit3A, %sign3A_10 : i32
    %sign3A_12 = arith.extui %sign3A_11 : i1 to i32
    %sign3A_13 = arith.subi %sign3A_9, %sign3A_12 : i32
    %ne3A = arith.cmpi ne, %sign3A_6, %sign3A_13 : i32
    %rem3A = arith.remsi %add3A, %jit3A : i32
    %ne3A_14 = arith.constant 0 : i32
    %ne3A_15 = arith.cmpi ne, %rem3A, %ne3A_14 : i32
    %and3A = arith.andi %ne3A, %ne3A_15 : i1
    %sub3A = arith.constant 1 : i32
    %sub3A_16 = arith.subi %div3A, %sub3A : i32
    %select_n3A = arith.select %and3A, %sub3A_16, %div3A : i32
    %jit3A_17 = arith.constant 8 : i32
    %eq3A = arith.constant 0 : i32
    %eq3A_18 = arith.cmpi eq, %jit3A_17, %eq3A : i32
    %jit3A_19 = arith.constant 1 : i32
    %select_n3A_20 = arith.select %eq3A_18, %jit3A_19, %jit3A_17 : i32
    %rem3A_21 = arith.remsi %add3A, %select_n3A_20 : i32
    %ne3A_22 = arith.constant 0 : i32
    %ne3A_23 = arith.cmpi ne, %rem3A_21, %ne3A_22 : i32
    %lt3A = arith.constant 0 : i32
    %lt3A_24 = arith.cmpi slt, %rem3A_21, %lt3A : i32
    %lt3A_25 = arith.constant 0 : i32
    %lt3A_26 = arith.cmpi slt, %select_n3A_20, %lt3A_25 : i32
    %ne3A_27 = arith.xori %lt3A_24, %lt3A_26 : i1
    %and3A_28 = arith.andi %ne3A_27, %ne3A_23 : i1
    %add3A_29 = arith.addi %rem3A_21, %select_n3A_20 : i32
    %select_n3A_30 = arith.select %and3A_28, %add3A_29, %rem3A_21 : i32
    %mul3A_31 = arith.constant 256 : i32
    %mul3A_32 = arith.muli %select_n3A_30, %mul3A_31 : i32
    "tpu.region"() ({
      %run_scoped3A = tpu.sem_alloc : memref<!tpu.dma_semaphore, #tpu.memory_space<semaphore_mem>>
      %dma_start3A = arith.constant 0 : i32
      %dma_start3A_72 = arith.constant 0 : i32
      %dma_start3A_73 = tpu.memref_slice %arg3[%select_n3A, %dma_start3A, %dma_start3A_72] : memref<4x3x8192xf32, #tpu.memory_space<hbm>> -> memref<1x3x8192xf32, #tpu.memory_space<hbm>>
      %dma_start3A_74 = tpu.memref_squeeze %dma_start3A_73 : memref<1x3x8192xf32, #tpu.memory_space<hbm>> -> memref<3x8192xf32, #tpu.memory_space<hbm>>
      %dma_start3A_75 = arith.constant 0 : i32
      %dma_start3A_76 = arith.constant 0 : i32
      %dma_start3A_77 = tpu.memref_slice %arg3[%select_n3A, %dma_start3A_75, %dma_start3A_76] : memref<4x3x8192xf32, #tpu.memory_space<hbm>> -> memref<1x3x8192xf32, #tpu.memory_space<hbm>>
      %dma_start3A_78 = tpu.memref_squeeze %dma_start3A_77 : memref<1x3x8192xf32, #tpu.memory_space<hbm>> -> memref<3x8192xf32, #tpu.memory_space<hbm>>
      tpu.enqueue_dma source(%dma_start3A_78 : memref<3x8192xf32, #tpu.memory_space<hbm>>) target(%arg7 : memref<3x8192xf32, #tpu.memory_space<vmem>>) target_semaphore(%run_scoped3A : memref<!tpu.dma_semaphore, #tpu.memory_space<semaphore_mem>>)
      %dma_wait3A = arith.constant 0 : i32
      %dma_wait3A_79 = arith.constant 0 : i32
      %dma_wait3A_80 = tpu.memref_slice %arg3[%select_n3A, %dma_wait3A, %dma_wait3A_79] : memref<4x3x8192xf32, #tpu.memory_space<hbm>> -> memref<1x3x8192xf32, #tpu.memory_space<hbm>>
      %dma_wait3A_81 = tpu.memref_squeeze %dma_wait3A_80 : memref<1x3x8192xf32, #tpu.memory_space<hbm>> -> memref<3x8192xf32, #tpu.memory_space<hbm>>
      %dma_wait3A_82 = arith.constant 0 : i32
      %dma_wait3A_83 = arith.constant 0 : i32
      %dma_wait3A_84 = tpu.memref_slice %arg3[%select_n3A, %dma_wait3A_82, %dma_wait3A_83] : memref<4x3x8192xf32, #tpu.memory_space<hbm>> -> memref<1x3x8192xf32, #tpu.memory_space<hbm>>
      %dma_wait3A_85 = tpu.memref_squeeze %dma_wait3A_84 : memref<1x3x8192xf32, #tpu.memory_space<hbm>> -> memref<3x8192xf32, #tpu.memory_space<hbm>>
      tpu.wait_dma2 semaphore(%run_scoped3A : memref<!tpu.dma_semaphore, #tpu.memory_space<semaphore_mem>>) src(%dma_wait3A_85 : memref<3x8192xf32, #tpu.memory_space<hbm>>) dst(%arg7 : memref<3x8192xf32, #tpu.memory_space<vmem>>)
      tpu.yield
    }) : () -> ()
    "tpu.region"() ({
      %run_scoped3A = tpu.sem_alloc : memref<!tpu.dma_semaphore, #tpu.memory_space<semaphore_mem>>
      %dma_start3A = arith.constant 0 : i32
      %dma_start3A_72 = tpu.memref_slice %arg2[%select_n3A, %dma_start3A, %mul3A_32] : memref<4x3x2048xf32, #tpu.memory_space<hbm>> -> memref<1x3x256xf32, #tpu.memory_space<hbm>>
      %dma_start3A_73 = tpu.memref_squeeze %dma_start3A_72 : memref<1x3x256xf32, #tpu.memory_space<hbm>> -> memref<3x256xf32, #tpu.memory_space<hbm>>
      %dma_start3A_74 = arith.constant 0 : i32
      %dma_start3A_75 = tpu.memref_slice %arg2[%select_n3A, %dma_start3A_74, %mul3A_32] : memref<4x3x2048xf32, #tpu.memory_space<hbm>> -> memref<1x3x256xf32, #tpu.memory_space<hbm>>
      %dma_start3A_76 = tpu.memref_squeeze %dma_start3A_75 : memref<1x3x256xf32, #tpu.memory_space<hbm>> -> memref<3x256xf32, #tpu.memory_space<hbm>>
      tpu.enqueue_dma source(%dma_start3A_76 : memref<3x256xf32, #tpu.memory_space<hbm>>) target(%arg8 : memref<3x256xf32, #tpu.memory_space<vmem>>) target_semaphore(%run_scoped3A : memref<!tpu.dma_semaphore, #tpu.memory_space<semaphore_mem>>)
      %dma_wait3A = arith.constant 0 : i32
      %dma_wait3A_77 = tpu.memref_slice %arg2[%select_n3A, %dma_wait3A, %mul3A_32] : memref<4x3x2048xf32, #tpu.memory_space<hbm>> -> memref<1x3x256xf32, #tpu.memory_space<hbm>>
      %dma_wait3A_78 = tpu.memref_squeeze %dma_wait3A_77 : memref<1x3x256xf32, #tpu.memory_space<hbm>> -> memref<3x256xf32, #tpu.memory_space<hbm>>
      %dma_wait3A_79 = arith.constant 0 : i32
      %dma_wait3A_80 = tpu.memref_slice %arg2[%select_n3A, %dma_wait3A_79, %mul3A_32] : memref<4x3x2048xf32, #tpu.memory_space<hbm>> -> memref<1x3x256xf32, #tpu.memory_space<hbm>>
      %dma_wait3A_81 = tpu.memref_squeeze %dma_wait3A_80 : memref<1x3x256xf32, #tpu.memory_space<hbm>> -> memref<3x256xf32, #tpu.memory_space<hbm>>
      tpu.wait_dma2 semaphore(%run_scoped3A : memref<!tpu.dma_semaphore, #tpu.memory_space<semaphore_mem>>) src(%dma_wait3A_81 : memref<3x256xf32, #tpu.memory_space<hbm>>) dst(%arg8 : memref<3x256xf32, #tpu.memory_space<vmem>>)
      tpu.yield
    }) : () -> ()
    "tpu.region"() ({
      %run_scoped3A = tpu.sem_alloc : memref<!tpu.dma_semaphore, #tpu.memory_space<semaphore_mem>>
      %dma_start3A = arith.constant 0 : i32
      %dma_start3A_72 = arith.constant 0 : i32
      %dma_start3A_73 = tpu.memref_slice %arg5[%select_n3A, %dma_start3A, %dma_start3A_72] : memref<4x3x8192xf32, #tpu.memory_space<hbm>> -> memref<1x3x8192xf32, #tpu.memory_space<hbm>>
      %dma_start3A_74 = tpu.memref_squeeze %dma_start3A_73 : memref<1x3x8192xf32, #tpu.memory_space<hbm>> -> memref<3x8192xf32, #tpu.memory_space<hbm>>
      %dma_start3A_75 = arith.constant 0 : i32
      %dma_start3A_76 = arith.constant 0 : i32
      %dma_start3A_77 = tpu.memref_slice %arg5[%select_n3A, %dma_start3A_75, %dma_start3A_76] : memref<4x3x8192xf32, #tpu.memory_space<hbm>> -> memref<1x3x8192xf32, #tpu.memory_space<hbm>>
      %dma_start3A_78 = tpu.memref_squeeze %dma_start3A_77 : memref<1x3x8192xf32, #tpu.memory_space<hbm>> -> memref<3x8192xf32, #tpu.memory_space<hbm>>
      tpu.enqueue_dma source(%dma_start3A_78 : memref<3x8192xf32, #tpu.memory_space<hbm>>) target(%arg9 : memref<3x8192xf32, #tpu.memory_space<vmem>>) target_semaphore(%run_scoped3A : memref<!tpu.dma_semaphore, #tpu.memory_space<semaphore_mem>>)
      %dma_wait3A = arith.constant 0 : i32
      %dma_wait3A_79 = arith.constant 0 : i32
      %dma_wait3A_80 = tpu.memref_slice %arg5[%select_n3A, %dma_wait3A, %dma_wait3A_79] : memref<4x3x8192xf32, #tpu.memory_space<hbm>> -> memref<1x3x8192xf32, #tpu.memory_space<hbm>>
      %dma_wait3A_81 = tpu.memref_squeeze %dma_wait3A_80 : memref<1x3x8192xf32, #tpu.memory_space<hbm>> -> memref<3x8192xf32, #tpu.memory_space<hbm>>
      %dma_wait3A_82 = arith.constant 0 : i32
      %dma_wait3A_83 = arith.constant 0 : i32
      %dma_wait3A_84 = tpu.memref_slice %arg5[%select_n3A, %dma_wait3A_82, %dma_wait3A_83] : memref<4x3x8192xf32, #tpu.memory_space<hbm>> -> memref<1x3x8192xf32, #tpu.memory_space<hbm>>
      %dma_wait3A_85 = tpu.memref_squeeze %dma_wait3A_84 : memref<1x3x8192xf32, #tpu.memory_space<hbm>> -> memref<3x8192xf32, #tpu.memory_space<hbm>>
      tpu.wait_dma2 semaphore(%run_scoped3A : memref<!tpu.dma_semaphore, #tpu.memory_space<semaphore_mem>>) src(%dma_wait3A_85 : memref<3x8192xf32, #tpu.memory_space<hbm>>) dst(%arg9 : memref<3x8192xf32, #tpu.memory_space<vmem>>)
      tpu.yield
    }) : () -> ()
    "tpu.region"() ({
      %run_scoped3A = tpu.sem_alloc : memref<!tpu.dma_semaphore, #tpu.memory_space<semaphore_mem>>
      %dma_start3A = arith.constant 0 : i32
      %dma_start3A_72 = tpu.memref_slice %arg4[%select_n3A, %dma_start3A, %mul3A_32] : memref<4x3x2048xf32, #tpu.memory_space<hbm>> -> memref<1x3x256xf32, #tpu.memory_space<hbm>>
      %dma_start3A_73 = tpu.memref_squeeze %dma_start3A_72 : memref<1x3x256xf32, #tpu.memory_space<hbm>> -> memref<3x256xf32, #tpu.memory_space<hbm>>
      %dma_start3A_74 = arith.constant 0 : i32
      %dma_start3A_75 = tpu.memref_slice %arg4[%select_n3A, %dma_start3A_74, %mul3A_32] : memref<4x3x2048xf32, #tpu.memory_space<hbm>> -> memref<1x3x256xf32, #tpu.memory_space<hbm>>
      %dma_start3A_76 = tpu.memref_squeeze %dma_start3A_75 : memref<1x3x256xf32, #tpu.memory_space<hbm>> -> memref<3x256xf32, #tpu.memory_space<hbm>>
      tpu.enqueue_dma source(%dma_start3A_76 : memref<3x256xf32, #tpu.memory_space<hbm>>) target(%arg10 : memref<3x256xf32, #tpu.memory_space<vmem>>) target_semaphore(%run_scoped3A : memref<!tpu.dma_semaphore, #tpu.memory_space<semaphore_mem>>)
      %dma_wait3A = arith.constant 0 : i32
      %dma_wait3A_77 = tpu.memref_slice %arg4[%select_n3A, %dma_wait3A, %mul3A_32] : memref<4x3x2048xf32, #tpu.memory_space<hbm>> -> memref<1x3x256xf32, #tpu.memory_space<hbm>>
      %dma_wait3A_78 = tpu.memref_squeeze %dma_wait3A_77 : memref<1x3x256xf32, #tpu.memory_space<hbm>> -> memref<3x256xf32, #tpu.memory_space<hbm>>
      %dma_wait3A_79 = arith.constant 0 : i32
      %dma_wait3A_80 = tpu.memref_slice %arg4[%select_n3A, %dma_wait3A_79, %mul3A_32] : memref<4x3x2048xf32, #tpu.memory_space<hbm>> -> memref<1x3x256xf32, #tpu.memory_space<hbm>>
      %dma_wait3A_81 = tpu.memref_squeeze %dma_wait3A_80 : memref<1x3x256xf32, #tpu.memory_space<hbm>> -> memref<3x256xf32, #tpu.memory_space<hbm>>
      tpu.wait_dma2 semaphore(%run_scoped3A : memref<!tpu.dma_semaphore, #tpu.memory_space<semaphore_mem>>) src(%dma_wait3A_81 : memref<3x256xf32, #tpu.memory_space<hbm>>) dst(%arg10 : memref<3x256xf32, #tpu.memory_space<vmem>>)
      tpu.yield
    }) : () -> ()
    %iota3A = tpu.iota {dimensions = array<i32: 0>} : vector<16xi32>
    %sub3A_33 = arith.constant 1 : i32
    %sub3A_34 = vector.broadcast %sub3A_33 : i32 to vector<16xi32>
    %sub3A_35 = arith.subi %iota3A, %sub3A_34 : vector<16xi32>
    %max3A = arith.constant 0 : i32
    %max3A_36 = vector.broadcast %max3A : i32 to vector<16xi32>
    %max3A_37 = arith.maxsi %sub3A_35, %max3A_36 : vector<16xi32>
    %broadcast_in_dim3A = arith.constant 15 : i32
    %broadcast_in_dim3A_38 = vector.broadcast %broadcast_in_dim3A : i32 to vector<16xi32>
    %broadcast_in_dim3A_39 = arith.constant 0x7F800000 : f32
    %broadcast_in_dim3A_40 = vector.broadcast %broadcast_in_dim3A_39 : f32 to vector<16xf32>
    %broadcast_in_dim3A_41 = arith.constant 0 : i32
    %broadcast_in_dim3A_42 = vector.broadcast %broadcast_in_dim3A_41 : i32 to vector<16xi32>
    %scan3A = arith.constant 0 : i32
    %scan3A_43 = arith.constant 0 : i32
    %scan3A_44 = arith.constant 512 : i32
    %scan3A_45 = arith.addi %scan3A_43, %scan3A_44 : i32
    %scan3A_46 = arith.constant 1 : i32
    scf.for %scan3A_72 = %scan3A_43 to %scan3A_45 step %scan3A_46  : i32 {
      %mul3A_73 = arith.constant 16 : i32
      %mul3A_74 = arith.muli %scan3A_72, %mul3A_73 : i32
      %get3A = arith.constant 0 : i32
      %get3A_75 = arith.index_cast %get3A : i32 to index
      %get3A_76 = arith.index_cast %mul3A_74 : i32 to index
      %get3A_77 = tpu.vector_load %arg7[%get3A_75, %get3A_76] {strides = array<i32>} : memref<3x8192xf32, #tpu.memory_space<vmem>>, vector<16xf32>,
      %mul3A_78 = arith.constant 16 : i32
      %mul3A_79 = arith.muli %scan3A_72, %mul3A_78 : i32
      %get3A_80 = arith.constant 1 : i32
      %get3A_81 = arith.index_cast %get3A_80 : i32 to index
      %get3A_82 = arith.index_cast %mul3A_79 : i32 to index
      %get3A_83 = tpu.vector_load %arg7[%get3A_81, %get3A_82] {strides = array<i32>} : memref<3x8192xf32, #tpu.memory_space<vmem>>, vector<16xf32>,
      %mul3A_84 = arith.constant 16 : i32
      %mul3A_85 = arith.muli %scan3A_72, %mul3A_84 : i32
      %get3A_86 = arith.constant 2 : i32
      %get3A_87 = arith.index_cast %get3A_86 : i32 to index
      %get3A_88 = arith.index_cast %mul3A_85 : i32 to index
      %get3A_89 = tpu.vector_load %arg7[%get3A_87, %get3A_88] {strides = array<i32>} : memref<3x8192xf32, #tpu.memory_space<vmem>>, vector<16xf32>,
      %mul3A_90 = arith.mulf %get3A_77, %get3A_77 : vector<16xf32>
      %mul3A_91 = arith.mulf %get3A_83, %get3A_83 : vector<16xf32>
      %add3A_92 = arith.addf %mul3A_90, %mul3A_91 : vector<16xf32>
      %mul3A_93 = arith.mulf %get3A_89, %get3A_89 : vector<16xf32>
      %add3A_94 = arith.addf %add3A_92, %mul3A_93 : vector<16xf32>
      %mul3A_95 = arith.constant 16 : i32
      %mul3A_96 = arith.muli %scan3A_72, %mul3A_95 : i32
      %swap3A = arith.index_cast %mul3A_96 : i32 to index
      %swap3A_97 = tpu.vector_load %arg11[%swap3A] {strides = array<i32>} : memref<8192xf32, #tpu.memory_space<vmem>>, vector<16xf32>,
      tpu.vector_store %arg11[%swap3A], %add3A_94 {strides = array<i32>} : memref<8192xf32, #tpu.memory_space<vmem>>, vector<16xf32>,
    }
    %scan3A_47 = arith.constant 512 : i32
    %scan3A_48 = arith.constant 0 : i32
    %scan3A_49 = arith.constant 0 : i32
    %scan3A_50 = arith.constant 32 : i32
    %scan3A_51 = arith.addi %scan3A_49, %scan3A_50 : i32
    %scan3A_52 = arith.constant 1 : i32
    scf.for %scan3A_72 = %scan3A_49 to %scan3A_51 step %scan3A_52  : i32 {
      %jit3A_73 = arith.constant 2 : i32
      %div3A_74 = arith.divsi %scan3A_72, %jit3A_73 : i32
      %sign3A_75 = arith.constant 0 : i32
      %sign3A_76 = arith.cmpi sgt, %scan3A_72, %sign3A_75 : i32
      %sign3A_77 = arith.extui %sign3A_76 : i1 to i32
      %sign3A_78 = arith.constant 0 : i32
      %sign3A_79 = arith.cmpi slt, %scan3A_72, %sign3A_78 : i32
      %sign3A_80 = arith.extui %sign3A_79 : i1 to i32
      %sign3A_81 = arith.subi %sign3A_77, %sign3A_80 : i32
      %sign3A_82 = arith.constant 0 : i32
      %sign3A_83 = arith.cmpi sgt, %jit3A_73, %sign3A_82 : i32
      %sign3A_84 = arith.extui %sign3A_83 : i1 to i32
      %sign3A_85 = arith.constant 0 : i32
      %sign3A_86 = arith.cmpi slt, %jit3A_73, %sign3A_85 : i32
      %sign3A_87 = arith.extui %sign3A_86 : i1 to i32
      %sign3A_88 = arith.subi %sign3A_84, %sign3A_87 : i32
      %ne3A_89 = arith.cmpi ne, %sign3A_81, %sign3A_88 : i32
      %rem3A_90 = arith.remsi %scan3A_72, %jit3A_73 : i32
      %ne3A_91 = arith.constant 0 : i32
      %ne3A_92 = arith.cmpi ne, %rem3A_90, %ne3A_91 : i32
      %and3A_93 = arith.andi %ne3A_89, %ne3A_92 : i1
      %sub3A_94 = arith.constant 1 : i32
      %sub3A_95 = arith.subi %div3A_74, %sub3A_94 : i32
      %select_n3A_96 = arith.select %and3A_93, %sub3A_95, %div3A_74 : i32
      %mul3A_97 = arith.constant 16 : i32
      %mul3A_98 = arith.muli %select_n3A_96, %mul3A_97 : i32
      %jit3A_99 = arith.constant 2 : i32
      %eq3A_100 = arith.constant 0 : i32
      %eq3A_101 = arith.cmpi eq, %jit3A_99, %eq3A_100 : i32
      %jit3A_102 = arith.constant 1 : i32
      %select_n3A_103 = arith.select %eq3A_101, %jit3A_102, %jit3A_99 : i32
      %rem3A_104 = arith.remsi %scan3A_72, %select_n3A_103 : i32
      %ne3A_105 = arith.constant 0 : i32
      %ne3A_106 = arith.cmpi ne, %rem3A_104, %ne3A_105 : i32
      %lt3A_107 = arith.constant 0 : i32
      %lt3A_108 = arith.cmpi slt, %rem3A_104, %lt3A_107 : i32
      %lt3A_109 = arith.constant 0 : i32
      %lt3A_110 = arith.cmpi slt, %select_n3A_103, %lt3A_109 : i32
      %ne3A_111 = arith.xori %lt3A_108, %lt3A_110 : i1
      %and3A_112 = arith.andi %ne3A_111, %ne3A_106 : i1
      %add3A_113 = arith.addi %rem3A_104, %select_n3A_103 : i32
      %select_n3A_114 = arith.select %and3A_112, %add3A_113, %rem3A_104 : i32
      %mul3A_115 = arith.constant 8 : i32
      %mul3A_116 = arith.muli %select_n3A_114, %mul3A_115 : i32
      %get3A = arith.constant 0 : i32
      %get3A_117 = arith.index_cast %get3A : i32 to index
      %get3A_118 = arith.index_cast %mul3A_98 : i32 to index
      %get3A_119 = tpu.vector_load %arg8[%get3A_117, %get3A_118] {strides = array<i32>} : memref<3x256xf32, #tpu.memory_space<vmem>>, vector<16xf32>,
      %get3A_120 = arith.constant 1 : i32
      %get3A_121 = arith.index_cast %get3A_120 : i32 to index
      %get3A_122 = arith.index_cast %mul3A_98 : i32 to index
      %get3A_123 = tpu.vector_load %arg8[%get3A_121, %get3A_122] {strides = array<i32>} : memref<3x256xf32, #tpu.memory_space<vmem>>, vector<16xf32>,
      %get3A_124 = arith.constant 2 : i32
      %get3A_125 = arith.index_cast %get3A_124 : i32 to index
      %get3A_126 = arith.index_cast %mul3A_98 : i32 to index
      %get3A_127 = tpu.vector_load %arg8[%get3A_125, %get3A_126] {strides = array<i32>} : memref<3x256xf32, #tpu.memory_space<vmem>>, vector<16xf32>,
      %get3A_128 = arith.constant 0 : i32
      %get3A_129 = arith.index_cast %get3A_128 : i32 to index
      %get3A_130 = arith.index_cast %mul3A_98 : i32 to index
      %get3A_131 = tpu.vector_load %arg10[%get3A_129, %get3A_130] {strides = array<i32>} : memref<3x256xf32, #tpu.memory_space<vmem>>, vector<16xf32>,
      %get3A_132 = arith.constant 1 : i32
      %get3A_133 = arith.index_cast %get3A_132 : i32 to index
      %get3A_134 = arith.index_cast %mul3A_98 : i32 to index
      %get3A_135 = tpu.vector_load %arg10[%get3A_133, %get3A_134] {strides = array<i32>} : memref<3x256xf32, #tpu.memory_space<vmem>>, vector<16xf32>,
      %get3A_136 = arith.constant 2 : i32
      %get3A_137 = arith.index_cast %get3A_136 : i32 to index
      %get3A_138 = arith.index_cast %mul3A_98 : i32 to index
      %get3A_139 = tpu.vector_load %arg10[%get3A_137, %get3A_138] {strides = array<i32>} : memref<3x256xf32, #tpu.memory_space<vmem>>, vector<16xf32>,
      %add3A_140 = arith.constant 0 : i32
      %add3A_141 = arith.addi %mul3A_116, %add3A_140 : i32
      %broadcast_in_dim3A_142 = vector.broadcast %add3A_141 : i32 to vector<16xi32>
      %broadcast_in_dim3A_143 = vector.shape_cast %broadcast_in_dim3A_142 : vector<16xi32> to vector<16x1xi32>
      %gather3A = vector.shape_cast %broadcast_in_dim3A_143 : vector<16x1xi32> to vector<16xi32>
      %gather3A_144 = tpu.dynamic_gather %get3A_131[%gather3A] in [0] : vector<16xf32>, vector<16xi32> -> vector<16xf32>
      %add3A_145 = arith.constant 0 : i32
      %add3A_146 = arith.addi %mul3A_116, %add3A_145 : i32
      %broadcast_in_dim3A_147 = vector.broadcast %add3A_146 : i32 to vector<16xi32>
      %broadcast_in_dim3A_148 = vector.shape_cast %broadcast_in_dim3A_147 : vector<16xi32> to vector<16x1xi32>
      %gather3A_149 = vector.shape_cast %broadcast_in_dim3A_148 : vector<16x1xi32> to vector<16xi32>
      %gather3A_150 = tpu.dynamic_gather %get3A_135[%gather3A_149] in [0] : vector<16xf32>, vector<16xi32> -> vector<16xf32>
      %add3A_151 = arith.constant 0 : i32
      %add3A_152 = arith.addi %mul3A_116, %add3A_151 : i32
      %broadcast_in_dim3A_153 = vector.broadcast %add3A_152 : i32 to vector<16xi32>
      %broadcast_in_dim3A_154 = vector.shape_cast %broadcast_in_dim3A_153 : vector<16xi32> to vector<16x1xi32>
      %gather3A_155 = vector.shape_cast %broadcast_in_dim3A_154 : vector<16x1xi32> to vector<16xi32>
      %gather3A_156 = tpu.dynamic_gather %get3A_139[%gather3A_155] in [0] : vector<16xf32>, vector<16xi32> -> vector<16xf32>
      %add3A_157 = arith.constant 0 : i32
      %add3A_158 = arith.addi %mul3A_116, %add3A_157 : i32
      %broadcast_in_dim3A_159 = vector.broadcast %add3A_158 : i32 to vector<16xi32>
      %broadcast_in_dim3A_160 = vector.shape_cast %broadcast_in_dim3A_159 : vector<16xi32> to vector<16x1xi32>
      %gather3A_161 = vector.shape_cast %broadcast_in_dim3A_160 : vector<16x1xi32> to vector<16xi32>
      %gather3A_162 = tpu.dynamic_gather %get3A_119[%gather3A_161] in [0] : vector<16xf32>, vector<16xi32> -> vector<16xf32>
      %add3A_163 = arith.constant 0 : i32
      %add3A_164 = arith.addi %mul3A_116, %add3A_163 : i32
      %broadcast_in_dim3A_165 = vector.broadcast %add3A_164 : i32 to vector<16xi32>
      %broadcast_in_dim3A_166 = vector.shape_cast %broadcast_in_dim3A_165 : vector<16xi32> to vector<16x1xi32>
      %gather3A_167 = vector.shape_cast %broadcast_in_dim3A_166 : vector<16x1xi32> to vector<16xi32>
      %gather3A_168 = tpu.dynamic_gather %get3A_123[%gather3A_167] in [0] : vector<16xf32>, vector<16xi32> -> vector<16xf32>
      %add3A_169 = arith.constant 0 : i32
      %add3A_170 = arith.addi %mul3A_116, %add3A_169 : i32
      %broadcast_in_dim3A_171 = vector.broadcast %add3A_170 : i32 to vector<16xi32>
      %broadcast_in_dim3A_172 = vector.shape_cast %broadcast_in_dim3A_171 : vector<16xi32> to vector<16x1xi32>
      %gather3A_173 = vector.shape_cast %broadcast_in_dim3A_172 : vector<16x1xi32> to vector<16xi32>
      %gather3A_174 = tpu.dynamic_gather %get3A_127[%gather3A_173] in [0] : vector<16xf32>, vector<16xi32> -> vector<16xf32>
      %mul3A_175 = arith.mulf %gather3A_162, %gather3A_162 : vector<16xf32>
      %mul3A_176 = arith.mulf %gather3A_168, %gather3A_168 : vector<16xf32>
      %add3A_177 = arith.addf %mul3A_175, %mul3A_176 : vector<16xf32>
      %mul3A_178 = arith.mulf %gather3A_174, %gather3A_174 : vector<16xf32>
      %add3A_179 = arith.addf %add3A_177, %mul3A_178 : vector<16xf32>
      %swap3A = arith.constant 0 : i32
      %swap3A_180 = arith.index_cast %swap3A : i32 to index
      %swap3A_181 = arith.constant 0 : index
      %swap3A_182 = tpu.vector_load %arg12[%swap3A_180, %swap3A_181] {strides = array<i32>} : memref<8x16xf32, #tpu.memory_space<vmem>>, vector<16xf32>,
      tpu.vector_store %arg12[%swap3A_180, %swap3A_181], %broadcast_in_dim3A_40 {strides = array<i32>} : memref<8x16xf32, #tpu.memory_space<vmem>>, vector<16xf32>,
      %swap3A_183 = arith.constant 0 : i32
      %swap3A_184 = arith.index_cast %swap3A_183 : i32 to index
      %swap3A_185 = arith.constant 0 : index
      %swap3A_186 = tpu.vector_load %arg13[%swap3A_184, %swap3A_185] {strides = array<i32>} : memref<8x16xi32, #tpu.memory_space<vmem>>, vector<16xi32>,
      tpu.vector_store %arg13[%swap3A_184, %swap3A_185], %broadcast_in_dim3A_42 {strides = array<i32>} : memref<8x16xi32, #tpu.memory_space<vmem>>, vector<16xi32>,
      %add3A_187 = arith.constant 1 : i32
      %add3A_188 = arith.addi %mul3A_116, %add3A_187 : i32
      %broadcast_in_dim3A_189 = vector.broadcast %add3A_188 : i32 to vector<16xi32>
      %broadcast_in_dim3A_190 = vector.shape_cast %broadcast_in_dim3A_189 : vector<16xi32> to vector<16x1xi32>
      %gather3A_191 = vector.shape_cast %broadcast_in_dim3A_190 : vector<16x1xi32> to vector<16xi32>
      %gather3A_192 = tpu.dynamic_gather %get3A_131[%gather3A_191] in [0] : vector<16xf32>, vector<16xi32> -> vector<16xf32>
      %add3A_193 = arith.constant 1 : i32
      %add3A_194 = arith.addi %mul3A_116, %add3A_193 : i32
      %broadcast_in_dim3A_195 = vector.broadcast %add3A_194 : i32 to vector<16xi32>
      %broadcast_in_dim3A_196 = vector.shape_cast %broadcast_in_dim3A_195 : vector<16xi32> to vector<16x1xi32>
      %gather3A_197 = vector.shape_cast %broadcast_in_dim3A_196 : vector<16x1xi32> to vector<16xi32>
      %gather3A_198 = tpu.dynamic_gather %get3A_135[%gather3A_197] in [0] : vector<16xf32>, vector<16xi32> -> vector<16xf32>
      %add3A_199 = arith.constant 1 : i32
      %add3A_200 = arith.addi %mul3A_116, %add3A_199 : i32
      %broadcast_in_dim3A_201 = vector.broadcast %add3A_200 : i32 to vector<16xi32>
      %broadcast_in_dim3A_202 = vector.shape_cast %broadcast_in_dim3A_201 : vector<16xi32> to vector<16x1xi32>
      %gather3A_203 = vector.shape_cast %broadcast_in_dim3A_202 : vector<16x1xi32> to vector<16xi32>
      %gather3A_204 = tpu.dynamic_gather %get3A_139[%gather3A_203] in [0] : vector<16xf32>, vector<16xi32> -> vector<16xf32>
      %add3A_205 = arith.constant 1 : i32
      %add3A_206 = arith.addi %mul3A_116, %add3A_205 : i32
      %broadcast_in_dim3A_207 = vector.broadcast %add3A_206 : i32 to vector<16xi32>
      %broadcast_in_dim3A_208 = vector.shape_cast %broadcast_in_dim3A_207 : vector<16xi32> to vector<16x1xi32>
      %gather3A_209 = vector.shape_cast %broadcast_in_dim3A_208 : vector<16x1xi32> to vector<16xi32>
      %gather3A_210 = tpu.dynamic_gather %get3A_119[%gather3A_209] in [0] : vector<16xf32>, vector<16xi32> -> vector<16xf32>
      %add3A_211 = arith.constant 1 : i32
      %add3A_212 = arith.addi %mul3A_116, %add3A_211 : i32
      %broadcast_in_dim3A_213 = vector.broadcast %add3A_212 : i32 to vector<16xi32>
      %broadcast_in_dim3A_214 = vector.shape_cast %broadcast_in_dim3A_213 : vector<16xi32> to vector<16x1xi32>
      %gather3A_215 = vector.shape_cast %broadcast_in_dim3A_214 : vector<16x1xi32> to vector<16xi32>
      %gather3A_216 = tpu.dynamic_gather %get3A_123[%gather3A_215] in [0] : vector<16xf32>, vector<16xi32> -> vector<16xf32>
      %add3A_217 = arith.constant 1 : i32
      %add3A_218 = arith.addi %mul3A_116, %add3A_217 : i32
      %broadcast_in_dim3A_219 = vector.broadcast %add3A_218 : i32 to vector<16xi32>
      %broadcast_in_dim3A_220 = vector.shape_cast %broadcast_in_dim3A_219 : vector<16xi32> to vector<16x1xi32>
      %gather3A_221 = vector.shape_cast %broadcast_in_dim3A_220 : vector<16x1xi32> to vector<16xi32>
      %gather3A_222 = tpu.dynamic_gather %get3A_127[%gather3A_221] in [0] : vector<16xf32>, vector<16xi32> -> vector<16xf32>
      %mul3A_223 = arith.mulf %gather3A_210, %gather3A_210 : vector<16xf32>
      %mul3A_224 = arith.mulf %gather3A_216, %gather3A_216 : vector<16xf32>
      %add3A_225 = arith.addf %mul3A_223, %mul3A_224 : vector<16xf32>
      %mul3A_226 = arith.mulf %gather3A_222, %gather3A_222 : vector<16xf32>
      %add3A_227 = arith.addf %add3A_225, %mul3A_226 : vector<16xf32>
      %swap3A_228 = arith.constant 1 : i32
      %swap3A_229 = arith.index_cast %swap3A_228 : i32 to index
      %swap3A_230 = arith.constant 0 : index
      %swap3A_231 = tpu.vector_load %arg12[%swap3A_229, %swap3A_230] {strides = array<i32>} : memref<8x16xf32, #tpu.memory_space<vmem>>, vector<16xf32>,
      tpu.vector_store %arg12[%swap3A_229, %swap3A_230], %broadcast_in_dim3A_40 {strides = array<i32>} : memref<8x16xf32, #tpu.memory_space<vmem>>, vector<16xf32>,
      %swap3A_232 = arith.constant 1 : i32
      %swap3A_233 = arith.index_cast %swap3A_232 : i32 to index
      %swap3A_234 = arith.constant 0 : index
      %swap3A_235 = tpu.vector_load %arg13[%swap3A_233, %swap3A_234] {strides = array<i32>} : memref<8x16xi32, #tpu.memory_space<vmem>>, vector<16xi32>,
      tpu.vector_store %arg13[%swap3A_233, %swap3A_234], %broadcast_in_dim3A_42 {strides = array<i32>} : memref<8x16xi32, #tpu.memory_space<vmem>>, vector<16xi32>,
      %add3A_236 = arith.constant 2 : i32
      %add3A_237 = arith.addi %mul3A_116, %add3A_236 : i32
      %broadcast_in_dim3A_238 = vector.broadcast %add3A_237 : i32 to vector<16xi32>
      %broadcast_in_dim3A_239 = vector.shape_cast %broadcast_in_dim3A_238 : vector<16xi32> to vector<16x1xi32>
      %gather3A_240 = vector.shape_cast %broadcast_in_dim3A_239 : vector<16x1xi32> to vector<16xi32>
      %gather3A_241 = tpu.dynamic_gather %get3A_131[%gather3A_240] in [0] : vector<16xf32>, vector<16xi32> -> vector<16xf32>
      %add3A_242 = arith.constant 2 : i32
      %add3A_243 = arith.addi %mul3A_116, %add3A_242 : i32
      %broadcast_in_dim3A_244 = vector.broadcast %add3A_243 : i32 to vector<16xi32>
      %broadcast_in_dim3A_245 = vector.shape_cast %broadcast_in_dim3A_244 : vector<16xi32> to vector<16x1xi32>
      %gather3A_246 = vector.shape_cast %broadcast_in_dim3A_245 : vector<16x1xi32> to vector<16xi32>
      %gather3A_247 = tpu.dynamic_gather %get3A_135[%gather3A_246] in [0] : vector<16xf32>, vector<16xi32> -> vector<16xf32>
      %add3A_248 = arith.constant 2 : i32
      %add3A_249 = arith.addi %mul3A_116, %add3A_248 : i32
      %broadcast_in_dim3A_250 = vector.broadcast %add3A_249 : i32 to vector<16xi32>
      %broadcast_in_dim3A_251 = vector.shape_cast %broadcast_in_dim3A_250 : vector<16xi32> to vector<16x1xi32>
      %gather3A_252 = vector.shape_cast %broadcast_in_dim3A_251 : vector<16x1xi32> to vector<16xi32>
      %gather3A_253 = tpu.dynamic_gather %get3A_139[%gather3A_252] in [0] : vector<16xf32>, vector<16xi32> -> vector<16xf32>
      %add3A_254 = arith.constant 2 : i32
      %add3A_255 = arith.addi %mul3A_116, %add3A_254 : i32
      %broadcast_in_dim3A_256 = vector.broadcast %add3A_255 : i32 to vector<16xi32>
      %broadcast_in_dim3A_257 = vector.shape_cast %broadcast_in_dim3A_256 : vector<16xi32> to vector<16x1xi32>
      %gather3A_258 = vector.shape_cast %broadcast_in_dim3A_257 : vector<16x1xi32> to vector<16xi32>
      %gather3A_259 = tpu.dynamic_gather %get3A_119[%gather3A_258] in [0] : vector<16xf32>, vector<16xi32> -> vector<16xf32>
      %add3A_260 = arith.constant 2 : i32
      %add3A_261 = arith.addi %mul3A_116, %add3A_260 : i32
      %broadcast_in_dim3A_262 = vector.broadcast %add3A_261 : i32 to vector<16xi32>
      %broadcast_in_dim3A_263 = vector.shape_cast %broadcast_in_dim3A_262 : vector<16xi32> to vector<16x1xi32>
      %gather3A_264 = vector.shape_cast %broadcast_in_dim3A_263 : vector<16x1xi32> to vector<16xi32>
      %gather3A_265 = tpu.dynamic_gather %get3A_123[%gather3A_264] in [0] : vector<16xf32>, vector<16xi32> -> vector<16xf32>
      %add3A_266 = arith.constant 2 : i32
      %add3A_267 = arith.addi %mul3A_116, %add3A_266 : i32
      %broadcast_in_dim3A_268 = vector.broadcast %add3A_267 : i32 to vector<16xi32>
      %broadcast_in_dim3A_269 = vector.shape_cast %broadcast_in_dim3A_268 : vector<16xi32> to vector<16x1xi32>
      %gather3A_270 = vector.shape_cast %broadcast_in_dim3A_269 : vector<16x1xi32> to vector<16xi32>
      %gather3A_271 = tpu.dynamic_gather %get3A_127[%gather3A_270] in [0] : vector<16xf32>, vector<16xi32> -> vector<16xf32>
      %mul3A_272 = arith.mulf %gather3A_259, %gather3A_259 : vector<16xf32>
      %mul3A_273 = arith.mulf %gather3A_265, %gather3A_265 : vector<16xf32>
      %add3A_274 = arith.addf %mul3A_272, %mul3A_273 : vector<16xf32>
      %mul3A_275 = arith.mulf %gather3A_271, %gather3A_271 : vector<16xf32>
      %add3A_276 = arith.addf %add3A_274, %mul3A_275 : vector<16xf32>
      %swap3A_277 = arith.constant 2 : i32
      %swap3A_278 = arith.index_cast %swap3A_277 : i32 to index
      %swap3A_279 = arith.constant 0 : index
      %swap3A_280 = tpu.vector_load %arg12[%swap3A_278, %swap3A_279] {strides = array<i32>} : memref<8x16xf32, #tpu.memory_space<vmem>>, vector<16xf32>,
      tpu.vector_store %arg12[%swap3A_278, %swap3A_279], %broadcast_in_dim3A_40 {strides = array<i32>} : memref<8x16xf32, #tpu.memory_space<vmem>>, vector<16xf32>,
      %swap3A_281 = arith.constant 2 : i32
      %swap3A_282 = arith.index_cast %swap3A_281 : i32 to index
      %swap3A_283 = arith.constant 0 : index
      %swap3A_284 = tpu.vector_load %arg13[%swap3A_282, %swap3A_283] {strides = array<i32>} : memref<8x16xi32, #tpu.memory_space<vmem>>, vector<16xi32>,
      tpu.vector_store %arg13[%swap3A_282, %swap3A_283], %broadcast_in_dim3A_42 {strides = array<i32>} : memref<8x16xi32, #tpu.memory_space<vmem>>, vector<16xi32>,
      %add3A_285 = arith.constant 3 : i32
      %add3A_286 = arith.addi %mul3A_116, %add3A_285 : i32
      %broadcast_in_dim3A_287 = vector.broadcast %add3A_286 : i32 to vector<16xi32>
      %broadcast_in_dim3A_288 = vector.shape_cast %broadcast_in_dim3A_287 : vector<16xi32> to vector<16x1xi32>
      %gather3A_289 = vector.shape_cast %broadcast_in_dim3A_288 : vector<16x1xi32> to vector<16xi32>
      %gather3A_290 = tpu.dynamic_gather %get3A_131[%gather3A_289] in [0] : vector<16xf32>, vector<16xi32> -> vector<16xf32>
      %add3A_291 = arith.constant 3 : i32
      %add3A_292 = arith.addi %mul3A_116, %add3A_291 : i32
      %broadcast_in_dim3A_293 = vector.broadcast %add3A_292 : i32 to vector<16xi32>
      %broadcast_in_dim3A_294 = vector.shape_cast %broadcast_in_dim3A_293 : vector<16xi32> to vector<16x1xi32>
      %gather3A_295 = vector.shape_cast %broadcast_in_dim3A_294 : vector<16x1xi32> to vector<16xi32>
      %gather3A_296 = tpu.dynamic_gather %get3A_135[%gather3A_295] in [0] : vector<16xf32>, vector<16xi32> -> vector<16xf32>
      %add3A_297 = arith.constant 3 : i32
      %add3A_298 = arith.addi %mul3A_116, %add3A_297 : i32
      %broadcast_in_dim3A_299 = vector.broadcast %add3A_298 : i32 to vector<16xi32>
      %broadcast_in_dim3A_300 = vector.shape_cast %broadcast_in_dim3A_299 : vector<16xi32> to vector<16x1xi32>
      %gather3A_301 = vector.shape_cast %broadcast_in_dim3A_300 : vector<16x1xi32> to vector<16xi32>
      %gather3A_302 = tpu.dynamic_gather %get3A_139[%gather3A_301] in [0] : vector<16xf32>, vector<16xi32> -> vector<16xf32>
      %add3A_303 = arith.constant 3 : i32
      %add3A_304 = arith.addi %mul3A_116, %add3A_303 : i32
      %broadcast_in_dim3A_305 = vector.broadcast %add3A_304 : i32 to vector<16xi32>
      %broadcast_in_dim3A_306 = vector.shape_cast %broadcast_in_dim3A_305 : vector<16xi32> to vector<16x1xi32>
      %gather3A_307 = vector.shape_cast %broadcast_in_dim3A_306 : vector<16x1xi32> to vector<16xi32>
      %gather3A_308 = tpu.dynamic_gather %get3A_119[%gather3A_307] in [0] : vector<16xf32>, vector<16xi32> -> vector<16xf32>
      %add3A_309 = arith.constant 3 : i32
      %add3A_310 = arith.addi %mul3A_116, %add3A_309 : i32
      %broadcast_in_dim3A_311 = vector.broadcast %add3A_310 : i32 to vector<16xi32>
      %broadcast_in_dim3A_312 = vector.shape_cast %broadcast_in_dim3A_311 : vector<16xi32> to vector<16x1xi32>
      %gather3A_313 = vector.shape_cast %broadcast_in_dim3A_312 : vector<16x1xi32> to vector<16xi32>
      %gather3A_314 = tpu.dynamic_gather %get3A_123[%gather3A_313] in [0] : vector<16xf32>, vector<16xi32> -> vector<16xf32>
      %add3A_315 = arith.constant 3 : i32
      %add3A_316 = arith.addi %mul3A_116, %add3A_315 : i32
      %broadcast_in_dim3A_317 = vector.broadcast %add3A_316 : i32 to vector<16xi32>
      %broadcast_in_dim3A_318 = vector.shape_cast %broadcast_in_dim3A_317 : vector<16xi32> to vector<16x1xi32>
      %gather3A_319 = vector.shape_cast %broadcast_in_dim3A_318 : vector<16x1xi32> to vector<16xi32>
      %gather3A_320 = tpu.dynamic_gather %get3A_127[%gather3A_319] in [0] : vector<16xf32>, vector<16xi32> -> vector<16xf32>
      %mul3A_321 = arith.mulf %gather3A_308, %gather3A_308 : vector<16xf32>
      %mul3A_322 = arith.mulf %gather3A_314, %gather3A_314 : vector<16xf32>
      %add3A_323 = arith.addf %mul3A_321, %mul3A_322 : vector<16xf32>
      %mul3A_324 = arith.mulf %gather3A_320, %gather3A_320 : vector<16xf32>
      %add3A_325 = arith.addf %add3A_323, %mul3A_324 : vector<16xf32>
      %swap3A_326 = arith.constant 3 : i32
      %swap3A_327 = arith.index_cast %swap3A_326 : i32 to index
      %swap3A_328 = arith.constant 0 : index
      %swap3A_329 = tpu.vector_load %arg12[%swap3A_327, %swap3A_328] {strides = array<i32>} : memref<8x16xf32, #tpu.memory_space<vmem>>, vector<16xf32>,
      tpu.vector_store %arg12[%swap3A_327, %swap3A_328], %broadcast_in_dim3A_40 {strides = array<i32>} : memref<8x16xf32, #tpu.memory_space<vmem>>, vector<16xf32>,
      %swap3A_330 = arith.constant 3 : i32
      %swap3A_331 = arith.index_cast %swap3A_330 : i32 to index
      %swap3A_332 = arith.constant 0 : index
      %swap3A_333 = tpu.vector_load %arg13[%swap3A_331, %swap3A_332] {strides = array<i32>} : memref<8x16xi32, #tpu.memory_space<vmem>>, vector<16xi32>,
      tpu.vector_store %arg13[%swap3A_331, %swap3A_332], %broadcast_in_dim3A_42 {strides = array<i32>} : memref<8x16xi32, #tpu.memory_space<vmem>>, vector<16xi32>,
      %add3A_334 = arith.constant 4 : i32
      %add3A_335 = arith.addi %mul3A_116, %add3A_334 : i32
      %broadcast_in_dim3A_336 = vector.broadcast %add3A_335 : i32 to vector<16xi32>
      %broadcast_in_dim3A_337 = vector.shape_cast %broadcast_in_dim3A_336 : vector<16xi32> to vector<16x1xi32>
      %gather3A_338 = vector.shape_cast %broadcast_in_dim3A_337 : vector<16x1xi32> to vector<16xi32>
      %gather3A_339 = tpu.dynamic_gather %get3A_131[%gather3A_338] in [0] : vector<16xf32>, vector<16xi32> -> vector<16xf32>
      %add3A_340 = arith.constant 4 : i32
      %add3A_341 = arith.addi %mul3A_116, %add3A_340 : i32
      %broadcast_in_dim3A_342 = vector.broadcast %add3A_341 : i32 to vector<16xi32>
      %broadcast_in_dim3A_343 = vector.shape_cast %broadcast_in_dim3A_342 : vector<16xi32> to vector<16x1xi32>
      %gather3A_344 = vector.shape_cast %broadcast_in_dim3A_343 : vector<16x1xi32> to vector<16xi32>
      %gather3A_345 = tpu.dynamic_gather %get3A_135[%gather3A_344] in [0] : vector<16xf32>, vector<16xi32> -> vector<16xf32>
      %add3A_346 = arith.constant 4 : i32
      %add3A_347 = arith.addi %mul3A_116, %add3A_346 : i32
      %broadcast_in_dim3A_348 = vector.broadcast %add3A_347 : i32 to vector<16xi32>
      %broadcast_in_dim3A_349 = vector.shape_cast %broadcast_in_dim3A_348 : vector<16xi32> to vector<16x1xi32>
      %gather3A_350 = vector.shape_cast %broadcast_in_dim3A_349 : vector<16x1xi32> to vector<16xi32>
      %gather3A_351 = tpu.dynamic_gather %get3A_139[%gather3A_350] in [0] : vector<16xf32>, vector<16xi32> -> vector<16xf32>
      %add3A_352 = arith.constant 4 : i32
      %add3A_353 = arith.addi %mul3A_116, %add3A_352 : i32
      %broadcast_in_dim3A_354 = vector.broadcast %add3A_353 : i32 to vector<16xi32>
      %broadcast_in_dim3A_355 = vector.shape_cast %broadcast_in_dim3A_354 : vector<16xi32> to vector<16x1xi32>
      %gather3A_356 = vector.shape_cast %broadcast_in_dim3A_355 : vector<16x1xi32> to vector<16xi32>
      %gather3A_357 = tpu.dynamic_gather %get3A_119[%gather3A_356] in [0] : vector<16xf32>, vector<16xi32> -> vector<16xf32>
      %add3A_358 = arith.constant 4 : i32
      %add3A_359 = arith.addi %mul3A_116, %add3A_358 : i32
      %broadcast_in_dim3A_360 = vector.broadcast %add3A_359 : i32 to vector<16xi32>
      %broadcast_in_dim3A_361 = vector.shape_cast %broadcast_in_dim3A_360 : vector<16xi32> to vector<16x1xi32>
      %gather3A_362 = vector.shape_cast %broadcast_in_dim3A_361 : vector<16x1xi32> to vector<16xi32>
      %gather3A_363 = tpu.dynamic_gather %get3A_123[%gather3A_362] in [0] : vector<16xf32>, vector<16xi32> -> vector<16xf32>
      %add3A_364 = arith.constant 4 : i32
      %add3A_365 = arith.addi %mul3A_116, %add3A_364 : i32
      %broadcast_in_dim3A_366 = vector.broadcast %add3A_365 : i32 to vector<16xi32>
      %broadcast_in_dim3A_367 = vector.shape_cast %broadcast_in_dim3A_366 : vector<16xi32> to vector<16x1xi32>
      %gather3A_368 = vector.shape_cast %broadcast_in_dim3A_367 : vector<16x1xi32> to vector<16xi32>
      %gather3A_369 = tpu.dynamic_gather %get3A_127[%gather3A_368] in [0] : vector<16xf32>, vector<16xi32> -> vector<16xf32>
      %mul3A_370 = arith.mulf %gather3A_357, %gather3A_357 : vector<16xf32>
      %mul3A_371 = arith.mulf %gather3A_363, %gather3A_363 : vector<16xf32>
      %add3A_372 = arith.addf %mul3A_370, %mul3A_371 : vector<16xf32>
      %mul3A_373 = arith.mulf %gather3A_369, %gather3A_369 : vector<16xf32>
      %add3A_374 = arith.addf %add3A_372, %mul3A_373 : vector<16xf32>
      %swap3A_375 = arith.constant 4 : i32
      %swap3A_376 = arith.index_cast %swap3A_375 : i32 to index
      %swap3A_377 = arith.constant 0 : index
      %swap3A_378 = tpu.vector_load %arg12[%swap3A_376, %swap3A_377] {strides = array<i32>} : memref<8x16xf32, #tpu.memory_space<vmem>>, vector<16xf32>,
      tpu.vector_store %arg12[%swap3A_376, %swap3A_377], %broadcast_in_dim3A_40 {strides = array<i32>} : memref<8x16xf32, #tpu.memory_space<vmem>>, vector<16xf32>,
      %swap3A_379 = arith.constant 4 : i32
      %swap3A_380 = arith.index_cast %swap3A_379 : i32 to index
      %swap3A_381 = arith.constant 0 : index
      %swap3A_382 = tpu.vector_load %arg13[%swap3A_380, %swap3A_381] {strides = array<i32>} : memref<8x16xi32, #tpu.memory_space<vmem>>, vector<16xi32>,
      tpu.vector_store %arg13[%swap3A_380, %swap3A_381], %broadcast_in_dim3A_42 {strides = array<i32>} : memref<8x16xi32, #tpu.memory_space<vmem>>, vector<16xi32>,
      %add3A_383 = arith.constant 5 : i32
      %add3A_384 = arith.addi %mul3A_116, %add3A_383 : i32
      %broadcast_in_dim3A_385 = vector.broadcast %add3A_384 : i32 to vector<16xi32>
      %broadcast_in_dim3A_386 = vector.shape_cast %broadcast_in_dim3A_385 : vector<16xi32> to vector<16x1xi32>
      %gather3A_387 = vector.shape_cast %broadcast_in_dim3A_386 : vector<16x1xi32> to vector<16xi32>
      %gather3A_388 = tpu.dynamic_gather %get3A_131[%gather3A_387] in [0] : vector<16xf32>, vector<16xi32> -> vector<16xf32>
      %add3A_389 = arith.constant 5 : i32
      %add3A_390 = arith.addi %mul3A_116, %add3A_389 : i32
      %broadcast_in_dim3A_391 = vector.broadcast %add3A_390 : i32 to vector<16xi32>
      %broadcast_in_dim3A_392 = vector.shape_cast %broadcast_in_dim3A_391 : vector<16xi32> to vector<16x1xi32>
      %gather3A_393 = vector.shape_cast %broadcast_in_dim3A_392 : vector<16x1xi32> to vector<16xi32>
      %gather3A_394 = tpu.dynamic_gather %get3A_135[%gather3A_393] in [0] : vector<16xf32>, vector<16xi32> -> vector<16xf32>
      %add3A_395 = arith.constant 5 : i32
      %add3A_396 = arith.addi %mul3A_116, %add3A_395 : i32
      %broadcast_in_dim3A_397 = vector.broadcast %add3A_396 : i32 to vector<16xi32>
      %broadcast_in_dim3A_398 = vector.shape_cast %broadcast_in_dim3A_397 : vector<16xi32> to vector<16x1xi32>
      %gather3A_399 = vector.shape_cast %broadcast_in_dim3A_398 : vector<16x1xi32> to vector<16xi32>
      %gather3A_400 = tpu.dynamic_gather %get3A_139[%gather3A_399] in [0] : vector<16xf32>, vector<16xi32> -> vector<16xf32>
      %add3A_401 = arith.constant 5 : i32
      %add3A_402 = arith.addi %mul3A_116, %add3A_401 : i32
      %broadcast_in_dim3A_403 = vector.broadcast %add3A_402 : i32 to vector<16xi32>
      %broadcast_in_dim3A_404 = vector.shape_cast %broadcast_in_dim3A_403 : vector<16xi32> to vector<16x1xi32>
      %gather3A_405 = vector.shape_cast %broadcast_in_dim3A_404 : vector<16x1xi32> to vector<16xi32>
      %gather3A_406 = tpu.dynamic_gather %get3A_119[%gather3A_405] in [0] : vector<16xf32>, vector<16xi32> -> vector<16xf32>
      %add3A_407 = arith.constant 5 : i32
      %add3A_408 = arith.addi %mul3A_116, %add3A_407 : i32
      %broadcast_in_dim3A_409 = vector.broadcast %add3A_408 : i32 to vector<16xi32>
      %broadcast_in_dim3A_410 = vector.shape_cast %broadcast_in_dim3A_409 : vector<16xi32> to vector<16x1xi32>
      %gather3A_411 = vector.shape_cast %broadcast_in_dim3A_410 : vector<16x1xi32> to vector<16xi32>
      %gather3A_412 = tpu.dynamic_gather %get3A_123[%gather3A_411] in [0] : vector<16xf32>, vector<16xi32> -> vector<16xf32>
      %add3A_413 = arith.constant 5 : i32
      %add3A_414 = arith.addi %mul3A_116, %add3A_413 : i32
      %broadcast_in_dim3A_415 = vector.broadcast %add3A_414 : i32 to vector<16xi32>
      %broadcast_in_dim3A_416 = vector.shape_cast %broadcast_in_dim3A_415 : vector<16xi32> to vector<16x1xi32>
      %gather3A_417 = vector.shape_cast %broadcast_in_dim3A_416 : vector<16x1xi32> to vector<16xi32>
      %gather3A_418 = tpu.dynamic_gather %get3A_127[%gather3A_417] in [0] : vector<16xf32>, vector<16xi32> -> vector<16xf32>
      %mul3A_419 = arith.mulf %gather3A_406, %gather3A_406 : vector<16xf32>
      %mul3A_420 = arith.mulf %gather3A_412, %gather3A_412 : vector<16xf32>
      %add3A_421 = arith.addf %mul3A_419, %mul3A_420 : vector<16xf32>
      %mul3A_422 = arith.mulf %gather3A_418, %gather3A_418 : vector<16xf32>
      %add3A_423 = arith.addf %add3A_421, %mul3A_422 : vector<16xf32>
      %swap3A_424 = arith.constant 5 : i32
      %swap3A_425 = arith.index_cast %swap3A_424 : i32 to index
      %swap3A_426 = arith.constant 0 : index
      %swap3A_427 = tpu.vector_load %arg12[%swap3A_425, %swap3A_426] {strides = array<i32>} : memref<8x16xf32, #tpu.memory_space<vmem>>, vector<16xf32>,
      tpu.vector_store %arg12[%swap3A_425, %swap3A_426], %broadcast_in_dim3A_40 {strides = array<i32>} : memref<8x16xf32, #tpu.memory_space<vmem>>, vector<16xf32>,
      %swap3A_428 = arith.constant 5 : i32
      %swap3A_429 = arith.index_cast %swap3A_428 : i32 to index
      %swap3A_430 = arith.constant 0 : index
      %swap3A_431 = tpu.vector_load %arg13[%swap3A_429, %swap3A_430] {strides = array<i32>} : memref<8x16xi32, #tpu.memory_space<vmem>>, vector<16xi32>,
      tpu.vector_store %arg13[%swap3A_429, %swap3A_430], %broadcast_in_dim3A_42 {strides = array<i32>} : memref<8x16xi32, #tpu.memory_space<vmem>>, vector<16xi32>,
      %add3A_432 = arith.constant 6 : i32
      %add3A_433 = arith.addi %mul3A_116, %add3A_432 : i32
      %broadcast_in_dim3A_434 = vector.broadcast %add3A_433 : i32 to vector<16xi32>
      %broadcast_in_dim3A_435 = vector.shape_cast %broadcast_in_dim3A_434 : vector<16xi32> to vector<16x1xi32>
      %gather3A_436 = vector.shape_cast %broadcast_in_dim3A_435 : vector<16x1xi32> to vector<16xi32>
      %gather3A_437 = tpu.dynamic_gather %get3A_131[%gather3A_436] in [0] : vector<16xf32>, vector<16xi32> -> vector<16xf32>
      %add3A_438 = arith.constant 6 : i32
      %add3A_439 = arith.addi %mul3A_116, %add3A_438 : i32
      %broadcast_in_dim3A_440 = vector.broadcast %add3A_439 : i32 to vector<16xi32>
      %broadcast_in_dim3A_441 = vector.shape_cast %broadcast_in_dim3A_440 : vector<16xi32> to vector<16x1xi32>
      %gather3A_442 = vector.shape_cast %broadcast_in_dim3A_441 : vector<16x1xi32> to vector<16xi32>
      %gather3A_443 = tpu.dynamic_gather %get3A_135[%gather3A_442] in [0] : vector<16xf32>, vector<16xi32> -> vector<16xf32>
      %add3A_444 = arith.constant 6 : i32
      %add3A_445 = arith.addi %mul3A_116, %add3A_444 : i32
      %broadcast_in_dim3A_446 = vector.broadcast %add3A_445 : i32 to vector<16xi32>
      %broadcast_in_dim3A_447 = vector.shape_cast %broadcast_in_dim3A_446 : vector<16xi32> to vector<16x1xi32>
      %gather3A_448 = vector.shape_cast %broadcast_in_dim3A_447 : vector<16x1xi32> to vector<16xi32>
      %gather3A_449 = tpu.dynamic_gather %get3A_139[%gather3A_448] in [0] : vector<16xf32>, vector<16xi32> -> vector<16xf32>
      %add3A_450 = arith.constant 6 : i32
      %add3A_451 = arith.addi %mul3A_116, %add3A_450 : i32
      %broadcast_in_dim3A_452 = vector.broadcast %add3A_451 : i32 to vector<16xi32>
      %broadcast_in_dim3A_453 = vector.shape_cast %broadcast_in_dim3A_452 : vector<16xi32> to vector<16x1xi32>
      %gather3A_454 = vector.shape_cast %broadcast_in_dim3A_453 : vector<16x1xi32> to vector<16xi32>
      %gather3A_455 = tpu.dynamic_gather %get3A_119[%gather3A_454] in [0] : vector<16xf32>, vector<16xi32> -> vector<16xf32>
      %add3A_456 = arith.constant 6 : i32
      %add3A_457 = arith.addi %mul3A_116, %add3A_456 : i32
      %broadcast_in_dim3A_458 = vector.broadcast %add3A_457 : i32 to vector<16xi32>
      %broadcast_in_dim3A_459 = vector.shape_cast %broadcast_in_dim3A_458 : vector<16xi32> to vector<16x1xi32>
      %gather3A_460 = vector.shape_cast %broadcast_in_dim3A_459 : vector<16x1xi32> to vector<16xi32>
      %gather3A_461 = tpu.dynamic_gather %get3A_123[%gather3A_460] in [0] : vector<16xf32>, vector<16xi32> -> vector<16xf32>
      %add3A_462 = arith.constant 6 : i32
      %add3A_463 = arith.addi %mul3A_116, %add3A_462 : i32
      %broadcast_in_dim3A_464 = vector.broadcast %add3A_463 : i32 to vector<16xi32>
      %broadcast_in_dim3A_465 = vector.shape_cast %broadcast_in_dim3A_464 : vector<16xi32> to vector<16x1xi32>
      %gather3A_466 = vector.shape_cast %broadcast_in_dim3A_465 : vector<16x1xi32> to vector<16xi32>
      %gather3A_467 = tpu.dynamic_gather %get3A_127[%gather3A_466] in [0] : vector<16xf32>, vector<16xi32> -> vector<16xf32>
      %mul3A_468 = arith.mulf %gather3A_455, %gather3A_455 : vector<16xf32>
      %mul3A_469 = arith.mulf %gather3A_461, %gather3A_461 : vector<16xf32>
      %add3A_470 = arith.addf %mul3A_468, %mul3A_469 : vector<16xf32>
      %mul3A_471 = arith.mulf %gather3A_467, %gather3A_467 : vector<16xf32>
      %add3A_472 = arith.addf %add3A_470, %mul3A_471 : vector<16xf32>
      %swap3A_473 = arith.constant 6 : i32
      %swap3A_474 = arith.index_cast %swap3A_473 : i32 to index
      %swap3A_475 = arith.constant 0 : index
      %swap3A_476 = tpu.vector_load %arg12[%swap3A_474, %swap3A_475] {strides = array<i32>} : memref<8x16xf32, #tpu.memory_space<vmem>>, vector<16xf32>,
      tpu.vector_store %arg12[%swap3A_474, %swap3A_475], %broadcast_in_dim3A_40 {strides = array<i32>} : memref<8x16xf32, #tpu.memory_space<vmem>>, vector<16xf32>,
      %swap3A_477 = arith.constant 6 : i32
      %swap3A_478 = arith.index_cast %swap3A_477 : i32 to index
      %swap3A_479 = arith.constant 0 : index
      %swap3A_480 = tpu.vector_load %arg13[%swap3A_478, %swap3A_479] {strides = array<i32>} : memref<8x16xi32, #tpu.memory_space<vmem>>, vector<16xi32>,
      tpu.vector_store %arg13[%swap3A_478, %swap3A_479], %broadcast_in_dim3A_42 {strides = array<i32>} : memref<8x16xi32, #tpu.memory_space<vmem>>, vector<16xi32>,
      %add3A_481 = arith.constant 7 : i32
      %add3A_482 = arith.addi %mul3A_116, %add3A_481 : i32
      %broadcast_in_dim3A_483 = vector.broadcast %add3A_482 : i32 to vector<16xi32>
      %broadcast_in_dim3A_484 = vector.shape_cast %broadcast_in_dim3A_483 : vector<16xi32> to vector<16x1xi32>
      %gather3A_485 = vector.shape_cast %broadcast_in_dim3A_484 : vector<16x1xi32> to vector<16xi32>
      %gather3A_486 = tpu.dynamic_gather %get3A_131[%gather3A_485] in [0] : vector<16xf32>, vector<16xi32> -> vector<16xf32>
      %add3A_487 = arith.constant 7 : i32
      %add3A_488 = arith.addi %mul3A_116, %add3A_487 : i32
      %broadcast_in_dim3A_489 = vector.broadcast %add3A_488 : i32 to vector<16xi32>
      %broadcast_in_dim3A_490 = vector.shape_cast %broadcast_in_dim3A_489 : vector<16xi32> to vector<16x1xi32>
      %gather3A_491 = vector.shape_cast %broadcast_in_dim3A_490 : vector<16x1xi32> to vector<16xi32>
      %gather3A_492 = tpu.dynamic_gather %get3A_135[%gather3A_491] in [0] : vector<16xf32>, vector<16xi32> -> vector<16xf32>
      %add3A_493 = arith.constant 7 : i32
      %add3A_494 = arith.addi %mul3A_116, %add3A_493 : i32
      %broadcast_in_dim3A_495 = vector.broadcast %add3A_494 : i32 to vector<16xi32>
      %broadcast_in_dim3A_496 = vector.shape_cast %broadcast_in_dim3A_495 : vector<16xi32> to vector<16x1xi32>
      %gather3A_497 = vector.shape_cast %broadcast_in_dim3A_496 : vector<16x1xi32> to vector<16xi32>
      %gather3A_498 = tpu.dynamic_gather %get3A_139[%gather3A_497] in [0] : vector<16xf32>, vector<16xi32> -> vector<16xf32>
      %add3A_499 = arith.constant 7 : i32
      %add3A_500 = arith.addi %mul3A_116, %add3A_499 : i32
      %broadcast_in_dim3A_501 = vector.broadcast %add3A_500 : i32 to vector<16xi32>
      %broadcast_in_dim3A_502 = vector.shape_cast %broadcast_in_dim3A_501 : vector<16xi32> to vector<16x1xi32>
      %gather3A_503 = vector.shape_cast %broadcast_in_dim3A_502 : vector<16x1xi32> to vector<16xi32>
      %gather3A_504 = tpu.dynamic_gather %get3A_119[%gather3A_503] in [0] : vector<16xf32>, vector<16xi32> -> vector<16xf32>
      %add3A_505 = arith.constant 7 : i32
      %add3A_506 = arith.addi %mul3A_116, %add3A_505 : i32
      %broadcast_in_dim3A_507 = vector.broadcast %add3A_506 : i32 to vector<16xi32>
      %broadcast_in_dim3A_508 = vector.shape_cast %broadcast_in_dim3A_507 : vector<16xi32> to vector<16x1xi32>
      %gather3A_509 = vector.shape_cast %broadcast_in_dim3A_508 : vector<16x1xi32> to vector<16xi32>
      %gather3A_510 = tpu.dynamic_gather %get3A_123[%gather3A_509] in [0] : vector<16xf32>, vector<16xi32> -> vector<16xf32>
      %add3A_511 = arith.constant 7 : i32
      %add3A_512 = arith.addi %mul3A_116, %add3A_511 : i32
      %broadcast_in_dim3A_513 = vector.broadcast %add3A_512 : i32 to vector<16xi32>
      %broadcast_in_dim3A_514 = vector.shape_cast %broadcast_in_dim3A_513 : vector<16xi32> to vector<16x1xi32>
      %gather3A_515 = vector.shape_cast %broadcast_in_dim3A_514 : vector<16x1xi32> to vector<16xi32>
      %gather3A_516 = tpu.dynamic_gather %get3A_127[%gather3A_515] in [0] : vector<16xf32>, vector<16xi32> -> vector<16xf32>
      %mul3A_517 = arith.mulf %gather3A_504, %gather3A_504 : vector<16xf32>
      %mul3A_518 = arith.mulf %gather3A_510, %gather3A_510 : vector<16xf32>
      %add3A_519 = arith.addf %mul3A_517, %mul3A_518 : vector<16xf32>
      %mul3A_520 = arith.mulf %gather3A_516, %gather3A_516 : vector<16xf32>
      %add3A_521 = arith.addf %add3A_519, %mul3A_520 : vector<16xf32>
      %swap3A_522 = arith.constant 7 : i32
      %swap3A_523 = arith.index_cast %swap3A_522 : i32 to index
      %swap3A_524 = arith.constant 0 : index
      %swap3A_525 = tpu.vector_load %arg12[%swap3A_523, %swap3A_524] {strides = array<i32>} : memref<8x16xf32, #tpu.memory_space<vmem>>, vector<16xf32>,
      tpu.vector_store %arg12[%swap3A_523, %swap3A_524], %broadcast_in_dim3A_40 {strides = array<i32>} : memref<8x16xf32, #tpu.memory_space<vmem>>, vector<16xf32>,
      %swap3A_526 = arith.constant 7 : i32
      %swap3A_527 = arith.index_cast %swap3A_526 : i32 to index
      %swap3A_528 = arith.constant 0 : index
      %swap3A_529 = tpu.vector_load %arg13[%swap3A_527, %swap3A_528] {strides = array<i32>} : memref<8x16xi32, #tpu.memory_space<vmem>>, vector<16xi32>,
      tpu.vector_store %arg13[%swap3A_527, %swap3A_528], %broadcast_in_dim3A_42 {strides = array<i32>} : memref<8x16xi32, #tpu.memory_space<vmem>>, vector<16xi32>,
      %scan3A_530 = arith.constant 0 : i32
      %scan3A_531 = arith.constant 512 : i32
      %scan3A_532 = arith.addi %scan3A_530, %scan3A_531 : i32
      %scan3A_533 = arith.constant 1 : i32
      %scan3A_534:8 = scf.for %scan3A_1440 = %scan3A_530 to %scan3A_532 step %scan3A_533 iter_args(%scan3A_1441 = %broadcast_in_dim3A_40, %scan3A_1442 = %broadcast_in_dim3A_40, %scan3A_1443 = %broadcast_in_dim3A_40, %scan3A_1444 = %broadcast_in_dim3A_40, %scan3A_1445 = %broadcast_in_dim3A_40, %scan3A_1446 = %broadcast_in_dim3A_40, %scan3A_1447 = %broadcast_in_dim3A_40, %scan3A_1448 = %broadcast_in_dim3A_40) -> (vector<16xf32>, vector<16xf32>, vector<16xf32>, vector<16xf32>, vector<16xf32>, vector<16xf32>, vector<16xf32>, vector<16xf32>)  : i32 {
        %mul3A_1449 = arith.constant 16 : i32
        %mul3A_1450 = arith.muli %scan3A_1440, %mul3A_1449 : i32
        %get3A_1451 = arith.constant 0 : i32
        %get3A_1452 = arith.index_cast %get3A_1451 : i32 to index
        %get3A_1453 = arith.index_cast %mul3A_1450 : i32 to index
        %get3A_1454 = tpu.vector_load %arg9[%get3A_1452, %get3A_1453] {strides = array<i32>} : memref<3x8192xf32, #tpu.memory_space<vmem>>, vector<16xf32>,
        %mul3A_1455 = arith.constant 16 : i32
        %mul3A_1456 = arith.muli %scan3A_1440, %mul3A_1455 : i32
        %get3A_1457 = arith.constant 1 : i32
        %get3A_1458 = arith.index_cast %get3A_1457 : i32 to index
        %get3A_1459 = arith.index_cast %mul3A_1456 : i32 to index
        %get3A_1460 = tpu.vector_load %arg9[%get3A_1458, %get3A_1459] {strides = array<i32>} : memref<3x8192xf32, #tpu.memory_space<vmem>>, vector<16xf32>,
        %mul3A_1461 = arith.constant 16 : i32
        %mul3A_1462 = arith.muli %scan3A_1440, %mul3A_1461 : i32
        %get3A_1463 = arith.constant 2 : i32
        %get3A_1464 = arith.index_cast %get3A_1463 : i32 to index
        %get3A_1465 = arith.index_cast %mul3A_1462 : i32 to index
        %get3A_1466 = tpu.vector_load %arg9[%get3A_1464, %get3A_1465] {strides = array<i32>} : memref<3x8192xf32, #tpu.memory_space<vmem>>, vector<16xf32>,
        %mul3A_1467 = arith.constant 16 : i32
        %mul3A_1468 = arith.muli %scan3A_1440, %mul3A_1467 : i32
        %get3A_1469 = arith.index_cast %mul3A_1468 : i32 to index
        %get3A_1470 = tpu.vector_load %arg11[%get3A_1469] {strides = array<i32>} : memref<8192xf32, #tpu.memory_space<vmem>>, vector<16xf32>,
        %mul3A_1471 = arith.mulf %get3A_1454, %gather3A_144 : vector<16xf32>
        %mul3A_1472 = arith.mulf %get3A_1460, %gather3A_150 : vector<16xf32>
        %add3A_1473 = arith.addf %mul3A_1471, %mul3A_1472 : vector<16xf32>
        %mul3A_1474 = arith.mulf %get3A_1466, %gather3A_156 : vector<16xf32>
        %add3A_1475 = arith.addf %add3A_1473, %mul3A_1474 : vector<16xf32>
        %mul3A_1476 = arith.constant 2.000000e+00 : f32
        %mul3A_1477 = vector.broadcast %mul3A_1476 : f32 to vector<16xf32>
        %mul3A_1478 = arith.mulf %mul3A_1477, %add3A_1475 : vector<16xf32>
        %sub3A_1479 = arith.subf %add3A_179, %mul3A_1478 : vector<16xf32>
        %add3A_1480 = arith.addf %sub3A_1479, %get3A_1470 : vector<16xf32>
        %lt3A_1481 = arith.cmpf olt, %add3A_1480, %scan3A_1441 : vector<16xf32>
        %mul3A_1482 = arith.mulf %get3A_1454, %gather3A_192 : vector<16xf32>
        %mul3A_1483 = arith.mulf %get3A_1460, %gather3A_198 : vector<16xf32>
        %add3A_1484 = arith.addf %mul3A_1482, %mul3A_1483 : vector<16xf32>
        %mul3A_1485 = arith.mulf %get3A_1466, %gather3A_204 : vector<16xf32>
        %add3A_1486 = arith.addf %add3A_1484, %mul3A_1485 : vector<16xf32>
        %mul3A_1487 = arith.constant 2.000000e+00 : f32
        %mul3A_1488 = vector.broadcast %mul3A_1487 : f32 to vector<16xf32>
        %mul3A_1489 = arith.mulf %mul3A_1488, %add3A_1486 : vector<16xf32>
        %sub3A_1490 = arith.subf %add3A_227, %mul3A_1489 : vector<16xf32>
        %add3A_1491 = arith.addf %sub3A_1490, %get3A_1470 : vector<16xf32>
        %lt3A_1492 = arith.cmpf olt, %add3A_1491, %scan3A_1442 : vector<16xf32>
        %or3A = arith.ori %lt3A_1481, %lt3A_1492 : vector<16xi1>
        %mul3A_1493 = arith.mulf %get3A_1454, %gather3A_241 : vector<16xf32>
        %mul3A_1494 = arith.mulf %get3A_1460, %gather3A_247 : vector<16xf32>
        %add3A_1495 = arith.addf %mul3A_1493, %mul3A_1494 : vector<16xf32>
        %mul3A_1496 = arith.mulf %get3A_1466, %gather3A_253 : vector<16xf32>
        %add3A_1497 = arith.addf %add3A_1495, %mul3A_1496 : vector<16xf32>
        %mul3A_1498 = arith.constant 2.000000e+00 : f32
        %mul3A_1499 = vector.broadcast %mul3A_1498 : f32 to vector<16xf32>
        %mul3A_1500 = arith.mulf %mul3A_1499, %add3A_1497 : vector<16xf32>
        %sub3A_1501 = arith.subf %add3A_276, %mul3A_1500 : vector<16xf32>
        %add3A_1502 = arith.addf %sub3A_1501, %get3A_1470 : vector<16xf32>
        %lt3A_1503 = arith.cmpf olt, %add3A_1502, %scan3A_1443 : vector<16xf32>
        %or3A_1504 = arith.ori %or3A, %lt3A_1503 : vector<16xi1>
        %mul3A_1505 = arith.mulf %get3A_1454, %gather3A_290 : vector<16xf32>
        %mul3A_1506 = arith.mulf %get3A_1460, %gather3A_296 : vector<16xf32>
        %add3A_1507 = arith.addf %mul3A_1505, %mul3A_1506 : vector<16xf32>
        %mul3A_1508 = arith.mulf %get3A_1466, %gather3A_302 : vector<16xf32>
        %add3A_1509 = arith.addf %add3A_1507, %mul3A_1508 : vector<16xf32>
        %mul3A_1510 = arith.constant 2.000000e+00 : f32
        %mul3A_1511 = vector.broadcast %mul3A_1510 : f32 to vector<16xf32>
        %mul3A_1512 = arith.mulf %mul3A_1511, %add3A_1509 : vector<16xf32>
        %sub3A_1513 = arith.subf %add3A_325, %mul3A_1512 : vector<16xf32>
        %add3A_1514 = arith.addf %sub3A_1513, %get3A_1470 : vector<16xf32>
        %lt3A_1515 = arith.cmpf olt, %add3A_1514, %scan3A_1444 : vector<16xf32>
        %or3A_1516 = arith.ori %or3A_1504, %lt3A_1515 : vector<16xi1>
        %mul3A_1517 = arith.mulf %get3A_1454, %gather3A_339 : vector<16xf32>
        %mul3A_1518 = arith.mulf %get3A_1460, %gather3A_345 : vector<16xf32>
        %add3A_1519 = arith.addf %mul3A_1517, %mul3A_1518 : vector<16xf32>
        %mul3A_1520 = arith.mulf %get3A_1466, %gather3A_351 : vector<16xf32>
        %add3A_1521 = arith.addf %add3A_1519, %mul3A_1520 : vector<16xf32>
        %mul3A_1522 = arith.constant 2.000000e+00 : f32
        %mul3A_1523 = vector.broadcast %mul3A_1522 : f32 to vector<16xf32>
        %mul3A_1524 = arith.mulf %mul3A_1523, %add3A_1521 : vector<16xf32>
        %sub3A_1525 = arith.subf %add3A_374, %mul3A_1524 : vector<16xf32>
        %add3A_1526 = arith.addf %sub3A_1525, %get3A_1470 : vector<16xf32>
        %lt3A_1527 = arith.cmpf olt, %add3A_1526, %scan3A_1445 : vector<16xf32>
        %or3A_1528 = arith.ori %or3A_1516, %lt3A_1527 : vector<16xi1>
        %mul3A_1529 = arith.mulf %get3A_1454, %gather3A_388 : vector<16xf32>
        %mul3A_1530 = arith.mulf %get3A_1460, %gather3A_394 : vector<16xf32>
        %add3A_1531 = arith.addf %mul3A_1529, %mul3A_1530 : vector<16xf32>
        %mul3A_1532 = arith.mulf %get3A_1466, %gather3A_400 : vector<16xf32>
        %add3A_1533 = arith.addf %add3A_1531, %mul3A_1532 : vector<16xf32>
        %mul3A_1534 = arith.constant 2.000000e+00 : f32
        %mul3A_1535 = vector.broadcast %mul3A_1534 : f32 to vector<16xf32>
        %mul3A_1536 = arith.mulf %mul3A_1535, %add3A_1533 : vector<16xf32>
        %sub3A_1537 = arith.subf %add3A_423, %mul3A_1536 : vector<16xf32>
        %add3A_1538 = arith.addf %sub3A_1537, %get3A_1470 : vector<16xf32>
        %lt3A_1539 = arith.cmpf olt, %add3A_1538, %scan3A_1446 : vector<16xf32>
        %or3A_1540 = arith.ori %or3A_1528, %lt3A_1539 : vector<16xi1>
        %mul3A_1541 = arith.mulf %get3A_1454, %gather3A_437 : vector<16xf32>
        %mul3A_1542 = arith.mulf %get3A_1460, %gather3A_443 : vector<16xf32>
        %add3A_1543 = arith.addf %mul3A_1541, %mul3A_1542 : vector<16xf32>
        %mul3A_1544 = arith.mulf %get3A_1466, %gather3A_449 : vector<16xf32>
        %add3A_1545 = arith.addf %add3A_1543, %mul3A_1544 : vector<16xf32>
        %mul3A_1546 = arith.constant 2.000000e+00 : f32
        %mul3A_1547 = vector.broadcast %mul3A_1546 : f32 to vector<16xf32>
        %mul3A_1548 = arith.mulf %mul3A_1547, %add3A_1545 : vector<16xf32>
        %sub3A_1549 = arith.subf %add3A_472, %mul3A_1548 : vector<16xf32>
        %add3A_1550 = arith.addf %sub3A_1549, %get3A_1470 : vector<16xf32>
        %lt3A_1551 = arith.cmpf olt, %add3A_1550, %scan3A_1447 : vector<16xf32>
        %or3A_1552 = arith.ori %or3A_1540, %lt3A_1551 : vector<16xi1>
        %mul3A_1553 = arith.mulf %get3A_1454, %gather3A_486 : vector<16xf32>
        %mul3A_1554 = arith.mulf %get3A_1460, %gather3A_492 : vector<16xf32>
        %add3A_1555 = arith.addf %mul3A_1553, %mul3A_1554 : vector<16xf32>
        %mul3A_1556 = arith.mulf %get3A_1466, %gather3A_498 : vector<16xf32>
        %add3A_1557 = arith.addf %add3A_1555, %mul3A_1556 : vector<16xf32>
        %mul3A_1558 = arith.constant 2.000000e+00 : f32
        %mul3A_1559 = vector.broadcast %mul3A_1558 : f32 to vector<16xf32>
        %mul3A_1560 = arith.mulf %mul3A_1559, %add3A_1557 : vector<16xf32>
        %sub3A_1561 = arith.subf %add3A_521, %mul3A_1560 : vector<16xf32>
        %add3A_1562 = arith.addf %sub3A_1561, %get3A_1470 : vector<16xf32>
        %lt3A_1563 = arith.cmpf olt, %add3A_1562, %scan3A_1448 : vector<16xf32>
        %or3A_1564 = arith.ori %or3A_1552, %lt3A_1563 : vector<16xi1>
        %reduce_or3A = arith.constant 1.000000e+00 : f32
        %reduce_or3A_1565 = arith.constant 0.000000e+00 : f32
        %reduce_or3A_1566 = vector.broadcast %reduce_or3A : f32 to vector<16xf32>
        %reduce_or3A_1567 = vector.broadcast %reduce_or3A_1565 : f32 to vector<16xf32>
        %reduce_or3A_1568 = arith.select %or3A_1564, %reduce_or3A_1566, %reduce_or3A_1567 : vector<16xi1>, vector<16xf32>
        %reduce_or3A_1569 = arith.constant true
        %reduce_or3A_1570 = vector.broadcast %reduce_or3A_1569 : i1 to vector<16xi1>
        %reduce_or3A_1571 = tpu.scan <max>, %reduce_or3A_1568 masked %reduce_or3A_1570 : vector<16xf32>, vector<16xi1> -> vector<16xf32>
        %reduce_or3A_1572 = vector.extract %reduce_or3A_1571[15] : f32 from vector<16xf32>
        %reduce_or3A_1573 = arith.constant 0.000000e+00 : f32
        %reduce_or3A_1574 = arith.cmpf ogt, %reduce_or3A_1572, %reduce_or3A_1573 : f32
        %convert_element_type3A = arith.extui %reduce_or3A_1574 : i1 to i32
        %cond3A = arith.constant 0 : i32
        %cond3A_1575 = arith.cmpi ne, %convert_element_type3A, %cond3A : i32
        %cond3A_1576:8 = scf.if %cond3A_1575 -> (vector<16xf32>, vector<16xf32>, vector<16xf32>, vector<16xf32>, vector<16xf32>, vector<16xf32>, vector<16xf32>, vector<16xf32>) {
          %mul3A_1577 = arith.constant 16 : i32
          %mul3A_1578 = arith.muli %scan3A_1440, %mul3A_1577 : i32
          %add3A_1579 = vector.broadcast %mul3A_1578 : i32 to vector<16xi32>
          %add3A_1580 = arith.addi %iota3A, %add3A_1579 : vector<16xi32>
          %mul3A_1581 = arith.mulf %get3A_1454, %gather3A_144 : vector<16xf32>
          %mul3A_1582 = arith.mulf %get3A_1460, %gather3A_150 : vector<16xf32>
          %add3A_1583 = arith.addf %mul3A_1581, %mul3A_1582 : vector<16xf32>
          %mul3A_1584 = arith.mulf %get3A_1466, %gather3A_156 : vector<16xf32>
          %add3A_1585 = arith.addf %add3A_1583, %mul3A_1584 : vector<16xf32>
          %mul3A_1586 = arith.constant 2.000000e+00 : f32
          %mul3A_1587 = vector.broadcast %mul3A_1586 : f32 to vector<16xf32>
          %mul3A_1588 = arith.mulf %mul3A_1587, %add3A_1585 : vector<16xf32>
          %sub3A_1589 = arith.subf %add3A_179, %mul3A_1588 : vector<16xf32>
          %add3A_1590 = arith.addf %sub3A_1589, %get3A_1470 : vector<16xf32>
          %while3A:2 = scf.while (%while3A_1668 = %add3A_1590, %while3A_1669 = %scan3A_1441) : (vector<16xf32>, vector<16xf32>) -> (vector<16xf32>, vector<16xf32>) {
            %lt3A_1670 = arith.cmpf olt, %while3A_1668, %while3A_1669 : vector<16xf32>
            %reduce_or3A_1671 = arith.constant 1.000000e+00 : f32
            %reduce_or3A_1672 = arith.constant 0.000000e+00 : f32
            %reduce_or3A_1673 = vector.broadcast %reduce_or3A_1671 : f32 to vector<16xf32>
            %reduce_or3A_1674 = vector.broadcast %reduce_or3A_1672 : f32 to vector<16xf32>
            %reduce_or3A_1675 = arith.select %lt3A_1670, %reduce_or3A_1673, %reduce_or3A_1674 : vector<16xi1>, vector<16xf32>
            %reduce_or3A_1676 = arith.constant true
            %reduce_or3A_1677 = vector.broadcast %reduce_or3A_1676 : i1 to vector<16xi1>
            %reduce_or3A_1678 = tpu.scan <max>, %reduce_or3A_1675 masked %reduce_or3A_1677 : vector<16xf32>, vector<16xi1> -> vector<16xf32>
            %reduce_or3A_1679 = vector.extract %reduce_or3A_1678[15] : f32 from vector<16xf32>
            %reduce_or3A_1680 = arith.constant 0.000000e+00 : f32
            %reduce_or3A_1681 = arith.cmpf ogt, %reduce_or3A_1679, %reduce_or3A_1680 : f32
            scf.condition(%reduce_or3A_1681) %while3A_1668, %while3A_1669 : vector<16xf32>, vector<16xf32>
          } do {
          ^bb0(%while3A_1668: vector<16xf32>, %while3A_1669: vector<16xf32>):
            %lt3A_1670 = arith.cmpf olt, %while3A_1668, %while3A_1669 : vector<16xf32>
            %all_reduce_ffs3A = tpu.all_reduce %lt3A_1670 {dim = 0 : i64, kind = #tpu.reduction_kind<find_first_set>} : vector<16xi1> -> vector<16xi32>
            %broadcast_in_dim3A_1671 = vector.shape_cast %all_reduce_ffs3A : vector<16xi32> to vector<16x1xi32>
            %gather3A_1672 = vector.shape_cast %broadcast_in_dim3A_1671 : vector<16x1xi32> to vector<16xi32>
            %gather3A_1673 = tpu.dynamic_gather %while3A_1668[%gather3A_1672] in [0] : vector<16xf32>, vector<16xi32> -> vector<16xf32>
            %broadcast_in_dim3A_1674 = vector.shape_cast %all_reduce_ffs3A : vector<16xi32> to vector<16x1xi32>
            %gather3A_1675 = vector.shape_cast %broadcast_in_dim3A_1674 : vector<16x1xi32> to vector<16xi32>
            %gather3A_1676 = tpu.dynamic_gather %add3A_1580[%gather3A_1675] in [0] : vector<16xi32>, vector<16xi32> -> vector<16xi32>
            %get3A_1677 = arith.constant 0 : i32
            %get3A_1678 = arith.index_cast %get3A_1677 : i32 to index
            %get3A_1679 = arith.constant 0 : index
            %get3A_1680 = tpu.vector_load %arg12[%get3A_1678, %get3A_1679] {strides = array<i32>} : memref<8x16xf32, #tpu.memory_space<vmem>>, vector<16xf32>,
            %get3A_1681 = arith.constant 0 : i32
            %get3A_1682 = arith.index_cast %get3A_1681 : i32 to index
            %get3A_1683 = arith.constant 0 : index
            %get3A_1684 = tpu.vector_load %arg13[%get3A_1682, %get3A_1683] {strides = array<i32>} : memref<8x16xi32, #tpu.memory_space<vmem>>, vector<16xi32>,
            %gt3A = arith.cmpf ogt, %get3A_1680, %gather3A_1673 : vector<16xf32>
            %broadcast_in_dim3A_1685 = vector.shape_cast %max3A_37 : vector<16xi32> to vector<16x1xi32>
            %gather3A_1686 = vector.shape_cast %broadcast_in_dim3A_1685 : vector<16x1xi32> to vector<16xi32>
            %gather3A_1687 = tpu.dynamic_gather %get3A_1680[%gather3A_1686] in [0] : vector<16xf32>, vector<16xi32> -> vector<16xf32>
            %select_n3A_1688 = arith.select %gt3A, %gather3A_1687, %get3A_1680 : vector<16xi1>, vector<16xf32>
            %broadcast_in_dim3A_1689 = vector.shape_cast %max3A_37 : vector<16xi32> to vector<16x1xi32>
            %gather3A_1690 = vector.shape_cast %broadcast_in_dim3A_1689 : vector<16x1xi32> to vector<16xi32>
            %gather3A_1691 = tpu.dynamic_gather %get3A_1684[%gather3A_1690] in [0] : vector<16xi32>, vector<16xi32> -> vector<16xi32>
            %select_n3A_1692 = arith.select %gt3A, %gather3A_1691, %get3A_1684 : vector<16xi1>, vector<16xi32>
            %all_reduce_ffs3A_1693 = tpu.all_reduce %gt3A {dim = 0 : i64, kind = #tpu.reduction_kind<find_first_set>} : vector<16xi1> -> vector<16xi32>
            %eq3A_1694 = arith.cmpi eq, %iota3A, %all_reduce_ffs3A_1693 : vector<16xi32>
            %select_n3A_1695 = arith.select %eq3A_1694, %gather3A_1673, %select_n3A_1688 : vector<16xi1>, vector<16xf32>
            %select_n3A_1696 = arith.select %eq3A_1694, %gather3A_1676, %select_n3A_1692 : vector<16xi1>, vector<16xi32>
            %swap3A_1697 = arith.constant 0 : i32
            %swap3A_1698 = arith.index_cast %swap3A_1697 : i32 to index
            %swap3A_1699 = arith.constant 0 : index
            %swap3A_1700 = tpu.vector_load %arg12[%swap3A_1698, %swap3A_1699] {strides = array<i32>} : memref<8x16xf32, #tpu.memory_space<vmem>>, vector<16xf32>,
            tpu.vector_store %arg12[%swap3A_1698, %swap3A_1699], %select_n3A_1695 {strides = array<i32>} : memref<8x16xf32, #tpu.memory_space<vmem>>, vector<16xf32>,
            %swap3A_1701 = arith.constant 0 : i32
            %swap3A_1702 = arith.index_cast %swap3A_1701 : i32 to index
            %swap3A_1703 = arith.constant 0 : index
            %swap3A_1704 = tpu.vector_load %arg13[%swap3A_1702, %swap3A_1703] {strides = array<i32>} : memref<8x16xi32, #tpu.memory_space<vmem>>, vector<16xi32>,
            tpu.vector_store %arg13[%swap3A_1702, %swap3A_1703], %select_n3A_1696 {strides = array<i32>} : memref<8x16xi32, #tpu.memory_space<vmem>>, vector<16xi32>,
            %eq3A_1705 = arith.cmpi eq, %iota3A, %all_reduce_ffs3A : vector<16xi32>
            %jit3A_1706 = arith.constant 0x7F800000 : f32
            %broadcast_in_dim3A_1707 = vector.broadcast %jit3A_1706 : f32 to vector<16xf32>
            %select_n3A_1708 = arith.select %eq3A_1705, %broadcast_in_dim3A_1707, %while3A_1668 : vector<16xi1>, vector<16xf32>
            %broadcast_in_dim3A_1709 = arith.constant 15 : i32
            %broadcast_in_dim3A_1710 = vector.broadcast %broadcast_in_dim3A_1709 : i32 to vector<16xi32>
            %broadcast_in_dim3A_1711 = vector.shape_cast %broadcast_in_dim3A_1710 : vector<16xi32> to vector<16x1xi32>
            %gather3A_1712 = vector.shape_cast %broadcast_in_dim3A_1711 : vector<16x1xi32> to vector<16xi32>
            %gather3A_1713 = tpu.dynamic_gather %select_n3A_1695[%gather3A_1712] in [0] : vector<16xf32>, vector<16xi32> -> vector<16xf32>
            scf.yield %select_n3A_1708, %gather3A_1713 : vector<16xf32>, vector<16xf32>
          }
          %mul3A_1591 = arith.mulf %get3A_1454, %gather3A_192 : vector<16xf32>
          %mul3A_1592 = arith.mulf %get3A_1460, %gather3A_198 : vector<16xf32>
          %add3A_1593 = arith.addf %mul3A_1591, %mul3A_1592 : vector<16xf32>
          %mul3A_1594 = arith.mulf %get3A_1466, %gather3A_204 : vector<16xf32>
          %add3A_1595 = arith.addf %add3A_1593, %mul3A_1594 : vector<16xf32>
          %mul3A_1596 = arith.constant 2.000000e+00 : f32
          %mul3A_1597 = vector.broadcast %mul3A_1596 : f32 to vector<16xf32>
          %mul3A_1598 = arith.mulf %mul3A_1597, %add3A_1595 : vector<16xf32>
          %sub3A_1599 = arith.subf %add3A_227, %mul3A_1598 : vector<16xf32>
          %add3A_1600 = arith.addf %sub3A_1599, %get3A_1470 : vector<16xf32>
          %while3A_1601:2 = scf.while (%while3A_1668 = %add3A_1600, %while3A_1669 = %scan3A_1442) : (vector<16xf32>, vector<16xf32>) -> (vector<16xf32>, vector<16xf32>) {
            %lt3A_1670 = arith.cmpf olt, %while3A_1668, %while3A_1669 : vector<16xf32>
            %reduce_or3A_1671 = arith.constant 1.000000e+00 : f32
            %reduce_or3A_1672 = arith.constant 0.000000e+00 : f32
            %reduce_or3A_1673 = vector.broadcast %reduce_or3A_1671 : f32 to vector<16xf32>
            %reduce_or3A_1674 = vector.broadcast %reduce_or3A_1672 : f32 to vector<16xf32>
            %reduce_or3A_1675 = arith.select %lt3A_1670, %reduce_or3A_1673, %reduce_or3A_1674 : vector<16xi1>, vector<16xf32>
            %reduce_or3A_1676 = arith.constant true
            %reduce_or3A_1677 = vector.broadcast %reduce_or3A_1676 : i1 to vector<16xi1>
            %reduce_or3A_1678 = tpu.scan <max>, %reduce_or3A_1675 masked %reduce_or3A_1677 : vector<16xf32>, vector<16xi1> -> vector<16xf32>
            %reduce_or3A_1679 = vector.extract %reduce_or3A_1678[15] : f32 from vector<16xf32>
            %reduce_or3A_1680 = arith.constant 0.000000e+00 : f32
            %reduce_or3A_1681 = arith.cmpf ogt, %reduce_or3A_1679, %reduce_or3A_1680 : f32
            scf.condition(%reduce_or3A_1681) %while3A_1668, %while3A_1669 : vector<16xf32>, vector<16xf32>
          } do {
          ^bb0(%while3A_1668: vector<16xf32>, %while3A_1669: vector<16xf32>):
            %lt3A_1670 = arith.cmpf olt, %while3A_1668, %while3A_1669 : vector<16xf32>
            %all_reduce_ffs3A = tpu.all_reduce %lt3A_1670 {dim = 0 : i64, kind = #tpu.reduction_kind<find_first_set>} : vector<16xi1> -> vector<16xi32>
            %broadcast_in_dim3A_1671 = vector.shape_cast %all_reduce_ffs3A : vector<16xi32> to vector<16x1xi32>
            %gather3A_1672 = vector.shape_cast %broadcast_in_dim3A_1671 : vector<16x1xi32> to vector<16xi32>
            %gather3A_1673 = tpu.dynamic_gather %while3A_1668[%gather3A_1672] in [0] : vector<16xf32>, vector<16xi32> -> vector<16xf32>
            %broadcast_in_dim3A_1674 = vector.shape_cast %all_reduce_ffs3A : vector<16xi32> to vector<16x1xi32>
            %gather3A_1675 = vector.shape_cast %broadcast_in_dim3A_1674 : vector<16x1xi32> to vector<16xi32>
            %gather3A_1676 = tpu.dynamic_gather %add3A_1580[%gather3A_1675] in [0] : vector<16xi32>, vector<16xi32> -> vector<16xi32>
            %get3A_1677 = arith.constant 1 : i32
            %get3A_1678 = arith.index_cast %get3A_1677 : i32 to index
            %get3A_1679 = arith.constant 0 : index
            %get3A_1680 = tpu.vector_load %arg12[%get3A_1678, %get3A_1679] {strides = array<i32>} : memref<8x16xf32, #tpu.memory_space<vmem>>, vector<16xf32>,
            %get3A_1681 = arith.constant 1 : i32
            %get3A_1682 = arith.index_cast %get3A_1681 : i32 to index
            %get3A_1683 = arith.constant 0 : index
            %get3A_1684 = tpu.vector_load %arg13[%get3A_1682, %get3A_1683] {strides = array<i32>} : memref<8x16xi32, #tpu.memory_space<vmem>>, vector<16xi32>,
            %gt3A = arith.cmpf ogt, %get3A_1680, %gather3A_1673 : vector<16xf32>
            %broadcast_in_dim3A_1685 = vector.shape_cast %max3A_37 : vector<16xi32> to vector<16x1xi32>
            %gather3A_1686 = vector.shape_cast %broadcast_in_dim3A_1685 : vector<16x1xi32> to vector<16xi32>
            %gather3A_1687 = tpu.dynamic_gather %get3A_1680[%gather3A_1686] in [0] : vector<16xf32>, vector<16xi32> -> vector<16xf32>
            %select_n3A_1688 = arith.select %gt3A, %gather3A_1687, %get3A_1680 : vector<16xi1>, vector<16xf32>
            %broadcast_in_dim3A_1689 = vector.shape_cast %max3A_37 : vector<16xi32> to vector<16x1xi32>
            %gather3A_1690 = vector.shape_cast %broadcast_in_dim3A_1689 : vector<16x1xi32> to vector<16xi32>
            %gather3A_1691 = tpu.dynamic_gather %get3A_1684[%gather3A_1690] in [0] : vector<16xi32>, vector<16xi32> -> vector<16xi32>
            %select_n3A_1692 = arith.select %gt3A, %gather3A_1691, %get3A_1684 : vector<16xi1>, vector<16xi32>
            %all_reduce_ffs3A_1693 = tpu.all_reduce %gt3A {dim = 0 : i64, kind = #tpu.reduction_kind<find_first_set>} : vector<16xi1> -> vector<16xi32>
            %eq3A_1694 = arith.cmpi eq, %iota3A, %all_reduce_ffs3A_1693 : vector<16xi32>
            %select_n3A_1695 = arith.select %eq3A_1694, %gather3A_1673, %select_n3A_1688 : vector<16xi1>, vector<16xf32>
            %select_n3A_1696 = arith.select %eq3A_1694, %gather3A_1676, %select_n3A_1692 : vector<16xi1>, vector<16xi32>
            %swap3A_1697 = arith.constant 1 : i32
            %swap3A_1698 = arith.index_cast %swap3A_1697 : i32 to index
            %swap3A_1699 = arith.constant 0 : index
            %swap3A_1700 = tpu.vector_load %arg12[%swap3A_1698, %swap3A_1699] {strides = array<i32>} : memref<8x16xf32, #tpu.memory_space<vmem>>, vector<16xf32>,
            tpu.vector_store %arg12[%swap3A_1698, %swap3A_1699], %select_n3A_1695 {strides = array<i32>} : memref<8x16xf32, #tpu.memory_space<vmem>>, vector<16xf32>,
            %swap3A_1701 = arith.constant 1 : i32
            %swap3A_1702 = arith.index_cast %swap3A_1701 : i32 to index
            %swap3A_1703 = arith.constant 0 : index
            %swap3A_1704 = tpu.vector_load %arg13[%swap3A_1702, %swap3A_1703] {strides = array<i32>} : memref<8x16xi32, #tpu.memory_space<vmem>>, vector<16xi32>,
            tpu.vector_store %arg13[%swap3A_1702, %swap3A_1703], %select_n3A_1696 {strides = array<i32>} : memref<8x16xi32, #tpu.memory_space<vmem>>, vector<16xi32>,
            %eq3A_1705 = arith.cmpi eq, %iota3A, %all_reduce_ffs3A : vector<16xi32>
            %jit3A_1706 = arith.constant 0x7F800000 : f32
            %broadcast_in_dim3A_1707 = vector.broadcast %jit3A_1706 : f32 to vector<16xf32>
            %select_n3A_1708 = arith.select %eq3A_1705, %broadcast_in_dim3A_1707, %while3A_1668 : vector<16xi1>, vector<16xf32>
            %broadcast_in_dim3A_1709 = arith.constant 15 : i32
            %broadcast_in_dim3A_1710 = vector.broadcast %broadcast_in_dim3A_1709 : i32 to vector<16xi32>
            %broadcast_in_dim3A_1711 = vector.shape_cast %broadcast_in_dim3A_1710 : vector<16xi32> to vector<16x1xi32>
            %gather3A_1712 = vector.shape_cast %broadcast_in_dim3A_1711 : vector<16x1xi32> to vector<16xi32>
            %gather3A_1713 = tpu.dynamic_gather %select_n3A_1695[%gather3A_1712] in [0] : vector<16xf32>, vector<16xi32> -> vector<16xf32>
            scf.yield %select_n3A_1708, %gather3A_1713 : vector<16xf32>, vector<16xf32>
          }
          %mul3A_1602 = arith.mulf %get3A_1454, %gather3A_241 : vector<16xf32>
          %mul3A_1603 = arith.mulf %get3A_1460, %gather3A_247 : vector<16xf32>
          %add3A_1604 = arith.addf %mul3A_1602, %mul3A_1603 : vector<16xf32>
          %mul3A_1605 = arith.mulf %get3A_1466, %gather3A_253 : vector<16xf32>
          %add3A_1606 = arith.addf %add3A_1604, %mul3A_1605 : vector<16xf32>
          %mul3A_1607 = arith.constant 2.000000e+00 : f32
          %mul3A_1608 = vector.broadcast %mul3A_1607 : f32 to vector<16xf32>
          %mul3A_1609 = arith.mulf %mul3A_1608, %add3A_1606 : vector<16xf32>
          %sub3A_1610 = arith.subf %add3A_276, %mul3A_1609 : vector<16xf32>
          %add3A_1611 = arith.addf %sub3A_1610, %get3A_1470 : vector<16xf32>
          %while3A_1612:2 = scf.while (%while3A_1668 = %add3A_1611, %while3A_1669 = %scan3A_1443) : (vector<16xf32>, vector<16xf32>) -> (vector<16xf32>, vector<16xf32>) {
            %lt3A_1670 = arith.cmpf olt, %while3A_1668, %while3A_1669 : vector<16xf32>
            %reduce_or3A_1671 = arith.constant 1.000000e+00 : f32
            %reduce_or3A_1672 = arith.constant 0.000000e+00 : f32
            %reduce_or3A_1673 = vector.broadcast %reduce_or3A_1671 : f32 to vector<16xf32>
            %reduce_or3A_1674 = vector.broadcast %reduce_or3A_1672 : f32 to vector<16xf32>
            %reduce_or3A_1675 = arith.select %lt3A_1670, %reduce_or3A_1673, %reduce_or3A_1674 : vector<16xi1>, vector<16xf32>
            %reduce_or3A_1676 = arith.constant true
            %reduce_or3A_1677 = vector.broadcast %reduce_or3A_1676 : i1 to vector<16xi1>
            %reduce_or3A_1678 = tpu.scan <max>, %reduce_or3A_1675 masked %reduce_or3A_1677 : vector<16xf32>, vector<16xi1> -> vector<16xf32>
            %reduce_or3A_1679 = vector.extract %reduce_or3A_1678[15] : f32 from vector<16xf32>
            %reduce_or3A_1680 = arith.constant 0.000000e+00 : f32
            %reduce_or3A_1681 = arith.cmpf ogt, %reduce_or3A_1679, %reduce_or3A_1680 : f32
            scf.condition(%reduce_or3A_1681) %while3A_1668, %while3A_1669 : vector<16xf32>, vector<16xf32>
          } do {
          ^bb0(%while3A_1668: vector<16xf32>, %while3A_1669: vector<16xf32>):
            %lt3A_1670 = arith.cmpf olt, %while3A_1668, %while3A_1669 : vector<16xf32>
            %all_reduce_ffs3A = tpu.all_reduce %lt3A_1670 {dim = 0 : i64, kind = #tpu.reduction_kind<find_first_set>} : vector<16xi1> -> vector<16xi32>
            %broadcast_in_dim3A_1671 = vector.shape_cast %all_reduce_ffs3A : vector<16xi32> to vector<16x1xi32>
            %gather3A_1672 = vector.shape_cast %broadcast_in_dim3A_1671 : vector<16x1xi32> to vector<16xi32>
            %gather3A_1673 = tpu.dynamic_gather %while3A_1668[%gather3A_1672] in [0] : vector<16xf32>, vector<16xi32> -> vector<16xf32>
            %broadcast_in_dim3A_1674 = vector.shape_cast %all_reduce_ffs3A : vector<16xi32> to vector<16x1xi32>
            %gather3A_1675 = vector.shape_cast %broadcast_in_dim3A_1674 : vector<16x1xi32> to vector<16xi32>
            %gather3A_1676 = tpu.dynamic_gather %add3A_1580[%gather3A_1675] in [0] : vector<16xi32>, vector<16xi32> -> vector<16xi32>
            %get3A_1677 = arith.constant 2 : i32
            %get3A_1678 = arith.index_cast %get3A_1677 : i32 to index
            %get3A_1679 = arith.constant 0 : index
            %get3A_1680 = tpu.vector_load %arg12[%get3A_1678, %get3A_1679] {strides = array<i32>} : memref<8x16xf32, #tpu.memory_space<vmem>>, vector<16xf32>,
            %get3A_1681 = arith.constant 2 : i32
            %get3A_1682 = arith.index_cast %get3A_1681 : i32 to index
            %get3A_1683 = arith.constant 0 : index
            %get3A_1684 = tpu.vector_load %arg13[%get3A_1682, %get3A_1683] {strides = array<i32>} : memref<8x16xi32, #tpu.memory_space<vmem>>, vector<16xi32>,
            %gt3A = arith.cmpf ogt, %get3A_1680, %gather3A_1673 : vector<16xf32>
            %broadcast_in_dim3A_1685 = vector.shape_cast %max3A_37 : vector<16xi32> to vector<16x1xi32>
            %gather3A_1686 = vector.shape_cast %broadcast_in_dim3A_1685 : vector<16x1xi32> to vector<16xi32>
            %gather3A_1687 = tpu.dynamic_gather %get3A_1680[%gather3A_1686] in [0] : vector<16xf32>, vector<16xi32> -> vector<16xf32>
            %select_n3A_1688 = arith.select %gt3A, %gather3A_1687, %get3A_1680 : vector<16xi1>, vector<16xf32>
            %broadcast_in_dim3A_1689 = vector.shape_cast %max3A_37 : vector<16xi32> to vector<16x1xi32>
            %gather3A_1690 = vector.shape_cast %broadcast_in_dim3A_1689 : vector<16x1xi32> to vector<16xi32>
            %gather3A_1691 = tpu.dynamic_gather %get3A_1684[%gather3A_1690] in [0] : vector<16xi32>, vector<16xi32> -> vector<16xi32>
            %select_n3A_1692 = arith.select %gt3A, %gather3A_1691, %get3A_1684 : vector<16xi1>, vector<16xi32>
            %all_reduce_ffs3A_1693 = tpu.all_reduce %gt3A {dim = 0 : i64, kind = #tpu.reduction_kind<find_first_set>} : vector<16xi1> -> vector<16xi32>
            %eq3A_1694 = arith.cmpi eq, %iota3A, %all_reduce_ffs3A_1693 : vector<16xi32>
            %select_n3A_1695 = arith.select %eq3A_1694, %gather3A_1673, %select_n3A_1688 : vector<16xi1>, vector<16xf32>
            %select_n3A_1696 = arith.select %eq3A_1694, %gather3A_1676, %select_n3A_1692 : vector<16xi1>, vector<16xi32>
            %swap3A_1697 = arith.constant 2 : i32
            %swap3A_1698 = arith.index_cast %swap3A_1697 : i32 to index
            %swap3A_1699 = arith.constant 0 : index
            %swap3A_1700 = tpu.vector_load %arg12[%swap3A_1698, %swap3A_1699] {strides = array<i32>} : memref<8x16xf32, #tpu.memory_space<vmem>>, vector<16xf32>,
            tpu.vector_store %arg12[%swap3A_1698, %swap3A_1699], %select_n3A_1695 {strides = array<i32>} : memref<8x16xf32, #tpu.memory_space<vmem>>, vector<16xf32>,
            %swap3A_1701 = arith.constant 2 : i32
            %swap3A_1702 = arith.index_cast %swap3A_1701 : i32 to index
            %swap3A_1703 = arith.constant 0 : index
            %swap3A_1704 = tpu.vector_load %arg13[%swap3A_1702, %swap3A_1703] {strides = array<i32>} : memref<8x16xi32, #tpu.memory_space<vmem>>, vector<16xi32>,
            tpu.vector_store %arg13[%swap3A_1702, %swap3A_1703], %select_n3A_1696 {strides = array<i32>} : memref<8x16xi32, #tpu.memory_space<vmem>>, vector<16xi32>,
            %eq3A_1705 = arith.cmpi eq, %iota3A, %all_reduce_ffs3A : vector<16xi32>
            %jit3A_1706 = arith.constant 0x7F800000 : f32
            %broadcast_in_dim3A_1707 = vector.broadcast %jit3A_1706 : f32 to vector<16xf32>
            %select_n3A_1708 = arith.select %eq3A_1705, %broadcast_in_dim3A_1707, %while3A_1668 : vector<16xi1>, vector<16xf32>
            %broadcast_in_dim3A_1709 = arith.constant 15 : i32
            %broadcast_in_dim3A_1710 = vector.broadcast %broadcast_in_dim3A_1709 : i32 to vector<16xi32>
            %broadcast_in_dim3A_1711 = vector.shape_cast %broadcast_in_dim3A_1710 : vector<16xi32> to vector<16x1xi32>
            %gather3A_1712 = vector.shape_cast %broadcast_in_dim3A_1711 : vector<16x1xi32> to vector<16xi32>
            %gather3A_1713 = tpu.dynamic_gather %select_n3A_1695[%gather3A_1712] in [0] : vector<16xf32>, vector<16xi32> -> vector<16xf32>
            scf.yield %select_n3A_1708, %gather3A_1713 : vector<16xf32>, vector<16xf32>
          }
          %mul3A_1613 = arith.mulf %get3A_1454, %gather3A_290 : vector<16xf32>
          %mul3A_1614 = arith.mulf %get3A_1460, %gather3A_296 : vector<16xf32>
          %add3A_1615 = arith.addf %mul3A_1613, %mul3A_1614 : vector<16xf32>
          %mul3A_1616 = arith.mulf %get3A_1466, %gather3A_302 : vector<16xf32>
          %add3A_1617 = arith.addf %add3A_1615, %mul3A_1616 : vector<16xf32>
          %mul3A_1618 = arith.constant 2.000000e+00 : f32
          %mul3A_1619 = vector.broadcast %mul3A_1618 : f32 to vector<16xf32>
          %mul3A_1620 = arith.mulf %mul3A_1619, %add3A_1617 : vector<16xf32>
          %sub3A_1621 = arith.subf %add3A_325, %mul3A_1620 : vector<16xf32>
          %add3A_1622 = arith.addf %sub3A_1621, %get3A_1470 : vector<16xf32>
          %while3A_1623:2 = scf.while (%while3A_1668 = %add3A_1622, %while3A_1669 = %scan3A_1444) : (vector<16xf32>, vector<16xf32>) -> (vector<16xf32>, vector<16xf32>) {
            %lt3A_1670 = arith.cmpf olt, %while3A_1668, %while3A_1669 : vector<16xf32>
            %reduce_or3A_1671 = arith.constant 1.000000e+00 : f32
            %reduce_or3A_1672 = arith.constant 0.000000e+00 : f32
            %reduce_or3A_1673 = vector.broadcast %reduce_or3A_1671 : f32 to vector<16xf32>
            %reduce_or3A_1674 = vector.broadcast %reduce_or3A_1672 : f32 to vector<16xf32>
            %reduce_or3A_1675 = arith.select %lt3A_1670, %reduce_or3A_1673, %reduce_or3A_1674 : vector<16xi1>, vector<16xf32>
            %reduce_or3A_1676 = arith.constant true
            %reduce_or3A_1677 = vector.broadcast %reduce_or3A_1676 : i1 to vector<16xi1>
            %reduce_or3A_1678 = tpu.scan <max>, %reduce_or3A_1675 masked %reduce_or3A_1677 : vector<16xf32>, vector<16xi1> -> vector<16xf32>
            %reduce_or3A_1679 = vector.extract %reduce_or3A_1678[15] : f32 from vector<16xf32>
            %reduce_or3A_1680 = arith.constant 0.000000e+00 : f32
            %reduce_or3A_1681 = arith.cmpf ogt, %reduce_or3A_1679, %reduce_or3A_1680 : f32
            scf.condition(%reduce_or3A_1681) %while3A_1668, %while3A_1669 : vector<16xf32>, vector<16xf32>
          } do {
          ^bb0(%while3A_1668: vector<16xf32>, %while3A_1669: vector<16xf32>):
            %lt3A_1670 = arith.cmpf olt, %while3A_1668, %while3A_1669 : vector<16xf32>
            %all_reduce_ffs3A = tpu.all_reduce %lt3A_1670 {dim = 0 : i64, kind = #tpu.reduction_kind<find_first_set>} : vector<16xi1> -> vector<16xi32>
            %broadcast_in_dim3A_1671 = vector.shape_cast %all_reduce_ffs3A : vector<16xi32> to vector<16x1xi32>
            %gather3A_1672 = vector.shape_cast %broadcast_in_dim3A_1671 : vector<16x1xi32> to vector<16xi32>
            %gather3A_1673 = tpu.dynamic_gather %while3A_1668[%gather3A_1672] in [0] : vector<16xf32>, vector<16xi32> -> vector<16xf32>
            %broadcast_in_dim3A_1674 = vector.shape_cast %all_reduce_ffs3A : vector<16xi32> to vector<16x1xi32>
            %gather3A_1675 = vector.shape_cast %broadcast_in_dim3A_1674 : vector<16x1xi32> to vector<16xi32>
            %gather3A_1676 = tpu.dynamic_gather %add3A_1580[%gather3A_1675] in [0] : vector<16xi32>, vector<16xi32> -> vector<16xi32>
            %get3A_1677 = arith.constant 3 : i32
            %get3A_1678 = arith.index_cast %get3A_1677 : i32 to index
            %get3A_1679 = arith.constant 0 : index
            %get3A_1680 = tpu.vector_load %arg12[%get3A_1678, %get3A_1679] {strides = array<i32>} : memref<8x16xf32, #tpu.memory_space<vmem>>, vector<16xf32>,
            %get3A_1681 = arith.constant 3 : i32
            %get3A_1682 = arith.index_cast %get3A_1681 : i32 to index
            %get3A_1683 = arith.constant 0 : index
            %get3A_1684 = tpu.vector_load %arg13[%get3A_1682, %get3A_1683] {strides = array<i32>} : memref<8x16xi32, #tpu.memory_space<vmem>>, vector<16xi32>,
            %gt3A = arith.cmpf ogt, %get3A_1680, %gather3A_1673 : vector<16xf32>
            %broadcast_in_dim3A_1685 = vector.shape_cast %max3A_37 : vector<16xi32> to vector<16x1xi32>
            %gather3A_1686 = vector.shape_cast %broadcast_in_dim3A_1685 : vector<16x1xi32> to vector<16xi32>
            %gather3A_1687 = tpu.dynamic_gather %get3A_1680[%gather3A_1686] in [0] : vector<16xf32>, vector<16xi32> -> vector<16xf32>
            %select_n3A_1688 = arith.select %gt3A, %gather3A_1687, %get3A_1680 : vector<16xi1>, vector<16xf32>
            %broadcast_in_dim3A_1689 = vector.shape_cast %max3A_37 : vector<16xi32> to vector<16x1xi32>
            %gather3A_1690 = vector.shape_cast %broadcast_in_dim3A_1689 : vector<16x1xi32> to vector<16xi32>
            %gather3A_1691 = tpu.dynamic_gather %get3A_1684[%gather3A_1690] in [0] : vector<16xi32>, vector<16xi32> -> vector<16xi32>
            %select_n3A_1692 = arith.select %gt3A, %gather3A_1691, %get3A_1684 : vector<16xi1>, vector<16xi32>
            %all_reduce_ffs3A_1693 = tpu.all_reduce %gt3A {dim = 0 : i64, kind = #tpu.reduction_kind<find_first_set>} : vector<16xi1> -> vector<16xi32>
            %eq3A_1694 = arith.cmpi eq, %iota3A, %all_reduce_ffs3A_1693 : vector<16xi32>
            %select_n3A_1695 = arith.select %eq3A_1694, %gather3A_1673, %select_n3A_1688 : vector<16xi1>, vector<16xf32>
            %select_n3A_1696 = arith.select %eq3A_1694, %gather3A_1676, %select_n3A_1692 : vector<16xi1>, vector<16xi32>
            %swap3A_1697 = arith.constant 3 : i32
            %swap3A_1698 = arith.index_cast %swap3A_1697 : i32 to index
            %swap3A_1699 = arith.constant 0 : index
            %swap3A_1700 = tpu.vector_load %arg12[%swap3A_1698, %swap3A_1699] {strides = array<i32>} : memref<8x16xf32, #tpu.memory_space<vmem>>, vector<16xf32>,
            tpu.vector_store %arg12[%swap3A_1698, %swap3A_1699], %select_n3A_1695 {strides = array<i32>} : memref<8x16xf32, #tpu.memory_space<vmem>>, vector<16xf32>,
            %swap3A_1701 = arith.constant 3 : i32
            %swap3A_1702 = arith.index_cast %swap3A_1701 : i32 to index
            %swap3A_1703 = arith.constant 0 : index
            %swap3A_1704 = tpu.vector_load %arg13[%swap3A_1702, %swap3A_1703] {strides = array<i32>} : memref<8x16xi32, #tpu.memory_space<vmem>>, vector<16xi32>,
            tpu.vector_store %arg13[%swap3A_1702, %swap3A_1703], %select_n3A_1696 {strides = array<i32>} : memref<8x16xi32, #tpu.memory_space<vmem>>, vector<16xi32>,
            %eq3A_1705 = arith.cmpi eq, %iota3A, %all_reduce_ffs3A : vector<16xi32>
            %jit3A_1706 = arith.constant 0x7F800000 : f32
            %broadcast_in_dim3A_1707 = vector.broadcast %jit3A_1706 : f32 to vector<16xf32>
            %select_n3A_1708 = arith.select %eq3A_1705, %broadcast_in_dim3A_1707, %while3A_1668 : vector<16xi1>, vector<16xf32>
            %broadcast_in_dim3A_1709 = arith.constant 15 : i32
            %broadcast_in_dim3A_1710 = vector.broadcast %broadcast_in_dim3A_1709 : i32 to vector<16xi32>
            %broadcast_in_dim3A_1711 = vector.shape_cast %broadcast_in_dim3A_1710 : vector<16xi32> to vector<16x1xi32>
            %gather3A_1712 = vector.shape_cast %broadcast_in_dim3A_1711 : vector<16x1xi32> to vector<16xi32>
            %gather3A_1713 = tpu.dynamic_gather %select_n3A_1695[%gather3A_1712] in [0] : vector<16xf32>, vector<16xi32> -> vector<16xf32>
            scf.yield %select_n3A_1708, %gather3A_1713 : vector<16xf32>, vector<16xf32>
          }
          %mul3A_1624 = arith.mulf %get3A_1454, %gather3A_339 : vector<16xf32>
          %mul3A_1625 = arith.mulf %get3A_1460, %gather3A_345 : vector<16xf32>
          %add3A_1626 = arith.addf %mul3A_1624, %mul3A_1625 : vector<16xf32>
          %mul3A_1627 = arith.mulf %get3A_1466, %gather3A_351 : vector<16xf32>
          %add3A_1628 = arith.addf %add3A_1626, %mul3A_1627 : vector<16xf32>
          %mul3A_1629 = arith.constant 2.000000e+00 : f32
          %mul3A_1630 = vector.broadcast %mul3A_1629 : f32 to vector<16xf32>
          %mul3A_1631 = arith.mulf %mul3A_1630, %add3A_1628 : vector<16xf32>
          %sub3A_1632 = arith.subf %add3A_374, %mul3A_1631 : vector<16xf32>
          %add3A_1633 = arith.addf %sub3A_1632, %get3A_1470 : vector<16xf32>
          %while3A_1634:2 = scf.while (%while3A_1668 = %add3A_1633, %while3A_1669 = %scan3A_1445) : (vector<16xf32>, vector<16xf32>) -> (vector<16xf32>, vector<16xf32>) {
            %lt3A_1670 = arith.cmpf olt, %while3A_1668, %while3A_1669 : vector<16xf32>
            %reduce_or3A_1671 = arith.constant 1.000000e+00 : f32
            %reduce_or3A_1672 = arith.constant 0.000000e+00 : f32
            %reduce_or3A_1673 = vector.broadcast %reduce_or3A_1671 : f32 to vector<16xf32>
            %reduce_or3A_1674 = vector.broadcast %reduce_or3A_1672 : f32 to vector<16xf32>
            %reduce_or3A_1675 = arith.select %lt3A_1670, %reduce_or3A_1673, %reduce_or3A_1674 : vector<16xi1>, vector<16xf32>
            %reduce_or3A_1676 = arith.constant true
            %reduce_or3A_1677 = vector.broadcast %reduce_or3A_1676 : i1 to vector<16xi1>
            %reduce_or3A_1678 = tpu.scan <max>, %reduce_or3A_1675 masked %reduce_or3A_1677 : vector<16xf32>, vector<16xi1> -> vector<16xf32>
            %reduce_or3A_1679 = vector.extract %reduce_or3A_1678[15] : f32 from vector<16xf32>
            %reduce_or3A_1680 = arith.constant 0.000000e+00 : f32
            %reduce_or3A_1681 = arith.cmpf ogt, %reduce_or3A_1679, %reduce_or3A_1680 : f32
            scf.condition(%reduce_or3A_1681) %while3A_1668, %while3A_1669 : vector<16xf32>, vector<16xf32>
          } do {
          ^bb0(%while3A_1668: vector<16xf32>, %while3A_1669: vector<16xf32>):
            %lt3A_1670 = arith.cmpf olt, %while3A_1668, %while3A_1669 : vector<16xf32>
            %all_reduce_ffs3A = tpu.all_reduce %lt3A_1670 {dim = 0 : i64, kind = #tpu.reduction_kind<find_first_set>} : vector<16xi1> -> vector<16xi32>
            %broadcast_in_dim3A_1671 = vector.shape_cast %all_reduce_ffs3A : vector<16xi32> to vector<16x1xi32>
            %gather3A_1672 = vector.shape_cast %broadcast_in_dim3A_1671 : vector<16x1xi32> to vector<16xi32>
            %gather3A_1673 = tpu.dynamic_gather %while3A_1668[%gather3A_1672] in [0] : vector<16xf32>, vector<16xi32> -> vector<16xf32>
            %broadcast_in_dim3A_1674 = vector.shape_cast %all_reduce_ffs3A : vector<16xi32> to vector<16x1xi32>
            %gather3A_1675 = vector.shape_cast %broadcast_in_dim3A_1674 : vector<16x1xi32> to vector<16xi32>
            %gather3A_1676 = tpu.dynamic_gather %add3A_1580[%gather3A_1675] in [0] : vector<16xi32>, vector<16xi32> -> vector<16xi32>
            %get3A_1677 = arith.constant 4 : i32
            %get3A_1678 = arith.index_cast %get3A_1677 : i32 to index
            %get3A_1679 = arith.constant 0 : index
            %get3A_1680 = tpu.vector_load %arg12[%get3A_1678, %get3A_1679] {strides = array<i32>} : memref<8x16xf32, #tpu.memory_space<vmem>>, vector<16xf32>,
            %get3A_1681 = arith.constant 4 : i32
            %get3A_1682 = arith.index_cast %get3A_1681 : i32 to index
            %get3A_1683 = arith.constant 0 : index
            %get3A_1684 = tpu.vector_load %arg13[%get3A_1682, %get3A_1683] {strides = array<i32>} : memref<8x16xi32, #tpu.memory_space<vmem>>, vector<16xi32>,
            %gt3A = arith.cmpf ogt, %get3A_1680, %gather3A_1673 : vector<16xf32>
            %broadcast_in_dim3A_1685 = vector.shape_cast %max3A_37 : vector<16xi32> to vector<16x1xi32>
            %gather3A_1686 = vector.shape_cast %broadcast_in_dim3A_1685 : vector<16x1xi32> to vector<16xi32>
            %gather3A_1687 = tpu.dynamic_gather %get3A_1680[%gather3A_1686] in [0] : vector<16xf32>, vector<16xi32> -> vector<16xf32>
            %select_n3A_1688 = arith.select %gt3A, %gather3A_1687, %get3A_1680 : vector<16xi1>, vector<16xf32>
            %broadcast_in_dim3A_1689 = vector.shape_cast %max3A_37 : vector<16xi32> to vector<16x1xi32>
            %gather3A_1690 = vector.shape_cast %broadcast_in_dim3A_1689 : vector<16x1xi32> to vector<16xi32>
            %gather3A_1691 = tpu.dynamic_gather %get3A_1684[%gather3A_1690] in [0] : vector<16xi32>, vector<16xi32> -> vector<16xi32>
            %select_n3A_1692 = arith.select %gt3A, %gather3A_1691, %get3A_1684 : vector<16xi1>, vector<16xi32>
            %all_reduce_ffs3A_1693 = tpu.all_reduce %gt3A {dim = 0 : i64, kind = #tpu.reduction_kind<find_first_set>} : vector<16xi1> -> vector<16xi32>
            %eq3A_1694 = arith.cmpi eq, %iota3A, %all_reduce_ffs3A_1693 : vector<16xi32>
            %select_n3A_1695 = arith.select %eq3A_1694, %gather3A_1673, %select_n3A_1688 : vector<16xi1>, vector<16xf32>
            %select_n3A_1696 = arith.select %eq3A_1694, %gather3A_1676, %select_n3A_1692 : vector<16xi1>, vector<16xi32>
            %swap3A_1697 = arith.constant 4 : i32
            %swap3A_1698 = arith.index_cast %swap3A_1697 : i32 to index
            %swap3A_1699 = arith.constant 0 : index
            %swap3A_1700 = tpu.vector_load %arg12[%swap3A_1698, %swap3A_1699] {strides = array<i32>} : memref<8x16xf32, #tpu.memory_space<vmem>>, vector<16xf32>,
            tpu.vector_store %arg12[%swap3A_1698, %swap3A_1699], %select_n3A_1695 {strides = array<i32>} : memref<8x16xf32, #tpu.memory_space<vmem>>, vector<16xf32>,
            %swap3A_1701 = arith.constant 4 : i32
            %swap3A_1702 = arith.index_cast %swap3A_1701 : i32 to index
            %swap3A_1703 = arith.constant 0 : index
            %swap3A_1704 = tpu.vector_load %arg13[%swap3A_1702, %swap3A_1703] {strides = array<i32>} : memref<8x16xi32, #tpu.memory_space<vmem>>, vector<16xi32>,
            tpu.vector_store %arg13[%swap3A_1702, %swap3A_1703], %select_n3A_1696 {strides = array<i32>} : memref<8x16xi32, #tpu.memory_space<vmem>>, vector<16xi32>,
            %eq3A_1705 = arith.cmpi eq, %iota3A, %all_reduce_ffs3A : vector<16xi32>
            %jit3A_1706 = arith.constant 0x7F800000 : f32
            %broadcast_in_dim3A_1707 = vector.broadcast %jit3A_1706 : f32 to vector<16xf32>
            %select_n3A_1708 = arith.select %eq3A_1705, %broadcast_in_dim3A_1707, %while3A_1668 : vector<16xi1>, vector<16xf32>
            %broadcast_in_dim3A_1709 = arith.constant 15 : i32
            %broadcast_in_dim3A_1710 = vector.broadcast %broadcast_in_dim3A_1709 : i32 to vector<16xi32>
            %broadcast_in_dim3A_1711 = vector.shape_cast %broadcast_in_dim3A_1710 : vector<16xi32> to vector<16x1xi32>
            %gather3A_1712 = vector.shape_cast %broadcast_in_dim3A_1711 : vector<16x1xi32> to vector<16xi32>
            %gather3A_1713 = tpu.dynamic_gather %select_n3A_1695[%gather3A_1712] in [0] : vector<16xf32>, vector<16xi32> -> vector<16xf32>
            scf.yield %select_n3A_1708, %gather3A_1713 : vector<16xf32>, vector<16xf32>
          }
          %mul3A_1635 = arith.mulf %get3A_1454, %gather3A_388 : vector<16xf32>
          %mul3A_1636 = arith.mulf %get3A_1460, %gather3A_394 : vector<16xf32>
          %add3A_1637 = arith.addf %mul3A_1635, %mul3A_1636 : vector<16xf32>
          %mul3A_1638 = arith.mulf %get3A_1466, %gather3A_400 : vector<16xf32>
          %add3A_1639 = arith.addf %add3A_1637, %mul3A_1638 : vector<16xf32>
          %mul3A_1640 = arith.constant 2.000000e+00 : f32
          %mul3A_1641 = vector.broadcast %mul3A_1640 : f32 to vector<16xf32>
          %mul3A_1642 = arith.mulf %mul3A_1641, %add3A_1639 : vector<16xf32>
          %sub3A_1643 = arith.subf %add3A_423, %mul3A_1642 : vector<16xf32>
          %add3A_1644 = arith.addf %sub3A_1643, %get3A_1470 : vector<16xf32>
          %while3A_1645:2 = scf.while (%while3A_1668 = %add3A_1644, %while3A_1669 = %scan3A_1446) : (vector<16xf32>, vector<16xf32>) -> (vector<16xf32>, vector<16xf32>) {
            %lt3A_1670 = arith.cmpf olt, %while3A_1668, %while3A_1669 : vector<16xf32>
            %reduce_or3A_1671 = arith.constant 1.000000e+00 : f32
            %reduce_or3A_1672 = arith.constant 0.000000e+00 : f32
            %reduce_or3A_1673 = vector.broadcast %reduce_or3A_1671 : f32 to vector<16xf32>
            %reduce_or3A_1674 = vector.broadcast %reduce_or3A_1672 : f32 to vector<16xf32>
            %reduce_or3A_1675 = arith.select %lt3A_1670, %reduce_or3A_1673, %reduce_or3A_1674 : vector<16xi1>, vector<16xf32>
            %reduce_or3A_1676 = arith.constant true
            %reduce_or3A_1677 = vector.broadcast %reduce_or3A_1676 : i1 to vector<16xi1>
            %reduce_or3A_1678 = tpu.scan <max>, %reduce_or3A_1675 masked %reduce_or3A_1677 : vector<16xf32>, vector<16xi1> -> vector<16xf32>
            %reduce_or3A_1679 = vector.extract %reduce_or3A_1678[15] : f32 from vector<16xf32>
            %reduce_or3A_1680 = arith.constant 0.000000e+00 : f32
            %reduce_or3A_1681 = arith.cmpf ogt, %reduce_or3A_1679, %reduce_or3A_1680 : f32
            scf.condition(%reduce_or3A_1681) %while3A_1668, %while3A_1669 : vector<16xf32>, vector<16xf32>
          } do {
          ^bb0(%while3A_1668: vector<16xf32>, %while3A_1669: vector<16xf32>):
            %lt3A_1670 = arith.cmpf olt, %while3A_1668, %while3A_1669 : vector<16xf32>
            %all_reduce_ffs3A = tpu.all_reduce %lt3A_1670 {dim = 0 : i64, kind = #tpu.reduction_kind<find_first_set>} : vector<16xi1> -> vector<16xi32>
            %broadcast_in_dim3A_1671 = vector.shape_cast %all_reduce_ffs3A : vector<16xi32> to vector<16x1xi32>
            %gather3A_1672 = vector.shape_cast %broadcast_in_dim3A_1671 : vector<16x1xi32> to vector<16xi32>
            %gather3A_1673 = tpu.dynamic_gather %while3A_1668[%gather3A_1672] in [0] : vector<16xf32>, vector<16xi32> -> vector<16xf32>
            %broadcast_in_dim3A_1674 = vector.shape_cast %all_reduce_ffs3A : vector<16xi32> to vector<16x1xi32>
            %gather3A_1675 = vector.shape_cast %broadcast_in_dim3A_1674 : vector<16x1xi32> to vector<16xi32>
            %gather3A_1676 = tpu.dynamic_gather %add3A_1580[%gather3A_1675] in [0] : vector<16xi32>, vector<16xi32> -> vector<16xi32>
            %get3A_1677 = arith.constant 5 : i32
            %get3A_1678 = arith.index_cast %get3A_1677 : i32 to index
            %get3A_1679 = arith.constant 0 : index
            %get3A_1680 = tpu.vector_load %arg12[%get3A_1678, %get3A_1679] {strides = array<i32>} : memref<8x16xf32, #tpu.memory_space<vmem>>, vector<16xf32>,
            %get3A_1681 = arith.constant 5 : i32
            %get3A_1682 = arith.index_cast %get3A_1681 : i32 to index
            %get3A_1683 = arith.constant 0 : index
            %get3A_1684 = tpu.vector_load %arg13[%get3A_1682, %get3A_1683] {strides = array<i32>} : memref<8x16xi32, #tpu.memory_space<vmem>>, vector<16xi32>,
            %gt3A = arith.cmpf ogt, %get3A_1680, %gather3A_1673 : vector<16xf32>
            %broadcast_in_dim3A_1685 = vector.shape_cast %max3A_37 : vector<16xi32> to vector<16x1xi32>
            %gather3A_1686 = vector.shape_cast %broadcast_in_dim3A_1685 : vector<16x1xi32> to vector<16xi32>
            %gather3A_1687 = tpu.dynamic_gather %get3A_1680[%gather3A_1686] in [0] : vector<16xf32>, vector<16xi32> -> vector<16xf32>
            %select_n3A_1688 = arith.select %gt3A, %gather3A_1687, %get3A_1680 : vector<16xi1>, vector<16xf32>
            %broadcast_in_dim3A_1689 = vector.shape_cast %max3A_37 : vector<16xi32> to vector<16x1xi32>
            %gather3A_1690 = vector.shape_cast %broadcast_in_dim3A_1689 : vector<16x1xi32> to vector<16xi32>
            %gather3A_1691 = tpu.dynamic_gather %get3A_1684[%gather3A_1690] in [0] : vector<16xi32>, vector<16xi32> -> vector<16xi32>
            %select_n3A_1692 = arith.select %gt3A, %gather3A_1691, %get3A_1684 : vector<16xi1>, vector<16xi32>
            %all_reduce_ffs3A_1693 = tpu.all_reduce %gt3A {dim = 0 : i64, kind = #tpu.reduction_kind<find_first_set>} : vector<16xi1> -> vector<16xi32>
            %eq3A_1694 = arith.cmpi eq, %iota3A, %all_reduce_ffs3A_1693 : vector<16xi32>
            %select_n3A_1695 = arith.select %eq3A_1694, %gather3A_1673, %select_n3A_1688 : vector<16xi1>, vector<16xf32>
            %select_n3A_1696 = arith.select %eq3A_1694, %gather3A_1676, %select_n3A_1692 : vector<16xi1>, vector<16xi32>
            %swap3A_1697 = arith.constant 5 : i32
            %swap3A_1698 = arith.index_cast %swap3A_1697 : i32 to index
            %swap3A_1699 = arith.constant 0 : index
            %swap3A_1700 = tpu.vector_load %arg12[%swap3A_1698, %swap3A_1699] {strides = array<i32>} : memref<8x16xf32, #tpu.memory_space<vmem>>, vector<16xf32>,
            tpu.vector_store %arg12[%swap3A_1698, %swap3A_1699], %select_n3A_1695 {strides = array<i32>} : memref<8x16xf32, #tpu.memory_space<vmem>>, vector<16xf32>,
            %swap3A_1701 = arith.constant 5 : i32
            %swap3A_1702 = arith.index_cast %swap3A_1701 : i32 to index
            %swap3A_1703 = arith.constant 0 : index
            %swap3A_1704 = tpu.vector_load %arg13[%swap3A_1702, %swap3A_1703] {strides = array<i32>} : memref<8x16xi32, #tpu.memory_space<vmem>>, vector<16xi32>,
            tpu.vector_store %arg13[%swap3A_1702, %swap3A_1703], %select_n3A_1696 {strides = array<i32>} : memref<8x16xi32, #tpu.memory_space<vmem>>, vector<16xi32>,
            %eq3A_1705 = arith.cmpi eq, %iota3A, %all_reduce_ffs3A : vector<16xi32>
            %jit3A_1706 = arith.constant 0x7F800000 : f32
            %broadcast_in_dim3A_1707 = vector.broadcast %jit3A_1706 : f32 to vector<16xf32>
            %select_n3A_1708 = arith.select %eq3A_1705, %broadcast_in_dim3A_1707, %while3A_1668 : vector<16xi1>, vector<16xf32>
            %broadcast_in_dim3A_1709 = arith.constant 15 : i32
            %broadcast_in_dim3A_1710 = vector.broadcast %broadcast_in_dim3A_1709 : i32 to vector<16xi32>
            %broadcast_in_dim3A_1711 = vector.shape_cast %broadcast_in_dim3A_1710 : vector<16xi32> to vector<16x1xi32>
            %gather3A_1712 = vector.shape_cast %broadcast_in_dim3A_1711 : vector<16x1xi32> to vector<16xi32>
            %gather3A_1713 = tpu.dynamic_gather %select_n3A_1695[%gather3A_1712] in [0] : vector<16xf32>, vector<16xi32> -> vector<16xf32>
            scf.yield %select_n3A_1708, %gather3A_1713 : vector<16xf32>, vector<16xf32>
          }
          %mul3A_1646 = arith.mulf %get3A_1454, %gather3A_437 : vector<16xf32>
          %mul3A_1647 = arith.mulf %get3A_1460, %gather3A_443 : vector<16xf32>
          %add3A_1648 = arith.addf %mul3A_1646, %mul3A_1647 : vector<16xf32>
          %mul3A_1649 = arith.mulf %get3A_1466, %gather3A_449 : vector<16xf32>
          %add3A_1650 = arith.addf %add3A_1648, %mul3A_1649 : vector<16xf32>
          %mul3A_1651 = arith.constant 2.000000e+00 : f32
          %mul3A_1652 = vector.broadcast %mul3A_1651 : f32 to vector<16xf32>
          %mul3A_1653 = arith.mulf %mul3A_1652, %add3A_1650 : vector<16xf32>
          %sub3A_1654 = arith.subf %add3A_472, %mul3A_1653 : vector<16xf32>
          %add3A_1655 = arith.addf %sub3A_1654, %get3A_1470 : vector<16xf32>
          %while3A_1656:2 = scf.while (%while3A_1668 = %add3A_1655, %while3A_1669 = %scan3A_1447) : (vector<16xf32>, vector<16xf32>) -> (vector<16xf32>, vector<16xf32>) {
            %lt3A_1670 = arith.cmpf olt, %while3A_1668, %while3A_1669 : vector<16xf32>
            %reduce_or3A_1671 = arith.constant 1.000000e+00 : f32
            %reduce_or3A_1672 = arith.constant 0.000000e+00 : f32
            %reduce_or3A_1673 = vector.broadcast %reduce_or3A_1671 : f32 to vector<16xf32>
            %reduce_or3A_1674 = vector.broadcast %reduce_or3A_1672 : f32 to vector<16xf32>
            %reduce_or3A_1675 = arith.select %lt3A_1670, %reduce_or3A_1673, %reduce_or3A_1674 : vector<16xi1>, vector<16xf32>
            %reduce_or3A_1676 = arith.constant true
            %reduce_or3A_1677 = vector.broadcast %reduce_or3A_1676 : i1 to vector<16xi1>
            %reduce_or3A_1678 = tpu.scan <max>, %reduce_or3A_1675 masked %reduce_or3A_1677 : vector<16xf32>, vector<16xi1> -> vector<16xf32>
            %reduce_or3A_1679 = vector.extract %reduce_or3A_1678[15] : f32 from vector<16xf32>
            %reduce_or3A_1680 = arith.constant 0.000000e+00 : f32
            %reduce_or3A_1681 = arith.cmpf ogt, %reduce_or3A_1679, %reduce_or3A_1680 : f32
            scf.condition(%reduce_or3A_1681) %while3A_1668, %while3A_1669 : vector<16xf32>, vector<16xf32>
          } do {
          ^bb0(%while3A_1668: vector<16xf32>, %while3A_1669: vector<16xf32>):
            %lt3A_1670 = arith.cmpf olt, %while3A_1668, %while3A_1669 : vector<16xf32>
            %all_reduce_ffs3A = tpu.all_reduce %lt3A_1670 {dim = 0 : i64, kind = #tpu.reduction_kind<find_first_set>} : vector<16xi1> -> vector<16xi32>
            %broadcast_in_dim3A_1671 = vector.shape_cast %all_reduce_ffs3A : vector<16xi32> to vector<16x1xi32>
            %gather3A_1672 = vector.shape_cast %broadcast_in_dim3A_1671 : vector<16x1xi32> to vector<16xi32>
            %gather3A_1673 = tpu.dynamic_gather %while3A_1668[%gather3A_1672] in [0] : vector<16xf32>, vector<16xi32> -> vector<16xf32>
            %broadcast_in_dim3A_1674 = vector.shape_cast %all_reduce_ffs3A : vector<16xi32> to vector<16x1xi32>
            %gather3A_1675 = vector.shape_cast %broadcast_in_dim3A_1674 : vector<16x1xi32> to vector<16xi32>
            %gather3A_1676 = tpu.dynamic_gather %add3A_1580[%gather3A_1675] in [0] : vector<16xi32>, vector<16xi32> -> vector<16xi32>
            %get3A_1677 = arith.constant 6 : i32
            %get3A_1678 = arith.index_cast %get3A_1677 : i32 to index
            %get3A_1679 = arith.constant 0 : index
            %get3A_1680 = tpu.vector_load %arg12[%get3A_1678, %get3A_1679] {strides = array<i32>} : memref<8x16xf32, #tpu.memory_space<vmem>>, vector<16xf32>,
            %get3A_1681 = arith.constant 6 : i32
            %get3A_1682 = arith.index_cast %get3A_1681 : i32 to index
            %get3A_1683 = arith.constant 0 : index
            %get3A_1684 = tpu.vector_load %arg13[%get3A_1682, %get3A_1683] {strides = array<i32>} : memref<8x16xi32, #tpu.memory_space<vmem>>, vector<16xi32>,
            %gt3A = arith.cmpf ogt, %get3A_1680, %gather3A_1673 : vector<16xf32>
            %broadcast_in_dim3A_1685 = vector.shape_cast %max3A_37 : vector<16xi32> to vector<16x1xi32>
            %gather3A_1686 = vector.shape_cast %broadcast_in_dim3A_1685 : vector<16x1xi32> to vector<16xi32>
            %gather3A_1687 = tpu.dynamic_gather %get3A_1680[%gather3A_1686] in [0] : vector<16xf32>, vector<16xi32> -> vector<16xf32>
            %select_n3A_1688 = arith.select %gt3A, %gather3A_1687, %get3A_1680 : vector<16xi1>, vector<16xf32>
            %broadcast_in_dim3A_1689 = vector.shape_cast %max3A_37 : vector<16xi32> to vector<16x1xi32>
            %gather3A_1690 = vector.shape_cast %broadcast_in_dim3A_1689 : vector<16x1xi32> to vector<16xi32>
            %gather3A_1691 = tpu.dynamic_gather %get3A_1684[%gather3A_1690] in [0] : vector<16xi32>, vector<16xi32> -> vector<16xi32>
            %select_n3A_1692 = arith.select %gt3A, %gather3A_1691, %get3A_1684 : vector<16xi1>, vector<16xi32>
            %all_reduce_ffs3A_1693 = tpu.all_reduce %gt3A {dim = 0 : i64, kind = #tpu.reduction_kind<find_first_set>} : vector<16xi1> -> vector<16xi32>
            %eq3A_1694 = arith.cmpi eq, %iota3A, %all_reduce_ffs3A_1693 : vector<16xi32>
            %select_n3A_1695 = arith.select %eq3A_1694, %gather3A_1673, %select_n3A_1688 : vector<16xi1>, vector<16xf32>
            %select_n3A_1696 = arith.select %eq3A_1694, %gather3A_1676, %select_n3A_1692 : vector<16xi1>, vector<16xi32>
            %swap3A_1697 = arith.constant 6 : i32
            %swap3A_1698 = arith.index_cast %swap3A_1697 : i32 to index
            %swap3A_1699 = arith.constant 0 : index
            %swap3A_1700 = tpu.vector_load %arg12[%swap3A_1698, %swap3A_1699] {strides = array<i32>} : memref<8x16xf32, #tpu.memory_space<vmem>>, vector<16xf32>,
            tpu.vector_store %arg12[%swap3A_1698, %swap3A_1699], %select_n3A_1695 {strides = array<i32>} : memref<8x16xf32, #tpu.memory_space<vmem>>, vector<16xf32>,
            %swap3A_1701 = arith.constant 6 : i32
            %swap3A_1702 = arith.index_cast %swap3A_1701 : i32 to index
            %swap3A_1703 = arith.constant 0 : index
            %swap3A_1704 = tpu.vector_load %arg13[%swap3A_1702, %swap3A_1703] {strides = array<i32>} : memref<8x16xi32, #tpu.memory_space<vmem>>, vector<16xi32>,
            tpu.vector_store %arg13[%swap3A_1702, %swap3A_1703], %select_n3A_1696 {strides = array<i32>} : memref<8x16xi32, #tpu.memory_space<vmem>>, vector<16xi32>,
            %eq3A_1705 = arith.cmpi eq, %iota3A, %all_reduce_ffs3A : vector<16xi32>
            %jit3A_1706 = arith.constant 0x7F800000 : f32
            %broadcast_in_dim3A_1707 = vector.broadcast %jit3A_1706 : f32 to vector<16xf32>
            %select_n3A_1708 = arith.select %eq3A_1705, %broadcast_in_dim3A_1707, %while3A_1668 : vector<16xi1>, vector<16xf32>
            %broadcast_in_dim3A_1709 = arith.constant 15 : i32
            %broadcast_in_dim3A_1710 = vector.broadcast %broadcast_in_dim3A_1709 : i32 to vector<16xi32>
            %broadcast_in_dim3A_1711 = vector.shape_cast %broadcast_in_dim3A_1710 : vector<16xi32> to vector<16x1xi32>
            %gather3A_1712 = vector.shape_cast %broadcast_in_dim3A_1711 : vector<16x1xi32> to vector<16xi32>
            %gather3A_1713 = tpu.dynamic_gather %select_n3A_1695[%gather3A_1712] in [0] : vector<16xf32>, vector<16xi32> -> vector<16xf32>
            scf.yield %select_n3A_1708, %gather3A_1713 : vector<16xf32>, vector<16xf32>
          }
          %mul3A_1657 = arith.mulf %get3A_1454, %gather3A_486 : vector<16xf32>
          %mul3A_1658 = arith.mulf %get3A_1460, %gather3A_492 : vector<16xf32>
          %add3A_1659 = arith.addf %mul3A_1657, %mul3A_1658 : vector<16xf32>
          %mul3A_1660 = arith.mulf %get3A_1466, %gather3A_498 : vector<16xf32>
          %add3A_1661 = arith.addf %add3A_1659, %mul3A_1660 : vector<16xf32>
          %mul3A_1662 = arith.constant 2.000000e+00 : f32
          %mul3A_1663 = vector.broadcast %mul3A_1662 : f32 to vector<16xf32>
          %mul3A_1664 = arith.mulf %mul3A_1663, %add3A_1661 : vector<16xf32>
          %sub3A_1665 = arith.subf %add3A_521, %mul3A_1664 : vector<16xf32>
          %add3A_1666 = arith.addf %sub3A_1665, %get3A_1470 : vector<16xf32>
          %while3A_1667:2 = scf.while (%while3A_1668 = %add3A_1666, %while3A_1669 = %scan3A_1448) : (vector<16xf32>, vector<16xf32>) -> (vector<16xf32>, vector<16xf32>) {
            %lt3A_1670 = arith.cmpf olt, %while3A_1668, %while3A_1669 : vector<16xf32>
            %reduce_or3A_1671 = arith.constant 1.000000e+00 : f32
            %reduce_or3A_1672 = arith.constant 0.000000e+00 : f32
            %reduce_or3A_1673 = vector.broadcast %reduce_or3A_1671 : f32 to vector<16xf32>
            %reduce_or3A_1674 = vector.broadcast %reduce_or3A_1672 : f32 to vector<16xf32>
            %reduce_or3A_1675 = arith.select %lt3A_1670, %reduce_or3A_1673, %reduce_or3A_1674 : vector<16xi1>, vector<16xf32>
            %reduce_or3A_1676 = arith.constant true
            %reduce_or3A_1677 = vector.broadcast %reduce_or3A_1676 : i1 to vector<16xi1>
            %reduce_or3A_1678 = tpu.scan <max>, %reduce_or3A_1675 masked %reduce_or3A_1677 : vector<16xf32>, vector<16xi1> -> vector<16xf32>
            %reduce_or3A_1679 = vector.extract %reduce_or3A_1678[15] : f32 from vector<16xf32>
            %reduce_or3A_1680 = arith.constant 0.000000e+00 : f32
            %reduce_or3A_1681 = arith.cmpf ogt, %reduce_or3A_1679, %reduce_or3A_1680 : f32
            scf.condition(%reduce_or3A_1681) %while3A_1668, %while3A_1669 : vector<16xf32>, vector<16xf32>
          } do {
          ^bb0(%while3A_1668: vector<16xf32>, %while3A_1669: vector<16xf32>):
            %lt3A_1670 = arith.cmpf olt, %while3A_1668, %while3A_1669 : vector<16xf32>
            %all_reduce_ffs3A = tpu.all_reduce %lt3A_1670 {dim = 0 : i64, kind = #tpu.reduction_kind<find_first_set>} : vector<16xi1> -> vector<16xi32>
            %broadcast_in_dim3A_1671 = vector.shape_cast %all_reduce_ffs3A : vector<16xi32> to vector<16x1xi32>
            %gather3A_1672 = vector.shape_cast %broadcast_in_dim3A_1671 : vector<16x1xi32> to vector<16xi32>
            %gather3A_1673 = tpu.dynamic_gather %while3A_1668[%gather3A_1672] in [0] : vector<16xf32>, vector<16xi32> -> vector<16xf32>
            %broadcast_in_dim3A_1674 = vector.shape_cast %all_reduce_ffs3A : vector<16xi32> to vector<16x1xi32>
            %gather3A_1675 = vector.shape_cast %broadcast_in_dim3A_1674 : vector<16x1xi32> to vector<16xi32>
            %gather3A_1676 = tpu.dynamic_gather %add3A_1580[%gather3A_1675] in [0] : vector<16xi32>, vector<16xi32> -> vector<16xi32>
            %get3A_1677 = arith.constant 7 : i32
            %get3A_1678 = arith.index_cast %get3A_1677 : i32 to index
            %get3A_1679 = arith.constant 0 : index
            %get3A_1680 = tpu.vector_load %arg12[%get3A_1678, %get3A_1679] {strides = array<i32>} : memref<8x16xf32, #tpu.memory_space<vmem>>, vector<16xf32>,
            %get3A_1681 = arith.constant 7 : i32
            %get3A_1682 = arith.index_cast %get3A_1681 : i32 to index
            %get3A_1683 = arith.constant 0 : index
            %get3A_1684 = tpu.vector_load %arg13[%get3A_1682, %get3A_1683] {strides = array<i32>} : memref<8x16xi32, #tpu.memory_space<vmem>>, vector<16xi32>,
            %gt3A = arith.cmpf ogt, %get3A_1680, %gather3A_1673 : vector<16xf32>
            %broadcast_in_dim3A_1685 = vector.shape_cast %max3A_37 : vector<16xi32> to vector<16x1xi32>
            %gather3A_1686 = vector.shape_cast %broadcast_in_dim3A_1685 : vector<16x1xi32> to vector<16xi32>
            %gather3A_1687 = tpu.dynamic_gather %get3A_1680[%gather3A_1686] in [0] : vector<16xf32>, vector<16xi32> -> vector<16xf32>
            %select_n3A_1688 = arith.select %gt3A, %gather3A_1687, %get3A_1680 : vector<16xi1>, vector<16xf32>
            %broadcast_in_dim3A_1689 = vector.shape_cast %max3A_37 : vector<16xi32> to vector<16x1xi32>
            %gather3A_1690 = vector.shape_cast %broadcast_in_dim3A_1689 : vector<16x1xi32> to vector<16xi32>
            %gather3A_1691 = tpu.dynamic_gather %get3A_1684[%gather3A_1690] in [0] : vector<16xi32>, vector<16xi32> -> vector<16xi32>
            %select_n3A_1692 = arith.select %gt3A, %gather3A_1691, %get3A_1684 : vector<16xi1>, vector<16xi32>
            %all_reduce_ffs3A_1693 = tpu.all_reduce %gt3A {dim = 0 : i64, kind = #tpu.reduction_kind<find_first_set>} : vector<16xi1> -> vector<16xi32>
            %eq3A_1694 = arith.cmpi eq, %iota3A, %all_reduce_ffs3A_1693 : vector<16xi32>
            %select_n3A_1695 = arith.select %eq3A_1694, %gather3A_1673, %select_n3A_1688 : vector<16xi1>, vector<16xf32>
            %select_n3A_1696 = arith.select %eq3A_1694, %gather3A_1676, %select_n3A_1692 : vector<16xi1>, vector<16xi32>
            %swap3A_1697 = arith.constant 7 : i32
            %swap3A_1698 = arith.index_cast %swap3A_1697 : i32 to index
            %swap3A_1699 = arith.constant 0 : index
            %swap3A_1700 = tpu.vector_load %arg12[%swap3A_1698, %swap3A_1699] {strides = array<i32>} : memref<8x16xf32, #tpu.memory_space<vmem>>, vector<16xf32>,
            tpu.vector_store %arg12[%swap3A_1698, %swap3A_1699], %select_n3A_1695 {strides = array<i32>} : memref<8x16xf32, #tpu.memory_space<vmem>>, vector<16xf32>,
            %swap3A_1701 = arith.constant 7 : i32
            %swap3A_1702 = arith.index_cast %swap3A_1701 : i32 to index
            %swap3A_1703 = arith.constant 0 : index
            %swap3A_1704 = tpu.vector_load %arg13[%swap3A_1702, %swap3A_1703] {strides = array<i32>} : memref<8x16xi32, #tpu.memory_space<vmem>>, vector<16xi32>,
            tpu.vector_store %arg13[%swap3A_1702, %swap3A_1703], %select_n3A_1696 {strides = array<i32>} : memref<8x16xi32, #tpu.memory_space<vmem>>, vector<16xi32>,
            %eq3A_1705 = arith.cmpi eq, %iota3A, %all_reduce_ffs3A : vector<16xi32>
            %jit3A_1706 = arith.constant 0x7F800000 : f32
            %broadcast_in_dim3A_1707 = vector.broadcast %jit3A_1706 : f32 to vector<16xf32>
            %select_n3A_1708 = arith.select %eq3A_1705, %broadcast_in_dim3A_1707, %while3A_1668 : vector<16xi1>, vector<16xf32>
            %broadcast_in_dim3A_1709 = arith.constant 15 : i32
            %broadcast_in_dim3A_1710 = vector.broadcast %broadcast_in_dim3A_1709 : i32 to vector<16xi32>
            %broadcast_in_dim3A_1711 = vector.shape_cast %broadcast_in_dim3A_1710 : vector<16xi32> to vector<16x1xi32>
            %gather3A_1712 = vector.shape_cast %broadcast_in_dim3A_1711 : vector<16x1xi32> to vector<16xi32>
            %gather3A_1713 = tpu.dynamic_gather %select_n3A_1695[%gather3A_1712] in [0] : vector<16xf32>, vector<16xi32> -> vector<16xf32>
            scf.yield %select_n3A_1708, %gather3A_1713 : vector<16xf32>, vector<16xf32>
          }
          scf.yield %while3A#1, %while3A_1601#1, %while3A_1612#1, %while3A_1623#1, %while3A_1634#1, %while3A_1645#1, %while3A_1656#1, %while3A_1667#1 : vector<16xf32>, vector<16xf32>, vector<16xf32>, vector<16xf32>, vector<16xf32>, vector<16xf32>, vector<16xf32>, vector<16xf32>
        } else {
          scf.yield %scan3A_1441, %scan3A_1442, %scan3A_1443, %scan3A_1444, %scan3A_1445, %scan3A_1446, %scan3A_1447, %scan3A_1448 : vector<16xf32>, vector<16xf32>, vector<16xf32>, vector<16xf32>, vector<16xf32>, vector<16xf32>, vector<16xf32>, vector<16xf32>
        }
        scf.yield %cond3A_1576#0, %cond3A_1576#1, %cond3A_1576#2, %cond3A_1576#3, %cond3A_1576#4, %cond3A_1576#5, %cond3A_1576#6, %cond3A_1576#7 : vector<16xf32>, vector<16xf32>, vector<16xf32>, vector<16xf32>, vector<16xf32>, vector<16xf32>, vector<16xf32>, vector<16xf32>
      }
      %scan3A_535 = arith.constant 512 : i32
      %mul3A_536 = arith.constant 8 : i32
      %mul3A_537 = arith.muli %scan3A_72, %mul3A_536 : i32
      %add3A_538 = arith.constant 0 : i32
      %add3A_539 = arith.addi %mul3A_537, %add3A_538 : i32
      %mul3A_540 = arith.constant 4 : i32
      %mul3A_541 = arith.muli %add3A_539, %mul3A_540 : i32
      %jit3A_542 = arith.constant 512 : i32
      %eq3A_543 = arith.constant 0 : i32
      %eq3A_544 = arith.cmpi eq, %jit3A_542, %eq3A_543 : i32
      %jit3A_545 = arith.constant 1 : i32
      %select_n3A_546 = arith.select %eq3A_544, %jit3A_545, %jit3A_542 : i32
      %rem3A_547 = arith.remsi %mul3A_541, %select_n3A_546 : i32
      %ne3A_548 = arith.constant 0 : i32
      %ne3A_549 = arith.cmpi ne, %rem3A_547, %ne3A_548 : i32
      %lt3A_550 = arith.constant 0 : i32
      %lt3A_551 = arith.cmpi slt, %rem3A_547, %lt3A_550 : i32
      %lt3A_552 = arith.constant 0 : i32
      %lt3A_553 = arith.cmpi slt, %select_n3A_546, %lt3A_552 : i32
      %ne3A_554 = arith.xori %lt3A_551, %lt3A_553 : i1
      %and3A_555 = arith.andi %ne3A_554, %ne3A_549 : i1
      %add3A_556 = arith.addi %rem3A_547, %select_n3A_546 : i32
      %select_n3A_557 = arith.select %and3A_555, %add3A_556, %rem3A_547 : i32
      %jit3A_558 = arith.constant 4 : i32
      %div3A_559 = vector.broadcast %jit3A_558 : i32 to vector<16xi32>
      %div3A_560 = arith.divsi %iota3A, %div3A_559 : vector<16xi32>
      %sign3A_561 = arith.constant 0 : i32
      %sign3A_562 = vector.broadcast %sign3A_561 : i32 to vector<16xi32>
      %sign3A_563 = arith.cmpi sgt, %iota3A, %sign3A_562 : vector<16xi32>
      %sign3A_564 = arith.extui %sign3A_563 : vector<16xi1> to vector<16xi32>
      %sign3A_565 = arith.constant 0 : i32
      %sign3A_566 = vector.broadcast %sign3A_565 : i32 to vector<16xi32>
      %sign3A_567 = arith.cmpi slt, %iota3A, %sign3A_566 : vector<16xi32>
      %sign3A_568 = arith.extui %sign3A_567 : vector<16xi1> to vector<16xi32>
      %sign3A_569 = arith.subi %sign3A_564, %sign3A_568 : vector<16xi32>
      %sign3A_570 = arith.constant 0 : i32
      %sign3A_571 = arith.cmpi sgt, %jit3A_558, %sign3A_570 : i32
      %sign3A_572 = arith.extui %sign3A_571 : i1 to i32
      %sign3A_573 = arith.constant 0 : i32
      %sign3A_574 = arith.cmpi slt, %jit3A_558, %sign3A_573 : i32
      %sign3A_575 = arith.extui %sign3A_574 : i1 to i32
      %sign3A_576 = arith.subi %sign3A_572, %sign3A_575 : i32
      %ne3A_577 = vector.broadcast %sign3A_576 : i32 to vector<16xi32>
      %ne3A_578 = arith.cmpi ne, %sign3A_569, %ne3A_577 : vector<16xi32>
      %rem3A_579 = vector.broadcast %jit3A_558 : i32 to vector<16xi32>
      %rem3A_580 = arith.remsi %iota3A, %rem3A_579 : vector<16xi32>
      %ne3A_581 = arith.constant 0 : i32
      %ne3A_582 = vector.broadcast %ne3A_581 : i32 to vector<16xi32>
      %ne3A_583 = arith.cmpi ne, %rem3A_580, %ne3A_582 : vector<16xi32>
      %and3A_584 = arith.andi %ne3A_578, %ne3A_583 : vector<16xi1>
      %sub3A_585 = arith.constant 1 : i32
      %sub3A_586 = vector.broadcast %sub3A_585 : i32 to vector<16xi32>
      %sub3A_587 = arith.subi %div3A_560, %sub3A_586 : vector<16xi32>
      %select_n3A_588 = arith.select %and3A_584, %sub3A_587, %div3A_560 : vector<16xi1>, vector<16xi32>
      %add3A_589 = vector.broadcast %select_n3A_557 : i32 to vector<16xi32>
      %add3A_590 = arith.addi %add3A_589, %select_n3A_588 : vector<16xi32>
      %jit3A_591 = arith.constant 128 : i32
      %div3A_592 = arith.divsi %add3A_539, %jit3A_591 : i32
      %sign3A_593 = arith.constant 0 : i32
      %sign3A_594 = arith.cmpi sgt, %add3A_539, %sign3A_593 : i32
      %sign3A_595 = arith.extui %sign3A_594 : i1 to i32
      %sign3A_596 = arith.constant 0 : i32
      %sign3A_597 = arith.cmpi slt, %add3A_539, %sign3A_596 : i32
      %sign3A_598 = arith.extui %sign3A_597 : i1 to i32
      %sign3A_599 = arith.subi %sign3A_595, %sign3A_598 : i32
      %sign3A_600 = arith.constant 0 : i32
      %sign3A_601 = arith.cmpi sgt, %jit3A_591, %sign3A_600 : i32
      %sign3A_602 = arith.extui %sign3A_601 : i1 to i32
      %sign3A_603 = arith.constant 0 : i32
      %sign3A_604 = arith.cmpi slt, %jit3A_591, %sign3A_603 : i32
      %sign3A_605 = arith.extui %sign3A_604 : i1 to i32
      %sign3A_606 = arith.subi %sign3A_602, %sign3A_605 : i32
      %ne3A_607 = arith.cmpi ne, %sign3A_599, %sign3A_606 : i32
      %rem3A_608 = arith.remsi %add3A_539, %jit3A_591 : i32
      %ne3A_609 = arith.constant 0 : i32
      %ne3A_610 = arith.cmpi ne, %rem3A_608, %ne3A_609 : i32
      %and3A_611 = arith.andi %ne3A_607, %ne3A_610 : i1
      %sub3A_612 = arith.constant 1 : i32
      %sub3A_613 = arith.subi %div3A_592, %sub3A_612 : i32
      %select_n3A_614 = arith.select %and3A_611, %sub3A_613, %div3A_592 : i32
      %mul3A_615 = arith.constant 4 : i32
      %mul3A_616 = arith.muli %select_n3A_614, %mul3A_615 : i32
      %jit3A_617 = arith.constant 4 : i32
      %eq3A_618 = arith.constant 0 : i32
      %eq3A_619 = arith.cmpi eq, %jit3A_617, %eq3A_618 : i32
      %jit3A_620 = arith.constant 1 : i32
      %select_n3A_621 = arith.select %eq3A_619, %jit3A_620, %jit3A_617 : i32
      %rem3A_622 = vector.broadcast %select_n3A_621 : i32 to vector<16xi32>
      %rem3A_623 = arith.remsi %iota3A, %rem3A_622 : vector<16xi32>
      %ne3A_624 = arith.constant 0 : i32
      %ne3A_625 = vector.broadcast %ne3A_624 : i32 to vector<16xi32>
      %ne3A_626 = arith.cmpi ne, %rem3A_623, %ne3A_625 : vector<16xi32>
      %lt3A_627 = arith.constant 0 : i32
      %lt3A_628 = vector.broadcast %lt3A_627 : i32 to vector<16xi32>
      %lt3A_629 = arith.cmpi slt, %rem3A_623, %lt3A_628 : vector<16xi32>
      %lt3A_630 = arith.constant 0 : i32
      %lt3A_631 = arith.cmpi slt, %select_n3A_621, %lt3A_630 : i32
      %ne3A_632 = vector.broadcast %lt3A_631 : i1 to vector<16xi1>
      %ne3A_633 = vector.broadcast %ne3A_632 : vector<16xi1> to vector<16xi1>
      %ne3A_634 = arith.xori %lt3A_629, %ne3A_633 : vector<16xi1>
      %and3A_635 = arith.andi %ne3A_634, %ne3A_626 : vector<16xi1>
      %add3A_636 = vector.broadcast %select_n3A_621 : i32 to vector<16xi32>
      %add3A_637 = arith.addi %rem3A_623, %add3A_636 : vector<16xi32>
      %select_n3A_638 = arith.select %and3A_635, %add3A_637, %rem3A_623 : vector<16xi1>, vector<16xi32>
      %add3A_639 = vector.broadcast %mul3A_616 : i32 to vector<16xi32>
      %add3A_640 = arith.addi %add3A_639, %select_n3A_638 : vector<16xi32>
      %get3A_641 = arith.constant 0 : i32
      %get3A_642 = arith.index_cast %get3A_641 : i32 to index
      %get3A_643 = arith.constant 0 : index
      %get3A_644 = tpu.vector_load %arg13[%get3A_642, %get3A_643] {strides = array<i32>} : memref<8x16xi32, #tpu.memory_space<vmem>>, vector<16xi32>,
      %mul3A_645 = arith.constant 8192 : i32
      %mul3A_646 = arith.muli %select_n3A, %mul3A_645 : i32
      %add3A_647 = vector.broadcast %mul3A_646 : i32 to vector<16xi32>
      %add3A_648 = arith.addi %get3A_644, %add3A_647 : vector<16xi32>
      tpu.vector_store_idx %arg14[%add3A_590, %add3A_640], %add3A_648 : memref<512x8xi32, #tpu.memory_space<vmem>>[vector<16xi32>, vector<16xi32>], vector<16xi32>,
      %mul3A_649 = arith.constant 8 : i32
      %mul3A_650 = arith.muli %scan3A_72, %mul3A_649 : i32
      %add3A_651 = arith.constant 1 : i32
      %add3A_652 = arith.addi %mul3A_650, %add3A_651 : i32
      %mul3A_653 = arith.constant 4 : i32
      %mul3A_654 = arith.muli %add3A_652, %mul3A_653 : i32
      %jit3A_655 = arith.constant 512 : i32
      %eq3A_656 = arith.constant 0 : i32
      %eq3A_657 = arith.cmpi eq, %jit3A_655, %eq3A_656 : i32
      %jit3A_658 = arith.constant 1 : i32
      %select_n3A_659 = arith.select %eq3A_657, %jit3A_658, %jit3A_655 : i32
      %rem3A_660 = arith.remsi %mul3A_654, %select_n3A_659 : i32
      %ne3A_661 = arith.constant 0 : i32
      %ne3A_662 = arith.cmpi ne, %rem3A_660, %ne3A_661 : i32
      %lt3A_663 = arith.constant 0 : i32
      %lt3A_664 = arith.cmpi slt, %rem3A_660, %lt3A_663 : i32
      %lt3A_665 = arith.constant 0 : i32
      %lt3A_666 = arith.cmpi slt, %select_n3A_659, %lt3A_665 : i32
      %ne3A_667 = arith.xori %lt3A_664, %lt3A_666 : i1
      %and3A_668 = arith.andi %ne3A_667, %ne3A_662 : i1
      %add3A_669 = arith.addi %rem3A_660, %select_n3A_659 : i32
      %select_n3A_670 = arith.select %and3A_668, %add3A_669, %rem3A_660 : i32
      %jit3A_671 = arith.constant 4 : i32
      %div3A_672 = vector.broadcast %jit3A_671 : i32 to vector<16xi32>
      %div3A_673 = arith.divsi %iota3A, %div3A_672 : vector<16xi32>
      %sign3A_674 = arith.constant 0 : i32
      %sign3A_675 = vector.broadcast %sign3A_674 : i32 to vector<16xi32>
      %sign3A_676 = arith.cmpi sgt, %iota3A, %sign3A_675 : vector<16xi32>
      %sign3A_677 = arith.extui %sign3A_676 : vector<16xi1> to vector<16xi32>
      %sign3A_678 = arith.constant 0 : i32
      %sign3A_679 = vector.broadcast %sign3A_678 : i32 to vector<16xi32>
      %sign3A_680 = arith.cmpi slt, %iota3A, %sign3A_679 : vector<16xi32>
      %sign3A_681 = arith.extui %sign3A_680 : vector<16xi1> to vector<16xi32>
      %sign3A_682 = arith.subi %sign3A_677, %sign3A_681 : vector<16xi32>
      %sign3A_683 = arith.constant 0 : i32
      %sign3A_684 = arith.cmpi sgt, %jit3A_671, %sign3A_683 : i32
      %sign3A_685 = arith.extui %sign3A_684 : i1 to i32
      %sign3A_686 = arith.constant 0 : i32
      %sign3A_687 = arith.cmpi slt, %jit3A_671, %sign3A_686 : i32
      %sign3A_688 = arith.extui %sign3A_687 : i1 to i32
      %sign3A_689 = arith.subi %sign3A_685, %sign3A_688 : i32
      %ne3A_690 = vector.broadcast %sign3A_689 : i32 to vector<16xi32>
      %ne3A_691 = arith.cmpi ne, %sign3A_682, %ne3A_690 : vector<16xi32>
      %rem3A_692 = vector.broadcast %jit3A_671 : i32 to vector<16xi32>
      %rem3A_693 = arith.remsi %iota3A, %rem3A_692 : vector<16xi32>
      %ne3A_694 = arith.constant 0 : i32
      %ne3A_695 = vector.broadcast %ne3A_694 : i32 to vector<16xi32>
      %ne3A_696 = arith.cmpi ne, %rem3A_693, %ne3A_695 : vector<16xi32>
      %and3A_697 = arith.andi %ne3A_691, %ne3A_696 : vector<16xi1>
      %sub3A_698 = arith.constant 1 : i32
      %sub3A_699 = vector.broadcast %sub3A_698 : i32 to vector<16xi32>
      %sub3A_700 = arith.subi %div3A_673, %sub3A_699 : vector<16xi32>
      %select_n3A_701 = arith.select %and3A_697, %sub3A_700, %div3A_673 : vector<16xi1>, vector<16xi32>
      %add3A_702 = vector.broadcast %select_n3A_670 : i32 to vector<16xi32>
      %add3A_703 = arith.addi %add3A_702, %select_n3A_701 : vector<16xi32>
      %jit3A_704 = arith.constant 128 : i32
      %div3A_705 = arith.divsi %add3A_652, %jit3A_704 : i32
      %sign3A_706 = arith.constant 0 : i32
      %sign3A_707 = arith.cmpi sgt, %add3A_652, %sign3A_706 : i32
      %sign3A_708 = arith.extui %sign3A_707 : i1 to i32
      %sign3A_709 = arith.constant 0 : i32
      %sign3A_710 = arith.cmpi slt, %add3A_652, %sign3A_709 : i32
      %sign3A_711 = arith.extui %sign3A_710 : i1 to i32
      %sign3A_712 = arith.subi %sign3A_708, %sign3A_711 : i32
      %sign3A_713 = arith.constant 0 : i32
      %sign3A_714 = arith.cmpi sgt, %jit3A_704, %sign3A_713 : i32
      %sign3A_715 = arith.extui %sign3A_714 : i1 to i32
      %sign3A_716 = arith.constant 0 : i32
      %sign3A_717 = arith.cmpi slt, %jit3A_704, %sign3A_716 : i32
      %sign3A_718 = arith.extui %sign3A_717 : i1 to i32
      %sign3A_719 = arith.subi %sign3A_715, %sign3A_718 : i32
      %ne3A_720 = arith.cmpi ne, %sign3A_712, %sign3A_719 : i32
      %rem3A_721 = arith.remsi %add3A_652, %jit3A_704 : i32
      %ne3A_722 = arith.constant 0 : i32
      %ne3A_723 = arith.cmpi ne, %rem3A_721, %ne3A_722 : i32
      %and3A_724 = arith.andi %ne3A_720, %ne3A_723 : i1
      %sub3A_725 = arith.constant 1 : i32
      %sub3A_726 = arith.subi %div3A_705, %sub3A_725 : i32
      %select_n3A_727 = arith.select %and3A_724, %sub3A_726, %div3A_705 : i32
      %mul3A_728 = arith.constant 4 : i32
      %mul3A_729 = arith.muli %select_n3A_727, %mul3A_728 : i32
      %jit3A_730 = arith.constant 4 : i32
      %eq3A_731 = arith.constant 0 : i32
      %eq3A_732 = arith.cmpi eq, %jit3A_730, %eq3A_731 : i32
      %jit3A_733 = arith.constant 1 : i32
      %select_n3A_734 = arith.select %eq3A_732, %jit3A_733, %jit3A_730 : i32
      %rem3A_735 = vector.broadcast %select_n3A_734 : i32 to vector<16xi32>
      %rem3A_736 = arith.remsi %iota3A, %rem3A_735 : vector<16xi32>
      %ne3A_737 = arith.constant 0 : i32
      %ne3A_738 = vector.broadcast %ne3A_737 : i32 to vector<16xi32>
      %ne3A_739 = arith.cmpi ne, %rem3A_736, %ne3A_738 : vector<16xi32>
      %lt3A_740 = arith.constant 0 : i32
      %lt3A_741 = vector.broadcast %lt3A_740 : i32 to vector<16xi32>
      %lt3A_742 = arith.cmpi slt, %rem3A_736, %lt3A_741 : vector<16xi32>
      %lt3A_743 = arith.constant 0 : i32
      %lt3A_744 = arith.cmpi slt, %select_n3A_734, %lt3A_743 : i32
      %ne3A_745 = vector.broadcast %lt3A_744 : i1 to vector<16xi1>
      %ne3A_746 = vector.broadcast %ne3A_745 : vector<16xi1> to vector<16xi1>
      %ne3A_747 = arith.xori %lt3A_742, %ne3A_746 : vector<16xi1>
      %and3A_748 = arith.andi %ne3A_747, %ne3A_739 : vector<16xi1>
      %add3A_749 = vector.broadcast %select_n3A_734 : i32 to vector<16xi32>
      %add3A_750 = arith.addi %rem3A_736, %add3A_749 : vector<16xi32>
      %select_n3A_751 = arith.select %and3A_748, %add3A_750, %rem3A_736 : vector<16xi1>, vector<16xi32>
      %add3A_752 = vector.broadcast %mul3A_729 : i32 to vector<16xi32>
      %add3A_753 = arith.addi %add3A_752, %select_n3A_751 : vector<16xi32>
      %get3A_754 = arith.constant 1 : i32
      %get3A_755 = arith.index_cast %get3A_754 : i32 to index
      %get3A_756 = arith.constant 0 : index
      %get3A_757 = tpu.vector_load %arg13[%get3A_755, %get3A_756] {strides = array<i32>} : memref<8x16xi32, #tpu.memory_space<vmem>>, vector<16xi32>,
      %mul3A_758 = arith.constant 8192 : i32
      %mul3A_759 = arith.muli %select_n3A, %mul3A_758 : i32
      %add3A_760 = vector.broadcast %mul3A_759 : i32 to vector<16xi32>
      %add3A_761 = arith.addi %get3A_757, %add3A_760 : vector<16xi32>
      tpu.vector_store_idx %arg14[%add3A_703, %add3A_753], %add3A_761 : memref<512x8xi32, #tpu.memory_space<vmem>>[vector<16xi32>, vector<16xi32>], vector<16xi32>,
      %mul3A_762 = arith.constant 8 : i32
      %mul3A_763 = arith.muli %scan3A_72, %mul3A_762 : i32
      %add3A_764 = arith.constant 2 : i32
      %add3A_765 = arith.addi %mul3A_763, %add3A_764 : i32
      %mul3A_766 = arith.constant 4 : i32
      %mul3A_767 = arith.muli %add3A_765, %mul3A_766 : i32
      %jit3A_768 = arith.constant 512 : i32
      %eq3A_769 = arith.constant 0 : i32
      %eq3A_770 = arith.cmpi eq, %jit3A_768, %eq3A_769 : i32
      %jit3A_771 = arith.constant 1 : i32
      %select_n3A_772 = arith.select %eq3A_770, %jit3A_771, %jit3A_768 : i32
      %rem3A_773 = arith.remsi %mul3A_767, %select_n3A_772 : i32
      %ne3A_774 = arith.constant 0 : i32
      %ne3A_775 = arith.cmpi ne, %rem3A_773, %ne3A_774 : i32
      %lt3A_776 = arith.constant 0 : i32
      %lt3A_777 = arith.cmpi slt, %rem3A_773, %lt3A_776 : i32
      %lt3A_778 = arith.constant 0 : i32
      %lt3A_779 = arith.cmpi slt, %select_n3A_772, %lt3A_778 : i32
      %ne3A_780 = arith.xori %lt3A_777, %lt3A_779 : i1
      %and3A_781 = arith.andi %ne3A_780, %ne3A_775 : i1
      %add3A_782 = arith.addi %rem3A_773, %select_n3A_772 : i32
      %select_n3A_783 = arith.select %and3A_781, %add3A_782, %rem3A_773 : i32
      %jit3A_784 = arith.constant 4 : i32
      %div3A_785 = vector.broadcast %jit3A_784 : i32 to vector<16xi32>
      %div3A_786 = arith.divsi %iota3A, %div3A_785 : vector<16xi32>
      %sign3A_787 = arith.constant 0 : i32
      %sign3A_788 = vector.broadcast %sign3A_787 : i32 to vector<16xi32>
      %sign3A_789 = arith.cmpi sgt, %iota3A, %sign3A_788 : vector<16xi32>
      %sign3A_790 = arith.extui %sign3A_789 : vector<16xi1> to vector<16xi32>
      %sign3A_791 = arith.constant 0 : i32
      %sign3A_792 = vector.broadcast %sign3A_791 : i32 to vector<16xi32>
      %sign3A_793 = arith.cmpi slt, %iota3A, %sign3A_792 : vector<16xi32>
      %sign3A_794 = arith.extui %sign3A_793 : vector<16xi1> to vector<16xi32>
      %sign3A_795 = arith.subi %sign3A_790, %sign3A_794 : vector<16xi32>
      %sign3A_796 = arith.constant 0 : i32
      %sign3A_797 = arith.cmpi sgt, %jit3A_784, %sign3A_796 : i32
      %sign3A_798 = arith.extui %sign3A_797 : i1 to i32
      %sign3A_799 = arith.constant 0 : i32
      %sign3A_800 = arith.cmpi slt, %jit3A_784, %sign3A_799 : i32
      %sign3A_801 = arith.extui %sign3A_800 : i1 to i32
      %sign3A_802 = arith.subi %sign3A_798, %sign3A_801 : i32
      %ne3A_803 = vector.broadcast %sign3A_802 : i32 to vector<16xi32>
      %ne3A_804 = arith.cmpi ne, %sign3A_795, %ne3A_803 : vector<16xi32>
      %rem3A_805 = vector.broadcast %jit3A_784 : i32 to vector<16xi32>
      %rem3A_806 = arith.remsi %iota3A, %rem3A_805 : vector<16xi32>
      %ne3A_807 = arith.constant 0 : i32
      %ne3A_808 = vector.broadcast %ne3A_807 : i32 to vector<16xi32>
      %ne3A_809 = arith.cmpi ne, %rem3A_806, %ne3A_808 : vector<16xi32>
      %and3A_810 = arith.andi %ne3A_804, %ne3A_809 : vector<16xi1>
      %sub3A_811 = arith.constant 1 : i32
      %sub3A_812 = vector.broadcast %sub3A_811 : i32 to vector<16xi32>
      %sub3A_813 = arith.subi %div3A_786, %sub3A_812 : vector<16xi32>
      %select_n3A_814 = arith.select %and3A_810, %sub3A_813, %div3A_786 : vector<16xi1>, vector<16xi32>
      %add3A_815 = vector.broadcast %select_n3A_783 : i32 to vector<16xi32>
      %add3A_816 = arith.addi %add3A_815, %select_n3A_814 : vector<16xi32>
      %jit3A_817 = arith.constant 128 : i32
      %div3A_818 = arith.divsi %add3A_765, %jit3A_817 : i32
      %sign3A_819 = arith.constant 0 : i32
      %sign3A_820 = arith.cmpi sgt, %add3A_765, %sign3A_819 : i32
      %sign3A_821 = arith.extui %sign3A_820 : i1 to i32
      %sign3A_822 = arith.constant 0 : i32
      %sign3A_823 = arith.cmpi slt, %add3A_765, %sign3A_822 : i32
      %sign3A_824 = arith.extui %sign3A_823 : i1 to i32
      %sign3A_825 = arith.subi %sign3A_821, %sign3A_824 : i32
      %sign3A_826 = arith.constant 0 : i32
      %sign3A_827 = arith.cmpi sgt, %jit3A_817, %sign3A_826 : i32
      %sign3A_828 = arith.extui %sign3A_827 : i1 to i32
      %sign3A_829 = arith.constant 0 : i32
      %sign3A_830 = arith.cmpi slt, %jit3A_817, %sign3A_829 : i32
      %sign3A_831 = arith.extui %sign3A_830 : i1 to i32
      %sign3A_832 = arith.subi %sign3A_828, %sign3A_831 : i32
      %ne3A_833 = arith.cmpi ne, %sign3A_825, %sign3A_832 : i32
      %rem3A_834 = arith.remsi %add3A_765, %jit3A_817 : i32
      %ne3A_835 = arith.constant 0 : i32
      %ne3A_836 = arith.cmpi ne, %rem3A_834, %ne3A_835 : i32
      %and3A_837 = arith.andi %ne3A_833, %ne3A_836 : i1
      %sub3A_838 = arith.constant 1 : i32
      %sub3A_839 = arith.subi %div3A_818, %sub3A_838 : i32
      %select_n3A_840 = arith.select %and3A_837, %sub3A_839, %div3A_818 : i32
      %mul3A_841 = arith.constant 4 : i32
      %mul3A_842 = arith.muli %select_n3A_840, %mul3A_841 : i32
      %jit3A_843 = arith.constant 4 : i32
      %eq3A_844 = arith.constant 0 : i32
      %eq3A_845 = arith.cmpi eq, %jit3A_843, %eq3A_844 : i32
      %jit3A_846 = arith.constant 1 : i32
      %select_n3A_847 = arith.select %eq3A_845, %jit3A_846, %jit3A_843 : i32
      %rem3A_848 = vector.broadcast %select_n3A_847 : i32 to vector<16xi32>
      %rem3A_849 = arith.remsi %iota3A, %rem3A_848 : vector<16xi32>
      %ne3A_850 = arith.constant 0 : i32
      %ne3A_851 = vector.broadcast %ne3A_850 : i32 to vector<16xi32>
      %ne3A_852 = arith.cmpi ne, %rem3A_849, %ne3A_851 : vector<16xi32>
      %lt3A_853 = arith.constant 0 : i32
      %lt3A_854 = vector.broadcast %lt3A_853 : i32 to vector<16xi32>
      %lt3A_855 = arith.cmpi slt, %rem3A_849, %lt3A_854 : vector<16xi32>
      %lt3A_856 = arith.constant 0 : i32
      %lt3A_857 = arith.cmpi slt, %select_n3A_847, %lt3A_856 : i32
      %ne3A_858 = vector.broadcast %lt3A_857 : i1 to vector<16xi1>
      %ne3A_859 = vector.broadcast %ne3A_858 : vector<16xi1> to vector<16xi1>
      %ne3A_860 = arith.xori %lt3A_855, %ne3A_859 : vector<16xi1>
      %and3A_861 = arith.andi %ne3A_860, %ne3A_852 : vector<16xi1>
      %add3A_862 = vector.broadcast %select_n3A_847 : i32 to vector<16xi32>
      %add3A_863 = arith.addi %rem3A_849, %add3A_862 : vector<16xi32>
      %select_n3A_864 = arith.select %and3A_861, %add3A_863, %rem3A_849 : vector<16xi1>, vector<16xi32>
      %add3A_865 = vector.broadcast %mul3A_842 : i32 to vector<16xi32>
      %add3A_866 = arith.addi %add3A_865, %select_n3A_864 : vector<16xi32>
      %get3A_867 = arith.constant 2 : i32
      %get3A_868 = arith.index_cast %get3A_867 : i32 to index
      %get3A_869 = arith.constant 0 : index
      %get3A_870 = tpu.vector_load %arg13[%get3A_868, %get3A_869] {strides = array<i32>} : memref<8x16xi32, #tpu.memory_space<vmem>>, vector<16xi32>,
      %mul3A_871 = arith.constant 8192 : i32
      %mul3A_872 = arith.muli %select_n3A, %mul3A_871 : i32
      %add3A_873 = vector.broadcast %mul3A_872 : i32 to vector<16xi32>
      %add3A_874 = arith.addi %get3A_870, %add3A_873 : vector<16xi32>
      tpu.vector_store_idx %arg14[%add3A_816, %add3A_866], %add3A_874 : memref<512x8xi32, #tpu.memory_space<vmem>>[vector<16xi32>, vector<16xi32>], vector<16xi32>,
      %mul3A_875 = arith.constant 8 : i32
      %mul3A_876 = arith.muli %scan3A_72, %mul3A_875 : i32
      %add3A_877 = arith.constant 3 : i32
      %add3A_878 = arith.addi %mul3A_876, %add3A_877 : i32
      %mul3A_879 = arith.constant 4 : i32
      %mul3A_880 = arith.muli %add3A_878, %mul3A_879 : i32
      %jit3A_881 = arith.constant 512 : i32
      %eq3A_882 = arith.constant 0 : i32
      %eq3A_883 = arith.cmpi eq, %jit3A_881, %eq3A_882 : i32
      %jit3A_884 = arith.constant 1 : i32
      %select_n3A_885 = arith.select %eq3A_883, %jit3A_884, %jit3A_881 : i32
      %rem3A_886 = arith.remsi %mul3A_880, %select_n3A_885 : i32
      %ne3A_887 = arith.constant 0 : i32
      %ne3A_888 = arith.cmpi ne, %rem3A_886, %ne3A_887 : i32
      %lt3A_889 = arith.constant 0 : i32
      %lt3A_890 = arith.cmpi slt, %rem3A_886, %lt3A_889 : i32
      %lt3A_891 = arith.constant 0 : i32
      %lt3A_892 = arith.cmpi slt, %select_n3A_885, %lt3A_891 : i32
      %ne3A_893 = arith.xori %lt3A_890, %lt3A_892 : i1
      %and3A_894 = arith.andi %ne3A_893, %ne3A_888 : i1
      %add3A_895 = arith.addi %rem3A_886, %select_n3A_885 : i32
      %select_n3A_896 = arith.select %and3A_894, %add3A_895, %rem3A_886 : i32
      %jit3A_897 = arith.constant 4 : i32
      %div3A_898 = vector.broadcast %jit3A_897 : i32 to vector<16xi32>
      %div3A_899 = arith.divsi %iota3A, %div3A_898 : vector<16xi32>
      %sign3A_900 = arith.constant 0 : i32
      %sign3A_901 = vector.broadcast %sign3A_900 : i32 to vector<16xi32>
      %sign3A_902 = arith.cmpi sgt, %iota3A, %sign3A_901 : vector<16xi32>
      %sign3A_903 = arith.extui %sign3A_902 : vector<16xi1> to vector<16xi32>
      %sign3A_904 = arith.constant 0 : i32
      %sign3A_905 = vector.broadcast %sign3A_904 : i32 to vector<16xi32>
      %sign3A_906 = arith.cmpi slt, %iota3A, %sign3A_905 : vector<16xi32>
      %sign3A_907 = arith.extui %sign3A_906 : vector<16xi1> to vector<16xi32>
      %sign3A_908 = arith.subi %sign3A_903, %sign3A_907 : vector<16xi32>
      %sign3A_909 = arith.constant 0 : i32
      %sign3A_910 = arith.cmpi sgt, %jit3A_897, %sign3A_909 : i32
      %sign3A_911 = arith.extui %sign3A_910 : i1 to i32
      %sign3A_912 = arith.constant 0 : i32
      %sign3A_913 = arith.cmpi slt, %jit3A_897, %sign3A_912 : i32
      %sign3A_914 = arith.extui %sign3A_913 : i1 to i32
      %sign3A_915 = arith.subi %sign3A_911, %sign3A_914 : i32
      %ne3A_916 = vector.broadcast %sign3A_915 : i32 to vector<16xi32>
      %ne3A_917 = arith.cmpi ne, %sign3A_908, %ne3A_916 : vector<16xi32>
      %rem3A_918 = vector.broadcast %jit3A_897 : i32 to vector<16xi32>
      %rem3A_919 = arith.remsi %iota3A, %rem3A_918 : vector<16xi32>
      %ne3A_920 = arith.constant 0 : i32
      %ne3A_921 = vector.broadcast %ne3A_920 : i32 to vector<16xi32>
      %ne3A_922 = arith.cmpi ne, %rem3A_919, %ne3A_921 : vector<16xi32>
      %and3A_923 = arith.andi %ne3A_917, %ne3A_922 : vector<16xi1>
      %sub3A_924 = arith.constant 1 : i32
      %sub3A_925 = vector.broadcast %sub3A_924 : i32 to vector<16xi32>
      %sub3A_926 = arith.subi %div3A_899, %sub3A_925 : vector<16xi32>
      %select_n3A_927 = arith.select %and3A_923, %sub3A_926, %div3A_899 : vector<16xi1>, vector<16xi32>
      %add3A_928 = vector.broadcast %select_n3A_896 : i32 to vector<16xi32>
      %add3A_929 = arith.addi %add3A_928, %select_n3A_927 : vector<16xi32>
      %jit3A_930 = arith.constant 128 : i32
      %div3A_931 = arith.divsi %add3A_878, %jit3A_930 : i32
      %sign3A_932 = arith.constant 0 : i32
      %sign3A_933 = arith.cmpi sgt, %add3A_878, %sign3A_932 : i32
      %sign3A_934 = arith.extui %sign3A_933 : i1 to i32
      %sign3A_935 = arith.constant 0 : i32
      %sign3A_936 = arith.cmpi slt, %add3A_878, %sign3A_935 : i32
      %sign3A_937 = arith.extui %sign3A_936 : i1 to i32
      %sign3A_938 = arith.subi %sign3A_934, %sign3A_937 : i32
      %sign3A_939 = arith.constant 0 : i32
      %sign3A_940 = arith.cmpi sgt, %jit3A_930, %sign3A_939 : i32
      %sign3A_941 = arith.extui %sign3A_940 : i1 to i32
      %sign3A_942 = arith.constant 0 : i32
      %sign3A_943 = arith.cmpi slt, %jit3A_930, %sign3A_942 : i32
      %sign3A_944 = arith.extui %sign3A_943 : i1 to i32
      %sign3A_945 = arith.subi %sign3A_941, %sign3A_944 : i32
      %ne3A_946 = arith.cmpi ne, %sign3A_938, %sign3A_945 : i32
      %rem3A_947 = arith.remsi %add3A_878, %jit3A_930 : i32
      %ne3A_948 = arith.constant 0 : i32
      %ne3A_949 = arith.cmpi ne, %rem3A_947, %ne3A_948 : i32
      %and3A_950 = arith.andi %ne3A_946, %ne3A_949 : i1
      %sub3A_951 = arith.constant 1 : i32
      %sub3A_952 = arith.subi %div3A_931, %sub3A_951 : i32
      %select_n3A_953 = arith.select %and3A_950, %sub3A_952, %div3A_931 : i32
      %mul3A_954 = arith.constant 4 : i32
      %mul3A_955 = arith.muli %select_n3A_953, %mul3A_954 : i32
      %jit3A_956 = arith.constant 4 : i32
      %eq3A_957 = arith.constant 0 : i32
      %eq3A_958 = arith.cmpi eq, %jit3A_956, %eq3A_957 : i32
      %jit3A_959 = arith.constant 1 : i32
      %select_n3A_960 = arith.select %eq3A_958, %jit3A_959, %jit3A_956 : i32
      %rem3A_961 = vector.broadcast %select_n3A_960 : i32 to vector<16xi32>
      %rem3A_962 = arith.remsi %iota3A, %rem3A_961 : vector<16xi32>
      %ne3A_963 = arith.constant 0 : i32
      %ne3A_964 = vector.broadcast %ne3A_963 : i32 to vector<16xi32>
      %ne3A_965 = arith.cmpi ne, %rem3A_962, %ne3A_964 : vector<16xi32>
      %lt3A_966 = arith.constant 0 : i32
      %lt3A_967 = vector.broadcast %lt3A_966 : i32 to vector<16xi32>
      %lt3A_968 = arith.cmpi slt, %rem3A_962, %lt3A_967 : vector<16xi32>
      %lt3A_969 = arith.constant 0 : i32
      %lt3A_970 = arith.cmpi slt, %select_n3A_960, %lt3A_969 : i32
      %ne3A_971 = vector.broadcast %lt3A_970 : i1 to vector<16xi1>
      %ne3A_972 = vector.broadcast %ne3A_971 : vector<16xi1> to vector<16xi1>
      %ne3A_973 = arith.xori %lt3A_968, %ne3A_972 : vector<16xi1>
      %and3A_974 = arith.andi %ne3A_973, %ne3A_965 : vector<16xi1>
      %add3A_975 = vector.broadcast %select_n3A_960 : i32 to vector<16xi32>
      %add3A_976 = arith.addi %rem3A_962, %add3A_975 : vector<16xi32>
      %select_n3A_977 = arith.select %and3A_974, %add3A_976, %rem3A_962 : vector<16xi1>, vector<16xi32>
      %add3A_978 = vector.broadcast %mul3A_955 : i32 to vector<16xi32>
      %add3A_979 = arith.addi %add3A_978, %select_n3A_977 : vector<16xi32>
      %get3A_980 = arith.constant 3 : i32
      %get3A_981 = arith.index_cast %get3A_980 : i32 to index
      %get3A_982 = arith.constant 0 : index
      %get3A_983 = tpu.vector_load %arg13[%get3A_981, %get3A_982] {strides = array<i32>} : memref<8x16xi32, #tpu.memory_space<vmem>>, vector<16xi32>,
      %mul3A_984 = arith.constant 8192 : i32
      %mul3A_985 = arith.muli %select_n3A, %mul3A_984 : i32
      %add3A_986 = vector.broadcast %mul3A_985 : i32 to vector<16xi32>
      %add3A_987 = arith.addi %get3A_983, %add3A_986 : vector<16xi32>
      tpu.vector_store_idx %arg14[%add3A_929, %add3A_979], %add3A_987 : memref<512x8xi32, #tpu.memory_space<vmem>>[vector<16xi32>, vector<16xi32>], vector<16xi32>,
      %mul3A_988 = arith.constant 8 : i32
      %mul3A_989 = arith.muli %scan3A_72, %mul3A_988 : i32
      %add3A_990 = arith.constant 4 : i32
      %add3A_991 = arith.addi %mul3A_989, %add3A_990 : i32
      %mul3A_992 = arith.constant 4 : i32
      %mul3A_993 = arith.muli %add3A_991, %mul3A_992 : i32
      %jit3A_994 = arith.constant 512 : i32
      %eq3A_995 = arith.constant 0 : i32
      %eq3A_996 = arith.cmpi eq, %jit3A_994, %eq3A_995 : i32
      %jit3A_997 = arith.constant 1 : i32
      %select_n3A_998 = arith.select %eq3A_996, %jit3A_997, %jit3A_994 : i32
      %rem3A_999 = arith.remsi %mul3A_993, %select_n3A_998 : i32
      %ne3A_1000 = arith.constant 0 : i32
      %ne3A_1001 = arith.cmpi ne, %rem3A_999, %ne3A_1000 : i32
      %lt3A_1002 = arith.constant 0 : i32
      %lt3A_1003 = arith.cmpi slt, %rem3A_999, %lt3A_1002 : i32
      %lt3A_1004 = arith.constant 0 : i32
      %lt3A_1005 = arith.cmpi slt, %select_n3A_998, %lt3A_1004 : i32
      %ne3A_1006 = arith.xori %lt3A_1003, %lt3A_1005 : i1
      %and3A_1007 = arith.andi %ne3A_1006, %ne3A_1001 : i1
      %add3A_1008 = arith.addi %rem3A_999, %select_n3A_998 : i32
      %select_n3A_1009 = arith.select %and3A_1007, %add3A_1008, %rem3A_999 : i32
      %jit3A_1010 = arith.constant 4 : i32
      %div3A_1011 = vector.broadcast %jit3A_1010 : i32 to vector<16xi32>
      %div3A_1012 = arith.divsi %iota3A, %div3A_1011 : vector<16xi32>
      %sign3A_1013 = arith.constant 0 : i32
      %sign3A_1014 = vector.broadcast %sign3A_1013 : i32 to vector<16xi32>
      %sign3A_1015 = arith.cmpi sgt, %iota3A, %sign3A_1014 : vector<16xi32>
      %sign3A_1016 = arith.extui %sign3A_1015 : vector<16xi1> to vector<16xi32>
      %sign3A_1017 = arith.constant 0 : i32
      %sign3A_1018 = vector.broadcast %sign3A_1017 : i32 to vector<16xi32>
      %sign3A_1019 = arith.cmpi slt, %iota3A, %sign3A_1018 : vector<16xi32>
      %sign3A_1020 = arith.extui %sign3A_1019 : vector<16xi1> to vector<16xi32>
      %sign3A_1021 = arith.subi %sign3A_1016, %sign3A_1020 : vector<16xi32>
      %sign3A_1022 = arith.constant 0 : i32
      %sign3A_1023 = arith.cmpi sgt, %jit3A_1010, %sign3A_1022 : i32
      %sign3A_1024 = arith.extui %sign3A_1023 : i1 to i32
      %sign3A_1025 = arith.constant 0 : i32
      %sign3A_1026 = arith.cmpi slt, %jit3A_1010, %sign3A_1025 : i32
      %sign3A_1027 = arith.extui %sign3A_1026 : i1 to i32
      %sign3A_1028 = arith.subi %sign3A_1024, %sign3A_1027 : i32
      %ne3A_1029 = vector.broadcast %sign3A_1028 : i32 to vector<16xi32>
      %ne3A_1030 = arith.cmpi ne, %sign3A_1021, %ne3A_1029 : vector<16xi32>
      %rem3A_1031 = vector.broadcast %jit3A_1010 : i32 to vector<16xi32>
      %rem3A_1032 = arith.remsi %iota3A, %rem3A_1031 : vector<16xi32>
      %ne3A_1033 = arith.constant 0 : i32
      %ne3A_1034 = vector.broadcast %ne3A_1033 : i32 to vector<16xi32>
      %ne3A_1035 = arith.cmpi ne, %rem3A_1032, %ne3A_1034 : vector<16xi32>
      %and3A_1036 = arith.andi %ne3A_1030, %ne3A_1035 : vector<16xi1>
      %sub3A_1037 = arith.constant 1 : i32
      %sub3A_1038 = vector.broadcast %sub3A_1037 : i32 to vector<16xi32>
      %sub3A_1039 = arith.subi %div3A_1012, %sub3A_1038 : vector<16xi32>
      %select_n3A_1040 = arith.select %and3A_1036, %sub3A_1039, %div3A_1012 : vector<16xi1>, vector<16xi32>
      %add3A_1041 = vector.broadcast %select_n3A_1009 : i32 to vector<16xi32>
      %add3A_1042 = arith.addi %add3A_1041, %select_n3A_1040 : vector<16xi32>
      %jit3A_1043 = arith.constant 128 : i32
      %div3A_1044 = arith.divsi %add3A_991, %jit3A_1043 : i32
      %sign3A_1045 = arith.constant 0 : i32
      %sign3A_1046 = arith.cmpi sgt, %add3A_991, %sign3A_1045 : i32
      %sign3A_1047 = arith.extui %sign3A_1046 : i1 to i32
      %sign3A_1048 = arith.constant 0 : i32
      %sign3A_1049 = arith.cmpi slt, %add3A_991, %sign3A_1048 : i32
      %sign3A_1050 = arith.extui %sign3A_1049 : i1 to i32
      %sign3A_1051 = arith.subi %sign3A_1047, %sign3A_1050 : i32
      %sign3A_1052 = arith.constant 0 : i32
      %sign3A_1053 = arith.cmpi sgt, %jit3A_1043, %sign3A_1052 : i32
      %sign3A_1054 = arith.extui %sign3A_1053 : i1 to i32
      %sign3A_1055 = arith.constant 0 : i32
      %sign3A_1056 = arith.cmpi slt, %jit3A_1043, %sign3A_1055 : i32
      %sign3A_1057 = arith.extui %sign3A_1056 : i1 to i32
      %sign3A_1058 = arith.subi %sign3A_1054, %sign3A_1057 : i32
      %ne3A_1059 = arith.cmpi ne, %sign3A_1051, %sign3A_1058 : i32
      %rem3A_1060 = arith.remsi %add3A_991, %jit3A_1043 : i32
      %ne3A_1061 = arith.constant 0 : i32
      %ne3A_1062 = arith.cmpi ne, %rem3A_1060, %ne3A_1061 : i32
      %and3A_1063 = arith.andi %ne3A_1059, %ne3A_1062 : i1
      %sub3A_1064 = arith.constant 1 : i32
      %sub3A_1065 = arith.subi %div3A_1044, %sub3A_1064 : i32
      %select_n3A_1066 = arith.select %and3A_1063, %sub3A_1065, %div3A_1044 : i32
      %mul3A_1067 = arith.constant 4 : i32
      %mul3A_1068 = arith.muli %select_n3A_1066, %mul3A_1067 : i32
      %jit3A_1069 = arith.constant 4 : i32
      %eq3A_1070 = arith.constant 0 : i32
      %eq3A_1071 = arith.cmpi eq, %jit3A_1069, %eq3A_1070 : i32
      %jit3A_1072 = arith.constant 1 : i32
      %select_n3A_1073 = arith.select %eq3A_1071, %jit3A_1072, %jit3A_1069 : i32
      %rem3A_1074 = vector.broadcast %select_n3A_1073 : i32 to vector<16xi32>
      %rem3A_1075 = arith.remsi %iota3A, %rem3A_1074 : vector<16xi32>
      %ne3A_1076 = arith.constant 0 : i32
      %ne3A_1077 = vector.broadcast %ne3A_1076 : i32 to vector<16xi32>
      %ne3A_1078 = arith.cmpi ne, %rem3A_1075, %ne3A_1077 : vector<16xi32>
      %lt3A_1079 = arith.constant 0 : i32
      %lt3A_1080 = vector.broadcast %lt3A_1079 : i32 to vector<16xi32>
      %lt3A_1081 = arith.cmpi slt, %rem3A_1075, %lt3A_1080 : vector<16xi32>
      %lt3A_1082 = arith.constant 0 : i32
      %lt3A_1083 = arith.cmpi slt, %select_n3A_1073, %lt3A_1082 : i32
      %ne3A_1084 = vector.broadcast %lt3A_1083 : i1 to vector<16xi1>
      %ne3A_1085 = vector.broadcast %ne3A_1084 : vector<16xi1> to vector<16xi1>
      %ne3A_1086 = arith.xori %lt3A_1081, %ne3A_1085 : vector<16xi1>
      %and3A_1087 = arith.andi %ne3A_1086, %ne3A_1078 : vector<16xi1>
      %add3A_1088 = vector.broadcast %select_n3A_1073 : i32 to vector<16xi32>
      %add3A_1089 = arith.addi %rem3A_1075, %add3A_1088 : vector<16xi32>
      %select_n3A_1090 = arith.select %and3A_1087, %add3A_1089, %rem3A_1075 : vector<16xi1>, vector<16xi32>
      %add3A_1091 = vector.broadcast %mul3A_1068 : i32 to vector<16xi32>
      %add3A_1092 = arith.addi %add3A_1091, %select_n3A_1090 : vector<16xi32>
      %get3A_1093 = arith.constant 4 : i32
      %get3A_1094 = arith.index_cast %get3A_1093 : i32 to index
      %get3A_1095 = arith.constant 0 : index
      %get3A_1096 = tpu.vector_load %arg13[%get3A_1094, %get3A_1095] {strides = array<i32>} : memref<8x16xi32, #tpu.memory_space<vmem>>, vector<16xi32>,
      %mul3A_1097 = arith.constant 8192 : i32
      %mul3A_1098 = arith.muli %select_n3A, %mul3A_1097 : i32
      %add3A_1099 = vector.broadcast %mul3A_1098 : i32 to vector<16xi32>
      %add3A_1100 = arith.addi %get3A_1096, %add3A_1099 : vector<16xi32>
      tpu.vector_store_idx %arg14[%add3A_1042, %add3A_1092], %add3A_1100 : memref<512x8xi32, #tpu.memory_space<vmem>>[vector<16xi32>, vector<16xi32>], vector<16xi32>,
      %mul3A_1101 = arith.constant 8 : i32
      %mul3A_1102 = arith.muli %scan3A_72, %mul3A_1101 : i32
      %add3A_1103 = arith.constant 5 : i32
      %add3A_1104 = arith.addi %mul3A_1102, %add3A_1103 : i32
      %mul3A_1105 = arith.constant 4 : i32
      %mul3A_1106 = arith.muli %add3A_1104, %mul3A_1105 : i32
      %jit3A_1107 = arith.constant 512 : i32
      %eq3A_1108 = arith.constant 0 : i32
      %eq3A_1109 = arith.cmpi eq, %jit3A_1107, %eq3A_1108 : i32
      %jit3A_1110 = arith.constant 1 : i32
      %select_n3A_1111 = arith.select %eq3A_1109, %jit3A_1110, %jit3A_1107 : i32
      %rem3A_1112 = arith.remsi %mul3A_1106, %select_n3A_1111 : i32
      %ne3A_1113 = arith.constant 0 : i32
      %ne3A_1114 = arith.cmpi ne, %rem3A_1112, %ne3A_1113 : i32
      %lt3A_1115 = arith.constant 0 : i32
      %lt3A_1116 = arith.cmpi slt, %rem3A_1112, %lt3A_1115 : i32
      %lt3A_1117 = arith.constant 0 : i32
      %lt3A_1118 = arith.cmpi slt, %select_n3A_1111, %lt3A_1117 : i32
      %ne3A_1119 = arith.xori %lt3A_1116, %lt3A_1118 : i1
      %and3A_1120 = arith.andi %ne3A_1119, %ne3A_1114 : i1
      %add3A_1121 = arith.addi %rem3A_1112, %select_n3A_1111 : i32
      %select_n3A_1122 = arith.select %and3A_1120, %add3A_1121, %rem3A_1112 : i32
      %jit3A_1123 = arith.constant 4 : i32
      %div3A_1124 = vector.broadcast %jit3A_1123 : i32 to vector<16xi32>
      %div3A_1125 = arith.divsi %iota3A, %div3A_1124 : vector<16xi32>
      %sign3A_1126 = arith.constant 0 : i32
      %sign3A_1127 = vector.broadcast %sign3A_1126 : i32 to vector<16xi32>
      %sign3A_1128 = arith.cmpi sgt, %iota3A, %sign3A_1127 : vector<16xi32>
      %sign3A_1129 = arith.extui %sign3A_1128 : vector<16xi1> to vector<16xi32>
      %sign3A_1130 = arith.constant 0 : i32
      %sign3A_1131 = vector.broadcast %sign3A_1130 : i32 to vector<16xi32>
      %sign3A_1132 = arith.cmpi slt, %iota3A, %sign3A_1131 : vector<16xi32>
      %sign3A_1133 = arith.extui %sign3A_1132 : vector<16xi1> to vector<16xi32>
      %sign3A_1134 = arith.subi %sign3A_1129, %sign3A_1133 : vector<16xi32>
      %sign3A_1135 = arith.constant 0 : i32
      %sign3A_1136 = arith.cmpi sgt, %jit3A_1123, %sign3A_1135 : i32
      %sign3A_1137 = arith.extui %sign3A_1136 : i1 to i32
      %sign3A_1138 = arith.constant 0 : i32
      %sign3A_1139 = arith.cmpi slt, %jit3A_1123, %sign3A_1138 : i32
      %sign3A_1140 = arith.extui %sign3A_1139 : i1 to i32
      %sign3A_1141 = arith.subi %sign3A_1137, %sign3A_1140 : i32
      %ne3A_1142 = vector.broadcast %sign3A_1141 : i32 to vector<16xi32>
      %ne3A_1143 = arith.cmpi ne, %sign3A_1134, %ne3A_1142 : vector<16xi32>
      %rem3A_1144 = vector.broadcast %jit3A_1123 : i32 to vector<16xi32>
      %rem3A_1145 = arith.remsi %iota3A, %rem3A_1144 : vector<16xi32>
      %ne3A_1146 = arith.constant 0 : i32
      %ne3A_1147 = vector.broadcast %ne3A_1146 : i32 to vector<16xi32>
      %ne3A_1148 = arith.cmpi ne, %rem3A_1145, %ne3A_1147 : vector<16xi32>
      %and3A_1149 = arith.andi %ne3A_1143, %ne3A_1148 : vector<16xi1>
      %sub3A_1150 = arith.constant 1 : i32
      %sub3A_1151 = vector.broadcast %sub3A_1150 : i32 to vector<16xi32>
      %sub3A_1152 = arith.subi %div3A_1125, %sub3A_1151 : vector<16xi32>
      %select_n3A_1153 = arith.select %and3A_1149, %sub3A_1152, %div3A_1125 : vector<16xi1>, vector<16xi32>
      %add3A_1154 = vector.broadcast %select_n3A_1122 : i32 to vector<16xi32>
      %add3A_1155 = arith.addi %add3A_1154, %select_n3A_1153 : vector<16xi32>
      %jit3A_1156 = arith.constant 128 : i32
      %div3A_1157 = arith.divsi %add3A_1104, %jit3A_1156 : i32
      %sign3A_1158 = arith.constant 0 : i32
      %sign3A_1159 = arith.cmpi sgt, %add3A_1104, %sign3A_1158 : i32
      %sign3A_1160 = arith.extui %sign3A_1159 : i1 to i32
      %sign3A_1161 = arith.constant 0 : i32
      %sign3A_1162 = arith.cmpi slt, %add3A_1104, %sign3A_1161 : i32
      %sign3A_1163 = arith.extui %sign3A_1162 : i1 to i32
      %sign3A_1164 = arith.subi %sign3A_1160, %sign3A_1163 : i32
      %sign3A_1165 = arith.constant 0 : i32
      %sign3A_1166 = arith.cmpi sgt, %jit3A_1156, %sign3A_1165 : i32
      %sign3A_1167 = arith.extui %sign3A_1166 : i1 to i32
      %sign3A_1168 = arith.constant 0 : i32
      %sign3A_1169 = arith.cmpi slt, %jit3A_1156, %sign3A_1168 : i32
      %sign3A_1170 = arith.extui %sign3A_1169 : i1 to i32
      %sign3A_1171 = arith.subi %sign3A_1167, %sign3A_1170 : i32
      %ne3A_1172 = arith.cmpi ne, %sign3A_1164, %sign3A_1171 : i32
      %rem3A_1173 = arith.remsi %add3A_1104, %jit3A_1156 : i32
      %ne3A_1174 = arith.constant 0 : i32
      %ne3A_1175 = arith.cmpi ne, %rem3A_1173, %ne3A_1174 : i32
      %and3A_1176 = arith.andi %ne3A_1172, %ne3A_1175 : i1
      %sub3A_1177 = arith.constant 1 : i32
      %sub3A_1178 = arith.subi %div3A_1157, %sub3A_1177 : i32
      %select_n3A_1179 = arith.select %and3A_1176, %sub3A_1178, %div3A_1157 : i32
      %mul3A_1180 = arith.constant 4 : i32
      %mul3A_1181 = arith.muli %select_n3A_1179, %mul3A_1180 : i32
      %jit3A_1182 = arith.constant 4 : i32
      %eq3A_1183 = arith.constant 0 : i32
      %eq3A_1184 = arith.cmpi eq, %jit3A_1182, %eq3A_1183 : i32
      %jit3A_1185 = arith.constant 1 : i32
      %select_n3A_1186 = arith.select %eq3A_1184, %jit3A_1185, %jit3A_1182 : i32
      %rem3A_1187 = vector.broadcast %select_n3A_1186 : i32 to vector<16xi32>
      %rem3A_1188 = arith.remsi %iota3A, %rem3A_1187 : vector<16xi32>
      %ne3A_1189 = arith.constant 0 : i32
      %ne3A_1190 = vector.broadcast %ne3A_1189 : i32 to vector<16xi32>
      %ne3A_1191 = arith.cmpi ne, %rem3A_1188, %ne3A_1190 : vector<16xi32>
      %lt3A_1192 = arith.constant 0 : i32
      %lt3A_1193 = vector.broadcast %lt3A_1192 : i32 to vector<16xi32>
      %lt3A_1194 = arith.cmpi slt, %rem3A_1188, %lt3A_1193 : vector<16xi32>
      %lt3A_1195 = arith.constant 0 : i32
      %lt3A_1196 = arith.cmpi slt, %select_n3A_1186, %lt3A_1195 : i32
      %ne3A_1197 = vector.broadcast %lt3A_1196 : i1 to vector<16xi1>
      %ne3A_1198 = vector.broadcast %ne3A_1197 : vector<16xi1> to vector<16xi1>
      %ne3A_1199 = arith.xori %lt3A_1194, %ne3A_1198 : vector<16xi1>
      %and3A_1200 = arith.andi %ne3A_1199, %ne3A_1191 : vector<16xi1>
      %add3A_1201 = vector.broadcast %select_n3A_1186 : i32 to vector<16xi32>
      %add3A_1202 = arith.addi %rem3A_1188, %add3A_1201 : vector<16xi32>
      %select_n3A_1203 = arith.select %and3A_1200, %add3A_1202, %rem3A_1188 : vector<16xi1>, vector<16xi32>
      %add3A_1204 = vector.broadcast %mul3A_1181 : i32 to vector<16xi32>
      %add3A_1205 = arith.addi %add3A_1204, %select_n3A_1203 : vector<16xi32>
      %get3A_1206 = arith.constant 5 : i32
      %get3A_1207 = arith.index_cast %get3A_1206 : i32 to index
      %get3A_1208 = arith.constant 0 : index
      %get3A_1209 = tpu.vector_load %arg13[%get3A_1207, %get3A_1208] {strides = array<i32>} : memref<8x16xi32, #tpu.memory_space<vmem>>, vector<16xi32>,
      %mul3A_1210 = arith.constant 8192 : i32
      %mul3A_1211 = arith.muli %select_n3A, %mul3A_1210 : i32
      %add3A_1212 = vector.broadcast %mul3A_1211 : i32 to vector<16xi32>
      %add3A_1213 = arith.addi %get3A_1209, %add3A_1212 : vector<16xi32>
      tpu.vector_store_idx %arg14[%add3A_1155, %add3A_1205], %add3A_1213 : memref<512x8xi32, #tpu.memory_space<vmem>>[vector<16xi32>, vector<16xi32>], vector<16xi32>,
      %mul3A_1214 = arith.constant 8 : i32
      %mul3A_1215 = arith.muli %scan3A_72, %mul3A_1214 : i32
      %add3A_1216 = arith.constant 6 : i32
      %add3A_1217 = arith.addi %mul3A_1215, %add3A_1216 : i32
      %mul3A_1218 = arith.constant 4 : i32
      %mul3A_1219 = arith.muli %add3A_1217, %mul3A_1218 : i32
      %jit3A_1220 = arith.constant 512 : i32
      %eq3A_1221 = arith.constant 0 : i32
      %eq3A_1222 = arith.cmpi eq, %jit3A_1220, %eq3A_1221 : i32
      %jit3A_1223 = arith.constant 1 : i32
      %select_n3A_1224 = arith.select %eq3A_1222, %jit3A_1223, %jit3A_1220 : i32
      %rem3A_1225 = arith.remsi %mul3A_1219, %select_n3A_1224 : i32
      %ne3A_1226 = arith.constant 0 : i32
      %ne3A_1227 = arith.cmpi ne, %rem3A_1225, %ne3A_1226 : i32
      %lt3A_1228 = arith.constant 0 : i32
      %lt3A_1229 = arith.cmpi slt, %rem3A_1225, %lt3A_1228 : i32
      %lt3A_1230 = arith.constant 0 : i32
      %lt3A_1231 = arith.cmpi slt, %select_n3A_1224, %lt3A_1230 : i32
      %ne3A_1232 = arith.xori %lt3A_1229, %lt3A_1231 : i1
      %and3A_1233 = arith.andi %ne3A_1232, %ne3A_1227 : i1
      %add3A_1234 = arith.addi %rem3A_1225, %select_n3A_1224 : i32
      %select_n3A_1235 = arith.select %and3A_1233, %add3A_1234, %rem3A_1225 : i32
      %jit3A_1236 = arith.constant 4 : i32
      %div3A_1237 = vector.broadcast %jit3A_1236 : i32 to vector<16xi32>
      %div3A_1238 = arith.divsi %iota3A, %div3A_1237 : vector<16xi32>
      %sign3A_1239 = arith.constant 0 : i32
      %sign3A_1240 = vector.broadcast %sign3A_1239 : i32 to vector<16xi32>
      %sign3A_1241 = arith.cmpi sgt, %iota3A, %sign3A_1240 : vector<16xi32>
      %sign3A_1242 = arith.extui %sign3A_1241 : vector<16xi1> to vector<16xi32>
      %sign3A_1243 = arith.constant 0 : i32
      %sign3A_1244 = vector.broadcast %sign3A_1243 : i32 to vector<16xi32>
      %sign3A_1245 = arith.cmpi slt, %iota3A, %sign3A_1244 : vector<16xi32>
      %sign3A_1246 = arith.extui %sign3A_1245 : vector<16xi1> to vector<16xi32>
      %sign3A_1247 = arith.subi %sign3A_1242, %sign3A_1246 : vector<16xi32>
      %sign3A_1248 = arith.constant 0 : i32
      %sign3A_1249 = arith.cmpi sgt, %jit3A_1236, %sign3A_1248 : i32
      %sign3A_1250 = arith.extui %sign3A_1249 : i1 to i32
      %sign3A_1251 = arith.constant 0 : i32
      %sign3A_1252 = arith.cmpi slt, %jit3A_1236, %sign3A_1251 : i32
      %sign3A_1253 = arith.extui %sign3A_1252 : i1 to i32
      %sign3A_1254 = arith.subi %sign3A_1250, %sign3A_1253 : i32
      %ne3A_1255 = vector.broadcast %sign3A_1254 : i32 to vector<16xi32>
      %ne3A_1256 = arith.cmpi ne, %sign3A_1247, %ne3A_1255 : vector<16xi32>
      %rem3A_1257 = vector.broadcast %jit3A_1236 : i32 to vector<16xi32>
      %rem3A_1258 = arith.remsi %iota3A, %rem3A_1257 : vector<16xi32>
      %ne3A_1259 = arith.constant 0 : i32
      %ne3A_1260 = vector.broadcast %ne3A_1259 : i32 to vector<16xi32>
      %ne3A_1261 = arith.cmpi ne, %rem3A_1258, %ne3A_1260 : vector<16xi32>
      %and3A_1262 = arith.andi %ne3A_1256, %ne3A_1261 : vector<16xi1>
      %sub3A_1263 = arith.constant 1 : i32
      %sub3A_1264 = vector.broadcast %sub3A_1263 : i32 to vector<16xi32>
      %sub3A_1265 = arith.subi %div3A_1238, %sub3A_1264 : vector<16xi32>
      %select_n3A_1266 = arith.select %and3A_1262, %sub3A_1265, %div3A_1238 : vector<16xi1>, vector<16xi32>
      %add3A_1267 = vector.broadcast %select_n3A_1235 : i32 to vector<16xi32>
      %add3A_1268 = arith.addi %add3A_1267, %select_n3A_1266 : vector<16xi32>
      %jit3A_1269 = arith.constant 128 : i32
      %div3A_1270 = arith.divsi %add3A_1217, %jit3A_1269 : i32
      %sign3A_1271 = arith.constant 0 : i32
      %sign3A_1272 = arith.cmpi sgt, %add3A_1217, %sign3A_1271 : i32
      %sign3A_1273 = arith.extui %sign3A_1272 : i1 to i32
      %sign3A_1274 = arith.constant 0 : i32
      %sign3A_1275 = arith.cmpi slt, %add3A_1217, %sign3A_1274 : i32
      %sign3A_1276 = arith.extui %sign3A_1275 : i1 to i32
      %sign3A_1277 = arith.subi %sign3A_1273, %sign3A_1276 : i32
      %sign3A_1278 = arith.constant 0 : i32
      %sign3A_1279 = arith.cmpi sgt, %jit3A_1269, %sign3A_1278 : i32
      %sign3A_1280 = arith.extui %sign3A_1279 : i1 to i32
      %sign3A_1281 = arith.constant 0 : i32
      %sign3A_1282 = arith.cmpi slt, %jit3A_1269, %sign3A_1281 : i32
      %sign3A_1283 = arith.extui %sign3A_1282 : i1 to i32
      %sign3A_1284 = arith.subi %sign3A_1280, %sign3A_1283 : i32
      %ne3A_1285 = arith.cmpi ne, %sign3A_1277, %sign3A_1284 : i32
      %rem3A_1286 = arith.remsi %add3A_1217, %jit3A_1269 : i32
      %ne3A_1287 = arith.constant 0 : i32
      %ne3A_1288 = arith.cmpi ne, %rem3A_1286, %ne3A_1287 : i32
      %and3A_1289 = arith.andi %ne3A_1285, %ne3A_1288 : i1
      %sub3A_1290 = arith.constant 1 : i32
      %sub3A_1291 = arith.subi %div3A_1270, %sub3A_1290 : i32
      %select_n3A_1292 = arith.select %and3A_1289, %sub3A_1291, %div3A_1270 : i32
      %mul3A_1293 = arith.constant 4 : i32
      %mul3A_1294 = arith.muli %select_n3A_1292, %mul3A_1293 : i32
      %jit3A_1295 = arith.constant 4 : i32
      %eq3A_1296 = arith.constant 0 : i32
      %eq3A_1297 = arith.cmpi eq, %jit3A_1295, %eq3A_1296 : i32
      %jit3A_1298 = arith.constant 1 : i32
      %select_n3A_1299 = arith.select %eq3A_1297, %jit3A_1298, %jit3A_1295 : i32
      %rem3A_1300 = vector.broadcast %select_n3A_1299 : i32 to vector<16xi32>
      %rem3A_1301 = arith.remsi %iota3A, %rem3A_1300 : vector<16xi32>
      %ne3A_1302 = arith.constant 0 : i32
      %ne3A_1303 = vector.broadcast %ne3A_1302 : i32 to vector<16xi32>
      %ne3A_1304 = arith.cmpi ne, %rem3A_1301, %ne3A_1303 : vector<16xi32>
      %lt3A_1305 = arith.constant 0 : i32
      %lt3A_1306 = vector.broadcast %lt3A_1305 : i32 to vector<16xi32>
      %lt3A_1307 = arith.cmpi slt, %rem3A_1301, %lt3A_1306 : vector<16xi32>
      %lt3A_1308 = arith.constant 0 : i32
      %lt3A_1309 = arith.cmpi slt, %select_n3A_1299, %lt3A_1308 : i32
      %ne3A_1310 = vector.broadcast %lt3A_1309 : i1 to vector<16xi1>
      %ne3A_1311 = vector.broadcast %ne3A_1310 : vector<16xi1> to vector<16xi1>
      %ne3A_1312 = arith.xori %lt3A_1307, %ne3A_1311 : vector<16xi1>
      %and3A_1313 = arith.andi %ne3A_1312, %ne3A_1304 : vector<16xi1>
      %add3A_1314 = vector.broadcast %select_n3A_1299 : i32 to vector<16xi32>
      %add3A_1315 = arith.addi %rem3A_1301, %add3A_1314 : vector<16xi32>
      %select_n3A_1316 = arith.select %and3A_1313, %add3A_1315, %rem3A_1301 : vector<16xi1>, vector<16xi32>
      %add3A_1317 = vector.broadcast %mul3A_1294 : i32 to vector<16xi32>
      %add3A_1318 = arith.addi %add3A_1317, %select_n3A_1316 : vector<16xi32>
      %get3A_1319 = arith.constant 6 : i32
      %get3A_1320 = arith.index_cast %get3A_1319 : i32 to index
      %get3A_1321 = arith.constant 0 : index
      %get3A_1322 = tpu.vector_load %arg13[%get3A_1320, %get3A_1321] {strides = array<i32>} : memref<8x16xi32, #tpu.memory_space<vmem>>, vector<16xi32>,
      %mul3A_1323 = arith.constant 8192 : i32
      %mul3A_1324 = arith.muli %select_n3A, %mul3A_1323 : i32
      %add3A_1325 = vector.broadcast %mul3A_1324 : i32 to vector<16xi32>
      %add3A_1326 = arith.addi %get3A_1322, %add3A_1325 : vector<16xi32>
      tpu.vector_store_idx %arg14[%add3A_1268, %add3A_1318], %add3A_1326 : memref<512x8xi32, #tpu.memory_space<vmem>>[vector<16xi32>, vector<16xi32>], vector<16xi32>,
      %mul3A_1327 = arith.constant 8 : i32
      %mul3A_1328 = arith.muli %scan3A_72, %mul3A_1327 : i32
      %add3A_1329 = arith.constant 7 : i32
      %add3A_1330 = arith.addi %mul3A_1328, %add3A_1329 : i32
      %mul3A_1331 = arith.constant 4 : i32
      %mul3A_1332 = arith.muli %add3A_1330, %mul3A_1331 : i32
      %jit3A_1333 = arith.constant 512 : i32
      %eq3A_1334 = arith.constant 0 : i32
      %eq3A_1335 = arith.cmpi eq, %jit3A_1333, %eq3A_1334 : i32
      %jit3A_1336 = arith.constant 1 : i32
      %select_n3A_1337 = arith.select %eq3A_1335, %jit3A_1336, %jit3A_1333 : i32
      %rem3A_1338 = arith.remsi %mul3A_1332, %select_n3A_1337 : i32
      %ne3A_1339 = arith.constant 0 : i32
      %ne3A_1340 = arith.cmpi ne, %rem3A_1338, %ne3A_1339 : i32
      %lt3A_1341 = arith.constant 0 : i32
      %lt3A_1342 = arith.cmpi slt, %rem3A_1338, %lt3A_1341 : i32
      %lt3A_1343 = arith.constant 0 : i32
      %lt3A_1344 = arith.cmpi slt, %select_n3A_1337, %lt3A_1343 : i32
      %ne3A_1345 = arith.xori %lt3A_1342, %lt3A_1344 : i1
      %and3A_1346 = arith.andi %ne3A_1345, %ne3A_1340 : i1
      %add3A_1347 = arith.addi %rem3A_1338, %select_n3A_1337 : i32
      %select_n3A_1348 = arith.select %and3A_1346, %add3A_1347, %rem3A_1338 : i32
      %jit3A_1349 = arith.constant 4 : i32
      %div3A_1350 = vector.broadcast %jit3A_1349 : i32 to vector<16xi32>
      %div3A_1351 = arith.divsi %iota3A, %div3A_1350 : vector<16xi32>
      %sign3A_1352 = arith.constant 0 : i32
      %sign3A_1353 = vector.broadcast %sign3A_1352 : i32 to vector<16xi32>
      %sign3A_1354 = arith.cmpi sgt, %iota3A, %sign3A_1353 : vector<16xi32>
      %sign3A_1355 = arith.extui %sign3A_1354 : vector<16xi1> to vector<16xi32>
      %sign3A_1356 = arith.constant 0 : i32
      %sign3A_1357 = vector.broadcast %sign3A_1356 : i32 to vector<16xi32>
      %sign3A_1358 = arith.cmpi slt, %iota3A, %sign3A_1357 : vector<16xi32>
      %sign3A_1359 = arith.extui %sign3A_1358 : vector<16xi1> to vector<16xi32>
      %sign3A_1360 = arith.subi %sign3A_1355, %sign3A_1359 : vector<16xi32>
      %sign3A_1361 = arith.constant 0 : i32
      %sign3A_1362 = arith.cmpi sgt, %jit3A_1349, %sign3A_1361 : i32
      %sign3A_1363 = arith.extui %sign3A_1362 : i1 to i32
      %sign3A_1364 = arith.constant 0 : i32
      %sign3A_1365 = arith.cmpi slt, %jit3A_1349, %sign3A_1364 : i32
      %sign3A_1366 = arith.extui %sign3A_1365 : i1 to i32
      %sign3A_1367 = arith.subi %sign3A_1363, %sign3A_1366 : i32
      %ne3A_1368 = vector.broadcast %sign3A_1367 : i32 to vector<16xi32>
      %ne3A_1369 = arith.cmpi ne, %sign3A_1360, %ne3A_1368 : vector<16xi32>
      %rem3A_1370 = vector.broadcast %jit3A_1349 : i32 to vector<16xi32>
      %rem3A_1371 = arith.remsi %iota3A, %rem3A_1370 : vector<16xi32>
      %ne3A_1372 = arith.constant 0 : i32
      %ne3A_1373 = vector.broadcast %ne3A_1372 : i32 to vector<16xi32>
      %ne3A_1374 = arith.cmpi ne, %rem3A_1371, %ne3A_1373 : vector<16xi32>
      %and3A_1375 = arith.andi %ne3A_1369, %ne3A_1374 : vector<16xi1>
      %sub3A_1376 = arith.constant 1 : i32
      %sub3A_1377 = vector.broadcast %sub3A_1376 : i32 to vector<16xi32>
      %sub3A_1378 = arith.subi %div3A_1351, %sub3A_1377 : vector<16xi32>
      %select_n3A_1379 = arith.select %and3A_1375, %sub3A_1378, %div3A_1351 : vector<16xi1>, vector<16xi32>
      %add3A_1380 = vector.broadcast %select_n3A_1348 : i32 to vector<16xi32>
      %add3A_1381 = arith.addi %add3A_1380, %select_n3A_1379 : vector<16xi32>
      %jit3A_1382 = arith.constant 128 : i32
      %div3A_1383 = arith.divsi %add3A_1330, %jit3A_1382 : i32
      %sign3A_1384 = arith.constant 0 : i32
      %sign3A_1385 = arith.cmpi sgt, %add3A_1330, %sign3A_1384 : i32
      %sign3A_1386 = arith.extui %sign3A_1385 : i1 to i32
      %sign3A_1387 = arith.constant 0 : i32
      %sign3A_1388 = arith.cmpi slt, %add3A_1330, %sign3A_1387 : i32
      %sign3A_1389 = arith.extui %sign3A_1388 : i1 to i32
      %sign3A_1390 = arith.subi %sign3A_1386, %sign3A_1389 : i32
      %sign3A_1391 = arith.constant 0 : i32
      %sign3A_1392 = arith.cmpi sgt, %jit3A_1382, %sign3A_1391 : i32
      %sign3A_1393 = arith.extui %sign3A_1392 : i1 to i32
      %sign3A_1394 = arith.constant 0 : i32
      %sign3A_1395 = arith.cmpi slt, %jit3A_1382, %sign3A_1394 : i32
      %sign3A_1396 = arith.extui %sign3A_1395 : i1 to i32
      %sign3A_1397 = arith.subi %sign3A_1393, %sign3A_1396 : i32
      %ne3A_1398 = arith.cmpi ne, %sign3A_1390, %sign3A_1397 : i32
      %rem3A_1399 = arith.remsi %add3A_1330, %jit3A_1382 : i32
      %ne3A_1400 = arith.constant 0 : i32
      %ne3A_1401 = arith.cmpi ne, %rem3A_1399, %ne3A_1400 : i32
      %and3A_1402 = arith.andi %ne3A_1398, %ne3A_1401 : i1
      %sub3A_1403 = arith.constant 1 : i32
      %sub3A_1404 = arith.subi %div3A_1383, %sub3A_1403 : i32
      %select_n3A_1405 = arith.select %and3A_1402, %sub3A_1404, %div3A_1383 : i32
      %mul3A_1406 = arith.constant 4 : i32
      %mul3A_1407 = arith.muli %select_n3A_1405, %mul3A_1406 : i32
      %jit3A_1408 = arith.constant 4 : i32
      %eq3A_1409 = arith.constant 0 : i32
      %eq3A_1410 = arith.cmpi eq, %jit3A_1408, %eq3A_1409 : i32
      %jit3A_1411 = arith.constant 1 : i32
      %select_n3A_1412 = arith.select %eq3A_1410, %jit3A_1411, %jit3A_1408 : i32
      %rem3A_1413 = vector.broadcast %select_n3A_1412 : i32 to vector<16xi32>
      %rem3A_1414 = arith.remsi %iota3A, %rem3A_1413 : vector<16xi32>
      %ne3A_1415 = arith.constant 0 : i32
      %ne3A_1416 = vector.broadcast %ne3A_1415 : i32 to vector<16xi32>
      %ne3A_1417 = arith.cmpi ne, %rem3A_1414, %ne3A_1416 : vector<16xi32>
      %lt3A_1418 = arith.constant 0 : i32
      %lt3A_1419 = vector.broadcast %lt3A_1418 : i32 to vector<16xi32>
      %lt3A_1420 = arith.cmpi slt, %rem3A_1414, %lt3A_1419 : vector<16xi32>
      %lt3A_1421 = arith.constant 0 : i32
      %lt3A_1422 = arith.cmpi slt, %select_n3A_1412, %lt3A_1421 : i32
      %ne3A_1423 = vector.broadcast %lt3A_1422 : i1 to vector<16xi1>
      %ne3A_1424 = vector.broadcast %ne3A_1423 : vector<16xi1> to vector<16xi1>
      %ne3A_1425 = arith.xori %lt3A_1420, %ne3A_1424 : vector<16xi1>
      %and3A_1426 = arith.andi %ne3A_1425, %ne3A_1417 : vector<16xi1>
      %add3A_1427 = vector.broadcast %select_n3A_1412 : i32 to vector<16xi32>
      %add3A_1428 = arith.addi %rem3A_1414, %add3A_1427 : vector<16xi32>
      %select_n3A_1429 = arith.select %and3A_1426, %add3A_1428, %rem3A_1414 : vector<16xi1>, vector<16xi32>
      %add3A_1430 = vector.broadcast %mul3A_1407 : i32 to vector<16xi32>
      %add3A_1431 = arith.addi %add3A_1430, %select_n3A_1429 : vector<16xi32>
      %get3A_1432 = arith.constant 7 : i32
      %get3A_1433 = arith.index_cast %get3A_1432 : i32 to index
      %get3A_1434 = arith.constant 0 : index
      %get3A_1435 = tpu.vector_load %arg13[%get3A_1433, %get3A_1434] {strides = array<i32>} : memref<8x16xi32, #tpu.memory_space<vmem>>, vector<16xi32>,
      %mul3A_1436 = arith.constant 8192 : i32
      %mul3A_1437 = arith.muli %select_n3A, %mul3A_1436 : i32
      %add3A_1438 = vector.broadcast %mul3A_1437 : i32 to vector<16xi32>
      %add3A_1439 = arith.addi %get3A_1435, %add3A_1438 : vector<16xi32>
      tpu.vector_store_idx %arg14[%add3A_1381, %add3A_1431], %add3A_1439 : memref<512x8xi32, #tpu.memory_space<vmem>>[vector<16xi32>, vector<16xi32>], vector<16xi32>,
    }
    %scan3A_53 = arith.constant 32 : i32
    %jit3A_54 = arith.constant 8 : i32
    %eq3A_55 = arith.constant 0 : i32
    %eq3A_56 = arith.cmpi eq, %jit3A_54, %eq3A_55 : i32
    %jit3A_57 = arith.constant 1 : i32
    %select_n3A_58 = arith.select %eq3A_56, %jit3A_57, %jit3A_54 : i32
    %rem3A_59 = arith.remsi %add3A, %select_n3A_58 : i32
    %ne3A_60 = arith.constant 0 : i32
    %ne3A_61 = arith.cmpi ne, %rem3A_59, %ne3A_60 : i32
    %lt3A_62 = arith.constant 0 : i32
    %lt3A_63 = arith.cmpi slt, %rem3A_59, %lt3A_62 : i32
    %lt3A_64 = arith.constant 0 : i32
    %lt3A_65 = arith.cmpi slt, %select_n3A_58, %lt3A_64 : i32
    %ne3A_66 = arith.xori %lt3A_63, %lt3A_65 : i1
    %and3A_67 = arith.andi %ne3A_66, %ne3A_61 : i1
    %add3A_68 = arith.addi %rem3A_59, %select_n3A_58 : i32
    %select_n3A_69 = arith.select %and3A_67, %add3A_68, %rem3A_59 : i32
    %mul3A_70 = arith.constant 8 : i32
    %mul3A_71 = arith.muli %select_n3A_69, %mul3A_70 : i32
    "tpu.region"() ({
      %run_scoped3A = tpu.sem_alloc : memref<!tpu.dma_semaphore, #tpu.memory_space<semaphore_mem>>
      %dma_start3A = arith.constant 0 : i32
      %dma_start3A_72 = tpu.memref_slice %arg6[%select_n3A, %dma_start3A, %mul3A_71] : memref<4x512x64xi32, #tpu.memory_space<hbm>> -> memref<1x512x8xi32, #tpu.memory_space<hbm>>
      %dma_start3A_73 = tpu.memref_squeeze %dma_start3A_72 : memref<1x512x8xi32, #tpu.memory_space<hbm>> -> memref<512x8xi32, #tpu.memory_space<hbm>>
      %dma_start3A_74 = arith.constant 0 : i32
      %dma_start3A_75 = tpu.memref_slice %arg6[%select_n3A, %dma_start3A_74, %mul3A_71] : memref<4x512x64xi32, #tpu.memory_space<hbm>> -> memref<1x512x8xi32, #tpu.memory_space<hbm>>
      %dma_start3A_76 = tpu.memref_squeeze %dma_start3A_75 : memref<1x512x8xi32, #tpu.memory_space<hbm>> -> memref<512x8xi32, #tpu.memory_space<hbm>>
      tpu.enqueue_dma source(%arg14 : memref<512x8xi32, #tpu.memory_space<vmem>>) target(%dma_start3A_76 : memref<512x8xi32, #tpu.memory_space<hbm>>) target_semaphore(%run_scoped3A : memref<!tpu.dma_semaphore, #tpu.memory_space<semaphore_mem>>)
      %dma_wait3A = arith.constant 0 : i32
      %dma_wait3A_77 = tpu.memref_slice %arg6[%select_n3A, %dma_wait3A, %mul3A_71] : memref<4x512x64xi32, #tpu.memory_space<hbm>> -> memref<1x512x8xi32, #tpu.memory_space<hbm>>
      %dma_wait3A_78 = tpu.memref_squeeze %dma_wait3A_77 : memref<1x512x8xi32, #tpu.memory_space<hbm>> -> memref<512x8xi32, #tpu.memory_space<hbm>>
      %dma_wait3A_79 = arith.constant 0 : i32
      %dma_wait3A_80 = tpu.memref_slice %arg6[%select_n3A, %dma_wait3A_79, %mul3A_71] : memref<4x512x64xi32, #tpu.memory_space<hbm>> -> memref<1x512x8xi32, #tpu.memory_space<hbm>>
      %dma_wait3A_81 = tpu.memref_squeeze %dma_wait3A_80 : memref<1x512x8xi32, #tpu.memory_space<hbm>> -> memref<512x8xi32, #tpu.memory_space<hbm>>
      tpu.wait_dma2 semaphore(%run_scoped3A : memref<!tpu.dma_semaphore, #tpu.memory_space<semaphore_mem>>) src(%arg14 : memref<512x8xi32, #tpu.memory_space<vmem>>) dst(%dma_wait3A_81 : memref<512x8xi32, #tpu.memory_space<hbm>>)
      tpu.yield
    }) : () -> ()
    return
  }
}

#map = affine_map<(d0, d1) -> (0, 0)>
#map1 = affine_map<(d0, d1) -> (0, 0, 0)>
#map2 = affine_map<(d0, d1) -> (0, 0, 0, 0)>
module attributes {stable_mosaic.version = 14 : i64} {
  func.func @_edge_body(%arg0: i32, %arg1: i32, %arg2: memref<32768x256xf32, #tpu.memory_space<hbm>>, %arg3: memref<4x2048x256xf32, #tpu.memory_space<hbm>>, %arg4: memref<4x512x64xi32, #tpu.memory_space<hbm>>, %arg5: memref<4x512x2048x16xf32, #tpu.memory_space<hbm>>, %arg6: memref<64xi32, #tpu.memory_space<vmem>>, %arg7: memref<64xi32, #tpu.memory_space<vmem>>, %arg8: memref<64x256xf32, #tpu.memory_space<vmem>>, %arg9: memref<64x256xf32, #tpu.memory_space<vmem>>, %arg10: memref<4x256xf32, #tpu.memory_space<vmem>>, %arg11: memref<512x4x16xf32, #tpu.memory_space<vmem>>, %arg12: memref<512x4x16xf32, #tpu.memory_space<vmem>>, %arg13: memref<!tpu.dma_semaphore, #tpu.memory_space<semaphore_mem>>, %arg14: memref<!tpu.dma_semaphore, #tpu.memory_space<semaphore_mem>>, %arg15: memref<!tpu.dma_semaphore, #tpu.memory_space<semaphore_mem>>, %arg16: memref<!tpu.dma_semaphore, #tpu.memory_space<semaphore_mem>>) attributes {dimension_semantics = [#tpu.dimension_semantics<core_parallel>, #tpu.dimension_semantics<subcore_parallel>], iteration_bounds = array<i64: 2, 16>, scalar_prefetch = 0 : i64, scratch_operands = 11 : i64, tpu.core_type = #tpu.core_type<sc_vector_subcore>, window_params = [{transform_indices = #map}, {transform_indices = #map1}, {transform_indices = #map1}, {transform_indices = #map2}]} {
    %mul3A = arith.constant 16 : i32
    %mul3A_0 = arith.muli %arg0, %mul3A : i32
    %add3A = arith.addi %mul3A_0, %arg1 : i32
    %jit3A = arith.constant 8 : i32
    %div3A = arith.divsi %add3A, %jit3A : i32
    %sign3A = arith.constant 0 : i32
    %sign3A_1 = arith.cmpi sgt, %add3A, %sign3A : i32
    %sign3A_2 = arith.extui %sign3A_1 : i1 to i32
    %sign3A_3 = arith.constant 0 : i32
    %sign3A_4 = arith.cmpi slt, %add3A, %sign3A_3 : i32
    %sign3A_5 = arith.extui %sign3A_4 : i1 to i32
    %sign3A_6 = arith.subi %sign3A_2, %sign3A_5 : i32
    %sign3A_7 = arith.constant 0 : i32
    %sign3A_8 = arith.cmpi sgt, %jit3A, %sign3A_7 : i32
    %sign3A_9 = arith.extui %sign3A_8 : i1 to i32
    %sign3A_10 = arith.constant 0 : i32
    %sign3A_11 = arith.cmpi slt, %jit3A, %sign3A_10 : i32
    %sign3A_12 = arith.extui %sign3A_11 : i1 to i32
    %sign3A_13 = arith.subi %sign3A_9, %sign3A_12 : i32
    %ne3A = arith.cmpi ne, %sign3A_6, %sign3A_13 : i32
    %rem3A = arith.remsi %add3A, %jit3A : i32
    %ne3A_14 = arith.constant 0 : i32
    %ne3A_15 = arith.cmpi ne, %rem3A, %ne3A_14 : i32
    %and3A = arith.andi %ne3A, %ne3A_15 : i1
    %sub3A = arith.constant 1 : i32
    %sub3A_16 = arith.subi %div3A, %sub3A : i32
    %select_n3A = arith.select %and3A, %sub3A_16, %div3A : i32
    %jit3A_17 = arith.constant 8 : i32
    %eq3A = arith.constant 0 : i32
    %eq3A_18 = arith.cmpi eq, %jit3A_17, %eq3A : i32
    %jit3A_19 = arith.constant 1 : i32
    %select_n3A_20 = arith.select %eq3A_18, %jit3A_19, %jit3A_17 : i32
    %rem3A_21 = arith.remsi %add3A, %select_n3A_20 : i32
    %ne3A_22 = arith.constant 0 : i32
    %ne3A_23 = arith.cmpi ne, %rem3A_21, %ne3A_22 : i32
    %lt3A = arith.constant 0 : i32
    %lt3A_24 = arith.cmpi slt, %rem3A_21, %lt3A : i32
    %lt3A_25 = arith.constant 0 : i32
    %lt3A_26 = arith.cmpi slt, %select_n3A_20, %lt3A_25 : i32
    %ne3A_27 = arith.xori %lt3A_24, %lt3A_26 : i1
    %and3A_28 = arith.andi %ne3A_27, %ne3A_23 : i1
    %add3A_29 = arith.addi %rem3A_21, %select_n3A_20 : i32
    %select_n3A_30 = arith.select %and3A_28, %add3A_29, %rem3A_21 : i32
    %mul3A_31 = arith.constant 256 : i32
    %mul3A_32 = arith.muli %select_n3A_30, %mul3A_31 : i32
    %jit3A_33 = arith.constant 8 : i32
    %eq3A_34 = arith.constant 0 : i32
    %eq3A_35 = arith.cmpi eq, %jit3A_33, %eq3A_34 : i32
    %jit3A_36 = arith.constant 1 : i32
    %select_n3A_37 = arith.select %eq3A_35, %jit3A_36, %jit3A_33 : i32
    %rem3A_38 = arith.remsi %add3A, %select_n3A_37 : i32
    %ne3A_39 = arith.constant 0 : i32
    %ne3A_40 = arith.cmpi ne, %rem3A_38, %ne3A_39 : i32
    %lt3A_41 = arith.constant 0 : i32
    %lt3A_42 = arith.cmpi slt, %rem3A_38, %lt3A_41 : i32
    %lt3A_43 = arith.constant 0 : i32
    %lt3A_44 = arith.cmpi slt, %select_n3A_37, %lt3A_43 : i32
    %ne3A_45 = arith.xori %lt3A_42, %lt3A_44 : i1
    %and3A_46 = arith.andi %ne3A_45, %ne3A_40 : i1
    %add3A_47 = arith.addi %rem3A_38, %select_n3A_37 : i32
    %select_n3A_48 = arith.select %and3A_46, %add3A_47, %rem3A_38 : i32
    %iota3A = tpu.iota {dimensions = array<i32: 0>} : vector<16xi32>
    %mul3A_49 = arith.constant 64 : i32
    %mul3A_50 = arith.muli %select_n3A_48, %mul3A_49 : i32
    "tpu.region"() ({
      %run_scoped3A = tpu.sem_alloc : memref<!tpu.dma_semaphore, #tpu.memory_space<semaphore_mem>>
      %dma_start3A_77 = arith.constant 0 : i32
      %dma_start3A_78 = tpu.memref_slice %arg4[%select_n3A, %mul3A_50, %dma_start3A_77] : memref<4x512x64xi32, #tpu.memory_space<hbm>> -> memref<1x1x64xi32, #tpu.memory_space<hbm>>
      %dma_start3A_79 = tpu.memref_squeeze %dma_start3A_78 : memref<1x1x64xi32, #tpu.memory_space<hbm>> -> memref<64xi32, #tpu.memory_space<hbm>>
      %dma_start3A_80 = arith.constant 0 : i32
      %dma_start3A_81 = tpu.memref_slice %arg4[%select_n3A, %mul3A_50, %dma_start3A_80] : memref<4x512x64xi32, #tpu.memory_space<hbm>> -> memref<1x1x64xi32, #tpu.memory_space<hbm>>
      %dma_start3A_82 = tpu.memref_squeeze %dma_start3A_81 : memref<1x1x64xi32, #tpu.memory_space<hbm>> -> memref<64xi32, #tpu.memory_space<hbm>>
      tpu.enqueue_dma source(%dma_start3A_82 : memref<64xi32, #tpu.memory_space<hbm>>) target(%arg6 : memref<64xi32, #tpu.memory_space<vmem>>) target_semaphore(%run_scoped3A : memref<!tpu.dma_semaphore, #tpu.memory_space<semaphore_mem>>)
      %dma_wait3A_83 = arith.constant 0 : i32
      %dma_wait3A_84 = tpu.memref_slice %arg4[%select_n3A, %mul3A_50, %dma_wait3A_83] : memref<4x512x64xi32, #tpu.memory_space<hbm>> -> memref<1x1x64xi32, #tpu.memory_space<hbm>>
      %dma_wait3A_85 = tpu.memref_squeeze %dma_wait3A_84 : memref<1x1x64xi32, #tpu.memory_space<hbm>> -> memref<64xi32, #tpu.memory_space<hbm>>
      %dma_wait3A_86 = arith.constant 0 : i32
      %dma_wait3A_87 = tpu.memref_slice %arg4[%select_n3A, %mul3A_50, %dma_wait3A_86] : memref<4x512x64xi32, #tpu.memory_space<hbm>> -> memref<1x1x64xi32, #tpu.memory_space<hbm>>
      %dma_wait3A_88 = tpu.memref_squeeze %dma_wait3A_87 : memref<1x1x64xi32, #tpu.memory_space<hbm>> -> memref<64xi32, #tpu.memory_space<hbm>>
      tpu.wait_dma2 semaphore(%run_scoped3A : memref<!tpu.dma_semaphore, #tpu.memory_space<semaphore_mem>>) src(%dma_wait3A_88 : memref<64xi32, #tpu.memory_space<hbm>>) dst(%arg6 : memref<64xi32, #tpu.memory_space<vmem>>)
      tpu.yield
    }) : () -> ()
    %dma_start3A = arith.constant 0 : i32
    %dma_start3A_51 = arith.constant 0 : i32
    %dma_start3A_52 = tpu.memref_slice %arg2[%dma_start3A, %dma_start3A_51] : memref<32768x256xf32, #tpu.memory_space<hbm>> -> memref<32768x256xf32, #tpu.memory_space<hbm>>
    tpu.enqueue_indirect_dma source(%dma_start3A_52 : memref<32768x256xf32, #tpu.memory_space<hbm>>) target(%arg8 : memref<64x256xf32, #tpu.memory_space<vmem>>) offsets(%arg6 : memref<64xi32, #tpu.memory_space<vmem>>) semaphore(%arg13 : memref<!tpu.dma_semaphore, #tpu.memory_space<semaphore_mem>>)
    %scan3A = arith.constant 0 : i32
    %scan3A_53 = arith.constant 0 : i32
    %scan3A_54 = arith.constant 32 : i32
    %scan3A_55 = arith.addi %scan3A_53, %scan3A_54 : i32
    %scan3A_56 = arith.constant 1 : i32
    scf.for %scan3A_77 = %scan3A_53 to %scan3A_55 step %scan3A_56  : i32 {
      %mul3A_78 = arith.constant 2 : i32
      %mul3A_79 = arith.muli %scan3A_77, %mul3A_78 : i32
      %add3A_80 = arith.constant 0 : i32
      %add3A_81 = arith.addi %mul3A_79, %add3A_80 : i32
      %mul3A_82 = arith.constant 4 : i32
      %mul3A_83 = arith.muli %add3A_81, %mul3A_82 : i32
      %add3A_84 = arith.addi %mul3A_32, %mul3A_83 : i32
      %add3A_85 = arith.constant 1 : i32
      %add3A_86 = arith.addi %add3A_81, %add3A_85 : i32
      %lt3A_87 = arith.constant 64 : i32
      %lt3A_88 = arith.cmpi slt, %add3A_86, %lt3A_87 : i32
      %convert_element_type3A = arith.extui %lt3A_88 : i1 to i32
      %cond3A = arith.constant 0 : i32
      %cond3A_89 = arith.cmpi ne, %convert_element_type3A, %cond3A : i32
      scf.if %cond3A_89 {
        %mul3A_147 = arith.constant 64 : i32
        %mul3A_148 = arith.muli %select_n3A_48, %mul3A_147 : i32
        %add3A_149 = arith.addi %mul3A_148, %add3A_81 : i32
        %add3A_150 = arith.constant 1 : i32
        %add3A_151 = arith.addi %add3A_149, %add3A_150 : i32
        "tpu.region"() ({
          %run_scoped3A = tpu.sem_alloc : memref<!tpu.dma_semaphore, #tpu.memory_space<semaphore_mem>>
          %dma_start3A_155 = arith.constant 0 : i32
          %dma_start3A_156 = tpu.memref_slice %arg4[%select_n3A, %add3A_151, %dma_start3A_155] : memref<4x512x64xi32, #tpu.memory_space<hbm>> -> memref<1x1x64xi32, #tpu.memory_space<hbm>>
          %dma_start3A_157 = tpu.memref_squeeze %dma_start3A_156 : memref<1x1x64xi32, #tpu.memory_space<hbm>> -> memref<64xi32, #tpu.memory_space<hbm>>
          %dma_start3A_158 = arith.constant 0 : i32
          %dma_start3A_159 = tpu.memref_slice %arg4[%select_n3A, %add3A_151, %dma_start3A_158] : memref<4x512x64xi32, #tpu.memory_space<hbm>> -> memref<1x1x64xi32, #tpu.memory_space<hbm>>
          %dma_start3A_160 = tpu.memref_squeeze %dma_start3A_159 : memref<1x1x64xi32, #tpu.memory_space<hbm>> -> memref<64xi32, #tpu.memory_space<hbm>>
          tpu.enqueue_dma source(%dma_start3A_160 : memref<64xi32, #tpu.memory_space<hbm>>) target(%arg7 : memref<64xi32, #tpu.memory_space<vmem>>) target_semaphore(%run_scoped3A : memref<!tpu.dma_semaphore, #tpu.memory_space<semaphore_mem>>)
          %dma_wait3A_161 = arith.constant 0 : i32
          %dma_wait3A_162 = tpu.memref_slice %arg4[%select_n3A, %add3A_151, %dma_wait3A_161] : memref<4x512x64xi32, #tpu.memory_space<hbm>> -> memref<1x1x64xi32, #tpu.memory_space<hbm>>
          %dma_wait3A_163 = tpu.memref_squeeze %dma_wait3A_162 : memref<1x1x64xi32, #tpu.memory_space<hbm>> -> memref<64xi32, #tpu.memory_space<hbm>>
          %dma_wait3A_164 = arith.constant 0 : i32
          %dma_wait3A_165 = tpu.memref_slice %arg4[%select_n3A, %add3A_151, %dma_wait3A_164] : memref<4x512x64xi32, #tpu.memory_space<hbm>> -> memref<1x1x64xi32, #tpu.memory_space<hbm>>
          %dma_wait3A_166 = tpu.memref_squeeze %dma_wait3A_165 : memref<1x1x64xi32, #tpu.memory_space<hbm>> -> memref<64xi32, #tpu.memory_space<hbm>>
          tpu.wait_dma2 semaphore(%run_scoped3A : memref<!tpu.dma_semaphore, #tpu.memory_space<semaphore_mem>>) src(%dma_wait3A_166 : memref<64xi32, #tpu.memory_space<hbm>>) dst(%arg7 : memref<64xi32, #tpu.memory_space<vmem>>)
          tpu.yield
        }) : () -> ()
        %dma_start3A_152 = arith.constant 0 : i32
        %dma_start3A_153 = arith.constant 0 : i32
        %dma_start3A_154 = tpu.memref_slice %arg2[%dma_start3A_152, %dma_start3A_153] : memref<32768x256xf32, #tpu.memory_space<hbm>> -> memref<32768x256xf32, #tpu.memory_space<hbm>>
        tpu.enqueue_indirect_dma source(%dma_start3A_154 : memref<32768x256xf32, #tpu.memory_space<hbm>>) target(%arg9 : memref<64x256xf32, #tpu.memory_space<vmem>>) offsets(%arg7 : memref<64xi32, #tpu.memory_space<vmem>>) semaphore(%arg14 : memref<!tpu.dma_semaphore, #tpu.memory_space<semaphore_mem>>)
      } else {
      }
      "tpu.region"() ({
        %run_scoped3A = tpu.sem_alloc : memref<!tpu.dma_semaphore, #tpu.memory_space<semaphore_mem>>
        %dma_start3A_147 = arith.constant 0 : i32
        %dma_start3A_148 = tpu.memref_slice %arg3[%select_n3A, %add3A_84, %dma_start3A_147] : memref<4x2048x256xf32, #tpu.memory_space<hbm>> -> memref<1x4x256xf32, #tpu.memory_space<hbm>>
        %dma_start3A_149 = tpu.memref_squeeze %dma_start3A_148 : memref<1x4x256xf32, #tpu.memory_space<hbm>> -> memref<4x256xf32, #tpu.memory_space<hbm>>
        %dma_start3A_150 = arith.constant 0 : i32
        %dma_start3A_151 = tpu.memref_slice %arg3[%select_n3A, %add3A_84, %dma_start3A_150] : memref<4x2048x256xf32, #tpu.memory_space<hbm>> -> memref<1x4x256xf32, #tpu.memory_space<hbm>>
        %dma_start3A_152 = tpu.memref_squeeze %dma_start3A_151 : memref<1x4x256xf32, #tpu.memory_space<hbm>> -> memref<4x256xf32, #tpu.memory_space<hbm>>
        tpu.enqueue_dma source(%dma_start3A_152 : memref<4x256xf32, #tpu.memory_space<hbm>>) target(%arg10 : memref<4x256xf32, #tpu.memory_space<vmem>>) target_semaphore(%run_scoped3A : memref<!tpu.dma_semaphore, #tpu.memory_space<semaphore_mem>>)
        %dma_wait3A_153 = arith.constant 0 : i32
        %dma_wait3A_154 = tpu.memref_slice %arg3[%select_n3A, %add3A_84, %dma_wait3A_153] : memref<4x2048x256xf32, #tpu.memory_space<hbm>> -> memref<1x4x256xf32, #tpu.memory_space<hbm>>
        %dma_wait3A_155 = tpu.memref_squeeze %dma_wait3A_154 : memref<1x4x256xf32, #tpu.memory_space<hbm>> -> memref<4x256xf32, #tpu.memory_space<hbm>>
        %dma_wait3A_156 = arith.constant 0 : i32
        %dma_wait3A_157 = tpu.memref_slice %arg3[%select_n3A, %add3A_84, %dma_wait3A_156] : memref<4x2048x256xf32, #tpu.memory_space<hbm>> -> memref<1x4x256xf32, #tpu.memory_space<hbm>>
        %dma_wait3A_158 = tpu.memref_squeeze %dma_wait3A_157 : memref<1x4x256xf32, #tpu.memory_space<hbm>> -> memref<4x256xf32, #tpu.memory_space<hbm>>
        tpu.wait_dma2 semaphore(%run_scoped3A : memref<!tpu.dma_semaphore, #tpu.memory_space<semaphore_mem>>) src(%dma_wait3A_158 : memref<4x256xf32, #tpu.memory_space<hbm>>) dst(%arg10 : memref<4x256xf32, #tpu.memory_space<vmem>>)
        tpu.yield
      }) : () -> ()
      %dma_wait3A_90 = arith.constant 0 : i32
      %dma_wait3A_91 = arith.constant 0 : i32
      %dma_wait3A_92 = tpu.memref_slice %arg2[%dma_wait3A_90, %dma_wait3A_91] : memref<32768x256xf32, #tpu.memory_space<hbm>> -> memref<32768x256xf32, #tpu.memory_space<hbm>>
      tpu.wait_indirect_dma semaphore(%arg13 : memref<!tpu.dma_semaphore, #tpu.memory_space<semaphore_mem>>) src(%dma_wait3A_92 : memref<32768x256xf32, #tpu.memory_space<hbm>>) dst(%arg8 : memref<64x256xf32, #tpu.memory_space<vmem>>)
      %ge3A = arith.constant 2 : i32
      %ge3A_93 = arith.cmpi sge, %add3A_81, %ge3A : i32
      %convert_element_type3A_94 = arith.extui %ge3A_93 : i1 to i32
      %cond3A_95 = arith.constant 0 : i32
      %cond3A_96 = arith.cmpi ne, %convert_element_type3A_94, %cond3A_95 : i32
      scf.if %cond3A_96 {
        %dma_wait3A_147 = arith.constant 0 : i32
        %dma_wait3A_148 = arith.constant 0 : i32
        %dma_wait3A_149 = tpu.memref_slice %arg5[%select_n3A, %dma_wait3A_147, %add3A_84, %dma_wait3A_148] : memref<4x512x2048x16xf32, #tpu.memory_space<hbm>> -> memref<1x512x4x16xf32, #tpu.memory_space<hbm>>
        %dma_wait3A_150 = tpu.memref_squeeze %dma_wait3A_149 : memref<1x512x4x16xf32, #tpu.memory_space<hbm>> -> memref<512x4x16xf32, #tpu.memory_space<hbm>>
        %dma_wait3A_151 = arith.constant 0 : i32
        %dma_wait3A_152 = arith.constant 0 : i32
        %dma_wait3A_153 = tpu.memref_slice %arg5[%select_n3A, %dma_wait3A_151, %add3A_84, %dma_wait3A_152] : memref<4x512x2048x16xf32, #tpu.memory_space<hbm>> -> memref<1x512x4x16xf32, #tpu.memory_space<hbm>>
        %dma_wait3A_154 = tpu.memref_squeeze %dma_wait3A_153 : memref<1x512x4x16xf32, #tpu.memory_space<hbm>> -> memref<512x4x16xf32, #tpu.memory_space<hbm>>
        tpu.wait_dma2 semaphore(%arg15 : memref<!tpu.dma_semaphore, #tpu.memory_space<semaphore_mem>>) src(%arg11 : memref<512x4x16xf32, #tpu.memory_space<vmem>>) dst(%dma_wait3A_154 : memref<512x4x16xf32, #tpu.memory_space<hbm>>)
      } else {
      }
      %scan3A_97 = arith.constant 0 : i32
      %scan3A_98 = arith.constant 0 : i32
      %scan3A_99 = arith.constant 64 : i32
      %scan3A_100 = arith.addi %scan3A_98, %scan3A_99 : i32
      %scan3A_101 = arith.constant 1 : i32
      scf.for %scan3A_147 = %scan3A_98 to %scan3A_100 step %scan3A_101  : i32 {
        %jit3A_148 = arith.constant 16 : i32
        %div3A_149 = arith.divsi %scan3A_147, %jit3A_148 : i32
        %sign3A_150 = arith.constant 0 : i32
        %sign3A_151 = arith.cmpi sgt, %scan3A_147, %sign3A_150 : i32
        %sign3A_152 = arith.extui %sign3A_151 : i1 to i32
        %sign3A_153 = arith.constant 0 : i32
        %sign3A_154 = arith.cmpi slt, %scan3A_147, %sign3A_153 : i32
        %sign3A_155 = arith.extui %sign3A_154 : i1 to i32
        %sign3A_156 = arith.subi %sign3A_152, %sign3A_155 : i32
        %sign3A_157 = arith.constant 0 : i32
        %sign3A_158 = arith.cmpi sgt, %jit3A_148, %sign3A_157 : i32
        %sign3A_159 = arith.extui %sign3A_158 : i1 to i32
        %sign3A_160 = arith.constant 0 : i32
        %sign3A_161 = arith.cmpi slt, %jit3A_148, %sign3A_160 : i32
        %sign3A_162 = arith.extui %sign3A_161 : i1 to i32
        %sign3A_163 = arith.subi %sign3A_159, %sign3A_162 : i32
        %ne3A_164 = arith.cmpi ne, %sign3A_156, %sign3A_163 : i32
        %rem3A_165 = arith.remsi %scan3A_147, %jit3A_148 : i32
        %ne3A_166 = arith.constant 0 : i32
        %ne3A_167 = arith.cmpi ne, %rem3A_165, %ne3A_166 : i32
        %and3A_168 = arith.andi %ne3A_164, %ne3A_167 : i1
        %sub3A_169 = arith.constant 1 : i32
        %sub3A_170 = arith.subi %div3A_149, %sub3A_169 : i32
        %select_n3A_171 = arith.select %and3A_168, %sub3A_170, %div3A_149 : i32
        %jit3A_172 = arith.constant 16 : i32
        %eq3A_173 = arith.constant 0 : i32
        %eq3A_174 = arith.cmpi eq, %jit3A_172, %eq3A_173 : i32
        %jit3A_175 = arith.constant 1 : i32
        %select_n3A_176 = arith.select %eq3A_174, %jit3A_175, %jit3A_172 : i32
        %rem3A_177 = arith.remsi %scan3A_147, %select_n3A_176 : i32
        %ne3A_178 = arith.constant 0 : i32
        %ne3A_179 = arith.cmpi ne, %rem3A_177, %ne3A_178 : i32
        %lt3A_180 = arith.constant 0 : i32
        %lt3A_181 = arith.cmpi slt, %rem3A_177, %lt3A_180 : i32
        %lt3A_182 = arith.constant 0 : i32
        %lt3A_183 = arith.cmpi slt, %select_n3A_176, %lt3A_182 : i32
        %ne3A_184 = arith.xori %lt3A_181, %lt3A_183 : i1
        %and3A_185 = arith.andi %ne3A_184, %ne3A_179 : i1
        %add3A_186 = arith.addi %rem3A_177, %select_n3A_176 : i32
        %select_n3A_187 = arith.select %and3A_185, %add3A_186, %rem3A_177 : i32
        %mul3A_188 = arith.constant 16 : i32
        %mul3A_189 = arith.muli %select_n3A_187, %mul3A_188 : i32
        %get3A = arith.index_cast %select_n3A_171 : i32 to index
        %get3A_190 = arith.index_cast %mul3A_189 : i32 to index
        %get3A_191 = tpu.vector_load %arg10[%get3A, %get3A_190] {strides = array<i32>} : memref<4x256xf32, #tpu.memory_space<vmem>>, vector<16xf32>,
        %add3A_192 = vector.broadcast %mul3A_189 : i32 to vector<16xi32>
        %add3A_193 = arith.addi %add3A_192, %iota3A : vector<16xi32>
        %broadcast_in_dim3A = vector.broadcast %select_n3A_171 : i32 to vector<16xi32>
        %add3A_194 = arith.constant 0 : i32
        %add3A_195 = arith.addi %add3A_194, %select_n3A_171 : i32
        %get3A_196 = arith.index_cast %add3A_195 : i32 to index
        %get3A_197 = arith.index_cast %mul3A_189 : i32 to index
        %get3A_198 = tpu.vector_load %arg8[%get3A_196, %get3A_197] {strides = array<i32>} : memref<64x256xf32, #tpu.memory_space<vmem>>, vector<16xf32>,
        %broadcast_in_dim3A_199 = arith.constant 0 : i32
        %broadcast_in_dim3A_200 = vector.broadcast %broadcast_in_dim3A_199 : i32 to vector<16xi32>
        %sub3A_201 = arith.subf %get3A_198, %get3A_191 : vector<16xf32>
        tpu.vector_store_idx %arg11[%add3A_193, %broadcast_in_dim3A, %broadcast_in_dim3A_200], %sub3A_201 : memref<512x4x16xf32, #tpu.memory_space<vmem>>[vector<16xi32>, vector<16xi32>, vector<16xi32>], vector<16xf32>,
        %add3A_202 = arith.constant 256 : i32
        %add3A_203 = vector.broadcast %add3A_202 : i32 to vector<16xi32>
        %add3A_204 = arith.addi %add3A_193, %add3A_203 : vector<16xi32>
        tpu.vector_store_idx %arg11[%add3A_204, %broadcast_in_dim3A, %broadcast_in_dim3A_200], %get3A_191 : memref<512x4x16xf32, #tpu.memory_space<vmem>>[vector<16xi32>, vector<16xi32>, vector<16xi32>], vector<16xf32>,
        %add3A_205 = arith.constant 4 : i32
        %add3A_206 = arith.addi %add3A_205, %select_n3A_171 : i32
        %get3A_207 = arith.index_cast %add3A_206 : i32 to index
        %get3A_208 = arith.index_cast %mul3A_189 : i32 to index
        %get3A_209 = tpu.vector_load %arg8[%get3A_207, %get3A_208] {strides = array<i32>} : memref<64x256xf32, #tpu.memory_space<vmem>>, vector<16xf32>,
        %broadcast_in_dim3A_210 = arith.constant 1 : i32
        %broadcast_in_dim3A_211 = vector.broadcast %broadcast_in_dim3A_210 : i32 to vector<16xi32>
        %sub3A_212 = arith.subf %get3A_209, %get3A_191 : vector<16xf32>
        tpu.vector_store_idx %arg11[%add3A_193, %broadcast_in_dim3A, %broadcast_in_dim3A_211], %sub3A_212 : memref<512x4x16xf32, #tpu.memory_space<vmem>>[vector<16xi32>, vector<16xi32>, vector<16xi32>], vector<16xf32>,
        %add3A_213 = arith.constant 256 : i32
        %add3A_214 = vector.broadcast %add3A_213 : i32 to vector<16xi32>
        %add3A_215 = arith.addi %add3A_193, %add3A_214 : vector<16xi32>
        tpu.vector_store_idx %arg11[%add3A_215, %broadcast_in_dim3A, %broadcast_in_dim3A_211], %get3A_191 : memref<512x4x16xf32, #tpu.memory_space<vmem>>[vector<16xi32>, vector<16xi32>, vector<16xi32>], vector<16xf32>,
        %add3A_216 = arith.constant 8 : i32
        %add3A_217 = arith.addi %add3A_216, %select_n3A_171 : i32
        %get3A_218 = arith.index_cast %add3A_217 : i32 to index
        %get3A_219 = arith.index_cast %mul3A_189 : i32 to index
        %get3A_220 = tpu.vector_load %arg8[%get3A_218, %get3A_219] {strides = array<i32>} : memref<64x256xf32, #tpu.memory_space<vmem>>, vector<16xf32>,
        %broadcast_in_dim3A_221 = arith.constant 2 : i32
        %broadcast_in_dim3A_222 = vector.broadcast %broadcast_in_dim3A_221 : i32 to vector<16xi32>
        %sub3A_223 = arith.subf %get3A_220, %get3A_191 : vector<16xf32>
        tpu.vector_store_idx %arg11[%add3A_193, %broadcast_in_dim3A, %broadcast_in_dim3A_222], %sub3A_223 : memref<512x4x16xf32, #tpu.memory_space<vmem>>[vector<16xi32>, vector<16xi32>, vector<16xi32>], vector<16xf32>,
        %add3A_224 = arith.constant 256 : i32
        %add3A_225 = vector.broadcast %add3A_224 : i32 to vector<16xi32>
        %add3A_226 = arith.addi %add3A_193, %add3A_225 : vector<16xi32>
        tpu.vector_store_idx %arg11[%add3A_226, %broadcast_in_dim3A, %broadcast_in_dim3A_222], %get3A_191 : memref<512x4x16xf32, #tpu.memory_space<vmem>>[vector<16xi32>, vector<16xi32>, vector<16xi32>], vector<16xf32>,
        %add3A_227 = arith.constant 12 : i32
        %add3A_228 = arith.addi %add3A_227, %select_n3A_171 : i32
        %get3A_229 = arith.index_cast %add3A_228 : i32 to index
        %get3A_230 = arith.index_cast %mul3A_189 : i32 to index
        %get3A_231 = tpu.vector_load %arg8[%get3A_229, %get3A_230] {strides = array<i32>} : memref<64x256xf32, #tpu.memory_space<vmem>>, vector<16xf32>,
        %broadcast_in_dim3A_232 = arith.constant 3 : i32
        %broadcast_in_dim3A_233 = vector.broadcast %broadcast_in_dim3A_232 : i32 to vector<16xi32>
        %sub3A_234 = arith.subf %get3A_231, %get3A_191 : vector<16xf32>
        tpu.vector_store_idx %arg11[%add3A_193, %broadcast_in_dim3A, %broadcast_in_dim3A_233], %sub3A_234 : memref<512x4x16xf32, #tpu.memory_space<vmem>>[vector<16xi32>, vector<16xi32>, vector<16xi32>], vector<16xf32>,
        %add3A_235 = arith.constant 256 : i32
        %add3A_236 = vector.broadcast %add3A_235 : i32 to vector<16xi32>
        %add3A_237 = arith.addi %add3A_193, %add3A_236 : vector<16xi32>
        tpu.vector_store_idx %arg11[%add3A_237, %broadcast_in_dim3A, %broadcast_in_dim3A_233], %get3A_191 : memref<512x4x16xf32, #tpu.memory_space<vmem>>[vector<16xi32>, vector<16xi32>, vector<16xi32>], vector<16xf32>,
        %add3A_238 = arith.constant 16 : i32
        %add3A_239 = arith.addi %add3A_238, %select_n3A_171 : i32
        %get3A_240 = arith.index_cast %add3A_239 : i32 to index
        %get3A_241 = arith.index_cast %mul3A_189 : i32 to index
        %get3A_242 = tpu.vector_load %arg8[%get3A_240, %get3A_241] {strides = array<i32>} : memref<64x256xf32, #tpu.memory_space<vmem>>, vector<16xf32>,
        %broadcast_in_dim3A_243 = arith.constant 4 : i32
        %broadcast_in_dim3A_244 = vector.broadcast %broadcast_in_dim3A_243 : i32 to vector<16xi32>
        %sub3A_245 = arith.subf %get3A_242, %get3A_191 : vector<16xf32>
        tpu.vector_store_idx %arg11[%add3A_193, %broadcast_in_dim3A, %broadcast_in_dim3A_244], %sub3A_245 : memref<512x4x16xf32, #tpu.memory_space<vmem>>[vector<16xi32>, vector<16xi32>, vector<16xi32>], vector<16xf32>,
        %add3A_246 = arith.constant 256 : i32
        %add3A_247 = vector.broadcast %add3A_246 : i32 to vector<16xi32>
        %add3A_248 = arith.addi %add3A_193, %add3A_247 : vector<16xi32>
        tpu.vector_store_idx %arg11[%add3A_248, %broadcast_in_dim3A, %broadcast_in_dim3A_244], %get3A_191 : memref<512x4x16xf32, #tpu.memory_space<vmem>>[vector<16xi32>, vector<16xi32>, vector<16xi32>], vector<16xf32>,
        %add3A_249 = arith.constant 20 : i32
        %add3A_250 = arith.addi %add3A_249, %select_n3A_171 : i32
        %get3A_251 = arith.index_cast %add3A_250 : i32 to index
        %get3A_252 = arith.index_cast %mul3A_189 : i32 to index
        %get3A_253 = tpu.vector_load %arg8[%get3A_251, %get3A_252] {strides = array<i32>} : memref<64x256xf32, #tpu.memory_space<vmem>>, vector<16xf32>,
        %broadcast_in_dim3A_254 = arith.constant 5 : i32
        %broadcast_in_dim3A_255 = vector.broadcast %broadcast_in_dim3A_254 : i32 to vector<16xi32>
        %sub3A_256 = arith.subf %get3A_253, %get3A_191 : vector<16xf32>
        tpu.vector_store_idx %arg11[%add3A_193, %broadcast_in_dim3A, %broadcast_in_dim3A_255], %sub3A_256 : memref<512x4x16xf32, #tpu.memory_space<vmem>>[vector<16xi32>, vector<16xi32>, vector<16xi32>], vector<16xf32>,
        %add3A_257 = arith.constant 256 : i32
        %add3A_258 = vector.broadcast %add3A_257 : i32 to vector<16xi32>
        %add3A_259 = arith.addi %add3A_193, %add3A_258 : vector<16xi32>
        tpu.vector_store_idx %arg11[%add3A_259, %broadcast_in_dim3A, %broadcast_in_dim3A_255], %get3A_191 : memref<512x4x16xf32, #tpu.memory_space<vmem>>[vector<16xi32>, vector<16xi32>, vector<16xi32>], vector<16xf32>,
        %add3A_260 = arith.constant 24 : i32
        %add3A_261 = arith.addi %add3A_260, %select_n3A_171 : i32
        %get3A_262 = arith.index_cast %add3A_261 : i32 to index
        %get3A_263 = arith.index_cast %mul3A_189 : i32 to index
        %get3A_264 = tpu.vector_load %arg8[%get3A_262, %get3A_263] {strides = array<i32>} : memref<64x256xf32, #tpu.memory_space<vmem>>, vector<16xf32>,
        %broadcast_in_dim3A_265 = arith.constant 6 : i32
        %broadcast_in_dim3A_266 = vector.broadcast %broadcast_in_dim3A_265 : i32 to vector<16xi32>
        %sub3A_267 = arith.subf %get3A_264, %get3A_191 : vector<16xf32>
        tpu.vector_store_idx %arg11[%add3A_193, %broadcast_in_dim3A, %broadcast_in_dim3A_266], %sub3A_267 : memref<512x4x16xf32, #tpu.memory_space<vmem>>[vector<16xi32>, vector<16xi32>, vector<16xi32>], vector<16xf32>,
        %add3A_268 = arith.constant 256 : i32
        %add3A_269 = vector.broadcast %add3A_268 : i32 to vector<16xi32>
        %add3A_270 = arith.addi %add3A_193, %add3A_269 : vector<16xi32>
        tpu.vector_store_idx %arg11[%add3A_270, %broadcast_in_dim3A, %broadcast_in_dim3A_266], %get3A_191 : memref<512x4x16xf32, #tpu.memory_space<vmem>>[vector<16xi32>, vector<16xi32>, vector<16xi32>], vector<16xf32>,
        %add3A_271 = arith.constant 28 : i32
        %add3A_272 = arith.addi %add3A_271, %select_n3A_171 : i32
        %get3A_273 = arith.index_cast %add3A_272 : i32 to index
        %get3A_274 = arith.index_cast %mul3A_189 : i32 to index
        %get3A_275 = tpu.vector_load %arg8[%get3A_273, %get3A_274] {strides = array<i32>} : memref<64x256xf32, #tpu.memory_space<vmem>>, vector<16xf32>,
        %broadcast_in_dim3A_276 = arith.constant 7 : i32
        %broadcast_in_dim3A_277 = vector.broadcast %broadcast_in_dim3A_276 : i32 to vector<16xi32>
        %sub3A_278 = arith.subf %get3A_275, %get3A_191 : vector<16xf32>
        tpu.vector_store_idx %arg11[%add3A_193, %broadcast_in_dim3A, %broadcast_in_dim3A_277], %sub3A_278 : memref<512x4x16xf32, #tpu.memory_space<vmem>>[vector<16xi32>, vector<16xi32>, vector<16xi32>], vector<16xf32>,
        %add3A_279 = arith.constant 256 : i32
        %add3A_280 = vector.broadcast %add3A_279 : i32 to vector<16xi32>
        %add3A_281 = arith.addi %add3A_193, %add3A_280 : vector<16xi32>
        tpu.vector_store_idx %arg11[%add3A_281, %broadcast_in_dim3A, %broadcast_in_dim3A_277], %get3A_191 : memref<512x4x16xf32, #tpu.memory_space<vmem>>[vector<16xi32>, vector<16xi32>, vector<16xi32>], vector<16xf32>,
        %add3A_282 = arith.constant 32 : i32
        %add3A_283 = arith.addi %add3A_282, %select_n3A_171 : i32
        %get3A_284 = arith.index_cast %add3A_283 : i32 to index
        %get3A_285 = arith.index_cast %mul3A_189 : i32 to index
        %get3A_286 = tpu.vector_load %arg8[%get3A_284, %get3A_285] {strides = array<i32>} : memref<64x256xf32, #tpu.memory_space<vmem>>, vector<16xf32>,
        %broadcast_in_dim3A_287 = arith.constant 8 : i32
        %broadcast_in_dim3A_288 = vector.broadcast %broadcast_in_dim3A_287 : i32 to vector<16xi32>
        %sub3A_289 = arith.subf %get3A_286, %get3A_191 : vector<16xf32>
        tpu.vector_store_idx %arg11[%add3A_193, %broadcast_in_dim3A, %broadcast_in_dim3A_288], %sub3A_289 : memref<512x4x16xf32, #tpu.memory_space<vmem>>[vector<16xi32>, vector<16xi32>, vector<16xi32>], vector<16xf32>,
        %add3A_290 = arith.constant 256 : i32
        %add3A_291 = vector.broadcast %add3A_290 : i32 to vector<16xi32>
        %add3A_292 = arith.addi %add3A_193, %add3A_291 : vector<16xi32>
        tpu.vector_store_idx %arg11[%add3A_292, %broadcast_in_dim3A, %broadcast_in_dim3A_288], %get3A_191 : memref<512x4x16xf32, #tpu.memory_space<vmem>>[vector<16xi32>, vector<16xi32>, vector<16xi32>], vector<16xf32>,
        %add3A_293 = arith.constant 36 : i32
        %add3A_294 = arith.addi %add3A_293, %select_n3A_171 : i32
        %get3A_295 = arith.index_cast %add3A_294 : i32 to index
        %get3A_296 = arith.index_cast %mul3A_189 : i32 to index
        %get3A_297 = tpu.vector_load %arg8[%get3A_295, %get3A_296] {strides = array<i32>} : memref<64x256xf32, #tpu.memory_space<vmem>>, vector<16xf32>,
        %broadcast_in_dim3A_298 = arith.constant 9 : i32
        %broadcast_in_dim3A_299 = vector.broadcast %broadcast_in_dim3A_298 : i32 to vector<16xi32>
        %sub3A_300 = arith.subf %get3A_297, %get3A_191 : vector<16xf32>
        tpu.vector_store_idx %arg11[%add3A_193, %broadcast_in_dim3A, %broadcast_in_dim3A_299], %sub3A_300 : memref<512x4x16xf32, #tpu.memory_space<vmem>>[vector<16xi32>, vector<16xi32>, vector<16xi32>], vector<16xf32>,
        %add3A_301 = arith.constant 256 : i32
        %add3A_302 = vector.broadcast %add3A_301 : i32 to vector<16xi32>
        %add3A_303 = arith.addi %add3A_193, %add3A_302 : vector<16xi32>
        tpu.vector_store_idx %arg11[%add3A_303, %broadcast_in_dim3A, %broadcast_in_dim3A_299], %get3A_191 : memref<512x4x16xf32, #tpu.memory_space<vmem>>[vector<16xi32>, vector<16xi32>, vector<16xi32>], vector<16xf32>,
        %add3A_304 = arith.constant 40 : i32
        %add3A_305 = arith.addi %add3A_304, %select_n3A_171 : i32
        %get3A_306 = arith.index_cast %add3A_305 : i32 to index
        %get3A_307 = arith.index_cast %mul3A_189 : i32 to index
        %get3A_308 = tpu.vector_load %arg8[%get3A_306, %get3A_307] {strides = array<i32>} : memref<64x256xf32, #tpu.memory_space<vmem>>, vector<16xf32>,
        %broadcast_in_dim3A_309 = arith.constant 10 : i32
        %broadcast_in_dim3A_310 = vector.broadcast %broadcast_in_dim3A_309 : i32 to vector<16xi32>
        %sub3A_311 = arith.subf %get3A_308, %get3A_191 : vector<16xf32>
        tpu.vector_store_idx %arg11[%add3A_193, %broadcast_in_dim3A, %broadcast_in_dim3A_310], %sub3A_311 : memref<512x4x16xf32, #tpu.memory_space<vmem>>[vector<16xi32>, vector<16xi32>, vector<16xi32>], vector<16xf32>,
        %add3A_312 = arith.constant 256 : i32
        %add3A_313 = vector.broadcast %add3A_312 : i32 to vector<16xi32>
        %add3A_314 = arith.addi %add3A_193, %add3A_313 : vector<16xi32>
        tpu.vector_store_idx %arg11[%add3A_314, %broadcast_in_dim3A, %broadcast_in_dim3A_310], %get3A_191 : memref<512x4x16xf32, #tpu.memory_space<vmem>>[vector<16xi32>, vector<16xi32>, vector<16xi32>], vector<16xf32>,
        %add3A_315 = arith.constant 44 : i32
        %add3A_316 = arith.addi %add3A_315, %select_n3A_171 : i32
        %get3A_317 = arith.index_cast %add3A_316 : i32 to index
        %get3A_318 = arith.index_cast %mul3A_189 : i32 to index
        %get3A_319 = tpu.vector_load %arg8[%get3A_317, %get3A_318] {strides = array<i32>} : memref<64x256xf32, #tpu.memory_space<vmem>>, vector<16xf32>,
        %broadcast_in_dim3A_320 = arith.constant 11 : i32
        %broadcast_in_dim3A_321 = vector.broadcast %broadcast_in_dim3A_320 : i32 to vector<16xi32>
        %sub3A_322 = arith.subf %get3A_319, %get3A_191 : vector<16xf32>
        tpu.vector_store_idx %arg11[%add3A_193, %broadcast_in_dim3A, %broadcast_in_dim3A_321], %sub3A_322 : memref<512x4x16xf32, #tpu.memory_space<vmem>>[vector<16xi32>, vector<16xi32>, vector<16xi32>], vector<16xf32>,
        %add3A_323 = arith.constant 256 : i32
        %add3A_324 = vector.broadcast %add3A_323 : i32 to vector<16xi32>
        %add3A_325 = arith.addi %add3A_193, %add3A_324 : vector<16xi32>
        tpu.vector_store_idx %arg11[%add3A_325, %broadcast_in_dim3A, %broadcast_in_dim3A_321], %get3A_191 : memref<512x4x16xf32, #tpu.memory_space<vmem>>[vector<16xi32>, vector<16xi32>, vector<16xi32>], vector<16xf32>,
        %add3A_326 = arith.constant 48 : i32
        %add3A_327 = arith.addi %add3A_326, %select_n3A_171 : i32
        %get3A_328 = arith.index_cast %add3A_327 : i32 to index
        %get3A_329 = arith.index_cast %mul3A_189 : i32 to index
        %get3A_330 = tpu.vector_load %arg8[%get3A_328, %get3A_329] {strides = array<i32>} : memref<64x256xf32, #tpu.memory_space<vmem>>, vector<16xf32>,
        %broadcast_in_dim3A_331 = arith.constant 12 : i32
        %broadcast_in_dim3A_332 = vector.broadcast %broadcast_in_dim3A_331 : i32 to vector<16xi32>
        %sub3A_333 = arith.subf %get3A_330, %get3A_191 : vector<16xf32>
        tpu.vector_store_idx %arg11[%add3A_193, %broadcast_in_dim3A, %broadcast_in_dim3A_332], %sub3A_333 : memref<512x4x16xf32, #tpu.memory_space<vmem>>[vector<16xi32>, vector<16xi32>, vector<16xi32>], vector<16xf32>,
        %add3A_334 = arith.constant 256 : i32
        %add3A_335 = vector.broadcast %add3A_334 : i32 to vector<16xi32>
        %add3A_336 = arith.addi %add3A_193, %add3A_335 : vector<16xi32>
        tpu.vector_store_idx %arg11[%add3A_336, %broadcast_in_dim3A, %broadcast_in_dim3A_332], %get3A_191 : memref<512x4x16xf32, #tpu.memory_space<vmem>>[vector<16xi32>, vector<16xi32>, vector<16xi32>], vector<16xf32>,
        %add3A_337 = arith.constant 52 : i32
        %add3A_338 = arith.addi %add3A_337, %select_n3A_171 : i32
        %get3A_339 = arith.index_cast %add3A_338 : i32 to index
        %get3A_340 = arith.index_cast %mul3A_189 : i32 to index
        %get3A_341 = tpu.vector_load %arg8[%get3A_339, %get3A_340] {strides = array<i32>} : memref<64x256xf32, #tpu.memory_space<vmem>>, vector<16xf32>,
        %broadcast_in_dim3A_342 = arith.constant 13 : i32
        %broadcast_in_dim3A_343 = vector.broadcast %broadcast_in_dim3A_342 : i32 to vector<16xi32>
        %sub3A_344 = arith.subf %get3A_341, %get3A_191 : vector<16xf32>
        tpu.vector_store_idx %arg11[%add3A_193, %broadcast_in_dim3A, %broadcast_in_dim3A_343], %sub3A_344 : memref<512x4x16xf32, #tpu.memory_space<vmem>>[vector<16xi32>, vector<16xi32>, vector<16xi32>], vector<16xf32>,
        %add3A_345 = arith.constant 256 : i32
        %add3A_346 = vector.broadcast %add3A_345 : i32 to vector<16xi32>
        %add3A_347 = arith.addi %add3A_193, %add3A_346 : vector<16xi32>
        tpu.vector_store_idx %arg11[%add3A_347, %broadcast_in_dim3A, %broadcast_in_dim3A_343], %get3A_191 : memref<512x4x16xf32, #tpu.memory_space<vmem>>[vector<16xi32>, vector<16xi32>, vector<16xi32>], vector<16xf32>,
        %add3A_348 = arith.constant 56 : i32
        %add3A_349 = arith.addi %add3A_348, %select_n3A_171 : i32
        %get3A_350 = arith.index_cast %add3A_349 : i32 to index
        %get3A_351 = arith.index_cast %mul3A_189 : i32 to index
        %get3A_352 = tpu.vector_load %arg8[%get3A_350, %get3A_351] {strides = array<i32>} : memref<64x256xf32, #tpu.memory_space<vmem>>, vector<16xf32>,
        %broadcast_in_dim3A_353 = arith.constant 14 : i32
        %broadcast_in_dim3A_354 = vector.broadcast %broadcast_in_dim3A_353 : i32 to vector<16xi32>
        %sub3A_355 = arith.subf %get3A_352, %get3A_191 : vector<16xf32>
        tpu.vector_store_idx %arg11[%add3A_193, %broadcast_in_dim3A, %broadcast_in_dim3A_354], %sub3A_355 : memref<512x4x16xf32, #tpu.memory_space<vmem>>[vector<16xi32>, vector<16xi32>, vector<16xi32>], vector<16xf32>,
        %add3A_356 = arith.constant 256 : i32
        %add3A_357 = vector.broadcast %add3A_356 : i32 to vector<16xi32>
        %add3A_358 = arith.addi %add3A_193, %add3A_357 : vector<16xi32>
        tpu.vector_store_idx %arg11[%add3A_358, %broadcast_in_dim3A, %broadcast_in_dim3A_354], %get3A_191 : memref<512x4x16xf32, #tpu.memory_space<vmem>>[vector<16xi32>, vector<16xi32>, vector<16xi32>], vector<16xf32>,
        %add3A_359 = arith.constant 60 : i32
        %add3A_360 = arith.addi %add3A_359, %select_n3A_171 : i32
        %get3A_361 = arith.index_cast %add3A_360 : i32 to index
        %get3A_362 = arith.index_cast %mul3A_189 : i32 to index
        %get3A_363 = tpu.vector_load %arg8[%get3A_361, %get3A_362] {strides = array<i32>} : memref<64x256xf32, #tpu.memory_space<vmem>>, vector<16xf32>,
        %broadcast_in_dim3A_364 = arith.constant 15 : i32
        %broadcast_in_dim3A_365 = vector.broadcast %broadcast_in_dim3A_364 : i32 to vector<16xi32>
        %sub3A_366 = arith.subf %get3A_363, %get3A_191 : vector<16xf32>
        tpu.vector_store_idx %arg11[%add3A_193, %broadcast_in_dim3A, %broadcast_in_dim3A_365], %sub3A_366 : memref<512x4x16xf32, #tpu.memory_space<vmem>>[vector<16xi32>, vector<16xi32>, vector<16xi32>], vector<16xf32>,
        %add3A_367 = arith.constant 256 : i32
        %add3A_368 = vector.broadcast %add3A_367 : i32 to vector<16xi32>
        %add3A_369 = arith.addi %add3A_193, %add3A_368 : vector<16xi32>
        tpu.vector_store_idx %arg11[%add3A_369, %broadcast_in_dim3A, %broadcast_in_dim3A_365], %get3A_191 : memref<512x4x16xf32, #tpu.memory_space<vmem>>[vector<16xi32>, vector<16xi32>, vector<16xi32>], vector<16xf32>,
      }
      %scan3A_102 = arith.constant 64 : i32
      %dma_start3A_103 = arith.constant 0 : i32
      %dma_start3A_104 = arith.constant 0 : i32
      %dma_start3A_105 = tpu.memref_slice %arg5[%select_n3A, %dma_start3A_103, %add3A_84, %dma_start3A_104] : memref<4x512x2048x16xf32, #tpu.memory_space<hbm>> -> memref<1x512x4x16xf32, #tpu.memory_space<hbm>>
      %dma_start3A_106 = tpu.memref_squeeze %dma_start3A_105 : memref<1x512x4x16xf32, #tpu.memory_space<hbm>> -> memref<512x4x16xf32, #tpu.memory_space<hbm>>
      %dma_start3A_107 = arith.constant 0 : i32
      %dma_start3A_108 = arith.constant 0 : i32
      %dma_start3A_109 = tpu.memref_slice %arg5[%select_n3A, %dma_start3A_107, %add3A_84, %dma_start3A_108] : memref<4x512x2048x16xf32, #tpu.memory_space<hbm>> -> memref<1x512x4x16xf32, #tpu.memory_space<hbm>>
      %dma_start3A_110 = tpu.memref_squeeze %dma_start3A_109 : memref<1x512x4x16xf32, #tpu.memory_space<hbm>> -> memref<512x4x16xf32, #tpu.memory_space<hbm>>
      tpu.enqueue_dma source(%arg11 : memref<512x4x16xf32, #tpu.memory_space<vmem>>) target(%dma_start3A_110 : memref<512x4x16xf32, #tpu.memory_space<hbm>>) target_semaphore(%arg15 : memref<!tpu.dma_semaphore, #tpu.memory_space<semaphore_mem>>)
      %mul3A_111 = arith.constant 2 : i32
      %mul3A_112 = arith.muli %scan3A_77, %mul3A_111 : i32
      %add3A_113 = arith.constant 1 : i32
      %add3A_114 = arith.addi %mul3A_112, %add3A_113 : i32
      %mul3A_115 = arith.constant 4 : i32
      %mul3A_116 = arith.muli %add3A_114, %mul3A_115 : i32
      %add3A_117 = arith.addi %mul3A_32, %mul3A_116 : i32
      %add3A_118 = arith.constant 1 : i32
      %add3A_119 = arith.addi %add3A_114, %add3A_118 : i32
      %lt3A_120 = arith.constant 64 : i32
      %lt3A_121 = arith.cmpi slt, %add3A_119, %lt3A_120 : i32
      %convert_element_type3A_122 = arith.extui %lt3A_121 : i1 to i32
      %cond3A_123 = arith.constant 0 : i32
      %cond3A_124 = arith.cmpi ne, %convert_element_type3A_122, %cond3A_123 : i32
      scf.if %cond3A_124 {
        %mul3A_147 = arith.constant 64 : i32
        %mul3A_148 = arith.muli %select_n3A_48, %mul3A_147 : i32
        %add3A_149 = arith.addi %mul3A_148, %add3A_114 : i32
        %add3A_150 = arith.constant 1 : i32
        %add3A_151 = arith.addi %add3A_149, %add3A_150 : i32
        "tpu.region"() ({
          %run_scoped3A = tpu.sem_alloc : memref<!tpu.dma_semaphore, #tpu.memory_space<semaphore_mem>>
          %dma_start3A_155 = arith.constant 0 : i32
          %dma_start3A_156 = tpu.memref_slice %arg4[%select_n3A, %add3A_151, %dma_start3A_155] : memref<4x512x64xi32, #tpu.memory_space<hbm>> -> memref<1x1x64xi32, #tpu.memory_space<hbm>>
          %dma_start3A_157 = tpu.memref_squeeze %dma_start3A_156 : memref<1x1x64xi32, #tpu.memory_space<hbm>> -> memref<64xi32, #tpu.memory_space<hbm>>
          %dma_start3A_158 = arith.constant 0 : i32
          %dma_start3A_159 = tpu.memref_slice %arg4[%select_n3A, %add3A_151, %dma_start3A_158] : memref<4x512x64xi32, #tpu.memory_space<hbm>> -> memref<1x1x64xi32, #tpu.memory_space<hbm>>
          %dma_start3A_160 = tpu.memref_squeeze %dma_start3A_159 : memref<1x1x64xi32, #tpu.memory_space<hbm>> -> memref<64xi32, #tpu.memory_space<hbm>>
          tpu.enqueue_dma source(%dma_start3A_160 : memref<64xi32, #tpu.memory_space<hbm>>) target(%arg6 : memref<64xi32, #tpu.memory_space<vmem>>) target_semaphore(%run_scoped3A : memref<!tpu.dma_semaphore, #tpu.memory_space<semaphore_mem>>)
          %dma_wait3A_161 = arith.constant 0 : i32
          %dma_wait3A_162 = tpu.memref_slice %arg4[%select_n3A, %add3A_151, %dma_wait3A_161] : memref<4x512x64xi32, #tpu.memory_space<hbm>> -> memref<1x1x64xi32, #tpu.memory_space<hbm>>
          %dma_wait3A_163 = tpu.memref_squeeze %dma_wait3A_162 : memref<1x1x64xi32, #tpu.memory_space<hbm>> -> memref<64xi32, #tpu.memory_space<hbm>>
          %dma_wait3A_164 = arith.constant 0 : i32
          %dma_wait3A_165 = tpu.memref_slice %arg4[%select_n3A, %add3A_151, %dma_wait3A_164] : memref<4x512x64xi32, #tpu.memory_space<hbm>> -> memref<1x1x64xi32, #tpu.memory_space<hbm>>
          %dma_wait3A_166 = tpu.memref_squeeze %dma_wait3A_165 : memref<1x1x64xi32, #tpu.memory_space<hbm>> -> memref<64xi32, #tpu.memory_space<hbm>>
          tpu.wait_dma2 semaphore(%run_scoped3A : memref<!tpu.dma_semaphore, #tpu.memory_space<semaphore_mem>>) src(%dma_wait3A_166 : memref<64xi32, #tpu.memory_space<hbm>>) dst(%arg6 : memref<64xi32, #tpu.memory_space<vmem>>)
          tpu.yield
        }) : () -> ()
        %dma_start3A_152 = arith.constant 0 : i32
        %dma_start3A_153 = arith.constant 0 : i32
        %dma_start3A_154 = tpu.memref_slice %arg2[%dma_start3A_152, %dma_start3A_153] : memref<32768x256xf32, #tpu.memory_space<hbm>> -> memref<32768x256xf32, #tpu.memory_space<hbm>>
        tpu.enqueue_indirect_dma source(%dma_start3A_154 : memref<32768x256xf32, #tpu.memory_space<hbm>>) target(%arg8 : memref<64x256xf32, #tpu.memory_space<vmem>>) offsets(%arg6 : memref<64xi32, #tpu.memory_space<vmem>>) semaphore(%arg13 : memref<!tpu.dma_semaphore, #tpu.memory_space<semaphore_mem>>)
      } else {
      }
      "tpu.region"() ({
        %run_scoped3A = tpu.sem_alloc : memref<!tpu.dma_semaphore, #tpu.memory_space<semaphore_mem>>
        %dma_start3A_147 = arith.constant 0 : i32
        %dma_start3A_148 = tpu.memref_slice %arg3[%select_n3A, %add3A_117, %dma_start3A_147] : memref<4x2048x256xf32, #tpu.memory_space<hbm>> -> memref<1x4x256xf32, #tpu.memory_space<hbm>>
        %dma_start3A_149 = tpu.memref_squeeze %dma_start3A_148 : memref<1x4x256xf32, #tpu.memory_space<hbm>> -> memref<4x256xf32, #tpu.memory_space<hbm>>
        %dma_start3A_150 = arith.constant 0 : i32
        %dma_start3A_151 = tpu.memref_slice %arg3[%select_n3A, %add3A_117, %dma_start3A_150] : memref<4x2048x256xf32, #tpu.memory_space<hbm>> -> memref<1x4x256xf32, #tpu.memory_space<hbm>>
        %dma_start3A_152 = tpu.memref_squeeze %dma_start3A_151 : memref<1x4x256xf32, #tpu.memory_space<hbm>> -> memref<4x256xf32, #tpu.memory_space<hbm>>
        tpu.enqueue_dma source(%dma_start3A_152 : memref<4x256xf32, #tpu.memory_space<hbm>>) target(%arg10 : memref<4x256xf32, #tpu.memory_space<vmem>>) target_semaphore(%run_scoped3A : memref<!tpu.dma_semaphore, #tpu.memory_space<semaphore_mem>>)
        %dma_wait3A_153 = arith.constant 0 : i32
        %dma_wait3A_154 = tpu.memref_slice %arg3[%select_n3A, %add3A_117, %dma_wait3A_153] : memref<4x2048x256xf32, #tpu.memory_space<hbm>> -> memref<1x4x256xf32, #tpu.memory_space<hbm>>
        %dma_wait3A_155 = tpu.memref_squeeze %dma_wait3A_154 : memref<1x4x256xf32, #tpu.memory_space<hbm>> -> memref<4x256xf32, #tpu.memory_space<hbm>>
        %dma_wait3A_156 = arith.constant 0 : i32
        %dma_wait3A_157 = tpu.memref_slice %arg3[%select_n3A, %add3A_117, %dma_wait3A_156] : memref<4x2048x256xf32, #tpu.memory_space<hbm>> -> memref<1x4x256xf32, #tpu.memory_space<hbm>>
        %dma_wait3A_158 = tpu.memref_squeeze %dma_wait3A_157 : memref<1x4x256xf32, #tpu.memory_space<hbm>> -> memref<4x256xf32, #tpu.memory_space<hbm>>
        tpu.wait_dma2 semaphore(%run_scoped3A : memref<!tpu.dma_semaphore, #tpu.memory_space<semaphore_mem>>) src(%dma_wait3A_158 : memref<4x256xf32, #tpu.memory_space<hbm>>) dst(%arg10 : memref<4x256xf32, #tpu.memory_space<vmem>>)
        tpu.yield
      }) : () -> ()
      %dma_wait3A_125 = arith.constant 0 : i32
      %dma_wait3A_126 = arith.constant 0 : i32
      %dma_wait3A_127 = tpu.memref_slice %arg2[%dma_wait3A_125, %dma_wait3A_126] : memref<32768x256xf32, #tpu.memory_space<hbm>> -> memref<32768x256xf32, #tpu.memory_space<hbm>>
      tpu.wait_indirect_dma semaphore(%arg14 : memref<!tpu.dma_semaphore, #tpu.memory_space<semaphore_mem>>) src(%dma_wait3A_127 : memref<32768x256xf32, #tpu.memory_space<hbm>>) dst(%arg9 : memref<64x256xf32, #tpu.memory_space<vmem>>)
      %ge3A_128 = arith.constant 2 : i32
      %ge3A_129 = arith.cmpi sge, %add3A_114, %ge3A_128 : i32
      %convert_element_type3A_130 = arith.extui %ge3A_129 : i1 to i32
      %cond3A_131 = arith.constant 0 : i32
      %cond3A_132 = arith.cmpi ne, %convert_element_type3A_130, %cond3A_131 : i32
      scf.if %cond3A_132 {
        %dma_wait3A_147 = arith.constant 0 : i32
        %dma_wait3A_148 = arith.constant 0 : i32
        %dma_wait3A_149 = tpu.memref_slice %arg5[%select_n3A, %dma_wait3A_147, %add3A_117, %dma_wait3A_148] : memref<4x512x2048x16xf32, #tpu.memory_space<hbm>> -> memref<1x512x4x16xf32, #tpu.memory_space<hbm>>
        %dma_wait3A_150 = tpu.memref_squeeze %dma_wait3A_149 : memref<1x512x4x16xf32, #tpu.memory_space<hbm>> -> memref<512x4x16xf32, #tpu.memory_space<hbm>>
        %dma_wait3A_151 = arith.constant 0 : i32
        %dma_wait3A_152 = arith.constant 0 : i32
        %dma_wait3A_153 = tpu.memref_slice %arg5[%select_n3A, %dma_wait3A_151, %add3A_117, %dma_wait3A_152] : memref<4x512x2048x16xf32, #tpu.memory_space<hbm>> -> memref<1x512x4x16xf32, #tpu.memory_space<hbm>>
        %dma_wait3A_154 = tpu.memref_squeeze %dma_wait3A_153 : memref<1x512x4x16xf32, #tpu.memory_space<hbm>> -> memref<512x4x16xf32, #tpu.memory_space<hbm>>
        tpu.wait_dma2 semaphore(%arg16 : memref<!tpu.dma_semaphore, #tpu.memory_space<semaphore_mem>>) src(%arg12 : memref<512x4x16xf32, #tpu.memory_space<vmem>>) dst(%dma_wait3A_154 : memref<512x4x16xf32, #tpu.memory_space<hbm>>)
      } else {
      }
      %scan3A_133 = arith.constant 0 : i32
      %scan3A_134 = arith.constant 0 : i32
      %scan3A_135 = arith.constant 64 : i32
      %scan3A_136 = arith.addi %scan3A_134, %scan3A_135 : i32
      %scan3A_137 = arith.constant 1 : i32
      scf.for %scan3A_147 = %scan3A_134 to %scan3A_136 step %scan3A_137  : i32 {
        %jit3A_148 = arith.constant 16 : i32
        %div3A_149 = arith.divsi %scan3A_147, %jit3A_148 : i32
        %sign3A_150 = arith.constant 0 : i32
        %sign3A_151 = arith.cmpi sgt, %scan3A_147, %sign3A_150 : i32
        %sign3A_152 = arith.extui %sign3A_151 : i1 to i32
        %sign3A_153 = arith.constant 0 : i32
        %sign3A_154 = arith.cmpi slt, %scan3A_147, %sign3A_153 : i32
        %sign3A_155 = arith.extui %sign3A_154 : i1 to i32
        %sign3A_156 = arith.subi %sign3A_152, %sign3A_155 : i32
        %sign3A_157 = arith.constant 0 : i32
        %sign3A_158 = arith.cmpi sgt, %jit3A_148, %sign3A_157 : i32
        %sign3A_159 = arith.extui %sign3A_158 : i1 to i32
        %sign3A_160 = arith.constant 0 : i32
        %sign3A_161 = arith.cmpi slt, %jit3A_148, %sign3A_160 : i32
        %sign3A_162 = arith.extui %sign3A_161 : i1 to i32
        %sign3A_163 = arith.subi %sign3A_159, %sign3A_162 : i32
        %ne3A_164 = arith.cmpi ne, %sign3A_156, %sign3A_163 : i32
        %rem3A_165 = arith.remsi %scan3A_147, %jit3A_148 : i32
        %ne3A_166 = arith.constant 0 : i32
        %ne3A_167 = arith.cmpi ne, %rem3A_165, %ne3A_166 : i32
        %and3A_168 = arith.andi %ne3A_164, %ne3A_167 : i1
        %sub3A_169 = arith.constant 1 : i32
        %sub3A_170 = arith.subi %div3A_149, %sub3A_169 : i32
        %select_n3A_171 = arith.select %and3A_168, %sub3A_170, %div3A_149 : i32
        %jit3A_172 = arith.constant 16 : i32
        %eq3A_173 = arith.constant 0 : i32
        %eq3A_174 = arith.cmpi eq, %jit3A_172, %eq3A_173 : i32
        %jit3A_175 = arith.constant 1 : i32
        %select_n3A_176 = arith.select %eq3A_174, %jit3A_175, %jit3A_172 : i32
        %rem3A_177 = arith.remsi %scan3A_147, %select_n3A_176 : i32
        %ne3A_178 = arith.constant 0 : i32
        %ne3A_179 = arith.cmpi ne, %rem3A_177, %ne3A_178 : i32
        %lt3A_180 = arith.constant 0 : i32
        %lt3A_181 = arith.cmpi slt, %rem3A_177, %lt3A_180 : i32
        %lt3A_182 = arith.constant 0 : i32
        %lt3A_183 = arith.cmpi slt, %select_n3A_176, %lt3A_182 : i32
        %ne3A_184 = arith.xori %lt3A_181, %lt3A_183 : i1
        %and3A_185 = arith.andi %ne3A_184, %ne3A_179 : i1
        %add3A_186 = arith.addi %rem3A_177, %select_n3A_176 : i32
        %select_n3A_187 = arith.select %and3A_185, %add3A_186, %rem3A_177 : i32
        %mul3A_188 = arith.constant 16 : i32
        %mul3A_189 = arith.muli %select_n3A_187, %mul3A_188 : i32
        %get3A = arith.index_cast %select_n3A_171 : i32 to index
        %get3A_190 = arith.index_cast %mul3A_189 : i32 to index
        %get3A_191 = tpu.vector_load %arg10[%get3A, %get3A_190] {strides = array<i32>} : memref<4x256xf32, #tpu.memory_space<vmem>>, vector<16xf32>,
        %add3A_192 = vector.broadcast %mul3A_189 : i32 to vector<16xi32>
        %add3A_193 = arith.addi %add3A_192, %iota3A : vector<16xi32>
        %broadcast_in_dim3A = vector.broadcast %select_n3A_171 : i32 to vector<16xi32>
        %add3A_194 = arith.constant 0 : i32
        %add3A_195 = arith.addi %add3A_194, %select_n3A_171 : i32
        %get3A_196 = arith.index_cast %add3A_195 : i32 to index
        %get3A_197 = arith.index_cast %mul3A_189 : i32 to index
        %get3A_198 = tpu.vector_load %arg9[%get3A_196, %get3A_197] {strides = array<i32>} : memref<64x256xf32, #tpu.memory_space<vmem>>, vector<16xf32>,
        %broadcast_in_dim3A_199 = arith.constant 0 : i32
        %broadcast_in_dim3A_200 = vector.broadcast %broadcast_in_dim3A_199 : i32 to vector<16xi32>
        %sub3A_201 = arith.subf %get3A_198, %get3A_191 : vector<16xf32>
        tpu.vector_store_idx %arg12[%add3A_193, %broadcast_in_dim3A, %broadcast_in_dim3A_200], %sub3A_201 : memref<512x4x16xf32, #tpu.memory_space<vmem>>[vector<16xi32>, vector<16xi32>, vector<16xi32>], vector<16xf32>,
        %add3A_202 = arith.constant 256 : i32
        %add3A_203 = vector.broadcast %add3A_202 : i32 to vector<16xi32>
        %add3A_204 = arith.addi %add3A_193, %add3A_203 : vector<16xi32>
        tpu.vector_store_idx %arg12[%add3A_204, %broadcast_in_dim3A, %broadcast_in_dim3A_200], %get3A_191 : memref<512x4x16xf32, #tpu.memory_space<vmem>>[vector<16xi32>, vector<16xi32>, vector<16xi32>], vector<16xf32>,
        %add3A_205 = arith.constant 4 : i32
        %add3A_206 = arith.addi %add3A_205, %select_n3A_171 : i32
        %get3A_207 = arith.index_cast %add3A_206 : i32 to index
        %get3A_208 = arith.index_cast %mul3A_189 : i32 to index
        %get3A_209 = tpu.vector_load %arg9[%get3A_207, %get3A_208] {strides = array<i32>} : memref<64x256xf32, #tpu.memory_space<vmem>>, vector<16xf32>,
        %broadcast_in_dim3A_210 = arith.constant 1 : i32
        %broadcast_in_dim3A_211 = vector.broadcast %broadcast_in_dim3A_210 : i32 to vector<16xi32>
        %sub3A_212 = arith.subf %get3A_209, %get3A_191 : vector<16xf32>
        tpu.vector_store_idx %arg12[%add3A_193, %broadcast_in_dim3A, %broadcast_in_dim3A_211], %sub3A_212 : memref<512x4x16xf32, #tpu.memory_space<vmem>>[vector<16xi32>, vector<16xi32>, vector<16xi32>], vector<16xf32>,
        %add3A_213 = arith.constant 256 : i32
        %add3A_214 = vector.broadcast %add3A_213 : i32 to vector<16xi32>
        %add3A_215 = arith.addi %add3A_193, %add3A_214 : vector<16xi32>
        tpu.vector_store_idx %arg12[%add3A_215, %broadcast_in_dim3A, %broadcast_in_dim3A_211], %get3A_191 : memref<512x4x16xf32, #tpu.memory_space<vmem>>[vector<16xi32>, vector<16xi32>, vector<16xi32>], vector<16xf32>,
        %add3A_216 = arith.constant 8 : i32
        %add3A_217 = arith.addi %add3A_216, %select_n3A_171 : i32
        %get3A_218 = arith.index_cast %add3A_217 : i32 to index
        %get3A_219 = arith.index_cast %mul3A_189 : i32 to index
        %get3A_220 = tpu.vector_load %arg9[%get3A_218, %get3A_219] {strides = array<i32>} : memref<64x256xf32, #tpu.memory_space<vmem>>, vector<16xf32>,
        %broadcast_in_dim3A_221 = arith.constant 2 : i32
        %broadcast_in_dim3A_222 = vector.broadcast %broadcast_in_dim3A_221 : i32 to vector<16xi32>
        %sub3A_223 = arith.subf %get3A_220, %get3A_191 : vector<16xf32>
        tpu.vector_store_idx %arg12[%add3A_193, %broadcast_in_dim3A, %broadcast_in_dim3A_222], %sub3A_223 : memref<512x4x16xf32, #tpu.memory_space<vmem>>[vector<16xi32>, vector<16xi32>, vector<16xi32>], vector<16xf32>,
        %add3A_224 = arith.constant 256 : i32
        %add3A_225 = vector.broadcast %add3A_224 : i32 to vector<16xi32>
        %add3A_226 = arith.addi %add3A_193, %add3A_225 : vector<16xi32>
        tpu.vector_store_idx %arg12[%add3A_226, %broadcast_in_dim3A, %broadcast_in_dim3A_222], %get3A_191 : memref<512x4x16xf32, #tpu.memory_space<vmem>>[vector<16xi32>, vector<16xi32>, vector<16xi32>], vector<16xf32>,
        %add3A_227 = arith.constant 12 : i32
        %add3A_228 = arith.addi %add3A_227, %select_n3A_171 : i32
        %get3A_229 = arith.index_cast %add3A_228 : i32 to index
        %get3A_230 = arith.index_cast %mul3A_189 : i32 to index
        %get3A_231 = tpu.vector_load %arg9[%get3A_229, %get3A_230] {strides = array<i32>} : memref<64x256xf32, #tpu.memory_space<vmem>>, vector<16xf32>,
        %broadcast_in_dim3A_232 = arith.constant 3 : i32
        %broadcast_in_dim3A_233 = vector.broadcast %broadcast_in_dim3A_232 : i32 to vector<16xi32>
        %sub3A_234 = arith.subf %get3A_231, %get3A_191 : vector<16xf32>
        tpu.vector_store_idx %arg12[%add3A_193, %broadcast_in_dim3A, %broadcast_in_dim3A_233], %sub3A_234 : memref<512x4x16xf32, #tpu.memory_space<vmem>>[vector<16xi32>, vector<16xi32>, vector<16xi32>], vector<16xf32>,
        %add3A_235 = arith.constant 256 : i32
        %add3A_236 = vector.broadcast %add3A_235 : i32 to vector<16xi32>
        %add3A_237 = arith.addi %add3A_193, %add3A_236 : vector<16xi32>
        tpu.vector_store_idx %arg12[%add3A_237, %broadcast_in_dim3A, %broadcast_in_dim3A_233], %get3A_191 : memref<512x4x16xf32, #tpu.memory_space<vmem>>[vector<16xi32>, vector<16xi32>, vector<16xi32>], vector<16xf32>,
        %add3A_238 = arith.constant 16 : i32
        %add3A_239 = arith.addi %add3A_238, %select_n3A_171 : i32
        %get3A_240 = arith.index_cast %add3A_239 : i32 to index
        %get3A_241 = arith.index_cast %mul3A_189 : i32 to index
        %get3A_242 = tpu.vector_load %arg9[%get3A_240, %get3A_241] {strides = array<i32>} : memref<64x256xf32, #tpu.memory_space<vmem>>, vector<16xf32>,
        %broadcast_in_dim3A_243 = arith.constant 4 : i32
        %broadcast_in_dim3A_244 = vector.broadcast %broadcast_in_dim3A_243 : i32 to vector<16xi32>
        %sub3A_245 = arith.subf %get3A_242, %get3A_191 : vector<16xf32>
        tpu.vector_store_idx %arg12[%add3A_193, %broadcast_in_dim3A, %broadcast_in_dim3A_244], %sub3A_245 : memref<512x4x16xf32, #tpu.memory_space<vmem>>[vector<16xi32>, vector<16xi32>, vector<16xi32>], vector<16xf32>,
        %add3A_246 = arith.constant 256 : i32
        %add3A_247 = vector.broadcast %add3A_246 : i32 to vector<16xi32>
        %add3A_248 = arith.addi %add3A_193, %add3A_247 : vector<16xi32>
        tpu.vector_store_idx %arg12[%add3A_248, %broadcast_in_dim3A, %broadcast_in_dim3A_244], %get3A_191 : memref<512x4x16xf32, #tpu.memory_space<vmem>>[vector<16xi32>, vector<16xi32>, vector<16xi32>], vector<16xf32>,
        %add3A_249 = arith.constant 20 : i32
        %add3A_250 = arith.addi %add3A_249, %select_n3A_171 : i32
        %get3A_251 = arith.index_cast %add3A_250 : i32 to index
        %get3A_252 = arith.index_cast %mul3A_189 : i32 to index
        %get3A_253 = tpu.vector_load %arg9[%get3A_251, %get3A_252] {strides = array<i32>} : memref<64x256xf32, #tpu.memory_space<vmem>>, vector<16xf32>,
        %broadcast_in_dim3A_254 = arith.constant 5 : i32
        %broadcast_in_dim3A_255 = vector.broadcast %broadcast_in_dim3A_254 : i32 to vector<16xi32>
        %sub3A_256 = arith.subf %get3A_253, %get3A_191 : vector<16xf32>
        tpu.vector_store_idx %arg12[%add3A_193, %broadcast_in_dim3A, %broadcast_in_dim3A_255], %sub3A_256 : memref<512x4x16xf32, #tpu.memory_space<vmem>>[vector<16xi32>, vector<16xi32>, vector<16xi32>], vector<16xf32>,
        %add3A_257 = arith.constant 256 : i32
        %add3A_258 = vector.broadcast %add3A_257 : i32 to vector<16xi32>
        %add3A_259 = arith.addi %add3A_193, %add3A_258 : vector<16xi32>
        tpu.vector_store_idx %arg12[%add3A_259, %broadcast_in_dim3A, %broadcast_in_dim3A_255], %get3A_191 : memref<512x4x16xf32, #tpu.memory_space<vmem>>[vector<16xi32>, vector<16xi32>, vector<16xi32>], vector<16xf32>,
        %add3A_260 = arith.constant 24 : i32
        %add3A_261 = arith.addi %add3A_260, %select_n3A_171 : i32
        %get3A_262 = arith.index_cast %add3A_261 : i32 to index
        %get3A_263 = arith.index_cast %mul3A_189 : i32 to index
        %get3A_264 = tpu.vector_load %arg9[%get3A_262, %get3A_263] {strides = array<i32>} : memref<64x256xf32, #tpu.memory_space<vmem>>, vector<16xf32>,
        %broadcast_in_dim3A_265 = arith.constant 6 : i32
        %broadcast_in_dim3A_266 = vector.broadcast %broadcast_in_dim3A_265 : i32 to vector<16xi32>
        %sub3A_267 = arith.subf %get3A_264, %get3A_191 : vector<16xf32>
        tpu.vector_store_idx %arg12[%add3A_193, %broadcast_in_dim3A, %broadcast_in_dim3A_266], %sub3A_267 : memref<512x4x16xf32, #tpu.memory_space<vmem>>[vector<16xi32>, vector<16xi32>, vector<16xi32>], vector<16xf32>,
        %add3A_268 = arith.constant 256 : i32
        %add3A_269 = vector.broadcast %add3A_268 : i32 to vector<16xi32>
        %add3A_270 = arith.addi %add3A_193, %add3A_269 : vector<16xi32>
        tpu.vector_store_idx %arg12[%add3A_270, %broadcast_in_dim3A, %broadcast_in_dim3A_266], %get3A_191 : memref<512x4x16xf32, #tpu.memory_space<vmem>>[vector<16xi32>, vector<16xi32>, vector<16xi32>], vector<16xf32>,
        %add3A_271 = arith.constant 28 : i32
        %add3A_272 = arith.addi %add3A_271, %select_n3A_171 : i32
        %get3A_273 = arith.index_cast %add3A_272 : i32 to index
        %get3A_274 = arith.index_cast %mul3A_189 : i32 to index
        %get3A_275 = tpu.vector_load %arg9[%get3A_273, %get3A_274] {strides = array<i32>} : memref<64x256xf32, #tpu.memory_space<vmem>>, vector<16xf32>,
        %broadcast_in_dim3A_276 = arith.constant 7 : i32
        %broadcast_in_dim3A_277 = vector.broadcast %broadcast_in_dim3A_276 : i32 to vector<16xi32>
        %sub3A_278 = arith.subf %get3A_275, %get3A_191 : vector<16xf32>
        tpu.vector_store_idx %arg12[%add3A_193, %broadcast_in_dim3A, %broadcast_in_dim3A_277], %sub3A_278 : memref<512x4x16xf32, #tpu.memory_space<vmem>>[vector<16xi32>, vector<16xi32>, vector<16xi32>], vector<16xf32>,
        %add3A_279 = arith.constant 256 : i32
        %add3A_280 = vector.broadcast %add3A_279 : i32 to vector<16xi32>
        %add3A_281 = arith.addi %add3A_193, %add3A_280 : vector<16xi32>
        tpu.vector_store_idx %arg12[%add3A_281, %broadcast_in_dim3A, %broadcast_in_dim3A_277], %get3A_191 : memref<512x4x16xf32, #tpu.memory_space<vmem>>[vector<16xi32>, vector<16xi32>, vector<16xi32>], vector<16xf32>,
        %add3A_282 = arith.constant 32 : i32
        %add3A_283 = arith.addi %add3A_282, %select_n3A_171 : i32
        %get3A_284 = arith.index_cast %add3A_283 : i32 to index
        %get3A_285 = arith.index_cast %mul3A_189 : i32 to index
        %get3A_286 = tpu.vector_load %arg9[%get3A_284, %get3A_285] {strides = array<i32>} : memref<64x256xf32, #tpu.memory_space<vmem>>, vector<16xf32>,
        %broadcast_in_dim3A_287 = arith.constant 8 : i32
        %broadcast_in_dim3A_288 = vector.broadcast %broadcast_in_dim3A_287 : i32 to vector<16xi32>
        %sub3A_289 = arith.subf %get3A_286, %get3A_191 : vector<16xf32>
        tpu.vector_store_idx %arg12[%add3A_193, %broadcast_in_dim3A, %broadcast_in_dim3A_288], %sub3A_289 : memref<512x4x16xf32, #tpu.memory_space<vmem>>[vector<16xi32>, vector<16xi32>, vector<16xi32>], vector<16xf32>,
        %add3A_290 = arith.constant 256 : i32
        %add3A_291 = vector.broadcast %add3A_290 : i32 to vector<16xi32>
        %add3A_292 = arith.addi %add3A_193, %add3A_291 : vector<16xi32>
        tpu.vector_store_idx %arg12[%add3A_292, %broadcast_in_dim3A, %broadcast_in_dim3A_288], %get3A_191 : memref<512x4x16xf32, #tpu.memory_space<vmem>>[vector<16xi32>, vector<16xi32>, vector<16xi32>], vector<16xf32>,
        %add3A_293 = arith.constant 36 : i32
        %add3A_294 = arith.addi %add3A_293, %select_n3A_171 : i32
        %get3A_295 = arith.index_cast %add3A_294 : i32 to index
        %get3A_296 = arith.index_cast %mul3A_189 : i32 to index
        %get3A_297 = tpu.vector_load %arg9[%get3A_295, %get3A_296] {strides = array<i32>} : memref<64x256xf32, #tpu.memory_space<vmem>>, vector<16xf32>,
        %broadcast_in_dim3A_298 = arith.constant 9 : i32
        %broadcast_in_dim3A_299 = vector.broadcast %broadcast_in_dim3A_298 : i32 to vector<16xi32>
        %sub3A_300 = arith.subf %get3A_297, %get3A_191 : vector<16xf32>
        tpu.vector_store_idx %arg12[%add3A_193, %broadcast_in_dim3A, %broadcast_in_dim3A_299], %sub3A_300 : memref<512x4x16xf32, #tpu.memory_space<vmem>>[vector<16xi32>, vector<16xi32>, vector<16xi32>], vector<16xf32>,
        %add3A_301 = arith.constant 256 : i32
        %add3A_302 = vector.broadcast %add3A_301 : i32 to vector<16xi32>
        %add3A_303 = arith.addi %add3A_193, %add3A_302 : vector<16xi32>
        tpu.vector_store_idx %arg12[%add3A_303, %broadcast_in_dim3A, %broadcast_in_dim3A_299], %get3A_191 : memref<512x4x16xf32, #tpu.memory_space<vmem>>[vector<16xi32>, vector<16xi32>, vector<16xi32>], vector<16xf32>,
        %add3A_304 = arith.constant 40 : i32
        %add3A_305 = arith.addi %add3A_304, %select_n3A_171 : i32
        %get3A_306 = arith.index_cast %add3A_305 : i32 to index
        %get3A_307 = arith.index_cast %mul3A_189 : i32 to index
        %get3A_308 = tpu.vector_load %arg9[%get3A_306, %get3A_307] {strides = array<i32>} : memref<64x256xf32, #tpu.memory_space<vmem>>, vector<16xf32>,
        %broadcast_in_dim3A_309 = arith.constant 10 : i32
        %broadcast_in_dim3A_310 = vector.broadcast %broadcast_in_dim3A_309 : i32 to vector<16xi32>
        %sub3A_311 = arith.subf %get3A_308, %get3A_191 : vector<16xf32>
        tpu.vector_store_idx %arg12[%add3A_193, %broadcast_in_dim3A, %broadcast_in_dim3A_310], %sub3A_311 : memref<512x4x16xf32, #tpu.memory_space<vmem>>[vector<16xi32>, vector<16xi32>, vector<16xi32>], vector<16xf32>,
        %add3A_312 = arith.constant 256 : i32
        %add3A_313 = vector.broadcast %add3A_312 : i32 to vector<16xi32>
        %add3A_314 = arith.addi %add3A_193, %add3A_313 : vector<16xi32>
        tpu.vector_store_idx %arg12[%add3A_314, %broadcast_in_dim3A, %broadcast_in_dim3A_310], %get3A_191 : memref<512x4x16xf32, #tpu.memory_space<vmem>>[vector<16xi32>, vector<16xi32>, vector<16xi32>], vector<16xf32>,
        %add3A_315 = arith.constant 44 : i32
        %add3A_316 = arith.addi %add3A_315, %select_n3A_171 : i32
        %get3A_317 = arith.index_cast %add3A_316 : i32 to index
        %get3A_318 = arith.index_cast %mul3A_189 : i32 to index
        %get3A_319 = tpu.vector_load %arg9[%get3A_317, %get3A_318] {strides = array<i32>} : memref<64x256xf32, #tpu.memory_space<vmem>>, vector<16xf32>,
        %broadcast_in_dim3A_320 = arith.constant 11 : i32
        %broadcast_in_dim3A_321 = vector.broadcast %broadcast_in_dim3A_320 : i32 to vector<16xi32>
        %sub3A_322 = arith.subf %get3A_319, %get3A_191 : vector<16xf32>
        tpu.vector_store_idx %arg12[%add3A_193, %broadcast_in_dim3A, %broadcast_in_dim3A_321], %sub3A_322 : memref<512x4x16xf32, #tpu.memory_space<vmem>>[vector<16xi32>, vector<16xi32>, vector<16xi32>], vector<16xf32>,
        %add3A_323 = arith.constant 256 : i32
        %add3A_324 = vector.broadcast %add3A_323 : i32 to vector<16xi32>
        %add3A_325 = arith.addi %add3A_193, %add3A_324 : vector<16xi32>
        tpu.vector_store_idx %arg12[%add3A_325, %broadcast_in_dim3A, %broadcast_in_dim3A_321], %get3A_191 : memref<512x4x16xf32, #tpu.memory_space<vmem>>[vector<16xi32>, vector<16xi32>, vector<16xi32>], vector<16xf32>,
        %add3A_326 = arith.constant 48 : i32
        %add3A_327 = arith.addi %add3A_326, %select_n3A_171 : i32
        %get3A_328 = arith.index_cast %add3A_327 : i32 to index
        %get3A_329 = arith.index_cast %mul3A_189 : i32 to index
        %get3A_330 = tpu.vector_load %arg9[%get3A_328, %get3A_329] {strides = array<i32>} : memref<64x256xf32, #tpu.memory_space<vmem>>, vector<16xf32>,
        %broadcast_in_dim3A_331 = arith.constant 12 : i32
        %broadcast_in_dim3A_332 = vector.broadcast %broadcast_in_dim3A_331 : i32 to vector<16xi32>
        %sub3A_333 = arith.subf %get3A_330, %get3A_191 : vector<16xf32>
        tpu.vector_store_idx %arg12[%add3A_193, %broadcast_in_dim3A, %broadcast_in_dim3A_332], %sub3A_333 : memref<512x4x16xf32, #tpu.memory_space<vmem>>[vector<16xi32>, vector<16xi32>, vector<16xi32>], vector<16xf32>,
        %add3A_334 = arith.constant 256 : i32
        %add3A_335 = vector.broadcast %add3A_334 : i32 to vector<16xi32>
        %add3A_336 = arith.addi %add3A_193, %add3A_335 : vector<16xi32>
        tpu.vector_store_idx %arg12[%add3A_336, %broadcast_in_dim3A, %broadcast_in_dim3A_332], %get3A_191 : memref<512x4x16xf32, #tpu.memory_space<vmem>>[vector<16xi32>, vector<16xi32>, vector<16xi32>], vector<16xf32>,
        %add3A_337 = arith.constant 52 : i32
        %add3A_338 = arith.addi %add3A_337, %select_n3A_171 : i32
        %get3A_339 = arith.index_cast %add3A_338 : i32 to index
        %get3A_340 = arith.index_cast %mul3A_189 : i32 to index
        %get3A_341 = tpu.vector_load %arg9[%get3A_339, %get3A_340] {strides = array<i32>} : memref<64x256xf32, #tpu.memory_space<vmem>>, vector<16xf32>,
        %broadcast_in_dim3A_342 = arith.constant 13 : i32
        %broadcast_in_dim3A_343 = vector.broadcast %broadcast_in_dim3A_342 : i32 to vector<16xi32>
        %sub3A_344 = arith.subf %get3A_341, %get3A_191 : vector<16xf32>
        tpu.vector_store_idx %arg12[%add3A_193, %broadcast_in_dim3A, %broadcast_in_dim3A_343], %sub3A_344 : memref<512x4x16xf32, #tpu.memory_space<vmem>>[vector<16xi32>, vector<16xi32>, vector<16xi32>], vector<16xf32>,
        %add3A_345 = arith.constant 256 : i32
        %add3A_346 = vector.broadcast %add3A_345 : i32 to vector<16xi32>
        %add3A_347 = arith.addi %add3A_193, %add3A_346 : vector<16xi32>
        tpu.vector_store_idx %arg12[%add3A_347, %broadcast_in_dim3A, %broadcast_in_dim3A_343], %get3A_191 : memref<512x4x16xf32, #tpu.memory_space<vmem>>[vector<16xi32>, vector<16xi32>, vector<16xi32>], vector<16xf32>,
        %add3A_348 = arith.constant 56 : i32
        %add3A_349 = arith.addi %add3A_348, %select_n3A_171 : i32
        %get3A_350 = arith.index_cast %add3A_349 : i32 to index
        %get3A_351 = arith.index_cast %mul3A_189 : i32 to index
        %get3A_352 = tpu.vector_load %arg9[%get3A_350, %get3A_351] {strides = array<i32>} : memref<64x256xf32, #tpu.memory_space<vmem>>, vector<16xf32>,
        %broadcast_in_dim3A_353 = arith.constant 14 : i32
        %broadcast_in_dim3A_354 = vector.broadcast %broadcast_in_dim3A_353 : i32 to vector<16xi32>
        %sub3A_355 = arith.subf %get3A_352, %get3A_191 : vector<16xf32>
        tpu.vector_store_idx %arg12[%add3A_193, %broadcast_in_dim3A, %broadcast_in_dim3A_354], %sub3A_355 : memref<512x4x16xf32, #tpu.memory_space<vmem>>[vector<16xi32>, vector<16xi32>, vector<16xi32>], vector<16xf32>,
        %add3A_356 = arith.constant 256 : i32
        %add3A_357 = vector.broadcast %add3A_356 : i32 to vector<16xi32>
        %add3A_358 = arith.addi %add3A_193, %add3A_357 : vector<16xi32>
        tpu.vector_store_idx %arg12[%add3A_358, %broadcast_in_dim3A, %broadcast_in_dim3A_354], %get3A_191 : memref<512x4x16xf32, #tpu.memory_space<vmem>>[vector<16xi32>, vector<16xi32>, vector<16xi32>], vector<16xf32>,
        %add3A_359 = arith.constant 60 : i32
        %add3A_360 = arith.addi %add3A_359, %select_n3A_171 : i32
        %get3A_361 = arith.index_cast %add3A_360 : i32 to index
        %get3A_362 = arith.index_cast %mul3A_189 : i32 to index
        %get3A_363 = tpu.vector_load %arg9[%get3A_361, %get3A_362] {strides = array<i32>} : memref<64x256xf32, #tpu.memory_space<vmem>>, vector<16xf32>,
        %broadcast_in_dim3A_364 = arith.constant 15 : i32
        %broadcast_in_dim3A_365 = vector.broadcast %broadcast_in_dim3A_364 : i32 to vector<16xi32>
        %sub3A_366 = arith.subf %get3A_363, %get3A_191 : vector<16xf32>
        tpu.vector_store_idx %arg12[%add3A_193, %broadcast_in_dim3A, %broadcast_in_dim3A_365], %sub3A_366 : memref<512x4x16xf32, #tpu.memory_space<vmem>>[vector<16xi32>, vector<16xi32>, vector<16xi32>], vector<16xf32>,
        %add3A_367 = arith.constant 256 : i32
        %add3A_368 = vector.broadcast %add3A_367 : i32 to vector<16xi32>
        %add3A_369 = arith.addi %add3A_193, %add3A_368 : vector<16xi32>
        tpu.vector_store_idx %arg12[%add3A_369, %broadcast_in_dim3A, %broadcast_in_dim3A_365], %get3A_191 : memref<512x4x16xf32, #tpu.memory_space<vmem>>[vector<16xi32>, vector<16xi32>, vector<16xi32>], vector<16xf32>,
      }
      %scan3A_138 = arith.constant 64 : i32
      %dma_start3A_139 = arith.constant 0 : i32
      %dma_start3A_140 = arith.constant 0 : i32
      %dma_start3A_141 = tpu.memref_slice %arg5[%select_n3A, %dma_start3A_139, %add3A_117, %dma_start3A_140] : memref<4x512x2048x16xf32, #tpu.memory_space<hbm>> -> memref<1x512x4x16xf32, #tpu.memory_space<hbm>>
      %dma_start3A_142 = tpu.memref_squeeze %dma_start3A_141 : memref<1x512x4x16xf32, #tpu.memory_space<hbm>> -> memref<512x4x16xf32, #tpu.memory_space<hbm>>
      %dma_start3A_143 = arith.constant 0 : i32
      %dma_start3A_144 = arith.constant 0 : i32
      %dma_start3A_145 = tpu.memref_slice %arg5[%select_n3A, %dma_start3A_143, %add3A_117, %dma_start3A_144] : memref<4x512x2048x16xf32, #tpu.memory_space<hbm>> -> memref<1x512x4x16xf32, #tpu.memory_space<hbm>>
      %dma_start3A_146 = tpu.memref_squeeze %dma_start3A_145 : memref<1x512x4x16xf32, #tpu.memory_space<hbm>> -> memref<512x4x16xf32, #tpu.memory_space<hbm>>
      tpu.enqueue_dma source(%arg12 : memref<512x4x16xf32, #tpu.memory_space<vmem>>) target(%dma_start3A_146 : memref<512x4x16xf32, #tpu.memory_space<hbm>>) target_semaphore(%arg16 : memref<!tpu.dma_semaphore, #tpu.memory_space<semaphore_mem>>)
    }
    %scan3A_57 = arith.constant 32 : i32
    %add3A_58 = arith.constant 248 : i32
    %add3A_59 = arith.addi %mul3A_32, %add3A_58 : i32
    %dma_wait3A = arith.constant 0 : i32
    %dma_wait3A_60 = arith.constant 0 : i32
    %dma_wait3A_61 = tpu.memref_slice %arg5[%select_n3A, %dma_wait3A, %add3A_59, %dma_wait3A_60] : memref<4x512x2048x16xf32, #tpu.memory_space<hbm>> -> memref<1x512x4x16xf32, #tpu.memory_space<hbm>>
    %dma_wait3A_62 = tpu.memref_squeeze %dma_wait3A_61 : memref<1x512x4x16xf32, #tpu.memory_space<hbm>> -> memref<512x4x16xf32, #tpu.memory_space<hbm>>
    %dma_wait3A_63 = arith.constant 0 : i32
    %dma_wait3A_64 = arith.constant 0 : i32
    %dma_wait3A_65 = tpu.memref_slice %arg5[%select_n3A, %dma_wait3A_63, %add3A_59, %dma_wait3A_64] : memref<4x512x2048x16xf32, #tpu.memory_space<hbm>> -> memref<1x512x4x16xf32, #tpu.memory_space<hbm>>
    %dma_wait3A_66 = tpu.memref_squeeze %dma_wait3A_65 : memref<1x512x4x16xf32, #tpu.memory_space<hbm>> -> memref<512x4x16xf32, #tpu.memory_space<hbm>>
    tpu.wait_dma2 semaphore(%arg15 : memref<!tpu.dma_semaphore, #tpu.memory_space<semaphore_mem>>) src(%arg11 : memref<512x4x16xf32, #tpu.memory_space<vmem>>) dst(%dma_wait3A_66 : memref<512x4x16xf32, #tpu.memory_space<hbm>>)
    %add3A_67 = arith.constant 252 : i32
    %add3A_68 = arith.addi %mul3A_32, %add3A_67 : i32
    %dma_wait3A_69 = arith.constant 0 : i32
    %dma_wait3A_70 = arith.constant 0 : i32
    %dma_wait3A_71 = tpu.memref_slice %arg5[%select_n3A, %dma_wait3A_69, %add3A_68, %dma_wait3A_70] : memref<4x512x2048x16xf32, #tpu.memory_space<hbm>> -> memref<1x512x4x16xf32, #tpu.memory_space<hbm>>
    %dma_wait3A_72 = tpu.memref_squeeze %dma_wait3A_71 : memref<1x512x4x16xf32, #tpu.memory_space<hbm>> -> memref<512x4x16xf32, #tpu.memory_space<hbm>>
    %dma_wait3A_73 = arith.constant 0 : i32
    %dma_wait3A_74 = arith.constant 0 : i32
    %dma_wait3A_75 = tpu.memref_slice %arg5[%select_n3A, %dma_wait3A_73, %add3A_68, %dma_wait3A_74] : memref<4x512x2048x16xf32, #tpu.memory_space<hbm>> -> memref<1x512x4x16xf32, #tpu.memory_space<hbm>>
    %dma_wait3A_76 = tpu.memref_squeeze %dma_wait3A_75 : memref<1x512x4x16xf32, #tpu.memory_space<hbm>> -> memref<512x4x16xf32, #tpu.memory_space<hbm>>
    tpu.wait_dma2 semaphore(%arg16 : memref<!tpu.dma_semaphore, #tpu.memory_space<semaphore_mem>>) src(%arg12 : memref<512x4x16xf32, #tpu.memory_space<vmem>>) dst(%dma_wait3A_76 : memref<512x4x16xf32, #tpu.memory_space<hbm>>)
    return
  }
}

module attributes {stable_mosaic.version = 14 : i64} {
  func.func @_tr_body(%arg0: i32, %arg1: i32, %arg2: memref<1x256x512xf32, #tpu.memory_space<vmem>>, %arg3: memref<512x256xf32, #tpu.memory_space<vmem>>) attributes {dimension_semantics = [#tpu.dimension_semantics<arbitrary>, #tpu.dimension_semantics<arbitrary>], iteration_bounds = array<i64: 4, 16>, scalar_prefetch = 0 : i64, scratch_operands = 0 : i64, tpu.core_type = #tpu.core_type<tc>, window_params = [{transform_indices = @transform_0, window_bounds = array<i64: 1, 256, 512>}, {transform_indices = @transform_1, window_bounds = array<i64: 512, 256>}]} {
    %get3A = arith.constant 0 : index
    %get3A_0 = arith.constant 0 : index
    %get3A_1 = arith.constant 0 : index
    %get3A_2 = vector.load %arg2[%get3A, %get3A_0, %get3A_1] : memref<1x256x512xf32, #tpu.memory_space<vmem>>, vector<1x256x512xf32>
    %get3A_3 = vector.shape_cast %get3A_2 : vector<1x256x512xf32> to vector<256x512xf32>
    %transpose3A = tpu.transpose %get3A_3, [1, 0] : vector<256x512xf32> -> vector<512x256xf32>
    %swap3A = arith.constant 0 : index
    %swap3A_4 = arith.constant 0 : index
    %swap3A_5 = vector.load %arg3[%swap3A, %swap3A_4] : memref<512x256xf32, #tpu.memory_space<vmem>>, vector<512x256xf32>
    tpu.vector_store %arg3[%swap3A, %swap3A_4], %transpose3A {strides = array<i32>} : memref<512x256xf32, #tpu.memory_space<vmem>>, vector<512x256xf32>,
    return
  }
  func.func @transform_0(%arg0: i32, %arg1: i32) -> (i32, i32, i32) {
    %c0_i32 = arith.constant 0 : i32
    %c0_i32_0 = arith.constant 0 : i32
    return %arg0, %c0_i32, %arg1 : i32, i32, i32
  }
  func.func @transform_1(%arg0: i32, %arg1: i32) -> (i32, i32) {
    %mul3A = arith.constant 16 : i32
    %mul3A_0 = arith.muli %arg0, %mul3A : i32
    %add3A = arith.addi %mul3A_0, %arg1 : i32
    %c0_i32 = arith.constant 0 : i32
    %c0_i32_1 = arith.constant 0 : i32
    return %add3A, %c0_i32 : i32, i32
  }
}

module attributes {stable_mosaic.version = 14 : i64} {
  func.func @_tr_q_body(%arg0: i32, %arg1: i32, %arg2: memref<1x256x512xf32, #tpu.memory_space<vmem>>, %arg3: memref<1x512x256xf32, #tpu.memory_space<vmem>>) attributes {dimension_semantics = [#tpu.dimension_semantics<arbitrary>, #tpu.dimension_semantics<arbitrary>], iteration_bounds = array<i64: 4, 4>, scalar_prefetch = 0 : i64, scratch_operands = 0 : i64, tpu.core_type = #tpu.core_type<tc>, window_params = [{transform_indices = @transform_0, window_bounds = array<i64: 1, 256, 512>}, {transform_indices = @transform_1, window_bounds = array<i64: 1, 512, 256>}]} {
    %get3A = arith.constant 0 : index
    %get3A_0 = arith.constant 0 : index
    %get3A_1 = arith.constant 0 : index
    %get3A_2 = vector.load %arg2[%get3A, %get3A_0, %get3A_1] : memref<1x256x512xf32, #tpu.memory_space<vmem>>, vector<1x256x512xf32>
    %get3A_3 = vector.shape_cast %get3A_2 : vector<1x256x512xf32> to vector<256x512xf32>
    %transpose3A = tpu.transpose %get3A_3, [1, 0] : vector<256x512xf32> -> vector<512x256xf32>
    %swap3A = arith.constant 0 : index
    %swap3A_4 = arith.constant 0 : index
    %swap3A_5 = arith.constant 0 : index
    %swap3A_6 = vector.load %arg3[%swap3A, %swap3A_4, %swap3A_5] : memref<1x512x256xf32, #tpu.memory_space<vmem>>, vector<1x512x256xf32>
    %swap3A_7 = vector.shape_cast %swap3A_6 : vector<1x512x256xf32> to vector<512x256xf32>
    %swap3A_8 = vector.shape_cast %transpose3A : vector<512x256xf32> to vector<1x512x256xf32>
    tpu.vector_store %arg3[%swap3A, %swap3A_4, %swap3A_5], %swap3A_8 {strides = array<i32>} : memref<1x512x256xf32, #tpu.memory_space<vmem>>, vector<1x512x256xf32>,
    return
  }
  func.func @transform_0(%arg0: i32, %arg1: i32) -> (i32, i32, i32) {
    %c0_i32 = arith.constant 0 : i32
    %c0_i32_0 = arith.constant 0 : i32
    return %arg0, %c0_i32, %arg1 : i32, i32, i32
  }
  func.func @transform_1(%arg0: i32, %arg1: i32) -> (i32, i32, i32) {
    %c0_i32 = arith.constant 0 : i32
    %c0_i32_0 = arith.constant 0 : i32
    return %arg0, %arg1, %c0_i32 : i32, i32, i32
  }
}

</mosaic_0001>

<sc_bundles>
// kernel: kernel.6.cloned.1.call-start
scs
__scs_entry_jumppad:
0x0: {  	(pc) =	sbr.rel $0x88, $3  }
0x1: {  	(tag) =	ssettag $0x0;
	lr =	simm.s32 $0x1  }
0x2: {  	[smem:$0x3F9D] =	sst lr;
	_ =	strace $0xD0000000  }
0x3: {  	_ = 	snop  }
0x4: {  	_ = 	snop  }
0x5: {  	_ = 	snop  }
0x6: {  	_ = 	snop  }
0x7: {  	_ = 	snop  }
__scs_overlays_trampoline_lowered:
0x8: {  	[smem:$0x3FAC] =	sst s0  }
0x9: {  	[smem:$0x3FAD] =	sst s1  }
0xa: {  	[smem:$0x3FAE] =	sst s2  }
0xb: {  	[smem:$0x3FAF] =	sst s3  }
0xc: {  	[smem:$0x3FB0] =	sst s4  }
0xd: {  	[smem:$0x3FB1] =	sst s5  }
0xe: {  	[smem:$0x3FB2] =	sst s6  }
0xf: {  	[smem:$0x3FB3] =	sst s7  }
0x10: {  	[smem:$0x3FB4] =	sst s8  }
0x11: {  	[smem:$0x3FB5] =	sst s9;
	s0 =	simm.s32 @!p0 $0x0  }
0x12: {  	s1 =	sld [smem:$0x3F9B];
	s0 =	simm.s32 @p0 $0x1  }
0x13: {  	[smem:$0x3FB6] =	sst s0;
	s0 =	simm.s32 @!p1 $0x0  }
0x14: {  	s2 =	sld [smem:$0x3F9A];
	s0 =	simm.s32 @p1 $0x1  }
0x15: {  	[smem:$0x3FB7] =	sst s0;
	s0 =	simm.s32 @!p2 $0x0  }
0x16: {  	s3 =	sld [smem:$0x3FDB];
	s0 =	simm.s32 @p2 $0x1  }
0x17: {  	s4 =	simm.s32 $0x1BF5;
	[smem:$0x3FB9] =	sst s0  }
0x18: {  	s0 =	sld [smem:$0x3F9C];
	_ =	swait.ge [sflag:s4], $0x0  }
0x19: {  	s7 =	sld [smem:$0x3F9D]  }
0x1a: {  	s8 =	sadd.s32 $0xFFFFE003, lr  }
0x1b: {  	s9 =	sadd.s32 $0xFFFFFEF7, lr;
	s5 =	simm.s32 $0xFFFFFFFF;
	p2 =	slt.u32 s8, $0xFFFFF086  }
0x1c: {  	p1 =	slt.u32 s9, $0xF7A;
	s5 =	simm.s32 @!p2 $0x0  }
0x1d: {  	s5 =	simm.s32 @p1 $0x1;
	p0 =	seq.s32 s7, s2  }
0x1e: {  	s7 =	smul.u32 @!p0 $0xF7A, s2;
	p2 =	seq.s32 @!p0 s5, $0x0  }
0x1f: {  	s9 =	smul.u32 $0xF7A, s1;
	s8 =	simm.s32 @!p0 $0x1BF5;
	p2 =	por !p2, p0  }
0x20: {  	[sflag:s8] =	ssyncset.s32 @!p0 $0xFFFFF086;
	s6 =	sadd.s32 @!p0 s3, s7;
	s7 =	simm.s32 @!p0 $0x108  }
0x21: {  	s3 =	sadd.s32 s3, s9;
	s6 =	sadd.s32 @!p0 $0x88, s6;
	s7 =	simm.s32 @p2 $0x1082  }
0x22: {  	[simem:s7], [sflag:s8] =	dma.local @!p0 [hbm:s6], $0xF7A  }
0x23: {  	s9 =	sor.u32 $0xD0000000, s2;
	s6 =	simm.s32 $0x108;
	_ =	swait.ge @!p0 [sflag:s8], $0x0  }
0x24: {  	s3 =	sadd.s32 $0x88, s3;
	s6 =	simm.s32 @!p1 $0x1082;
	[sflag:s4] =	ssyncset.s32 $0xFFFFF086  }
0x25: {  	[simem:s6], [sflag:s4] =	dma.local [hbm:s3], $0xF7A  }
0x26: {  	[smem:$0x3F9D] =	sst s1;
	(tag) =	ssettag s2;
	_ =	strace s9  }
0x27: {  	s1 =	sld [smem:$0x3FAD]  }
0x28: {  	s2 =	sld [smem:$0x3FAE]  }
0x29: {  	s4 =	sld [smem:$0x3FB0]  }
0x2a: {  	p0 =	seq.s32 s5, $0x0;
	s5 =	sld [smem:$0x3FB1]  }
0x2b: {  	s6 =	sld [smem:$0x3FB2]  }
0x2c: {  	s7 =	sld [smem:$0x3FB3]  }
0x2d: {  	s3 =	simm.s32 $0x108;
	s8 =	sld [smem:$0x3FB4]  }
0x2e: {  	s3 =	simm.s32 @!p0 $0x1082;
	s9 =	sld [smem:$0x3FB5]  }
0x2f: {  	lr =	sadd.s32 s0, s3;
	s0 =	sld [smem:$0x3FAC]  }
0x30: {  	s3 =	sld [smem:$0x3FAF]  }
0x31: {  	[smem:$0x3FB8] =	sst s10  }
0x32: {  	s10 =	sld [smem:$0x3FB6];
	_ =	sdelay $0x3  }
0x33: {  	p0 =	seq.s32 s10, $0x1;
	s10 =	sld [smem:$0x3FB8];
	_ =	sdelay $0x3  }
0x34: {  	[smem:$0x3FB8] =	sst s10  }
0x35: {  	s10 =	sld [smem:$0x3FB7];
	_ =	sdelay $0x3  }
0x36: {  	p1 =	seq.s32 s10, $0x1;
	s10 =	sld [smem:$0x3FB8];
	_ =	sdelay $0x3  }
0x37: {  	[smem:$0x3FB8] =	sst s10  }
0x38: {  	s10 =	sld [smem:$0x3FB9]  }
0x39: {  	_ = 	snop;
	(pc) =	sbr.ind lr, $3  }
0x3a: {  	_ = 	snop  }
0x3b: {  	_ = 	snop  }
0x3c: {  	p2 =	seq.s32 s10, $0x1;
	s10 =	sld [smem:$0x3FB8]  }
0x3d: {  	_ =	shalt  }
0x3e: {  	_ =	shalt  }
0x3f: {  	_ =	shalt  }
0x40: {  	_ =	shalt  }
0x41: {  	_ =	shalt  }
0x42: {  	_ =	shalt  }
0x43: {  	_ =	shalt  }
0x44: {  	_ =	shalt  }
0x45: {  	_ =	shalt  }
0x46: {  	_ =	shalt  }
0x47: {  	_ =	shalt  }
0x48: {  	_ =	shalt  }
0x49: {  	_ =	shalt  }
0x4a: {  	_ =	shalt  }
0x4b: {  	_ =	shalt  }
0x4c: {  	_ =	shalt  }
0x4d: {  	_ =	shalt  }
0x4e: {  	_ =	shalt  }
0x4f: {  	_ =	shalt  }
0x50: {  	_ =	shalt  }
0x51: {  	_ =	shalt  }
0x52: {  	_ =	shalt  }
0x53: {  	_ =	shalt  }
0x54: {  	_ =	shalt  }
0x55: {  	_ =	shalt  }
0x56: {  	_ =	shalt  }
0x57: {  	_ =	shalt  }
0x58: {  	_ =	shalt  }
0x59: {  	_ =	shalt  }
0x5a: {  	_ =	shalt  }
0x5b: {  	_ =	shalt  }
0x5c: {  	_ =	shalt  }
0x5d: {  	_ =	shalt  }
0x5e: {  	_ =	shalt  }
0x5f: {  	_ =	shalt  }
0x60: {  	_ =	shalt  }
0x61: {  	_ =	shalt  }
0x62: {  	_ =	shalt  }
0x63: {  	_ =	shalt  }
0x64: {  	_ =	shalt  }
0x65: {  	_ =	shalt  }
0x66: {  	_ =	shalt  }
0x67: {  	_ =	shalt  }
0x68: {  	_ =	shalt  }
0x69: {  	_ =	shalt  }
0x6a: {  	_ =	shalt  }
0x6b: {  	_ =	shalt  }
0x6c: {  	_ =	shalt  }
0x6d: {  	_ =	shalt  }
0x6e: {  	_ =	shalt  }
0x6f: {  	_ =	shalt  }
0x70: {  	_ =	shalt  }
0x71: {  	_ =	shalt  }
0x72: {  	_ =	shalt  }
0x73: {  	_ =	shalt  }
0x74: {  	_ =	shalt  }
0x75: {  	_ =	shalt  }
0x76: {  	_ =	shalt  }
0x77: {  	_ =	shalt  }
0x78: {  	_ =	shalt  }
0x79: {  	_ =	shalt  }
0x7a: {  	_ =	shalt  }
0x7b: {  	_ =	shalt  }
0x7c: {  	_ =	shalt  }
0x7d: {  	_ =	shalt  }
0x7e: {  	_ =	shalt  }
0x7f: {  	_ =	shalt  }
0x80: {  	_ =	shalt  }
0x81: {  	_ =	shalt  }
0x82: {  	_ =	shalt  }
0x83: {  	_ =	shalt  }
0x84: {  	_ =	shalt  }
0x85: {  	_ =	shalt  }
0x86: {  	_ =	shalt  }
0x87: {  	_ =	shalt  }
.Lfunc_end0:
.L_simem_size_0:
called_computation.2_lowered:
.L_overlay_start_0:
0x88: {  	s2 =	sld [smem:$0x3FD9]  }
0x89: {  	s3 =	sld [smem:$0x3FFE];
	_ =	sdelay $0x1  }
0x8a: {  	s1 =	srdreg.scid  }
0x8b: {  	s0 =	sand.u32 $0x1, s1  }
0x8c: {  	s17 =	sshll.u32 s0, $0xA;
	s2 =	sadd.s32 s3, s2  }
0x8d: {  	s2 =	sadd.s32 s2, s17  }
0x8e: {  	[smem:$0x3FC4] =	sst s2  }
0x8f: {  	_ = 	snop  }
0x90: {  	(tm) =	ssettm $0x1  }
0x91: {  	s18 =	sld [smem:$0x3FFB];
	_ =	sdelay $0x3  }
0x92: {  	_ =	strace s18  }
0x93: {  	s2 =	sld [smem:$0x3FFC];
	_ =	sdelay $0x3  }
0x94: {  	_ =	strace s2  }
0x95: {  	s2 =	sld [smem:$0x3FFD];
	_ =	sdelay $0x3  }
0x96: {  	_ =	strace s2  }
0x97: {  	_ =	strace $0x8FFFFFFF  }
0x98: {  	s19 =	sld [smem:$0x3FDB];
	_ =	sdelay $0x1  }
0x99: {  	s20 =	simm.s32 $_scs_section_size  }
0x9a: {  	s4 =	simm.s32 $_size__tile_overlayer_lowered;
	s5 =	simm.s32 $_tile_overlayer_lowered  }
0x9b: {  	s6 =	simm.s32 $0x1BFF;
	s21 =	sshll.u32 s5, $0x1;
	s3 =	sadd.s32 s20, s19  }
0x9c: {  	s22 =	simm.s32 $0x0;
	s4 =	sshll.u32 s4, $0x1;
	s5 =	sadd.s32 s21, s3  }
0x9d: {  	[timem:s22], [sflag:s6] =	dma.local [hbm:s5], s4  }
0x9e: {  	_ =	swait.ge [sflag:s6], s4  }
0x9f: {  	s4 =	ssub.s32 $0x0, s4;
	[sflag:s6] =	ssyncset.done $0x0  }
0xa0: {  	[sflag:s6] =	ssyncadd.s32 s4;
	_ =	sdelay $0x1  }
0xa1: {  	s23 =	simm.s32 $0x1B8B  }
0xa2: {  	_ =	swait.ge [sflag:s23], $0x1  }
0xa3: {  	[sflag:s23] =	ssyncset.done $0x0  }
0xa4: {  	[sflag:s23] =	ssyncadd.s32 $0xFFFFFFFF  }
0xa5: {  	s4 =	sld [smem:$0x0]  }
0xa6: {  	s5 =	sand.u32 $0xFFFFFFFE, s1  }
0xa7: {  	p0 =	sne.s32 s1, s5  }
0xa8: {  	s5 =	sshll.u32 @p0 s5, $0xE  }
0xa9: {  	s5 =	sadd.s32 @p0 $0x11B8D, s5;
	s6 =	sshll.u32 @p0 s4, $0x11  }
0xaa: {  	s5 =	sor.u32 @p0 s6, s5  }
0xab: {  	[sflag:s5] =	ssyncadd.remote.s32 @p0 $0x1;
	_ =	sdelay $0x1  }
0xac: {  	s5 =	simm.s32 @p0 $0x1B8D  }
0xad: {  	_ =	swait.eq @p0 [sflag:s5], $0x1  }
0xae: {  	[sflag:s5] =	ssyncadd.s32 @p0 $0xFFFFFFFF  }
0xaf: {  	s6 =	sshll.u32 @!p0 s1, $0xE  }
0xb0: {  	s6 =	sor.u32 @!p0 $0x4000, s6;
	s5 =	simm.s32 @!p0 $0x1B8D  }
0xb1: {  	s4 =	sshll.u32 @!p0 s4, $0x11;
	s6 =	sadd.s32 @!p0 $0x11B8D, s6;
	_ =	swait.eq @!p0 [sflag:s5], $0x1  }
0xb2: {  	s4 =	sor.u32 @!p0 s4, s6;
	[sflag:s5] =	ssyncadd.s32 @!p0 $0xFFFFFFFF  }
0xb3: {  	s25 =	simm.s32 $0x1B8E;
	s24 =	sld [smem:$0x3FFE];
	[sflag:s4] =	ssyncadd.remote.s32 @!p0 $0x1  }
0xb4: {  	s26 =	simm.s32 $execute0_lowered;
	[smem:$0x3FD2] =	sst s25  }
0xb5: {  	s5 =	sshll.u32 s26, $0x1;
	_ =	strace $0x80000049;
	[dreg:$0x1] =	wrdreg $0xFFFFFFFF  }
0xb6: {  	s28 =	simm.s32 $_size_execute0_lowered;
	s3 =	sadd.s32 s3, s5;
	[dreg:$0x0] =	wrdreg $0x0  }
0xb7: {  	s5 =	sshll.u32 s28, $0x1;
	[dreg:$0x2] =	wrdreg s3  }
0xb8: {  	[dreg:$0x3] =	wrdreg s5  }
0xb9: {  	[dreg:$0x4] =	wrdreg $0xC0  }
0xba: {  	_ =	task [dreg:s22], $0x5FFFF  }
0xbb: {  	[dreg:$0x1] =	wrdreg $0xFFFFFFFF  }
0xbc: {  	[dreg:$0x0] =	wrdreg $0x60  }
0xbd: {  	[dreg:$0x2] =	wrdreg s24  }
0xbe: {  	[dreg:$0x3] =	wrdreg $0xA  }
0xbf: {  	_ =	task.clear_ibuf [dreg:s22], $0x4FFFF;
	_ =	strace $0x90000049  }
0xc0: {  	s29 =	simm.s32 $0xA;
	_ =	strace $0x8000004B  }
0xc1: {  	_ =	swait.ge [sflag:s29], $0x1  }
0xc2: {  	[sflag:s29] =	ssyncadd.s32 $0xFFFFFFFF  }
0xc3: {  	_ =	strace $0x9000004B  }
0xc4: {  	_ =	sfence  }
0xc5: {  	s30 =	sld [smem:$0x0];
	_ =	sdelay $0x2  }
0xc6: {  	s31 =	sshll.u32 s1, $0xD;
	s1 =	sshrl.u32 s1, $0x2  }
0xc7: {  	s4 =	sand.u32 $0x4000, s31;
	s1 =	sadd.s32 s1, s30  }
0xc8: {  	s0 =	sor.u32 s4, s0;
	s1 =	sshll.u32 s1, $0x11  }
0xc9: {  	s0 =	sor.u32 s1, s0  }
0xca: {  	s0 =	sadd.s32 $0x8F2B, s0  }
0xcb: {  	[sflag:s0] =	ssyncadd.remote.s32 $0x1  }
0xcc: {  	_ =	sfence.sel $0xFFFF  }
0xcd: {  	[dreg:$0x0] =	wrdreg $0xFFFFFFFF;
	(pc) =	sbr.abs _section_cstart, $3  }
0xce: {  	[dreg:$0x1] =	wrdreg $0xFFFFFFFF  }
0xcf: {  	_ =	task.clear_ibuf [dreg:s22], $0x2FFFF;
	_ =	strace $0x9FFFFFFF  }
0xd0: {  	(tm) =	ssettm $0x7FFFFFFF  }
0xd1: {  	_ =	shalt  }
tec
execute0_lowered:
.L_overlay_start_1:
0x0: {  	(tag) =	ssettag $0x1  }
0x1: {  	s0 =	srdreg.scid  }
0x2: {  	s2 =	simm.s32 $0x1;
	s6 =	rddreg [dreg:$0x0];
	s4 =	sand.u32 $0x1, s0  }
0x3: {  	s13 =	simm.s32 $0x6300;
	s0 =	stileid.u32;
	s1 =	sshll.u32 s4, $0x4  }
0x4: {  	s14 =	simm.s32 $0xC300;
	s5 =	sand.u32 $0x7, s0;
	s1 =	sor.u32 s0, s1  }
0x5: {  	s15 =	simm.s32 $0xE700;
	p1 =	sne.s32 s5, $0x0;
	p0 =	seq.s32 s1, $0x0  }
0x6: {  	s16 =	simm.s32 $0x8;
	s17 =	simm.s32 $0x40;
	p0 =	por !p1, !p0  }
0x7: {  	s18 =	simm.s32 $0x0;
	s28 =	ssub.s32 $0x2, s4;
	p0 =	por !p0, !p0  }
0x8: {  	s7 =	sshll.u32 s5, $0x8;
	s1 =	sshrl.u32 s1, $0x3;
	s2 =	simm.s32 @!p0 $0x0  }
0x9: {  	s10 =	sadd.s32 s5, s6;
	s29 =	sshrl.u32 s28, $0x1;
	s8 =	ssub.s32 s1, s2  }
0xa: {  	s1 =	rddreg [dreg:$0x1];
	s2 =	simm.s32 $0x0;
	s3 =	smul.u32 $0x1800, s8  }
0xb: {  	s12 =	ssub.s32 s28, s29;
	[smem:$0x7FF] =	sst s2;
	s26 =	smul.u32 $0x6000, s8  }
0xc: {  	v0 =	vimm.s32 $0xEDCBA987;
	s11 =	sshll.u32 s8, $0xC;
	s31 =	sshll.u32 s8, $0xD;
	_ =	strace $0x8000004A  }
0xd: {  	v1 =	vimm.s32 $0x65432100;
	v0 =	vunpack.c.l.s4.s8 v0;
	s11 =	sand.u32 $0x1FFFF000, s11;
	s3 =	sor.u32 s7, s3;
	s7 =	sshrl.u32 s26, $0x3  }
.Ltmp0:
0xe: {  	v1 =	vunpack.c.l.s4.s8 v1;
	s30 =	sadd.s32 s11, s10;
	s10 =	simm.s32 $0x100;
	(pc) =	sbr.rel .LBB2_1-.Ltmp0, $4  }
0xf: {  	v3 =	vunpack.c.0.s8.s32 v0;
	s11 =	simm.s32 $0x800;
	s9 =	sshrl.u32 s3, $0x3;
	s7 =	sadd.s32 s7, s6  }
0x10: {  	v2 =	vimm.f32 $0.0e+00;
	v4 =	vunpack.c.0.s8.s32 v1;
	s8 =	sadd.s32 $0x109400, s30;
	s9 =	sadd.s32 s9, s6;
	s4 =	sadd.s32 $0x106400, s7  }
0x11: {  	v1 =	vimm.s32 $0x0;
	v5 =	vand.u32 $0xF, v3;
	v3 =	vlaneseq.u32;
	s3 =	simm.s32 $0x1;
	s6 =	sadd.s32 $0x103400, s7;
	s5 =	sadd.s32 $0x102800, s9  }
0x12: {  	v4 =	vcombine.low v4, v5;
	v5 =	vimm.s32 $0xF;
	v0 =	vmov s31;
	s7 =	sadd.s32 $0x101C00, s9;
	s9 =	smax.u32 s12, $0x1;
	s12 =	simm.s32 $0x6000  }
.LBB2_17:
0x13: {  	s18 =	sadd.s32 $0x1, s18  }
0x14: {  	p0 =	sne.s32 s18, s9  }
.Ltmp1:
0x15: {  	_ = 	snop;
	(pc) =	sbr.rel @!p0 .LBB2_18-.Ltmp1, $4  }
0x16: {  	[hbm4b:s8+s16] =	stream.strided.scatter [tilespmem:s15], [sflag:$0x1], $0x1000, s17, s16, $0x38;
	[tilespmem:$0xF700] =	vst v63  }
0x17: {  	_ =	swait.ge [sflag:s3], $0x1000  }
0x18: {  	[sflag:s3] =	ssyncset.done $0x0  }
0x19: {  	[sflag:s3] =	ssyncadd.s32 $0xFFFFF000  }
.LBB2_1:
0x1a: {  	[tilespmem:s2], [sflag:$0x1] =	stream.linear.gather [hbm4b:s4+s2], $0x6000, $0x38;
	[tilespmem:$0xF700] =	vst v63  }
0x1b: {  	_ =	swait.ge [sflag:s3], $0x6000  }
0x1c: {  	[sflag:s3] =	ssyncset.done $0x0  }
0x1d: {  	[sflag:s3] =	ssyncadd.s32 $0xFFFFA000  }
0x1e: {  	[tilespmem:s12], [sflag:$0x1] =	stream.strided.gather [hbm4b:s5+s10], $0x300, s11, s10, $0x38;
	[tilespmem:$0xF700] =	vst v63  }
0x1f: {  	_ =	swait.ge [sflag:s3], $0x300  }
0x20: {  	[sflag:s3] =	ssyncset.done $0x0  }
0x21: {  	[sflag:s3] =	ssyncadd.s32 $0xFFFFFD00  }
0x22: {  	[tilespmem:s13], [sflag:$0x1] =	stream.linear.gather [hbm4b:s6+s2], $0x6000, $0x38;
	[tilespmem:$0xF700] =	vst v63  }
0x23: {  	_ =	swait.ge [sflag:s3], $0x6000  }
0x24: {  	[sflag:s3] =	ssyncset.done $0x0  }
0x25: {  	[sflag:s3] =	ssyncadd.s32 $0xFFFFA000  }
0x26: {  	[tilespmem:s14], [sflag:$0x1] =	stream.strided.gather [hbm4b:s7+s10], $0x300, s11, s10, $0x38;
	[tilespmem:$0xF700] =	vst v63  }
0x27: {  	_ =	swait.ge [sflag:s3], $0x300  }
0x28: {  	[sflag:s3] =	ssyncset.done $0x0  }
0x29: {  	s19 =	simm.s32 $0x0;
	[sflag:s3] =	ssyncadd.s32 $0xFFFFFD00  }
0x2a: {  	v6 =	vld [tilespmem:s19+$0x0]  }
0x2b: {  	v7 =	vld [tilespmem:s19+$0x2000]  }
0x2c: {  	v8 =	vld [tilespmem:s19+$0x4000];
	_ =	sdelay $0x2  }
0x2d: {  	s20 =	simm.s32 $0x10  }
0x2e: {  	v9 =	vmul.f32 v6, v6;
	v7 =	vmul.f32 v7, v7;
	v6 =	vld [tilespmem:s20+$0x0]  }
0x2f: {  	v10 =	vmul.f32 v8, v8;
	v8 =	vld [tilespmem:s20+$0x2000]  }
0x30: {  	v9 =	vadd.f32 v7, v9  }
0x31: {  	v7 =	vld [tilespmem:s20+$0x4000]  }
0x32: {  	s21 =	simm.s32 $0x80;
	v9 =	vadd.f32 v10, v9  }
.LBB2_2:
0x33: {  	s22 =	sshra.s32 s21, $0x2;
	p0 =	sne.s32 s21, $0x7FC0  }
.Ltmp2:
0x34: {  	s21 =	sadd.s32 $0x40, s21;
	v10 =	vmul.f32 v6, v6;
	v6 =	vld [tilespmem:s22+$0x0];
	v11 =	vmul.f32 v8, v8;
	[tilespmem:s19+$0xC600] =	vst v9;
	(pc) =	sbr.rel @p0 .LBB2_2-.Ltmp2, $4  }
0x35: {  	s19 =	smov.u32 s20;
	s20 =	smov.u32 s22;
	v8 =	vld [tilespmem:s22+$0x2000]  }
0x36: {  	v9 =	vadd.f32 v11, v10;
	v10 =	vmul.f32 v7, v7  }
0x37: {  	v7 =	vld [tilespmem:s20+$0x4000]  }
0x38: {  	v9 =	vadd.f32 v10, v9  }
0x39: {  	_ = 	snop  }
0x3a: {  	v6 =	vmul.f32 v6, v6;
	v8 =	vmul.f32 v8, v8;
	_ =	sdelay $0x1  }
.Ltmp3:
0x3b: {  	v6 =	vadd.f32 v8, v6;
	v7 =	vmul.f32 v7, v7;
	(pc) =	sbr.rel .LBB2_4-.Ltmp3, $4  }
0x3c: {  	_ = 	snop  }
0x3d: {  	v6 =	vadd.f32 v7, v6  }
0x3e: {  	[tilespmem:s19+$0xC600] =	vst v9  }
0x3f: {  	s19 =	simm.s32 $0x0;
	[tilespmem:s20+$0xC600] =	vst v6  }
.LBB2_16:
0x40: {  	s20 =	sshll.u32 s19, $0x5  }
0x41: {  	v6 =	vshrl.u32 v3, $0x2;
	s20 =	sand.u32 $0x1E0, s20  }
0x42: {  	s21 =	sshrl.u32 s19, $0x2;
	v6 =	vmul.u32 $0x8, v6;
	v7 =	vmov s20  }
0x43: {  	v8 =	vand.u32 $0x3, v3;
	s21 =	sand.u32 $0x4, s21;
	v7 =	vshll.u32 v7, $0x3  }
0x44: {  	v9 =	vld [tilespmem:$0xE680];
	v8 =	vor.u32 s21, v8;
	v7 =	vor.u32 v6, v7  }
0x45: {  	v7 =	vor.u32 v8, v7;
	_ =	sdelay $0x2  }
0x46: {  	s25 =	sor.u32 $0x4, s20  }
0x47: {  	v10 =	vmov s25;
	v9 =	vadd.s32 v0, v9  }
0x48: {  	[tilespmem:v7+s15+$0x0] =	vst.idx.msk $0xffff, v9;
	v7 =	vshll.u32 v10, $0x3  }
0x49: {  	v9 =	vld [tilespmem:$0xE690];
	v7 =	vor.u32 v6, v7  }
0x4a: {  	v7 =	vor.u32 v8, v7;
	_ =	sdelay $0x2  }
0x4b: {  	s26 =	sor.u32 $0x8, s20  }
0x4c: {  	v58 =	vmov s26;
	v9 =	vadd.s32 v0, v9  }
0x4d: {  	[tilespmem:v7+s15+$0x0] =	vst.idx.msk $0xffff, v9;
	v7 =	vshll.u32 v58, $0x3  }
0x4e: {  	v9 =	vld [tilespmem:$0xE6A0];
	v7 =	vor.u32 v6, v7  }
0x4f: {  	v7 =	vor.u32 v8, v7;
	_ =	sdelay $0x2  }
0x50: {  	s28 =	sor.u32 $0xC, s20  }
0x51: {  	v59 =	vmov s28;
	v9 =	vadd.s32 v0, v9  }
0x52: {  	[tilespmem:v7+s15+$0x0] =	vst.idx.msk $0xffff, v9;
	v7 =	vshll.u32 v59, $0x3  }
0x53: {  	v9 =	vld [tilespmem:$0xE6B0];
	v7 =	vor.u32 v6, v7  }
0x54: {  	v7 =	vor.u32 v8, v7;
	_ =	sdelay $0x2  }
0x55: {  	s29 =	sor.u32 $0x10, s20  }
0x56: {  	v60 =	vmov s29;
	v9 =	vadd.s32 v0, v9  }
0x57: {  	[tilespmem:v7+s15+$0x0] =	vst.idx.msk $0xffff, v9;
	v7 =	vshll.u32 v60, $0x3  }
0x58: {  	v9 =	vld [tilespmem:$0xE6C0];
	v7 =	vor.u32 v6, v7  }
0x59: {  	v7 =	vor.u32 v8, v7;
	_ =	sdelay $0x2  }
0x5a: {  	s30 =	sor.u32 $0x14, s20  }
0x5b: {  	v61 =	vmov s30;
	v9 =	vadd.s32 v0, v9  }
0x5c: {  	[tilespmem:v7+s15+$0x0] =	vst.idx.msk $0xffff, v9;
	v7 =	vshll.u32 v61, $0x3  }
0x5d: {  	v9 =	vld [tilespmem:$0xE6D0];
	v7 =	vor.u32 v6, v7  }
0x5e: {  	v7 =	vor.u32 v8, v7;
	_ =	sdelay $0x2  }
0x5f: {  	s31 =	sor.u32 $0x18, s20  }
0x60: {  	v62 =	vmov s31;
	v9 =	vadd.s32 v0, v9  }
0x61: {  	[tilespmem:v7+s15+$0x0] =	vst.idx.msk $0xffff, v9;
	v7 =	vshll.u32 v62, $0x3  }
0x62: {  	v9 =	vld [tilespmem:$0xE6E0];
	v7 =	vor.u32 v6, v7  }
0x63: {  	v7 =	vor.u32 v8, v7;
	_ =	sdelay $0x2  }
0x64: {  	s20 =	sor.u32 $0x1C, s20  }
0x65: {  	v63 =	vmov s20;
	v9 =	vadd.s32 v0, v9  }
0x66: {  	[tilespmem:v7+s15+$0x0] =	vst.idx.msk $0xffff, v9;
	v7 =	vshll.u32 v63, $0x3  }
0x67: {  	s19 =	sadd.s32 $0x1, s19;
	v9 =	vld [tilespmem:$0xE6F0];
	v6 =	vor.u32 v6, v7  }
0x68: {  	p0 =	sne.s32 s19, $0x20;
	v6 =	vor.u32 v8, v6  }
.Ltmp4:
0x69: {  	_ = 	snop;
	(pc) =	sbr.rel @!p0 .LBB2_17-.Ltmp4, $3  }
0x6a: {  	_ =	sdelay $0x1  }
0x6b: {  	v7 =	vadd.s32 v0, v9  }
0x6c: {  	[tilespmem:v6+s15+$0x0] =	vst.idx.msk $0xffff, v7  }
.LBB2_4:
0x6d: {  	s20 =	sshll.u32 s19, $0x3  }
0x6e: {  	s21 =	sand.u32 $0xF0, s20  }
0x6f: {  	v30 =	vld [tilespmem:s21+$0x6000]  }
0x70: {  	v31 =	vld [tilespmem:s21+$0x6100]  }
0x71: {  	v35 =	vld [tilespmem:s21+$0xC300]  }
0x72: {  	v36 =	vld [tilespmem:s21+$0xC400]  }
0x73: {  	v32 =	vld [tilespmem:s21+$0x6200]  }
0x74: {  	v37 =	vld [tilespmem:s21+$0xC500]  }
0x75: {  	s20 =	sand.u32 $0x8, s20  }
0x76: {  	v8 =	vmov s20  }
0x77: {  	v6 =	vperm.xlane v35, v8;
	v7 =	vperm.xlane v36, v8  }
0x78: {  	s25 =	sor.u32 $0x1, s20;
	v9 =	vperm.xlane v30, v8;
	v10 =	vperm.xlane v31, v8  }
0x79: {  	s29 =	sor.u32 $0x4, s20;
	v12 =	vmov s25;
	v11 =	vperm.xlane v32, v8;
	v8 =	vperm.xlane v37, v8  }
0x7a: {  	s30 =	sor.u32 $0x5, s20;
	v33 =	vmov s29;
	v13 =	vperm.xlane v30, v12;
	v14 =	vperm.xlane v31, v12  }
0x7b: {  	s31 =	sor.u32 $0x6, s20;
	v51 =	vmov s30;
	v38 =	vperm.xlane v30, v33;
	v39 =	vperm.xlane v31, v33  }
0x7c: {  	v54 =	vmov s31;
	v40 =	vperm.xlane v32, v33;
	v41 =	vperm.xlane v30, v51  }
0x7d: {  	s26 =	sor.u32 $0x2, s20;
	s28 =	sor.u32 $0x3, s20;
	s20 =	sor.u32 $0x7, s20;
	v42 =	vperm.xlane v31, v51;
	v43 =	vperm.xlane v30, v54  }
0x7e: {  	v45 =	vmov s20;
	v56 =	vperm.xlane v31, v54;
	v44 =	vperm.xlane v32, v54  }
0x7f: {  	v57 =	vperm.xlane v30, v45;
	v46 =	vperm.xlane v31, v45  }
0x80: {  	v59 =	vperm.xlane v32, v45;
	v17 =	vmul.f32 v9, v9  }
0x81: {  	v18 =	vmul.f32 v10, v10;
	v19 =	vmul.f32 v11, v11  }
0x82: {  	v9 =	vperm.xlane v35, v12;
	v10 =	vperm.xlane v36, v12  }
0x83: {  	v11 =	vperm.xlane v37, v12;
	v12 =	vperm.xlane v32, v12  }
0x84: {  	v21 =	vmul.f32 v13, v13;
	v23 =	vmul.f32 v14, v14  }
0x85: {  	v48 =	vmul.f32 v38, v38;
	v49 =	vmul.f32 v39, v39  }
0x86: {  	v50 =	vmul.f32 v40, v40;
	v52 =	vmul.f32 v41, v41  }
0x87: {  	v53 =	vmul.f32 v42, v42;
	v43 =	vmul.f32 v43, v43  }
0x88: {  	v58 =	vmul.f32 v56, v56;
	v60 =	vmul.f32 v57, v57  }
0x89: {  	v14 =	vmov s26;
	v61 =	vmul.f32 v46, v46;
	v63 =	vmul.f32 v44, v44  }
0x8a: {  	v38 =	vmul.f32 v59, v59;
	v13 =	vperm.xlane v36, v14  }
0x8b: {  	v41 =	vimm.f32 $+Inf;
	v15 =	vperm.xlane v30, v14;
	v16 =	vperm.xlane v31, v14  }
0x8c: {  	v42 =	vimm.f32 $+Inf;
	v20 =	vperm.xlane v32, v14;
	v24 =	vmul.f32 v12, v12  }
0x8d: {  	v44 =	vimm.f32 $+Inf;
	v12 =	vperm.xlane v35, v14;
	v14 =	vperm.xlane v37, v14  }
0x8e: {  	[tilespmem:$0xE680] =	vst v1;
	v18 =	vadd.f32 v18, v17;
	v23 =	vadd.f32 v23, v21;
	v21 =	vperm.xlane v37, v33  }
0x8f: {  	[tilespmem:$0xE690] =	vst v1;
	v40 =	vadd.f32 v53, v52;
	v62 =	vadd.f32 v58, v43;
	v25 =	vmul.f32 v15, v15  }
0x90: {  	[tilespmem:$0xE6A0] =	vst v1;
	v26 =	vmul.f32 v16, v16;
	v27 =	vmul.f32 v20, v20;
	v20 =	vmov s28  }
0x91: {  	[tilespmem:$0xE6B0] =	vst v1;
	v39 =	vadd.f32 v61, v60;
	v15 =	vperm.xlane v35, v20;
	v16 =	vperm.xlane v36, v20  }
0x92: {  	[tilespmem:$0xE6C0] =	vst v1;
	v43 =	vimm.f32 $+Inf;
	v22 =	vperm.xlane v30, v20;
	v28 =	vperm.xlane v31, v20  }
0x93: {  	[tilespmem:$0xE6D0] =	vst v1;
	v17 =	vperm.xlane v37, v20;
	v20 =	vperm.xlane v32, v20;
	v18 =	vadd.f32 v19, v18  }
0x94: {  	[tilespmem:$0xE6E0] =	vst v1;
	v19 =	vperm.xlane v35, v33;
	v23 =	vadd.f32 v24, v23;
	v24 =	vperm.xlane v35, v51  }
0x95: {  	[tilespmem:$0xE6F0] =	vst v1;
	v38 =	vadd.f32 v38, v39;
	v29 =	vmul.f32 v22, v22;
	v22 =	vimm.f32 $+Inf  }
0x96: {  	v26 =	vadd.f32 v26, v25;
	v25 =	vperm.xlane v36, v51;
	v28 =	vmul.f32 v28, v28;
	[tilespmem:$0xE600] =	vst v22  }
0x97: {  	v39 =	vimm.f32 $+Inf;
	v34 =	vmul.f32 v20, v20;
	v20 =	vperm.xlane v36, v33;
	[tilespmem:$0xE610] =	vst v22  }
0x98: {  	v33 =	vadd.f32 v49, v48;
	v26 =	vadd.f32 v27, v26;
	v27 =	vperm.xlane v37, v51;
	[tilespmem:$0xE620] =	vst v22  }
.Ltmp5:
0x99: {  	[tilespmem:$0xE630] =	vst v22;
	v28 =	vadd.f32 v28, v29;
	v29 =	vperm.xlane v32, v51;
	v32 =	vperm.xlane v36, v54;
	(pc) =	sbr.rel .LBB2_5-.Ltmp5, $4  }
0x9a: {  	[tilespmem:$0xE640] =	vst v22;
	v30 =	vadd.f32 v50, v33;
	v33 =	vperm.xlane v37, v54;
	v36 =	vperm.xlane v36, v45  }
0x9b: {  	[tilespmem:$0xE650] =	vst v22;
	v37 =	vperm.xlane v37, v45;
	v28 =	vadd.f32 v34, v28;
	v55 =	vmul.f32 v29, v29  }
0x9c: {  	[tilespmem:$0xE660] =	vst v22;
	v29 =	vperm.xlane v35, v54;
	v34 =	vadd.f32 v63, v62;
	v35 =	vperm.xlane v35, v45  }
0x9d: {  	s20 =	simm.s32 $0x0;
	[tilespmem:$0xE670] =	vst v22;
	v45 =	vimm.f32 $+Inf;
	v31 =	vadd.f32 v55, v40;
	v40 =	vimm.f32 $+Inf  }
.LBB2_15:
0x9e: {  	s20 =	sadd.s32 $0x1, s20  }
0x9f: {  	p0 =	sne.s32 s20, $0x200  }
.Ltmp6:
0xa0: {  	_ = 	snop;
	(pc) =	sbr.rel @!p0 .LBB2_16-.Ltmp6, $1  }
0xa1: {  	_ =	sdelay $0x3  }
.LBB2_5:
0xa2: {  	s21 =	sshll.u32 s20, $0x4  }
0xa3: {  	v46 =	vld [tilespmem:s21+$0x6300]  }
0xa4: {  	v47 =	vld [tilespmem:s21+$0x8300];
	_ =	sdelay $0x1  }
0xa5: {  	v48 =	vld [tilespmem:s21+$0xA300];
	_ =	sdelay $0x2  }
0xa6: {  	v49 =	vmul.f32 v46, v6;
	v50 =	vmul.f32 v47, v7  }
0xa7: {  	v51 =	vmul.f32 v46, v9;
	v52 =	vmul.f32 v47, v10  }
0xa8: {  	v59 =	vmul.f32 v48, v8;
	v61 =	vmul.f32 v48, v11;
	v49 =	vadd.f32 v50, v49  }
0xa9: {  	v62 =	vmul.f32 v46, v12;
	v53 =	vmul.f32 v47, v13;
	v60 =	vadd.f32 v52, v51  }
0xaa: {  	v49 =	vadd.f32 v59, v49  }
0xab: {  	v63 =	vadd.f32 v53, v62;
	v50 =	vadd.f32 v61, v60;
	v60 =	vmul.f32 v48, v14  }
0xac: {  	v55 =	vld [tilespmem:s21+$0xC600];
	v56 =	vmul.f32 v47, v16;
	v61 =	vmul.f32 v46, v15;
	v49 =	vadd.f32 v49, v49  }
0xad: {  	v57 =	vmul.f32 v47, v20;
	v50 =	vadd.f32 v50, v50;
	v62 =	vadd.f32 v60, v63  }
0xae: {  	v63 =	vadd.f32 v56, v61;
	v60 =	vmul.f32 v48, v17;
	v61 =	vmul.f32 v46, v19  }
0xaf: {  	v58 =	vmul.f32 v47, v25;
	v49 =	vsub.f32 v18, v49;
	v50 =	vsub.f32 v23, v50  }
0xb0: {  	v51 =	vadd.f32 v60, v63;
	v63 =	vadd.f32 v57, v61;
	v60 =	vmul.f32 v48, v21  }
0xb1: {  	v54 =	vadd.f32 v49, v55;
	v49 =	vadd.f32 v62, v62;
	v62 =	vmul.f32 v46, v24  }
0xb2: {  	v61 =	vmul.f32 v48, v27;
	v53 =	vadd.f32 v50, v55;
	v51 =	vadd.f32 v51, v51  }
0xb3: {  	v50 =	vadd.f32 v60, v63;
	v63 =	vmul.f32 v47, v32;
	v52 =	vadd.f32 v58, v62  }
0xb4: {  	v47 =	vmul.f32 v47, v36;
	v49 =	vsub.f32 v26, v49;
	v62 =	vmul.f32 v46, v29  }
0xb5: {  	v51 =	vsub.f32 v28, v51;
	v46 =	vmul.f32 v46, v35;
	v56 =	vadd.f32 v61, v52  }
0xb6: {  	v52 =	vadd.f32 v49, v55;
	v60 =	vadd.f32 v63, v62;
	v61 =	vmul.f32 v48, v33  }
0xb7: {  	v51 =	vadd.f32 v51, v55;
	v46 =	vadd.f32 v47, v46;
	v62 =	vmul.f32 v48, v37  }
0xb8: {  	vm7 =	vlt.f32 v54, v45;
	v63 =	vadd.f32 v50, v50;
	v49 =	vadd.f32 v61, v60  }
0xb9: {  	vm6 =	vlt.f32 v53, v44;
	v58 =	vadd.f32 v56, v56;
	v46 =	vadd.f32 v62, v46  }
0xba: {  	vm0 =	vmor vm7, vm6;
	v59 =	vsub.f32 v30, v63;
	v60 =	vadd.f32 v49, v49  }
0xbb: {  	vm5 =	vlt.f32 v52, v43;
	v61 =	vsub.f32 v31, v58;
	v46 =	vadd.f32 v46, v46  }
0xbc: {  	vm4 =	vlt.f32 v51, v42;
	v50 =	vadd.f32 v59, v55;
	v62 =	vsub.f32 v34, v60  }
0xbd: {  	vm0 =	vmor vm5, vm0;
	v49 =	vadd.f32 v61, v55;
	v46 =	vsub.f32 v38, v46  }
0xbe: {  	vm0 =	vmor vm4, vm0;
	vm3 =	vlt.f32 v50, v41;
	v48 =	vadd.f32 v62, v55  }
0xbf: {  	vm0 =	vmor vm3, vm0;
	vm2 =	vlt.f32 v49, v40;
	v46 =	vadd.f32 v46, v55  }
0xc0: {  	vm0 =	vmor vm2, vm0;
	vm1 =	vlt.f32 v48, v39  }
0xc1: {  	vm8 =	vmor vm1, vm0;
	vm0 =	vlt.f32 v46, v22  }
0xc2: {  	vm8 =	vmor vm0, vm8  }
0xc3: {  	v63 =	vsel vm8, $0x3F800000, v2  }
0xc4: {  	(xrf0) =	vmax.scan.msk.f32 $0xffff, v63;
	_ =	sdelay $0x5  }
0xc5: {  	v47, _, _ =	vpop (xrf0)  }
0xc6: {  	(v2sf) =	vpush v47, $0xF;
	_ =	sdelay $0xe  }
0xc7: {  	s22 =	spop (v2sf)  }
0xc8: {  	p0 =	sgt.f32 s22, $0.0e+00  }
.Ltmp7:
0xc9: {  	_ = 	snop;
	(pc) =	sbr.rel @!p0 .LBB2_15-.Ltmp7, $1  }
0xca: {  	_ =	sdelay $0x3  }
0xcb: {  	vm8 =	vlt.f32 v54, v45  }
0xcc: {  	v47 =	vsel vm8, $0x3F800000, v2  }
0xcd: {  	(xrf0) =	vmax.scan.msk.f32 $0xffff, v47;
	_ =	sdelay $0x5  }
0xce: {  	v47, _, _ =	vpop (xrf0)  }
0xcf: {  	(v2sf) =	vpush v47, $0xF;
	_ =	sdelay $0xe  }
0xd0: {  	s22 =	spop (v2sf)  }
0xd1: {  	p0 =	sgt.f32 s22, $0.0e+00  }
.Ltmp8:
0xd2: {  	_ = 	snop;
	(pc) =	sbr.rel @!p0 .LBB2_7-.Ltmp8, $2  }
0xd3: {  	_ =	sdelay $0x2  }
0xd4: {  	v47 =	vor.u32 s21, v3  }
.LBB2_19:
0xd5: {  	v45 =	vld [tilespmem:$0xE600]  }
0xd6: {  	v55 =	vmctz.xlane vm7;
	_ =	sdelay $0x1  }
0xd7: {  	v56 =	vperm.xlane v54, v55;
	_ =	sdelay $0x1  }
0xd8: {  	vm8 =	vgt.f32 v45, v56  }
0xd9: {  	v57 =	vperm.xlane v45, v4;
	v58 =	vmctz.xlane vm8;
	_ =	sdelay $0x1  }
0xda: {  	v45 =	vsel vm8, v57, v45;
	vm9 =	veq.s32 v58, v3  }
0xdb: {  	v56 =	vsel vm9, v56, v45  }
0xdc: {  	vm7 =	veq.s32 v55, v3;
	v45 =	vperm.xlane v56, v5  }
0xdd: {  	v54 =	vsel vm7, $0x7F800000, v54  }
0xde: {  	vm7 =	vlt.f32 v54, v45  }
0xdf: {  	v61 =	vsel vm7, $0x3F800000, v2  }
0xe0: {  	(xrf0) =	vmax.scan.msk.f32 $0xffff, v61;
	_ =	sdelay $0x5  }
0xe1: {  	v57, _, _ =	vpop (xrf0)  }
0xe2: {  	(v2sf) =	vpush v57, $0xF;
	_ =	sdelay $0xb  }
0xe3: {  	v62 =	vld [tilespmem:$0xE680];
	_ =	sdelay $0x2  }
0xe4: {  	s21 =	spop (v2sf)  }
0xe5: {  	p0 =	sgt.f32 s21, $0.0e+00  }
.Ltmp9:
0xe6: {  	v63 =	vperm.xlane v62, v4;
	(pc) =	sbr.rel @p0 .LBB2_19-.Ltmp9, $4  }
0xe7: {  	v55 =	vperm.xlane v47, v55  }
0xe8: {  	v57 =	vsel vm8, v63, v62  }
0xe9: {  	[tilespmem:$0xE600] =	vst v56;
	v55 =	vsel vm9, v55, v57  }
0xea: {  	[tilespmem:$0xE680] =	vst v55  }
.LBB2_7:
0xeb: {  	vm7 =	vlt.f32 v53, v44  }
0xec: {  	v54 =	vsel vm7, $0x3F800000, v2  }
0xed: {  	(xrf0) =	vmax.scan.msk.f32 $0xffff, v54;
	_ =	sdelay $0x5  }
0xee: {  	v54, _, _ =	vpop (xrf0)  }
0xef: {  	(v2sf) =	vpush v54, $0xF;
	_ =	sdelay $0xe  }
0xf0: {  	s21 =	spop (v2sf)  }
0xf1: {  	p0 =	sgt.f32 s21, $0.0e+00  }
.Ltmp10:
0xf2: {  	_ = 	snop;
	(pc) =	sbr.rel @!p0 .LBB2_8-.Ltmp10, $1  }
0xf3: {  	_ =	sdelay $0x3  }
.LBB2_20:
0xf4: {  	v44 =	vld [tilespmem:$0xE610]  }
0xf5: {  	v54 =	vmctz.xlane vm6;
	_ =	sdelay $0x1  }
0xf6: {  	v55 =	vperm.xlane v53, v54;
	_ =	sdelay $0x1  }
0xf7: {  	vm7 =	vgt.f32 v44, v55  }
0xf8: {  	v56 =	vperm.xlane v44, v4;
	v57 =	vmctz.xlane vm7;
	_ =	sdelay $0x1  }
0xf9: {  	v44 =	vsel vm7, v56, v44;
	vm8 =	veq.s32 v57, v3  }
0xfa: {  	v55 =	vsel vm8, v55, v44  }
0xfb: {  	vm6 =	veq.s32 v54, v3;
	v44 =	vperm.xlane v55, v5  }
0xfc: {  	v53 =	vsel vm6, $0x7F800000, v53  }
0xfd: {  	vm6 =	vlt.f32 v53, v44  }
0xfe: {  	v61 =	vsel vm6, $0x3F800000, v2  }
0xff: {  	(xrf0) =	vmax.scan.msk.f32 $0xffff, v61;
	_ =	sdelay $0x5  }
0x100: {  	v56, _, _ =	vpop (xrf0)  }
0x101: {  	(v2sf) =	vpush v56, $0xF;
	_ =	sdelay $0xb  }
0x102: {  	v62 =	vld [tilespmem:$0xE690];
	_ =	sdelay $0x2  }
0x103: {  	s21 =	spop (v2sf)  }
0x104: {  	p0 =	sgt.f32 s21, $0.0e+00  }
.Ltmp11:
0x105: {  	v63 =	vperm.xlane v62, v4;
	(pc) =	sbr.rel @p0 .LBB2_20-.Ltmp11, $4  }
0x106: {  	v54 =	vperm.xlane v47, v54  }
0x107: {  	v56 =	vsel vm7, v63, v62  }
0x108: {  	[tilespmem:$0xE610] =	vst v55;
	v54 =	vsel vm8, v54, v56  }
0x109: {  	[tilespmem:$0xE690] =	vst v54  }
.LBB2_8:
0x10a: {  	vm6 =	vlt.f32 v52, v43  }
0x10b: {  	v53 =	vsel vm6, $0x3F800000, v2  }
0x10c: {  	(xrf0) =	vmax.scan.msk.f32 $0xffff, v53;
	_ =	sdelay $0x5  }
0x10d: {  	v53, _, _ =	vpop (xrf0)  }
0x10e: {  	(v2sf) =	vpush v53, $0xF;
	_ =	sdelay $0xe  }
0x10f: {  	s21 =	spop (v2sf)  }
0x110: {  	p0 =	sgt.f32 s21, $0.0e+00  }
.Ltmp12:
0x111: {  	_ = 	snop;
	(pc) =	sbr.rel @!p0 .LBB2_9-.Ltmp12, $1  }
0x112: {  	_ =	sdelay $0x3  }
.LBB2_21:
0x113: {  	v43 =	vld [tilespmem:$0xE620]  }
0x114: {  	v53 =	vmctz.xlane vm5;
	_ =	sdelay $0x1  }
0x115: {  	v54 =	vperm.xlane v52, v53;
	_ =	sdelay $0x1  }
0x116: {  	vm6 =	vgt.f32 v43, v54  }
0x117: {  	v55 =	vperm.xlane v43, v4;
	v56 =	vmctz.xlane vm6;
	_ =	sdelay $0x1  }
0x118: {  	v43 =	vsel vm6, v55, v43;
	vm7 =	veq.s32 v56, v3  }
0x119: {  	v54 =	vsel vm7, v54, v43  }
0x11a: {  	vm5 =	veq.s32 v53, v3;
	v43 =	vperm.xlane v54, v5  }
0x11b: {  	v52 =	vsel vm5, $0x7F800000, v52  }
0x11c: {  	vm5 =	vlt.f32 v52, v43  }
0x11d: {  	v61 =	vsel vm5, $0x3F800000, v2  }
0x11e: {  	(xrf0) =	vmax.scan.msk.f32 $0xffff, v61;
	_ =	sdelay $0x5  }
0x11f: {  	v55, _, _ =	vpop (xrf0)  }
0x120: {  	(v2sf) =	vpush v55, $0xF;
	_ =	sdelay $0xb  }
0x121: {  	v62 =	vld [tilespmem:$0xE6A0];
	_ =	sdelay $0x2  }
0x122: {  	s21 =	spop (v2sf)  }
0x123: {  	p0 =	sgt.f32 s21, $0.0e+00  }
.Ltmp13:
0x124: {  	v63 =	vperm.xlane v62, v4;
	(pc) =	sbr.rel @p0 .LBB2_21-.Ltmp13, $4  }
0x125: {  	v53 =	vperm.xlane v47, v53  }
0x126: {  	v55 =	vsel vm6, v63, v62  }
0x127: {  	[tilespmem:$0xE620] =	vst v54;
	v53 =	vsel vm7, v53, v55  }
0x128: {  	[tilespmem:$0xE6A0] =	vst v53  }
.LBB2_9:
0x129: {  	vm5 =	vlt.f32 v51, v42  }
0x12a: {  	v52 =	vsel vm5, $0x3F800000, v2  }
0x12b: {  	(xrf0) =	vmax.scan.msk.f32 $0xffff, v52;
	_ =	sdelay $0x5  }
0x12c: {  	v52, _, _ =	vpop (xrf0)  }
0x12d: {  	(v2sf) =	vpush v52, $0xF;
	_ =	sdelay $0xe  }
0x12e: {  	s21 =	spop (v2sf)  }
0x12f: {  	p0 =	sgt.f32 s21, $0.0e+00  }
.Ltmp14:
0x130: {  	_ = 	snop;
	(pc) =	sbr.rel @!p0 .LBB2_10-.Ltmp14, $1  }
0x131: {  	_ =	sdelay $0x3  }
.LBB2_22:
0x132: {  	v42 =	vld [tilespmem:$0xE630]  }
0x133: {  	v52 =	vmctz.xlane vm4;
	_ =	sdelay $0x1  }
0x134: {  	v53 =	vperm.xlane v51, v52;
	_ =	sdelay $0x1  }
0x135: {  	vm5 =	vgt.f32 v42, v53  }
0x136: {  	v54 =	vperm.xlane v42, v4;
	v55 =	vmctz.xlane vm5;
	_ =	sdelay $0x1  }
0x137: {  	v42 =	vsel vm5, v54, v42;
	vm6 =	veq.s32 v55, v3  }
0x138: {  	v53 =	vsel vm6, v53, v42  }
0x139: {  	vm4 =	veq.s32 v52, v3;
	v42 =	vperm.xlane v53, v5  }
0x13a: {  	v51 =	vsel vm4, $0x7F800000, v51  }
0x13b: {  	vm4 =	vlt.f32 v51, v42  }
0x13c: {  	v61 =	vsel vm4, $0x3F800000, v2  }
0x13d: {  	(xrf0) =	vmax.scan.msk.f32 $0xffff, v61;
	_ =	sdelay $0x5  }
0x13e: {  	v54, _, _ =	vpop (xrf0)  }
0x13f: {  	(v2sf) =	vpush v54, $0xF;
	_ =	sdelay $0xb  }
0x140: {  	v62 =	vld [tilespmem:$0xE6B0];
	_ =	sdelay $0x2  }
0x141: {  	s21 =	spop (v2sf)  }
0x142: {  	p0 =	sgt.f32 s21, $0.0e+00  }
.Ltmp15:
0x143: {  	v63 =	vperm.xlane v62, v4;
	(pc) =	sbr.rel @p0 .LBB2_22-.Ltmp15, $4  }
0x144: {  	v52 =	vperm.xlane v47, v52  }
0x145: {  	v54 =	vsel vm5, v63, v62  }
0x146: {  	[tilespmem:$0xE630] =	vst v53;
	v52 =	vsel vm6, v52, v54  }
0x147: {  	[tilespmem:$0xE6B0] =	vst v52  }
.LBB2_10:
0x148: {  	vm4 =	vlt.f32 v50, v41  }
0x149: {  	v51 =	vsel vm4, $0x3F800000, v2  }
0x14a: {  	(xrf0) =	vmax.scan.msk.f32 $0xffff, v51;
	_ =	sdelay $0x5  }
0x14b: {  	v51, _, _ =	vpop (xrf0)  }
0x14c: {  	(v2sf) =	vpush v51, $0xF;
	_ =	sdelay $0xe  }
0x14d: {  	s21 =	spop (v2sf)  }
0x14e: {  	p0 =	sgt.f32 s21, $0.0e+00  }
.Ltmp16:
0x14f: {  	_ = 	snop;
	(pc) =	sbr.rel @!p0 .LBB2_11-.Ltmp16, $1  }
0x150: {  	_ =	sdelay $0x3  }
.LBB2_23:
0x151: {  	v41 =	vld [tilespmem:$0xE640]  }
0x152: {  	v51 =	vmctz.xlane vm3;
	_ =	sdelay $0x1  }
0x153: {  	v52 =	vperm.xlane v50, v51;
	_ =	sdelay $0x1  }
0x154: {  	vm4 =	vgt.f32 v41, v52  }
0x155: {  	v53 =	vperm.xlane v41, v4;
	v54 =	vmctz.xlane vm4;
	_ =	sdelay $0x1  }
0x156: {  	v41 =	vsel vm4, v53, v41;
	vm5 =	veq.s32 v54, v3  }
0x157: {  	v52 =	vsel vm5, v52, v41  }
0x158: {  	vm3 =	veq.s32 v51, v3;
	v41 =	vperm.xlane v52, v5  }
0x159: {  	v50 =	vsel vm3, $0x7F800000, v50  }
0x15a: {  	vm3 =	vlt.f32 v50, v41  }
0x15b: {  	v61 =	vsel vm3, $0x3F800000, v2  }
0x15c: {  	(xrf0) =	vmax.scan.msk.f32 $0xffff, v61;
	_ =	sdelay $0x5  }
0x15d: {  	v53, _, _ =	vpop (xrf0)  }
0x15e: {  	(v2sf) =	vpush v53, $0xF;
	_ =	sdelay $0xb  }
0x15f: {  	v62 =	vld [tilespmem:$0xE6C0];
	_ =	sdelay $0x2  }
0x160: {  	s21 =	spop (v2sf)  }
0x161: {  	p0 =	sgt.f32 s21, $0.0e+00  }
.Ltmp17:
0x162: {  	v63 =	vperm.xlane v62, v4;
	(pc) =	sbr.rel @p0 .LBB2_23-.Ltmp17, $4  }
0x163: {  	v51 =	vperm.xlane v47, v51  }
0x164: {  	v53 =	vsel vm4, v63, v62  }
0x165: {  	[tilespmem:$0xE640] =	vst v52;
	v51 =	vsel vm5, v51, v53  }
0x166: {  	[tilespmem:$0xE6C0] =	vst v51  }
.LBB2_11:
0x167: {  	vm3 =	vlt.f32 v49, v40  }
0x168: {  	v50 =	vsel vm3, $0x3F800000, v2  }
0x169: {  	(xrf0) =	vmax.scan.msk.f32 $0xffff, v50;
	_ =	sdelay $0x5  }
0x16a: {  	v50, _, _ =	vpop (xrf0)  }
0x16b: {  	(v2sf) =	vpush v50, $0xF;
	_ =	sdelay $0xe  }
0x16c: {  	s21 =	spop (v2sf)  }
0x16d: {  	p0 =	sgt.f32 s21, $0.0e+00  }
.Ltmp18:
0x16e: {  	_ = 	snop;
	(pc) =	sbr.rel @!p0 .LBB2_12-.Ltmp18, $1  }
0x16f: {  	_ =	sdelay $0x3  }
.LBB2_24:
0x170: {  	v40 =	vld [tilespmem:$0xE650]  }
0x171: {  	v50 =	vmctz.xlane vm2;
	_ =	sdelay $0x1  }
0x172: {  	v51 =	vperm.xlane v49, v50;
	_ =	sdelay $0x1  }
0x173: {  	vm3 =	vgt.f32 v40, v51  }
0x174: {  	v52 =	vperm.xlane v40, v4;
	v53 =	vmctz.xlane vm3;
	_ =	sdelay $0x1  }
0x175: {  	v40 =	vsel vm3, v52, v40;
	vm4 =	veq.s32 v53, v3  }
0x176: {  	v51 =	vsel vm4, v51, v40  }
0x177: {  	vm2 =	veq.s32 v50, v3;
	v40 =	vperm.xlane v51, v5  }
0x178: {  	v49 =	vsel vm2, $0x7F800000, v49  }
0x179: {  	vm2 =	vlt.f32 v49, v40  }
0x17a: {  	v61 =	vsel vm2, $0x3F800000, v2  }
0x17b: {  	(xrf0) =	vmax.scan.msk.f32 $0xffff, v61;
	_ =	sdelay $0x5  }
0x17c: {  	v52, _, _ =	vpop (xrf0)  }
0x17d: {  	(v2sf) =	vpush v52, $0xF;
	_ =	sdelay $0xb  }
0x17e: {  	v62 =	vld [tilespmem:$0xE6D0];
	_ =	sdelay $0x2  }
0x17f: {  	s21 =	spop (v2sf)  }
0x180: {  	p0 =	sgt.f32 s21, $0.0e+00  }
.Ltmp19:
0x181: {  	v63 =	vperm.xlane v62, v4;
	(pc) =	sbr.rel @p0 .LBB2_24-.Ltmp19, $4  }
0x182: {  	v50 =	vperm.xlane v47, v50  }
0x183: {  	v52 =	vsel vm3, v63, v62  }
0x184: {  	[tilespmem:$0xE650] =	vst v51;
	v50 =	vsel vm4, v50, v52  }
0x185: {  	[tilespmem:$0xE6D0] =	vst v50  }
.LBB2_12:
0x186: {  	vm2 =	vlt.f32 v48, v39  }
0x187: {  	v49 =	vsel vm2, $0x3F800000, v2  }
0x188: {  	(xrf0) =	vmax.scan.msk.f32 $0xffff, v49;
	_ =	sdelay $0x5  }
0x189: {  	v49, _, _ =	vpop (xrf0)  }
0x18a: {  	(v2sf) =	vpush v49, $0xF;
	_ =	sdelay $0xe  }
0x18b: {  	s21 =	spop (v2sf)  }
0x18c: {  	p0 =	sgt.f32 s21, $0.0e+00  }
.Ltmp20:
0x18d: {  	_ = 	snop;
	(pc) =	sbr.rel @!p0 .LBB2_13-.Ltmp20, $1  }
0x18e: {  	_ =	sdelay $0x3  }
.LBB2_25:
0x18f: {  	v39 =	vld [tilespmem:$0xE660]  }
0x190: {  	v49 =	vmctz.xlane vm1;
	_ =	sdelay $0x1  }
0x191: {  	v50 =	vperm.xlane v48, v49;
	_ =	sdelay $0x1  }
0x192: {  	vm2 =	vgt.f32 v39, v50  }
0x193: {  	v51 =	vperm.xlane v39, v4;
	v52 =	vmctz.xlane vm2;
	_ =	sdelay $0x1  }
0x194: {  	v39 =	vsel vm2, v51, v39;
	vm3 =	veq.s32 v52, v3  }
0x195: {  	v50 =	vsel vm3, v50, v39  }
0x196: {  	vm1 =	veq.s32 v49, v3;
	v39 =	vperm.xlane v50, v5  }
0x197: {  	v48 =	vsel vm1, $0x7F800000, v48  }
0x198: {  	vm1 =	vlt.f32 v48, v39  }
0x199: {  	v61 =	vsel vm1, $0x3F800000, v2  }
0x19a: {  	(xrf0) =	vmax.scan.msk.f32 $0xffff, v61;
	_ =	sdelay $0x5  }
0x19b: {  	v51, _, _ =	vpop (xrf0)  }
0x19c: {  	(v2sf) =	vpush v51, $0xF;
	_ =	sdelay $0xb  }
0x19d: {  	v62 =	vld [tilespmem:$0xE6E0];
	_ =	sdelay $0x2  }
0x19e: {  	s21 =	spop (v2sf)  }
0x19f: {  	p0 =	sgt.f32 s21, $0.0e+00  }
.Ltmp21:
0x1a0: {  	v63 =	vperm.xlane v62, v4;
	(pc) =	sbr.rel @p0 .LBB2_25-.Ltmp21, $4  }
0x1a1: {  	v49 =	vperm.xlane v47, v49  }
0x1a2: {  	v51 =	vsel vm2, v63, v62  }
0x1a3: {  	[tilespmem:$0xE660] =	vst v50;
	v49 =	vsel vm3, v49, v51  }
0x1a4: {  	[tilespmem:$0xE6E0] =	vst v49  }
.LBB2_13:
0x1a5: {  	vm1 =	vlt.f32 v46, v22  }
0x1a6: {  	v48 =	vsel vm1, $0x3F800000, v2  }
0x1a7: {  	(xrf0) =	vmax.scan.msk.f32 $0xffff, v48;
	_ =	sdelay $0x5  }
0x1a8: {  	v48, _, _ =	vpop (xrf0)  }
0x1a9: {  	(v2sf) =	vpush v48, $0xF;
	_ =	sdelay $0xe  }
0x1aa: {  	s21 =	spop (v2sf)  }
0x1ab: {  	p0 =	sgt.f32 s21, $0.0e+00  }
.Ltmp22:
0x1ac: {  	_ = 	snop;
	(pc) =	sbr.rel @!p0 .LBB2_15-.Ltmp22, $1  }
0x1ad: {  	_ =	sdelay $0x3  }
.LBB2_14:
0x1ae: {  	v22 =	vld [tilespmem:$0xE670]  }
0x1af: {  	v48 =	vmctz.xlane vm0;
	_ =	sdelay $0x1  }
0x1b0: {  	v49 =	vperm.xlane v46, v48;
	_ =	sdelay $0x1  }
0x1b1: {  	vm1 =	vgt.f32 v22, v49  }
0x1b2: {  	v50 =	vperm.xlane v22, v4;
	v51 =	vmctz.xlane vm1;
	_ =	sdelay $0x1  }
0x1b3: {  	v22 =	vsel vm1, v50, v22;
	vm2 =	veq.s32 v51, v3  }
0x1b4: {  	v49 =	vsel vm2, v49, v22  }
0x1b5: {  	vm0 =	veq.s32 v48, v3;
	v22 =	vperm.xlane v49, v5  }
0x1b6: {  	v46 =	vsel vm0, $0x7F800000, v46  }
0x1b7: {  	vm0 =	vlt.f32 v46, v22  }
0x1b8: {  	v61 =	vsel vm0, $0x3F800000, v2  }
0x1b9: {  	(xrf0) =	vmax.scan.msk.f32 $0xffff, v61;
	_ =	sdelay $0x5  }
0x1ba: {  	v50, _, _ =	vpop (xrf0)  }
0x1bb: {  	(v2sf) =	vpush v50, $0xF;
	_ =	sdelay $0xb  }
0x1bc: {  	v62 =	vld [tilespmem:$0xE6F0];
	_ =	sdelay $0x2  }
0x1bd: {  	s21 =	spop (v2sf)  }
0x1be: {  	p0 =	sgt.f32 s21, $0.0e+00  }
.Ltmp23:
0x1bf: {  	v63 =	vperm.xlane v62, v4;
	(pc) =	sbr.rel @p0 .LBB2_14-.Ltmp23, $4  }
0x1c0: {  	v48 =	vperm.xlane v47, v48  }
0x1c1: {  	v50 =	vsel vm1, v63, v62  }
0x1c2: {  	[tilespmem:$0xE670] =	vst v49;
	v48 =	vsel vm2, v48, v50  }
0x1c3: {  	[tilespmem:$0xE6F0] =	vst v48  }
.Ltmp24:
0x1c4: {  	_ = 	snop;
	(pc) =	sbr.rel .LBB2_15-.Ltmp24, $1  }
0x1c5: {  	_ =	sdelay $0x3  }
.LBB2_18:
0x1c6: {  	_ =	sfence.sel $0x180000  }
0x1c7: {  	[bflag:$0x0] =	sbarrier.arrive $0xFFFF  }
0x1c8: {  	p0 =	sne.s32 s0, $0x0;
	_ =	strace $0x9000004A  }
0x1c9: {  	s0 =	sadd.s32 @!p0 $0x100000, s1;
	[bflag:$0x2] =	sbarrier.arrive $0xFFFF  }
0x1ca: {  	[sflag:s0] =	ssyncadd.tile.s32 @!p0 $0x1;
	_ =	shalt  }
.Lfunc_end2:
_tile_overlayer_lowered:
.L_overlay_start_2:
0x1cb: {  	(tag) =	ssettag $0x2  }
0x1cc: {  	s0 =	rddreg [dreg:$0x0];
	s2 =	stileid.u32  }
0x1cd: {  	s1 =	rddreg [dreg:$0x1];
	p0 =	sne.s32 s2, $0x0  }
0x1ce: {  	s3 =	rddreg [dreg:$0x2];
	[bflag:$0x3] =	sbarrier.arrive $0xFFFF;
	s2 =	simm.s32 @!p0 $0x1C01  }
0x1cf: {  	[timem:s3], [sflag:s2] =	dma.local @!p0 [hbm:s0], s1  }
0x1d0: {  	s0 =	simm.s32 @!p0 $0x1  }
0x1d1: {  	_ =	swait.ge @!p0 [sflag:s0], s1  }
0x1d2: {  	s1 =	ssub.s32 @!p0 $0x0, s1;
	[sflag:s0] =	ssyncset.done @!p0 $0x0  }
0x1d3: {  	[sflag:s0] =	ssyncadd.s32 @!p0 s1  }
0x1d4: {  	[bflag:$0x3] =	sbarrier.arrive $0xFFFF  }
0x1d5: {  	_ =	shalt  }

// kernel: kernel.9.cloned.1.call-start
scs
__scs_entry_jumppad:
0x0: {  	(pc) =	sbr.rel $0x88, $3  }
0x1: {  	(tag) =	ssettag $0x0;
	lr =	simm.s32 $0x1  }
0x2: {  	[smem:$0x3F9D] =	sst lr;
	_ =	strace $0xD0000000  }
0x3: {  	_ = 	snop  }
0x4: {  	_ = 	snop  }
0x5: {  	_ = 	snop  }
0x6: {  	_ = 	snop  }
0x7: {  	_ = 	snop  }
__scs_overlays_trampoline_lowered:
0x8: {  	[smem:$0x3FAC] =	sst s0  }
0x9: {  	[smem:$0x3FAD] =	sst s1  }
0xa: {  	[smem:$0x3FAE] =	sst s2  }
0xb: {  	[smem:$0x3FAF] =	sst s3  }
0xc: {  	[smem:$0x3FB0] =	sst s4  }
0xd: {  	[smem:$0x3FB1] =	sst s5  }
0xe: {  	[smem:$0x3FB2] =	sst s6  }
0xf: {  	[smem:$0x3FB3] =	sst s7  }
0x10: {  	[smem:$0x3FB4] =	sst s8  }
0x11: {  	[smem:$0x3FB5] =	sst s9;
	s0 =	simm.s32 @!p0 $0x0  }
0x12: {  	s1 =	sld [smem:$0x3F9B];
	s0 =	simm.s32 @p0 $0x1  }
0x13: {  	[smem:$0x3FB6] =	sst s0;
	s0 =	simm.s32 @!p1 $0x0  }
0x14: {  	s2 =	sld [smem:$0x3F9A];
	s0 =	simm.s32 @p1 $0x1  }
0x15: {  	[smem:$0x3FB7] =	sst s0;
	s0 =	simm.s32 @!p2 $0x0  }
0x16: {  	s3 =	sld [smem:$0x3FDB];
	s0 =	simm.s32 @p2 $0x1  }
0x17: {  	s4 =	simm.s32 $0x1BF5;
	[smem:$0x3FB9] =	sst s0  }
0x18: {  	s0 =	sld [smem:$0x3F9C];
	_ =	swait.ge [sflag:s4], $0x0  }
0x19: {  	s7 =	sld [smem:$0x3F9D]  }
0x1a: {  	s8 =	sadd.s32 $0xFFFFE003, lr  }
0x1b: {  	s9 =	sadd.s32 $0xFFFFFEF7, lr;
	s5 =	simm.s32 $0xFFFFFFFF;
	p2 =	slt.u32 s8, $0xFFFFF086  }
0x1c: {  	p1 =	slt.u32 s9, $0xF7A;
	s5 =	simm.s32 @!p2 $0x0  }
0x1d: {  	s5 =	simm.s32 @p1 $0x1;
	p0 =	seq.s32 s7, s2  }
0x1e: {  	s7 =	smul.u32 @!p0 $0xF7A, s2;
	p2 =	seq.s32 @!p0 s5, $0x0  }
0x1f: {  	s9 =	smul.u32 $0xF7A, s1;
	s8 =	simm.s32 @!p0 $0x1BF5;
	p2 =	por !p2, p0  }
0x20: {  	[sflag:s8] =	ssyncset.s32 @!p0 $0xFFFFF086;
	s6 =	sadd.s32 @!p0 s3, s7;
	s7 =	simm.s32 @!p0 $0x108  }
0x21: {  	s3 =	sadd.s32 s3, s9;
	s6 =	sadd.s32 @!p0 $0x88, s6;
	s7 =	simm.s32 @p2 $0x1082  }
0x22: {  	[simem:s7], [sflag:s8] =	dma.local @!p0 [hbm:s6], $0xF7A  }
0x23: {  	s9 =	sor.u32 $0xD0000000, s2;
	s6 =	simm.s32 $0x108;
	_ =	swait.ge @!p0 [sflag:s8], $0x0  }
0x24: {  	s3 =	sadd.s32 $0x88, s3;
	s6 =	simm.s32 @!p1 $0x1082;
	[sflag:s4] =	ssyncset.s32 $0xFFFFF086  }
0x25: {  	[simem:s6], [sflag:s4] =	dma.local [hbm:s3], $0xF7A  }
0x26: {  	[smem:$0x3F9D] =	sst s1;
	(tag) =	ssettag s2;
	_ =	strace s9  }
0x27: {  	s1 =	sld [smem:$0x3FAD]  }
0x28: {  	s2 =	sld [smem:$0x3FAE]  }
0x29: {  	s4 =	sld [smem:$0x3FB0]  }
0x2a: {  	p0 =	seq.s32 s5, $0x0;
	s5 =	sld [smem:$0x3FB1]  }
0x2b: {  	s6 =	sld [smem:$0x3FB2]  }
0x2c: {  	s7 =	sld [smem:$0x3FB3]  }
0x2d: {  	s3 =	simm.s32 $0x108;
	s8 =	sld [smem:$0x3FB4]  }
0x2e: {  	s3 =	simm.s32 @!p0 $0x1082;
	s9 =	sld [smem:$0x3FB5]  }
0x2f: {  	lr =	sadd.s32 s0, s3;
	s0 =	sld [smem:$0x3FAC]  }
0x30: {  	s3 =	sld [smem:$0x3FAF]  }
0x31: {  	[smem:$0x3FB8] =	sst s10  }
0x32: {  	s10 =	sld [smem:$0x3FB6];
	_ =	sdelay $0x3  }
0x33: {  	p0 =	seq.s32 s10, $0x1;
	s10 =	sld [smem:$0x3FB8];
	_ =	sdelay $0x3  }
0x34: {  	[smem:$0x3FB8] =	sst s10  }
0x35: {  	s10 =	sld [smem:$0x3FB7];
	_ =	sdelay $0x3  }
0x36: {  	p1 =	seq.s32 s10, $0x1;
	s10 =	sld [smem:$0x3FB8];
	_ =	sdelay $0x3  }
0x37: {  	[smem:$0x3FB8] =	sst s10  }
0x38: {  	s10 =	sld [smem:$0x3FB9]  }
0x39: {  	_ = 	snop;
	(pc) =	sbr.ind lr, $3  }
0x3a: {  	_ = 	snop  }
0x3b: {  	_ = 	snop  }
0x3c: {  	p2 =	seq.s32 s10, $0x1;
	s10 =	sld [smem:$0x3FB8]  }
0x3d: {  	_ =	shalt  }
0x3e: {  	_ =	shalt  }
0x3f: {  	_ =	shalt  }
0x40: {  	_ =	shalt  }
0x41: {  	_ =	shalt  }
0x42: {  	_ =	shalt  }
0x43: {  	_ =	shalt  }
0x44: {  	_ =	shalt  }
0x45: {  	_ =	shalt  }
0x46: {  	_ =	shalt  }
0x47: {  	_ =	shalt  }
0x48: {  	_ =	shalt  }
0x49: {  	_ =	shalt  }
0x4a: {  	_ =	shalt  }
0x4b: {  	_ =	shalt  }
0x4c: {  	_ =	shalt  }
0x4d: {  	_ =	shalt  }
0x4e: {  	_ =	shalt  }
0x4f: {  	_ =	shalt  }
0x50: {  	_ =	shalt  }
0x51: {  	_ =	shalt  }
0x52: {  	_ =	shalt  }
0x53: {  	_ =	shalt  }
0x54: {  	_ =	shalt  }
0x55: {  	_ =	shalt  }
0x56: {  	_ =	shalt  }
0x57: {  	_ =	shalt  }
0x58: {  	_ =	shalt  }
0x59: {  	_ =	shalt  }
0x5a: {  	_ =	shalt  }
0x5b: {  	_ =	shalt  }
0x5c: {  	_ =	shalt  }
0x5d: {  	_ =	shalt  }
0x5e: {  	_ =	shalt  }
0x5f: {  	_ =	shalt  }
0x60: {  	_ =	shalt  }
0x61: {  	_ =	shalt  }
0x62: {  	_ =	shalt  }
0x63: {  	_ =	shalt  }
0x64: {  	_ =	shalt  }
0x65: {  	_ =	shalt  }
0x66: {  	_ =	shalt  }
0x67: {  	_ =	shalt  }
0x68: {  	_ =	shalt  }
0x69: {  	_ =	shalt  }
0x6a: {  	_ =	shalt  }
0x6b: {  	_ =	shalt  }
0x6c: {  	_ =	shalt  }
0x6d: {  	_ =	shalt  }
0x6e: {  	_ =	shalt  }
0x6f: {  	_ =	shalt  }
0x70: {  	_ =	shalt  }
0x71: {  	_ =	shalt  }
0x72: {  	_ =	shalt  }
0x73: {  	_ =	shalt  }
0x74: {  	_ =	shalt  }
0x75: {  	_ =	shalt  }
0x76: {  	_ =	shalt  }
0x77: {  	_ =	shalt  }
0x78: {  	_ =	shalt  }
0x79: {  	_ =	shalt  }
0x7a: {  	_ =	shalt  }
0x7b: {  	_ =	shalt  }
0x7c: {  	_ =	shalt  }
0x7d: {  	_ =	shalt  }
0x7e: {  	_ =	shalt  }
0x7f: {  	_ =	shalt  }
0x80: {  	_ =	shalt  }
0x81: {  	_ =	shalt  }
0x82: {  	_ =	shalt  }
0x83: {  	_ =	shalt  }
0x84: {  	_ =	shalt  }
0x85: {  	_ =	shalt  }
0x86: {  	_ =	shalt  }
0x87: {  	_ =	shalt  }
.Lfunc_end0:
.L_simem_size_0:
called_computation.3_lowered:
.L_overlay_start_0:
0x88: {  	s2 =	sld [smem:$0x3FD9]  }
0x89: {  	s3 =	sld [smem:$0x3FFE];
	_ =	sdelay $0x1  }
0x8a: {  	s1 =	srdreg.scid  }
0x8b: {  	s0 =	sand.u32 $0x1, s1  }
0x8c: {  	s17 =	sshll.u32 s0, $0xA;
	s2 =	sadd.s32 s3, s2  }
0x8d: {  	s2 =	sadd.s32 s2, s17  }
0x8e: {  	[smem:$0x3FC4] =	sst s2  }
0x8f: {  	_ = 	snop  }
0x90: {  	s2 =	sld [smem:$0x3FD0];
	(tm) =	ssettm $0x1  }
0x91: {  	s18 =	sld [smem:$0x3FFB];
	_ =	sdelay $0x3  }
0x92: {  	_ =	strace s18  }
0x93: {  	s3 =	sld [smem:$0x3FFC];
	_ =	sdelay $0x3  }
0x94: {  	_ =	strace s3  }
0x95: {  	s3 =	sld [smem:$0x3FFD];
	_ =	sdelay $0x3  }
0x96: {  	_ =	strace s3  }
0x97: {  	_ =	strace $0x8FFFFFFF  }
0x98: {  	s19 =	sld [smem:$0x3FDB];
	_ =	sdelay $0x1  }
0x99: {  	s4 =	simm.s32 $_scs_section_size  }
0x9a: {  	s5 =	simm.s32 $_size__tile_overlayer_lowered;
	s6 =	simm.s32 $_tile_overlayer_lowered  }
0x9b: {  	s22 =	simm.s32 $0x1BFF;
	s21 =	sshll.u32 s6, $0x1;
	s3 =	sadd.s32 s4, s19  }
0x9c: {  	s7 =	simm.s32 $0x0;
	s20 =	sshll.u32 s5, $0x1;
	s5 =	sadd.s32 s21, s3  }
0x9d: {  	[timem:s7], [sflag:s22] =	dma.local [hbm:s5], s20  }
0x9e: {  	_ =	swait.ge [sflag:s22], s20  }
0x9f: {  	s4 =	ssub.s32 $0x0, s20;
	[sflag:s22] =	ssyncset.done $0x0  }
0xa0: {  	[sflag:s22] =	ssyncadd.s32 s4;
	_ =	sdelay $0x1  }
0xa1: {  	s23 =	simm.s32 $0x1B8B  }
0xa2: {  	_ =	swait.ge [sflag:s23], $0x1  }
0xa3: {  	[sflag:s23] =	ssyncset.done $0x0  }
0xa4: {  	s25 =	simm.s32 $0x1B8E;
	s24 =	sld [smem:$0x3FFE];
	[sflag:s23] =	ssyncadd.s32 $0xFFFFFFFF  }
0xa5: {  	s26 =	simm.s32 $execute0_lowered;
	[smem:$0x3FD2] =	sst s25  }
0xa6: {  	s5 =	sshll.u32 s26, $0x1;
	_ =	strace $0x8000004C;
	[dreg:$0x1] =	wrdreg $0xFFFFFFFF  }
0xa7: {  	s28 =	simm.s32 $_size_execute0_lowered;
	s3 =	sadd.s32 s3, s5;
	[dreg:$0x0] =	wrdreg $0x0  }
0xa8: {  	s5 =	sshll.u32 s28, $0x1;
	[dreg:$0x2] =	wrdreg s3  }
0xa9: {  	[dreg:$0x3] =	wrdreg s5  }
0xaa: {  	[dreg:$0x4] =	wrdreg $0xC0  }
0xab: {  	_ =	task [dreg:s7], $0x5FFFF  }
0xac: {  	[dreg:$0x1] =	wrdreg $0xFFFFFFFF  }
0xad: {  	[dreg:$0x0] =	wrdreg $0x60  }
0xae: {  	[dreg:$0x2] =	wrdreg s24  }
0xaf: {  	[dreg:$0x3] =	wrdreg s2  }
0xb0: {  	[dreg:$0x4] =	wrdreg $0x9  }
0xb1: {  	_ =	task.clear_ibuf [dreg:s7], $0x5FFFF;
	_ =	strace $0x9000004C  }
0xb2: {  	s29 =	simm.s32 $0x9;
	_ =	strace $0x8000004E  }
0xb3: {  	_ =	swait.ge [sflag:s29], $0x1  }
0xb4: {  	[sflag:s29] =	ssyncadd.s32 $0xFFFFFFFF  }
0xb5: {  	_ =	strace $0x9000004E  }
0xb6: {  	_ =	sfence  }
0xb7: {  	s30 =	sld [smem:$0x0];
	_ =	sdelay $0x2  }
0xb8: {  	s31 =	sshll.u32 s1, $0xD;
	s1 =	sshrl.u32 s1, $0x2  }
0xb9: {  	s3 =	sand.u32 $0x4000, s31;
	s1 =	sadd.s32 s1, s30  }
0xba: {  	s0 =	sor.u32 s3, s0;
	s1 =	sshll.u32 s1, $0x11  }
0xbb: {  	s0 =	sor.u32 s1, s0  }
0xbc: {  	s0 =	sadd.s32 $0x8F2B, s0  }
0xbd: {  	[sflag:s0] =	ssyncadd.remote.s32 $0x1  }
0xbe: {  	_ =	sfence.sel $0xFFFF  }
0xbf: {  	[dreg:$0x0] =	wrdreg $0xFFFFFFFF;
	(pc) =	sbr.abs _section_cstart, $3  }
0xc0: {  	[dreg:$0x1] =	wrdreg $0xFFFFFFFF  }
0xc1: {  	_ =	task.clear_ibuf [dreg:s7], $0x2FFFF;
	_ =	strace $0x9FFFFFFF  }
0xc2: {  	(tm) =	ssettm $0x7FFFFFFF  }
0xc3: {  	_ =	shalt  }
tec
execute0_lowered:
.L_overlay_start_1:
0x0: {  	(tag) =	ssettag $0x1  }
0x1: {  	s1 =	rddreg [dreg:$0x0]  }
0x2: {  	s0 =	srdreg.scid;
	s2 =	rddreg [dreg:$0x1]  }
0x3: {  	s4 =	stileid.u32;
	s6 =	simm.s32 $0x1;
	s15 =	simm.s32 $0x5  }
0x4: {  	s16 =	simm.s32 $0x40;
	s18 =	simm.s32 $0x4080;
	s19 =	simm.s32 $0x8080  }
0x5: {  	s20 =	simm.s32 $0x8480;
	s21 =	simm.s32 $0x8000;
	s0 =	sand.u32 $0x1, s0  }
0x6: {  	s22 =	simm.s32 $0x2;
	s9 =	sand.u32 $0x7, s4;
	s3 =	sshll.u32 s0, $0x4  }
0x7: {  	s23 =	simm.s32 $0x10480;
	p1 =	sne.s32 s9, $0x0;
	s5 =	sor.u32 s4, s3  }
0x8: {  	s0 =	ssub.s32 $0x2, s0;
	s8 =	sshll.u32 s9, $0xC;
	p0 =	seq.s32 s5, $0x0  }
0x9: {  	s3 =	simm.s32 $0x0;
	s4 =	sadd.s32 $0x1C00, s1;
	p0 =	por !p1, !p0  }
0xa: {  	s30 =	sshrl.u32 s0, $0x1;
	[smem:$0x7FF] =	sst s3;
	p0 =	por !p0, !p0  }
0xb: {  	s7 =	sshrl.u32 s5, $0x3;
	s0 =	ssub.s32 s0, s30;
	s6 =	simm.s32 @!p0 $0x0  }
0xc: {  	s5 =	sadd.s32 $0x10D400, s1;
	s0 =	smax.u32 s0, $0x1;
	s10 =	ssub.s32 s7, s6  }
0xd: {  	_ =	strace $0x8000004D;
	[dreg:$0x4] =	wrdreg s0;
	s11 =	sshll.u32 s10, $0xF  }
0xe: {  	v0 =	vlaneseq.u32;
	s6 =	sadd.s32 $0x109400, s1;
	s7 =	simm.s32 $0x1;
	s31 =	sor.u32 s8, s11  }
0xf: {  	v0 =	vmul.u32 $0x40, v0;
	s12 =	sshll.u32 s10, $0x13;
	s13 =	sshll.u32 s10, $0x18;
	s1 =	sshrl.u32 s31, $0x3  }
0x10: {  	s10 =	simm.s32 $0x0;
	s8 =	sshll.u32 s9, $0x8;
	s1 =	sadd.s32 s6, s1  }
0x11: {  	v1 =	vor.u32 $0x4000, v0;
	s9 =	sshll.u32 s9, $0x6;
	s11 =	sor.u32 $0x40, s11;
	[dreg:$0x3] =	wrdreg s1  }
.LBB2_1:
0x12: {  	[dreg:$0x5] =	wrdreg s10  }
0x13: {  	s0 =	rddreg [dreg:$0x3]  }
0x14: {  	[tilespmem:s3], [sflag:$0x5] =	stream.linear.gather [hbm4b:s0+s3], $0x40, $0x38;
	[tilespmem:$0x18480] =	vst v63  }
0x15: {  	_ =	swait.ge [sflag:s15], $0x40  }
0x16: {  	[sflag:s15] =	ssyncset.done $0x0  }
0x17: {  	s31 =	simm.s32 $0x80;
	s28 =	simm.s32 $0x0;
	[sflag:s15] =	ssyncadd.s32 $0xFFFFFFC0  }
0x18: {  	[tilespmem:s31], [sflag:$0x1] =	stream.indirect.gather [hbm4b:s4+s16], $0x100, s3, s16, $0xb8;
	[tilespmem:$0x18480] =	vst v63  }
.LBB2_2:
0x19: {  	s0 =	sshll.u32 s28, $0x1  }
0x1a: {  	s0 =	sadd.s32 s9, s0  }
0x1b: {  	s0 =	sshll.u32 s0, $0x6  }
0x1c: {  	s0 =	sadd.s32 s11, s0  }
0x1d: {  	s14 =	sshll.u32 s28, $0x3;
	s0 =	sshrl.u32 s0, $0x3  }
0x1e: {  	s29 =	sadd.s32 s8, s14;
	s0 =	sadd.s32 s6, s0  }
0x1f: {  	[tilespmem:s16], [sflag:$0x5] =	stream.linear.gather [hbm4b:s0+s3], $0x40, $0x38;
	[tilespmem:$0x18480] =	vst v63  }
0x20: {  	s0 =	sshll.u32 s29, $0x8;
	_ =	swait.ge [sflag:s15], $0x40  }
0x21: {  	s0 =	sadd.s32 s12, s0;
	[sflag:s15] =	ssyncset.done $0x0  }
0x22: {  	s0 =	sshrl.u32 s0, $0x3;
	[sflag:s15] =	ssyncadd.s32 $0xFFFFFFC0  }
0x23: {  	[tilespmem:s18], [sflag:$0x2] =	stream.indirect.gather [hbm4b:s4+s16], $0x100, s16, s16, $0xb8;
	[tilespmem:$0x18480] =	vst v63  }
0x24: {  	s0 =	sadd.s32 s5, s0  }
0x25: {  	[tilespmem:s19], [sflag:$0x5] =	stream.linear.gather [hbm4b:s0+s3], $0x400, $0x38;
	[tilespmem:$0x18480] =	vst v63  }
0x26: {  	_ =	swait.ge [sflag:s15], $0x400  }
0x27: {  	[sflag:s15] =	ssyncset.done $0x0  }
0x28: {  	[sflag:s15] =	ssyncadd.s32 $0xFFFFFC00  }
0x29: {  	_ =	swait.ge [sflag:s7], $0x4000  }
0x2a: {  	p0 =	seq.s32 s28, $0x0;
	[sflag:s7] =	ssyncset.done $0x0  }
0x2b: {  	s0 =	simm.s32 @!p0 $0x3;
	[sflag:s7] =	ssyncadd.s32 $0xFFFFC000  }
0x2c: {  	s1 =	simm.s32 $0x0;
	s10 =	simm.s32 $0x0;
	_ =	swait.ge @!p0 [sflag:s0], $0x8000  }
0x2d: {  	s14 =	sand.u32 $0xF0, s1;
	s17 =	sand.u32 $0xFFFFFF00, s10;
	[sflag:s0] =	ssyncset.done @!p0 $0x0  }
0x2e: {  	s17 =	sor.u32 s14, s17;
	[sflag:s0] =	ssyncadd.s32 @!p0 $0xFFFF8000  }
0x2f: {  	v3 =	vmov s14;
	v2 =	vld [tilespmem:s17+$0x8080]  }
0x30: {  	v3 =	vshll.u32 v3, $0x6;
	v4 =	vld [tilespmem:s17+$0x80]  }
0x31: {  	s24 =	sand.u32 $0xFFFFFFF0, s1;
	v5 =	vor.u32 v0, v3  }
0x32: {  	v3 =	vor.u32 v1, v3;
	v5 =	vadd.s32 s24, v5  }
0x33: {  	v6 =	vadd.s32 s24, v3;
	_ =	sdelay $0x1  }
0x34: {  	v3 =	vsub.f32 v4, v2;
	_ =	sdelay $0x1  }
0x35: {  	s25 =	sand.u32 $0x3FFFFF00, s10;
	[tilespmem:v5+s20+$0x0] =	vst.idx.msk $0xffff, v3  }
0x36: {  	s0 =	sor.u32 s14, s25;
	[tilespmem:v6+s20+$0x0] =	vst.idx.msk $0xffff, v2  }
0x37: {  	v3 =	vld [tilespmem:s0+$0x480];
	_ =	sdelay $0x1  }
0x38: {  	v4 =	vor.u32 $0x1, v5  }
0x39: {  	v7 =	vor.u32 $0x1, v6;
	_ =	sdelay $0x1  }
0x3a: {  	v3 =	vsub.f32 v3, v2;
	_ =	sdelay $0x1  }
0x3b: {  	[tilespmem:v4+s20+$0x0] =	vst.idx.msk $0xffff, v3  }
0x3c: {  	[tilespmem:v7+s20+$0x0] =	vst.idx.msk $0xffff, v2  }
0x3d: {  	v3 =	vld [tilespmem:s0+$0x880];
	_ =	sdelay $0x1  }
0x3e: {  	v4 =	vor.u32 $0x2, v5  }
0x3f: {  	v7 =	vor.u32 $0x2, v6;
	_ =	sdelay $0x1  }
0x40: {  	v3 =	vsub.f32 v3, v2;
	_ =	sdelay $0x1  }
0x41: {  	[tilespmem:v4+s20+$0x0] =	vst.idx.msk $0xffff, v3  }
0x42: {  	[tilespmem:v7+s20+$0x0] =	vst.idx.msk $0xffff, v2  }
0x43: {  	v3 =	vld [tilespmem:s0+$0xC80];
	_ =	sdelay $0x1  }
0x44: {  	v4 =	vor.u32 $0x3, v5  }
0x45: {  	v7 =	vor.u32 $0x3, v6;
	_ =	sdelay $0x1  }
0x46: {  	v3 =	vsub.f32 v3, v2;
	_ =	sdelay $0x1  }
0x47: {  	[tilespmem:v4+s20+$0x0] =	vst.idx.msk $0xffff, v3  }
0x48: {  	[tilespmem:v7+s20+$0x0] =	vst.idx.msk $0xffff, v2  }
0x49: {  	v3 =	vld [tilespmem:s0+$0x1080];
	_ =	sdelay $0x1  }
0x4a: {  	v4 =	vor.u32 $0x4, v5  }
0x4b: {  	v7 =	vor.u32 $0x4, v6;
	_ =	sdelay $0x1  }
0x4c: {  	v3 =	vsub.f32 v3, v2;
	_ =	sdelay $0x1  }
0x4d: {  	[tilespmem:v4+s20+$0x0] =	vst.idx.msk $0xffff, v3  }
0x4e: {  	[tilespmem:v7+s20+$0x0] =	vst.idx.msk $0xffff, v2  }
0x4f: {  	v3 =	vld [tilespmem:s0+$0x1480];
	_ =	sdelay $0x1  }
0x50: {  	v4 =	vor.u32 $0x5, v5  }
0x51: {  	v7 =	vor.u32 $0x5, v6;
	_ =	sdelay $0x1  }
0x52: {  	v3 =	vsub.f32 v3, v2;
	_ =	sdelay $0x1  }
0x53: {  	[tilespmem:v4+s20+$0x0] =	vst.idx.msk $0xffff, v3  }
0x54: {  	[tilespmem:v7+s20+$0x0] =	vst.idx.msk $0xffff, v2  }
0x55: {  	v3 =	vld [tilespmem:s0+$0x1880];
	_ =	sdelay $0x1  }
0x56: {  	v4 =	vor.u32 $0x6, v5  }
0x57: {  	v7 =	vor.u32 $0x6, v6;
	_ =	sdelay $0x1  }
0x58: {  	v3 =	vsub.f32 v3, v2;
	_ =	sdelay $0x1  }
0x59: {  	[tilespmem:v4+s20+$0x0] =	vst.idx.msk $0xffff, v3  }
0x5a: {  	[tilespmem:v7+s20+$0x0] =	vst.idx.msk $0xffff, v2  }
0x5b: {  	v3 =	vld [tilespmem:s0+$0x1C80];
	_ =	sdelay $0x1  }
0x5c: {  	v4 =	vor.u32 $0x7, v5  }
0x5d: {  	v7 =	vor.u32 $0x7, v6;
	_ =	sdelay $0x1  }
0x5e: {  	v3 =	vsub.f32 v3, v2;
	_ =	sdelay $0x1  }
0x5f: {  	[tilespmem:v4+s20+$0x0] =	vst.idx.msk $0xffff, v3  }
0x60: {  	[tilespmem:v7+s20+$0x0] =	vst.idx.msk $0xffff, v2  }
0x61: {  	v3 =	vld [tilespmem:s0+$0x2080];
	_ =	sdelay $0x1  }
0x62: {  	v4 =	vor.u32 $0x8, v5  }
0x63: {  	v7 =	vor.u32 $0x8, v6;
	_ =	sdelay $0x1  }
0x64: {  	v3 =	vsub.f32 v3, v2;
	_ =	sdelay $0x1  }
0x65: {  	[tilespmem:v4+s20+$0x0] =	vst.idx.msk $0xffff, v3  }
0x66: {  	[tilespmem:v7+s20+$0x0] =	vst.idx.msk $0xffff, v2  }
0x67: {  	v3 =	vld [tilespmem:s0+$0x2480];
	_ =	sdelay $0x1  }
0x68: {  	v4 =	vor.u32 $0x9, v5  }
0x69: {  	v7 =	vor.u32 $0x9, v6;
	_ =	sdelay $0x1  }
0x6a: {  	v3 =	vsub.f32 v3, v2;
	_ =	sdelay $0x1  }
0x6b: {  	[tilespmem:v4+s20+$0x0] =	vst.idx.msk $0xffff, v3  }
0x6c: {  	[tilespmem:v7+s20+$0x0] =	vst.idx.msk $0xffff, v2  }
0x6d: {  	v3 =	vld [tilespmem:s0+$0x2880];
	_ =	sdelay $0x1  }
0x6e: {  	v4 =	vor.u32 $0xA, v5  }
0x6f: {  	v7 =	vor.u32 $0xA, v6;
	_ =	sdelay $0x1  }
0x70: {  	v3 =	vsub.f32 v3, v2;
	_ =	sdelay $0x1  }
0x71: {  	[tilespmem:v4+s20+$0x0] =	vst.idx.msk $0xffff, v3  }
0x72: {  	[tilespmem:v7+s20+$0x0] =	vst.idx.msk $0xffff, v2  }
0x73: {  	v3 =	vld [tilespmem:s0+$0x2C80];
	_ =	sdelay $0x1  }
0x74: {  	v4 =	vor.u32 $0xB, v5  }
0x75: {  	v7 =	vor.u32 $0xB, v6;
	_ =	sdelay $0x1  }
0x76: {  	v3 =	vsub.f32 v3, v2;
	_ =	sdelay $0x1  }
0x77: {  	[tilespmem:v4+s20+$0x0] =	vst.idx.msk $0xffff, v3  }
0x78: {  	[tilespmem:v7+s20+$0x0] =	vst.idx.msk $0xffff, v2  }
0x79: {  	v3 =	vld [tilespmem:s0+$0x3080];
	_ =	sdelay $0x1  }
0x7a: {  	v4 =	vor.u32 $0xC, v5  }
0x7b: {  	v7 =	vor.u32 $0xC, v6;
	_ =	sdelay $0x1  }
0x7c: {  	v3 =	vsub.f32 v3, v2;
	_ =	sdelay $0x1  }
0x7d: {  	[tilespmem:v4+s20+$0x0] =	vst.idx.msk $0xffff, v3  }
0x7e: {  	[tilespmem:v7+s20+$0x0] =	vst.idx.msk $0xffff, v2  }
0x7f: {  	v3 =	vld [tilespmem:s0+$0x3480];
	_ =	sdelay $0x1  }
0x80: {  	v4 =	vor.u32 $0xD, v5  }
0x81: {  	v7 =	vor.u32 $0xD, v6;
	_ =	sdelay $0x1  }
0x82: {  	v3 =	vsub.f32 v3, v2;
	_ =	sdelay $0x1  }
0x83: {  	[tilespmem:v4+s20+$0x0] =	vst.idx.msk $0xffff, v3  }
0x84: {  	[tilespmem:v7+s20+$0x0] =	vst.idx.msk $0xffff, v2  }
0x85: {  	v3 =	vld [tilespmem:s0+$0x3880];
	_ =	sdelay $0x1  }
0x86: {  	v4 =	vor.u32 $0xE, v5  }
0x87: {  	v7 =	vor.u32 $0xE, v6;
	_ =	sdelay $0x1  }
0x88: {  	v3 =	vsub.f32 v3, v2;
	_ =	sdelay $0x1  }
0x89: {  	[tilespmem:v4+s20+$0x0] =	vst.idx.msk $0xffff, v3  }
0x8a: {  	[tilespmem:v7+s20+$0x0] =	vst.idx.msk $0xffff, v2  }
0x8b: {  	v8 =	vld [tilespmem:s0+$0x3C80]  }
0x8c: {  	s26 =	simm.s32 $0x10  }
0x8d: {  	s31 =	sand.u32 $0xF0, s26;
	v7 =	vor.u32 $0xF, v5  }
0x8e: {  	v3 =	vmov s31;
	v5 =	vor.u32 $0xF, v6  }
0x8f: {  	s30 =	sshllo.u32 s28, $0x1;
	s10 =	simm.s32 $0x10;
	v4 =	vshll.u32 v3, $0x6  }
0x90: {  	s1 =	simm.s32 $0x20;
	s17 =	simm.s32 $0x2;
	s0 =	simm.s32 $0x1;
	v3 =	vor.u32 v0, v4;
	v4 =	vor.u32 v1, v4;
	v6 =	vsub.f32 v8, v2  }
.LBB2_3:
0x91: {  	s24 =	sand.u32 $0xF0, s1  }
0x92: {  	s25 =	sand.u32 $0xFFFFFF00, s10;
	[tilespmem:v7+s20+$0x0] =	vst.idx.msk $0xffff, v6;
	s26 =	smov.u32 s17;
	s14 =	sadd.s32 $0x1, s17  }
0x93: {  	p1 =	sne.s32 s17, $0x3F;
	v6 =	vmov s24;
	s17 =	sor.u32 s31, s25;
	[tilespmem:v5+s20+$0x0] =	vst.idx.msk $0xffff, v2  }
0x94: {  	v5 =	vshll.u32 v6, $0x6;
	v2 =	vld [tilespmem:s17+$0x8080]  }
0x95: {  	v6 =	vor.u32 v0, v5;
	v7 =	vor.u32 v1, v5;
	v8 =	vld [tilespmem:s17+$0x80];
	s17 =	sand.u32 $0xFFFFFFF0, s0;
	s0 =	smov.u32 s26  }
0x96: {  	v5 =	vadd.s32 s17, v3;
	v3 =	vmov v6  }
0x97: {  	v6 =	vadd.s32 s17, v4;
	v4 =	vmov v7;
	_ =	sdelay $0x2  }
0x98: {  	v7 =	vsub.f32 v8, v2  }
0x99: {  	s10 =	sand.u32 $0x3FFFFF00, s10  }
0x9a: {  	s10 =	sor.u32 s31, s10;
	s31 =	smov.u32 s24;
	[tilespmem:v5+s20+$0x0] =	vst.idx.msk $0xffff, v7  }
0x9b: {  	[tilespmem:v6+s20+$0x0] =	vst.idx.msk $0xffff, v2  }
0x9c: {  	v7 =	vld [tilespmem:s10+$0x480]  }
0x9d: {  	v8 =	vor.u32 $0x1, v5  }
0x9e: {  	v9 =	vor.u32 $0x1, v6;
	_ =	sdelay $0x2  }
0x9f: {  	v7 =	vsub.f32 v7, v2;
	_ =	sdelay $0x1  }
0xa0: {  	[tilespmem:v8+s20+$0x0] =	vst.idx.msk $0xffff, v7  }
0xa1: {  	[tilespmem:v9+s20+$0x0] =	vst.idx.msk $0xffff, v2  }
0xa2: {  	v7 =	vld [tilespmem:s10+$0x880]  }
0xa3: {  	v8 =	vor.u32 $0x2, v5  }
0xa4: {  	v9 =	vor.u32 $0x2, v6;
	_ =	sdelay $0x2  }
0xa5: {  	v7 =	vsub.f32 v7, v2;
	_ =	sdelay $0x1  }
0xa6: {  	[tilespmem:v8+s20+$0x0] =	vst.idx.msk $0xffff, v7  }
0xa7: {  	[tilespmem:v9+s20+$0x0] =	vst.idx.msk $0xffff, v2  }
0xa8: {  	v7 =	vld [tilespmem:s10+$0xC80]  }
0xa9: {  	v8 =	vor.u32 $0x3, v5  }
0xaa: {  	v9 =	vor.u32 $0x3, v6;
	_ =	sdelay $0x2  }
0xab: {  	v7 =	vsub.f32 v7, v2;
	_ =	sdelay $0x1  }
0xac: {  	[tilespmem:v8+s20+$0x0] =	vst.idx.msk $0xffff, v7  }
0xad: {  	[tilespmem:v9+s20+$0x0] =	vst.idx.msk $0xffff, v2  }
0xae: {  	v7 =	vld [tilespmem:s10+$0x1080]  }
0xaf: {  	v8 =	vor.u32 $0x4, v5  }
0xb0: {  	v9 =	vor.u32 $0x4, v6;
	_ =	sdelay $0x2  }
0xb1: {  	v7 =	vsub.f32 v7, v2;
	_ =	sdelay $0x1  }
0xb2: {  	[tilespmem:v8+s20+$0x0] =	vst.idx.msk $0xffff, v7  }
0xb3: {  	[tilespmem:v9+s20+$0x0] =	vst.idx.msk $0xffff, v2  }
0xb4: {  	v7 =	vld [tilespmem:s10+$0x1480]  }
0xb5: {  	v8 =	vor.u32 $0x5, v5  }
0xb6: {  	v9 =	vor.u32 $0x5, v6;
	_ =	sdelay $0x2  }
0xb7: {  	v7 =	vsub.f32 v7, v2;
	_ =	sdelay $0x1  }
0xb8: {  	[tilespmem:v8+s20+$0x0] =	vst.idx.msk $0xffff, v7  }
0xb9: {  	[tilespmem:v9+s20+$0x0] =	vst.idx.msk $0xffff, v2  }
0xba: {  	v7 =	vld [tilespmem:s10+$0x1880]  }
0xbb: {  	v8 =	vor.u32 $0x6, v5  }
0xbc: {  	v9 =	vor.u32 $0x6, v6;
	_ =	sdelay $0x2  }
0xbd: {  	v7 =	vsub.f32 v7, v2;
	_ =	sdelay $0x1  }
0xbe: {  	[tilespmem:v8+s20+$0x0] =	vst.idx.msk $0xffff, v7  }
0xbf: {  	[tilespmem:v9+s20+$0x0] =	vst.idx.msk $0xffff, v2  }
0xc0: {  	v7 =	vld [tilespmem:s10+$0x1C80]  }
0xc1: {  	v8 =	vor.u32 $0x7, v5  }
0xc2: {  	v9 =	vor.u32 $0x7, v6;
	_ =	sdelay $0x2  }
0xc3: {  	v7 =	vsub.f32 v7, v2;
	_ =	sdelay $0x1  }
0xc4: {  	[tilespmem:v8+s20+$0x0] =	vst.idx.msk $0xffff, v7  }
0xc5: {  	[tilespmem:v9+s20+$0x0] =	vst.idx.msk $0xffff, v2  }
0xc6: {  	v7 =	vld [tilespmem:s10+$0x2080]  }
0xc7: {  	v8 =	vor.u32 $0x8, v5  }
0xc8: {  	v9 =	vor.u32 $0x8, v6;
	_ =	sdelay $0x2  }
0xc9: {  	v7 =	vsub.f32 v7, v2;
	_ =	sdelay $0x1  }
0xca: {  	[tilespmem:v8+s20+$0x0] =	vst.idx.msk $0xffff, v7  }
0xcb: {  	[tilespmem:v9+s20+$0x0] =	vst.idx.msk $0xffff, v2  }
0xcc: {  	v7 =	vld [tilespmem:s10+$0x2480]  }
0xcd: {  	v8 =	vor.u32 $0x9, v5  }
0xce: {  	v9 =	vor.u32 $0x9, v6;
	_ =	sdelay $0x2  }
0xcf: {  	v7 =	vsub.f32 v7, v2;
	_ =	sdelay $0x1  }
0xd0: {  	[tilespmem:v8+s20+$0x0] =	vst.idx.msk $0xffff, v7  }
0xd1: {  	[tilespmem:v9+s20+$0x0] =	vst.idx.msk $0xffff, v2  }
0xd2: {  	v7 =	vld [tilespmem:s10+$0x2880]  }
0xd3: {  	v8 =	vor.u32 $0xA, v5  }
0xd4: {  	v9 =	vor.u32 $0xA, v6;
	_ =	sdelay $0x2  }
0xd5: {  	v7 =	vsub.f32 v7, v2;
	_ =	sdelay $0x1  }
0xd6: {  	[tilespmem:v8+s20+$0x0] =	vst.idx.msk $0xffff, v7  }
0xd7: {  	[tilespmem:v9+s20+$0x0] =	vst.idx.msk $0xffff, v2  }
0xd8: {  	v7 =	vld [tilespmem:s10+$0x2C80]  }
0xd9: {  	v8 =	vor.u32 $0xB, v5  }
0xda: {  	v9 =	vor.u32 $0xB, v6;
	_ =	sdelay $0x2  }
0xdb: {  	v7 =	vsub.f32 v7, v2;
	_ =	sdelay $0x1  }
0xdc: {  	[tilespmem:v8+s20+$0x0] =	vst.idx.msk $0xffff, v7  }
0xdd: {  	[tilespmem:v9+s20+$0x0] =	vst.idx.msk $0xffff, v2  }
0xde: {  	v7 =	vld [tilespmem:s10+$0x3080]  }
0xdf: {  	v8 =	vor.u32 $0xC, v5  }
0xe0: {  	v9 =	vor.u32 $0xC, v6;
	_ =	sdelay $0x2  }
0xe1: {  	v7 =	vsub.f32 v7, v2;
	_ =	sdelay $0x1  }
0xe2: {  	[tilespmem:v8+s20+$0x0] =	vst.idx.msk $0xffff, v7  }
0xe3: {  	[tilespmem:v9+s20+$0x0] =	vst.idx.msk $0xffff, v2  }
0xe4: {  	v7 =	vld [tilespmem:s10+$0x3480]  }
0xe5: {  	v8 =	vor.u32 $0xD, v5  }
0xe6: {  	v9 =	vor.u32 $0xD, v6;
	_ =	sdelay $0x2  }
0xe7: {  	v7 =	vsub.f32 v7, v2;
	_ =	sdelay $0x1  }
0xe8: {  	[tilespmem:v8+s20+$0x0] =	vst.idx.msk $0xffff, v7  }
0xe9: {  	[tilespmem:v9+s20+$0x0] =	vst.idx.msk $0xffff, v2  }
0xea: {  	v7 =	vld [tilespmem:s10+$0x3880]  }
0xeb: {  	v8 =	vor.u32 $0xE, v5  }
0xec: {  	v9 =	vor.u32 $0xE, v6;
	_ =	sdelay $0x2  }
0xed: {  	v7 =	vsub.f32 v7, v2;
	_ =	sdelay $0x1  }
0xee: {  	[tilespmem:v8+s20+$0x0] =	vst.idx.msk $0xffff, v7  }
0xef: {  	[tilespmem:v9+s20+$0x0] =	vst.idx.msk $0xffff, v2  }
0xf0: {  	v8 =	vld [tilespmem:s10+$0x3C80]  }
0xf1: {  	v7 =	vor.u32 $0xF, v5  }
.Ltmp0:
0xf2: {  	v5 =	vor.u32 $0xF, v6;
	(pc) =	sbr.rel @p1 .LBB2_3-.Ltmp0, $3  }
0xf3: {  	_ =	sdelay $0x1  }
0xf4: {  	v6 =	vsub.f32 v8, v2  }
0xf5: {  	s1 =	sadd.s32 $0x10, s1;
	s17 =	smov.u32 s14;
	s10 =	sshll.u32 s0, $0x4  }
0xf6: {  	_ =	sdelay $0x3  }
0xf7: {  	s1 =	sand.u32 $0xFFFFFF00, s10;
	[tilespmem:v7+s20+$0x0] =	vst.idx.msk $0xffff, v6  }
0xf8: {  	s1 =	sor.u32 s31, s1;
	[tilespmem:v5+s20+$0x0] =	vst.idx.msk $0xffff, v2  }
0xf9: {  	v2 =	vld [tilespmem:s1+$0x8080]  }
0xfa: {  	v5 =	vld [tilespmem:s1+$0x80]  }
0xfb: {  	s0 =	sand.u32 $0xFFFFFFF0, s0  }
0xfc: {  	v3 =	vadd.s32 s0, v3  }
0xfd: {  	v4 =	vadd.s32 s0, v4;
	_ =	sdelay $0x1  }
0xfe: {  	v5 =	vsub.f32 v5, v2;
	_ =	sdelay $0x1  }
0xff: {  	s14 =	sand.u32 $0x3FFFFF00, s10;
	[tilespmem:v3+s20+$0x0] =	vst.idx.msk $0xffff, v5  }
0x100: {  	s0 =	sor.u32 s31, s14;
	[tilespmem:v4+s20+$0x0] =	vst.idx.msk $0xffff, v2  }
0x101: {  	v5 =	vld [tilespmem:s0+$0x480];
	_ =	sdelay $0x1  }
0x102: {  	v6 =	vor.u32 $0x1, v3  }
0x103: {  	v7 =	vor.u32 $0x1, v4;
	_ =	sdelay $0x1  }
0x104: {  	v5 =	vsub.f32 v5, v2;
	_ =	sdelay $0x1  }
0x105: {  	[tilespmem:v6+s20+$0x0] =	vst.idx.msk $0xffff, v5  }
0x106: {  	[tilespmem:v7+s20+$0x0] =	vst.idx.msk $0xffff, v2  }
0x107: {  	v5 =	vld [tilespmem:s0+$0x880];
	_ =	sdelay $0x1  }
0x108: {  	v6 =	vor.u32 $0x2, v3  }
0x109: {  	v7 =	vor.u32 $0x2, v4;
	_ =	sdelay $0x1  }
0x10a: {  	v5 =	vsub.f32 v5, v2;
	_ =	sdelay $0x1  }
0x10b: {  	[tilespmem:v6+s20+$0x0] =	vst.idx.msk $0xffff, v5  }
0x10c: {  	[tilespmem:v7+s20+$0x0] =	vst.idx.msk $0xffff, v2  }
0x10d: {  	v5 =	vld [tilespmem:s0+$0xC80];
	_ =	sdelay $0x1  }
0x10e: {  	v6 =	vor.u32 $0x3, v3  }
0x10f: {  	v7 =	vor.u32 $0x3, v4;
	_ =	sdelay $0x1  }
0x110: {  	v5 =	vsub.f32 v5, v2;
	_ =	sdelay $0x1  }
0x111: {  	[tilespmem:v6+s20+$0x0] =	vst.idx.msk $0xffff, v5  }
0x112: {  	[tilespmem:v7+s20+$0x0] =	vst.idx.msk $0xffff, v2  }
0x113: {  	v5 =	vld [tilespmem:s0+$0x1080];
	_ =	sdelay $0x1  }
0x114: {  	v6 =	vor.u32 $0x4, v3  }
0x115: {  	v7 =	vor.u32 $0x4, v4;
	_ =	sdelay $0x1  }
0x116: {  	v5 =	vsub.f32 v5, v2;
	_ =	sdelay $0x1  }
0x117: {  	[tilespmem:v6+s20+$0x0] =	vst.idx.msk $0xffff, v5  }
0x118: {  	[tilespmem:v7+s20+$0x0] =	vst.idx.msk $0xffff, v2  }
0x119: {  	v5 =	vld [tilespmem:s0+$0x1480];
	_ =	sdelay $0x1  }
0x11a: {  	v6 =	vor.u32 $0x5, v3  }
0x11b: {  	v7 =	vor.u32 $0x5, v4;
	_ =	sdelay $0x1  }
0x11c: {  	v5 =	vsub.f32 v5, v2;
	_ =	sdelay $0x1  }
0x11d: {  	[tilespmem:v6+s20+$0x0] =	vst.idx.msk $0xffff, v5  }
0x11e: {  	[tilespmem:v7+s20+$0x0] =	vst.idx.msk $0xffff, v2  }
0x11f: {  	v5 =	vld [tilespmem:s0+$0x1880];
	_ =	sdelay $0x1  }
0x120: {  	v6 =	vor.u32 $0x6, v3  }
0x121: {  	v7 =	vor.u32 $0x6, v4;
	_ =	sdelay $0x1  }
0x122: {  	v5 =	vsub.f32 v5, v2;
	_ =	sdelay $0x1  }
0x123: {  	[tilespmem:v6+s20+$0x0] =	vst.idx.msk $0xffff, v5  }
0x124: {  	[tilespmem:v7+s20+$0x0] =	vst.idx.msk $0xffff, v2  }
0x125: {  	v5 =	vld [tilespmem:s0+$0x1C80];
	_ =	sdelay $0x1  }
0x126: {  	v6 =	vor.u32 $0x7, v3  }
0x127: {  	v7 =	vor.u32 $0x7, v4;
	_ =	sdelay $0x1  }
0x128: {  	v5 =	vsub.f32 v5, v2;
	_ =	sdelay $0x1  }
0x129: {  	[tilespmem:v6+s20+$0x0] =	vst.idx.msk $0xffff, v5  }
0x12a: {  	[tilespmem:v7+s20+$0x0] =	vst.idx.msk $0xffff, v2  }
0x12b: {  	v5 =	vld [tilespmem:s0+$0x2080];
	_ =	sdelay $0x1  }
0x12c: {  	v6 =	vor.u32 $0x8, v3  }
0x12d: {  	v7 =	vor.u32 $0x8, v4;
	_ =	sdelay $0x1  }
0x12e: {  	v5 =	vsub.f32 v5, v2;
	_ =	sdelay $0x1  }
0x12f: {  	[tilespmem:v6+s20+$0x0] =	vst.idx.msk $0xffff, v5  }
0x130: {  	[tilespmem:v7+s20+$0x0] =	vst.idx.msk $0xffff, v2  }
0x131: {  	v5 =	vld [tilespmem:s0+$0x2480];
	_ =	sdelay $0x1  }
0x132: {  	v6 =	vor.u32 $0x9, v3  }
0x133: {  	v7 =	vor.u32 $0x9, v4;
	_ =	sdelay $0x1  }
0x134: {  	v5 =	vsub.f32 v5, v2;
	_ =	sdelay $0x1  }
0x135: {  	[tilespmem:v6+s20+$0x0] =	vst.idx.msk $0xffff, v5  }
0x136: {  	[tilespmem:v7+s20+$0x0] =	vst.idx.msk $0xffff, v2  }
0x137: {  	v5 =	vld [tilespmem:s0+$0x2880];
	_ =	sdelay $0x1  }
0x138: {  	v6 =	vor.u32 $0xA, v3  }
0x139: {  	v7 =	vor.u32 $0xA, v4;
	_ =	sdelay $0x1  }
0x13a: {  	v5 =	vsub.f32 v5, v2;
	_ =	sdelay $0x1  }
0x13b: {  	[tilespmem:v6+s20+$0x0] =	vst.idx.msk $0xffff, v5  }
0x13c: {  	[tilespmem:v7+s20+$0x0] =	vst.idx.msk $0xffff, v2  }
0x13d: {  	v5 =	vld [tilespmem:s0+$0x2C80];
	_ =	sdelay $0x1  }
0x13e: {  	v6 =	vor.u32 $0xB, v3  }
0x13f: {  	v7 =	vor.u32 $0xB, v4;
	_ =	sdelay $0x1  }
0x140: {  	v5 =	vsub.f32 v5, v2;
	_ =	sdelay $0x1  }
0x141: {  	[tilespmem:v6+s20+$0x0] =	vst.idx.msk $0xffff, v5  }
0x142: {  	[tilespmem:v7+s20+$0x0] =	vst.idx.msk $0xffff, v2  }
0x143: {  	v5 =	vld [tilespmem:s0+$0x3080];
	_ =	sdelay $0x1  }
0x144: {  	v6 =	vor.u32 $0xC, v3  }
0x145: {  	v7 =	vor.u32 $0xC, v4;
	_ =	sdelay $0x1  }
0x146: {  	v5 =	vsub.f32 v5, v2;
	_ =	sdelay $0x1  }
0x147: {  	[tilespmem:v6+s20+$0x0] =	vst.idx.msk $0xffff, v5  }
0x148: {  	[tilespmem:v7+s20+$0x0] =	vst.idx.msk $0xffff, v2  }
0x149: {  	v5 =	vld [tilespmem:s0+$0x3480];
	_ =	sdelay $0x1  }
0x14a: {  	v6 =	vor.u32 $0xD, v3  }
0x14b: {  	v7 =	vor.u32 $0xD, v4;
	_ =	sdelay $0x1  }
0x14c: {  	v5 =	vsub.f32 v5, v2;
	_ =	sdelay $0x1  }
0x14d: {  	[tilespmem:v6+s20+$0x0] =	vst.idx.msk $0xffff, v5  }
0x14e: {  	[tilespmem:v7+s20+$0x0] =	vst.idx.msk $0xffff, v2  }
0x14f: {  	v5 =	vld [tilespmem:s0+$0x3880];
	_ =	sdelay $0x1  }
0x150: {  	v6 =	vor.u32 $0xE, v3  }
0x151: {  	v7 =	vor.u32 $0xE, v4;
	_ =	sdelay $0x1  }
0x152: {  	v5 =	vsub.f32 v5, v2;
	_ =	sdelay $0x1  }
0x153: {  	[tilespmem:v6+s20+$0x0] =	vst.idx.msk $0xffff, v5  }
0x154: {  	[tilespmem:v7+s20+$0x0] =	vst.idx.msk $0xffff, v2  }
0x155: {  	v5 =	vld [tilespmem:s0+$0x3C80];
	_ =	sdelay $0x1  }
0x156: {  	v3 =	vor.u32 $0xF, v3  }
0x157: {  	v4 =	vor.u32 $0xF, v4;
	_ =	sdelay $0x1  }
0x158: {  	s17 =	sshll.u32 s29, $0x4;
	v5 =	vsub.f32 v5, v2  }
0x159: {  	s0 =	sadd.s32 s13, s17  }
0x15a: {  	s0 =	sshrl.u32 s0, $0x3;
	[tilespmem:v3+s20+$0x0] =	vst.idx.msk $0xffff, v5  }
0x15b: {  	p1 =	seq.s32 s28, $0x1F;
	s0 =	sadd.s32 s2, s0;
	[tilespmem:v4+s20+$0x0] =	vst.idx.msk $0xffff, v2  }
0x15c: {  	[hbm4b:s0+s16] =	stream.strided.scatter [tilespmem:s20], [sflag:$0x3], $0x8000, s21, s16, $0x38;
	[tilespmem:$0x18480] =	vst v63  }
0x15d: {  	s0 =	sadd.s32 @!p1 s9, s30  }
0x15e: {  	s0 =	sshll.u32 @!p1 s0, $0x6  }
0x15f: {  	s0 =	sadd.s32 @!p1 s0, s11  }
0x160: {  	s0 =	sshrl.u32 @!p1 s0, $0x3  }
0x161: {  	s1 =	simm.s32 @!p1 $0x0;
	s0 =	sadd.s32 @!p1 s6, s0  }
0x162: {  	[tilespmem:s1], [sflag:$0x5] =	stream.linear.gather @!p1 [hbm4b:s0+s1], $0x40, $0x38;
	[tilespmem:$0x18480] =	vst v63  }
0x163: {  	s0 =	simm.s32 @!p1 $0x5  }
0x164: {  	s24 =	sshll.u32 s30, $0x2;
	_ =	swait.ge @!p1 [sflag:s0], $0x40  }
0x165: {  	s29 =	sadd.s32 s8, s24;
	s10 =	simm.s32 @!p1 $0x80;
	[sflag:s0] =	ssyncset.done @!p1 $0x0  }
0x166: {  	s25 =	sshll.u32 s29, $0x8;
	[sflag:s0] =	ssyncadd.s32 @!p1 $0xFFFFFFC0;
	s0 =	simm.s32 @!p1 $0x40  }
0x167: {  	[tilespmem:s10], [sflag:$0x1] =	stream.indirect.gather @!p1 [hbm4b:s4+s0], $0x100, s1, s0, $0xb8;
	[tilespmem:$0x18480] =	vst v63  }
0x168: {  	s0 =	sadd.s32 s12, s25  }
0x169: {  	s0 =	sshrl.u32 s0, $0x3  }
0x16a: {  	s0 =	sadd.s32 s5, s0  }
0x16b: {  	[tilespmem:s19], [sflag:$0x5] =	stream.linear.gather [hbm4b:s0+s3], $0x400, $0x38;
	[tilespmem:$0x18480] =	vst v63  }
0x16c: {  	_ =	swait.ge [sflag:s15], $0x400  }
0x16d: {  	[sflag:s15] =	ssyncset.done $0x0  }
0x16e: {  	[sflag:s15] =	ssyncadd.s32 $0xFFFFFC00  }
0x16f: {  	_ =	swait.ge [sflag:s22], $0x4000  }
0x170: {  	[sflag:s22] =	ssyncset.done $0x0  }
0x171: {  	s0 =	simm.s32 @!p0 $0x4;
	[sflag:s22] =	ssyncadd.s32 $0xFFFFC000  }
0x172: {  	s26 =	simm.s32 $0x0;
	s31 =	simm.s32 $0x0;
	_ =	swait.ge @!p0 [sflag:s0], $0x8000  }
0x173: {  	s14 =	sand.u32 $0xF0, s26;
	s17 =	sand.u32 $0xFFFFFF00, s31;
	[sflag:s0] =	ssyncset.done @!p0 $0x0  }
0x174: {  	s24 =	sor.u32 s14, s17;
	[sflag:s0] =	ssyncadd.s32 @!p0 $0xFFFF8000  }
0x175: {  	v3 =	vmov s14;
	v2 =	vld [tilespmem:s24+$0x8080]  }
0x176: {  	v3 =	vshll.u32 v3, $0x6;
	v4 =	vld [tilespmem:s24+$0x4080]  }
0x177: {  	v5 =	vor.u32 v0, v3;
	s25 =	sand.u32 $0xFFFFFFF0, s26  }
0x178: {  	v3 =	vor.u32 v1, v3;
	v5 =	vadd.s32 s25, v5  }
0x179: {  	v6 =	vadd.s32 s25, v3;
	_ =	sdelay $0x1  }
0x17a: {  	v3 =	vsub.f32 v4, v2;
	_ =	sdelay $0x1  }
0x17b: {  	s26 =	sand.u32 $0x3FFFFF00, s31;
	[tilespmem:v5+s23+$0x0] =	vst.idx.msk $0xffff, v3  }
0x17c: {  	s0 =	sor.u32 s14, s26;
	[tilespmem:v6+s23+$0x0] =	vst.idx.msk $0xffff, v2  }
0x17d: {  	v3 =	vld [tilespmem:s0+$0x4480];
	_ =	sdelay $0x1  }
0x17e: {  	v4 =	vor.u32 $0x1, v5  }
0x17f: {  	v7 =	vor.u32 $0x1, v6;
	_ =	sdelay $0x1  }
0x180: {  	v3 =	vsub.f32 v3, v2;
	_ =	sdelay $0x1  }
0x181: {  	[tilespmem:v4+s23+$0x0] =	vst.idx.msk $0xffff, v3  }
0x182: {  	[tilespmem:v7+s23+$0x0] =	vst.idx.msk $0xffff, v2  }
0x183: {  	v3 =	vld [tilespmem:s0+$0x4880];
	_ =	sdelay $0x1  }
0x184: {  	v4 =	vor.u32 $0x2, v5  }
0x185: {  	v7 =	vor.u32 $0x2, v6;
	_ =	sdelay $0x1  }
0x186: {  	v3 =	vsub.f32 v3, v2;
	_ =	sdelay $0x1  }
0x187: {  	[tilespmem:v4+s23+$0x0] =	vst.idx.msk $0xffff, v3  }
0x188: {  	[tilespmem:v7+s23+$0x0] =	vst.idx.msk $0xffff, v2  }
0x189: {  	v3 =	vld [tilespmem:s0+$0x4C80];
	_ =	sdelay $0x1  }
0x18a: {  	v4 =	vor.u32 $0x3, v5  }
0x18b: {  	v7 =	vor.u32 $0x3, v6;
	_ =	sdelay $0x1  }
0x18c: {  	v3 =	vsub.f32 v3, v2;
	_ =	sdelay $0x1  }
0x18d: {  	[tilespmem:v4+s23+$0x0] =	vst.idx.msk $0xffff, v3  }
0x18e: {  	[tilespmem:v7+s23+$0x0] =	vst.idx.msk $0xffff, v2  }
0x18f: {  	v3 =	vld [tilespmem:s0+$0x5080];
	_ =	sdelay $0x1  }
0x190: {  	v4 =	vor.u32 $0x4, v5  }
0x191: {  	v7 =	vor.u32 $0x4, v6;
	_ =	sdelay $0x1  }
0x192: {  	v3 =	vsub.f32 v3, v2;
	_ =	sdelay $0x1  }
0x193: {  	[tilespmem:v4+s23+$0x0] =	vst.idx.msk $0xffff, v3  }
0x194: {  	[tilespmem:v7+s23+$0x0] =	vst.idx.msk $0xffff, v2  }
0x195: {  	v3 =	vld [tilespmem:s0+$0x5480];
	_ =	sdelay $0x1  }
0x196: {  	v4 =	vor.u32 $0x5, v5  }
0x197: {  	v7 =	vor.u32 $0x5, v6;
	_ =	sdelay $0x1  }
0x198: {  	v3 =	vsub.f32 v3, v2;
	_ =	sdelay $0x1  }
0x199: {  	[tilespmem:v4+s23+$0x0] =	vst.idx.msk $0xffff, v3  }
0x19a: {  	[tilespmem:v7+s23+$0x0] =	vst.idx.msk $0xffff, v2  }
0x19b: {  	v3 =	vld [tilespmem:s0+$0x5880];
	_ =	sdelay $0x1  }
0x19c: {  	v4 =	vor.u32 $0x6, v5  }
0x19d: {  	v7 =	vor.u32 $0x6, v6;
	_ =	sdelay $0x1  }
0x19e: {  	v3 =	vsub.f32 v3, v2;
	_ =	sdelay $0x1  }
0x19f: {  	[tilespmem:v4+s23+$0x0] =	vst.idx.msk $0xffff, v3  }
0x1a0: {  	[tilespmem:v7+s23+$0x0] =	vst.idx.msk $0xffff, v2  }
0x1a1: {  	v3 =	vld [tilespmem:s0+$0x5C80];
	_ =	sdelay $0x1  }
0x1a2: {  	v4 =	vor.u32 $0x7, v5  }
0x1a3: {  	v7 =	vor.u32 $0x7, v6;
	_ =	sdelay $0x1  }
0x1a4: {  	v3 =	vsub.f32 v3, v2;
	_ =	sdelay $0x1  }
0x1a5: {  	[tilespmem:v4+s23+$0x0] =	vst.idx.msk $0xffff, v3  }
0x1a6: {  	[tilespmem:v7+s23+$0x0] =	vst.idx.msk $0xffff, v2  }
0x1a7: {  	v3 =	vld [tilespmem:s0+$0x6080];
	_ =	sdelay $0x1  }
0x1a8: {  	v4 =	vor.u32 $0x8, v5  }
0x1a9: {  	v7 =	vor.u32 $0x8, v6;
	_ =	sdelay $0x1  }
0x1aa: {  	v3 =	vsub.f32 v3, v2;
	_ =	sdelay $0x1  }
0x1ab: {  	[tilespmem:v4+s23+$0x0] =	vst.idx.msk $0xffff, v3  }
0x1ac: {  	[tilespmem:v7+s23+$0x0] =	vst.idx.msk $0xffff, v2  }
0x1ad: {  	v3 =	vld [tilespmem:s0+$0x6480];
	_ =	sdelay $0x1  }
0x1ae: {  	v4 =	vor.u32 $0x9, v5  }
0x1af: {  	v7 =	vor.u32 $0x9, v6;
	_ =	sdelay $0x1  }
0x1b0: {  	v3 =	vsub.f32 v3, v2;
	_ =	sdelay $0x1  }
0x1b1: {  	[tilespmem:v4+s23+$0x0] =	vst.idx.msk $0xffff, v3  }
0x1b2: {  	[tilespmem:v7+s23+$0x0] =	vst.idx.msk $0xffff, v2  }
0x1b3: {  	v3 =	vld [tilespmem:s0+$0x6880];
	_ =	sdelay $0x1  }
0x1b4: {  	v4 =	vor.u32 $0xA, v5  }
0x1b5: {  	v7 =	vor.u32 $0xA, v6;
	_ =	sdelay $0x1  }
0x1b6: {  	v3 =	vsub.f32 v3, v2;
	_ =	sdelay $0x1  }
0x1b7: {  	[tilespmem:v4+s23+$0x0] =	vst.idx.msk $0xffff, v3  }
0x1b8: {  	[tilespmem:v7+s23+$0x0] =	vst.idx.msk $0xffff, v2  }
0x1b9: {  	v3 =	vld [tilespmem:s0+$0x6C80];
	_ =	sdelay $0x1  }
0x1ba: {  	v4 =	vor.u32 $0xB, v5  }
0x1bb: {  	v7 =	vor.u32 $0xB, v6;
	_ =	sdelay $0x1  }
0x1bc: {  	v3 =	vsub.f32 v3, v2;
	_ =	sdelay $0x1  }
0x1bd: {  	[tilespmem:v4+s23+$0x0] =	vst.idx.msk $0xffff, v3  }
0x1be: {  	[tilespmem:v7+s23+$0x0] =	vst.idx.msk $0xffff, v2  }
0x1bf: {  	v3 =	vld [tilespmem:s0+$0x7080];
	_ =	sdelay $0x1  }
0x1c0: {  	v4 =	vor.u32 $0xC, v5  }
0x1c1: {  	v7 =	vor.u32 $0xC, v6;
	_ =	sdelay $0x1  }
0x1c2: {  	v3 =	vsub.f32 v3, v2;
	_ =	sdelay $0x1  }
0x1c3: {  	[tilespmem:v4+s23+$0x0] =	vst.idx.msk $0xffff, v3  }
0x1c4: {  	[tilespmem:v7+s23+$0x0] =	vst.idx.msk $0xffff, v2  }
0x1c5: {  	v3 =	vld [tilespmem:s0+$0x7480];
	_ =	sdelay $0x1  }
0x1c6: {  	v4 =	vor.u32 $0xD, v5  }
0x1c7: {  	v7 =	vor.u32 $0xD, v6;
	_ =	sdelay $0x1  }
0x1c8: {  	v3 =	vsub.f32 v3, v2;
	_ =	sdelay $0x1  }
0x1c9: {  	[tilespmem:v4+s23+$0x0] =	vst.idx.msk $0xffff, v3  }
0x1ca: {  	[tilespmem:v7+s23+$0x0] =	vst.idx.msk $0xffff, v2  }
0x1cb: {  	v3 =	vld [tilespmem:s0+$0x7880];
	_ =	sdelay $0x1  }
0x1cc: {  	v4 =	vor.u32 $0xE, v5  }
0x1cd: {  	v7 =	vor.u32 $0xE, v6;
	_ =	sdelay $0x1  }
0x1ce: {  	v3 =	vsub.f32 v3, v2;
	_ =	sdelay $0x1  }
0x1cf: {  	[tilespmem:v4+s23+$0x0] =	vst.idx.msk $0xffff, v3  }
0x1d0: {  	[tilespmem:v7+s23+$0x0] =	vst.idx.msk $0xffff, v2  }
0x1d1: {  	v8 =	vld [tilespmem:s0+$0x7C80]  }
0x1d2: {  	s31 =	simm.s32 $0x10  }
0x1d3: {  	s30 =	sand.u32 $0xF0, s31;
	v7 =	vor.u32 $0xF, v5  }
0x1d4: {  	v3 =	vmov s30;
	v5 =	vor.u32 $0xF, v6  }
0x1d5: {  	s10 =	simm.s32 $0x10;
	v4 =	vshll.u32 v3, $0x6  }
0x1d6: {  	s1 =	simm.s32 $0x20;
	s14 =	simm.s32 $0x2;
	s0 =	simm.s32 $0x1;
	v3 =	vor.u32 v0, v4;
	v4 =	vor.u32 v1, v4;
	v6 =	vsub.f32 v8, v2  }
.LBB2_5:
0x1d7: {  	s24 =	sand.u32 $0xF0, s1  }
0x1d8: {  	s25 =	sand.u32 $0xFFFFFF00, s10;
	[tilespmem:v7+s23+$0x0] =	vst.idx.msk $0xffff, v6;
	s26 =	smov.u32 s14;
	s17 =	sadd.s32 $0x1, s14  }
0x1d9: {  	p0 =	sne.s32 s14, $0x3F;
	v6 =	vmov s24;
	s14 =	sor.u32 s30, s25;
	[tilespmem:v5+s23+$0x0] =	vst.idx.msk $0xffff, v2  }
0x1da: {  	v5 =	vshll.u32 v6, $0x6;
	v2 =	vld [tilespmem:s14+$0x8080]  }
0x1db: {  	v6 =	vor.u32 v0, v5;
	v7 =	vor.u32 v1, v5;
	v8 =	vld [tilespmem:s14+$0x4080];
	s14 =	sand.u32 $0xFFFFFFF0, s0;
	s0 =	smov.u32 s26  }
0x1dc: {  	v5 =	vadd.s32 s14, v3;
	v3 =	vmov v6  }
0x1dd: {  	v6 =	vadd.s32 s14, v4;
	v4 =	vmov v7;
	_ =	sdelay $0x2  }
0x1de: {  	v7 =	vsub.f32 v8, v2  }
0x1df: {  	s10 =	sand.u32 $0x3FFFFF00, s10  }
0x1e0: {  	s10 =	sor.u32 s30, s10;
	s30 =	smov.u32 s24;
	[tilespmem:v5+s23+$0x0] =	vst.idx.msk $0xffff, v7  }
0x1e1: {  	[tilespmem:v6+s23+$0x0] =	vst.idx.msk $0xffff, v2  }
0x1e2: {  	v7 =	vld [tilespmem:s10+$0x4480]  }
0x1e3: {  	v8 =	vor.u32 $0x1, v5  }
0x1e4: {  	v9 =	vor.u32 $0x1, v6;
	_ =	sdelay $0x2  }
0x1e5: {  	v7 =	vsub.f32 v7, v2;
	_ =	sdelay $0x1  }
0x1e6: {  	[tilespmem:v8+s23+$0x0] =	vst.idx.msk $0xffff, v7  }
0x1e7: {  	[tilespmem:v9+s23+$0x0] =	vst.idx.msk $0xffff, v2  }
0x1e8: {  	v7 =	vld [tilespmem:s10+$0x4880]  }
0x1e9: {  	v8 =	vor.u32 $0x2, v5  }
0x1ea: {  	v9 =	vor.u32 $0x2, v6;
	_ =	sdelay $0x2  }
0x1eb: {  	v7 =	vsub.f32 v7, v2;
	_ =	sdelay $0x1  }
0x1ec: {  	[tilespmem:v8+s23+$0x0] =	vst.idx.msk $0xffff, v7  }
0x1ed: {  	[tilespmem:v9+s23+$0x0] =	vst.idx.msk $0xffff, v2  }
0x1ee: {  	v7 =	vld [tilespmem:s10+$0x4C80]  }
0x1ef: {  	v8 =	vor.u32 $0x3, v5  }
0x1f0: {  	v9 =	vor.u32 $0x3, v6;
	_ =	sdelay $0x2  }
0x1f1: {  	v7 =	vsub.f32 v7, v2;
	_ =	sdelay $0x1  }
0x1f2: {  	[tilespmem:v8+s23+$0x0] =	vst.idx.msk $0xffff, v7  }
0x1f3: {  	[tilespmem:v9+s23+$0x0] =	vst.idx.msk $0xffff, v2  }
0x1f4: {  	v7 =	vld [tilespmem:s10+$0x5080]  }
0x1f5: {  	v8 =	vor.u32 $0x4, v5  }
0x1f6: {  	v9 =	vor.u32 $0x4, v6;
	_ =	sdelay $0x2  }
0x1f7: {  	v7 =	vsub.f32 v7, v2;
	_ =	sdelay $0x1  }
0x1f8: {  	[tilespmem:v8+s23+$0x0] =	vst.idx.msk $0xffff, v7  }
0x1f9: {  	[tilespmem:v9+s23+$0x0] =	vst.idx.msk $0xffff, v2  }
0x1fa: {  	v7 =	vld [tilespmem:s10+$0x5480]  }
0x1fb: {  	v8 =	vor.u32 $0x5, v5  }
0x1fc: {  	v9 =	vor.u32 $0x5, v6;
	_ =	sdelay $0x2  }
0x1fd: {  	v7 =	vsub.f32 v7, v2;
	_ =	sdelay $0x1  }
0x1fe: {  	[tilespmem:v8+s23+$0x0] =	vst.idx.msk $0xffff, v7  }
0x1ff: {  	[tilespmem:v9+s23+$0x0] =	vst.idx.msk $0xffff, v2  }
0x200: {  	v7 =	vld [tilespmem:s10+$0x5880]  }
0x201: {  	v8 =	vor.u32 $0x6, v5  }
0x202: {  	v9 =	vor.u32 $0x6, v6;
	_ =	sdelay $0x2  }
0x203: {  	v7 =	vsub.f32 v7, v2;
	_ =	sdelay $0x1  }
0x204: {  	[tilespmem:v8+s23+$0x0] =	vst.idx.msk $0xffff, v7  }
0x205: {  	[tilespmem:v9+s23+$0x0] =	vst.idx.msk $0xffff, v2  }
0x206: {  	v7 =	vld [tilespmem:s10+$0x5C80]  }
0x207: {  	v8 =	vor.u32 $0x7, v5  }
0x208: {  	v9 =	vor.u32 $0x7, v6;
	_ =	sdelay $0x2  }
0x209: {  	v7 =	vsub.f32 v7, v2;
	_ =	sdelay $0x1  }
0x20a: {  	[tilespmem:v8+s23+$0x0] =	vst.idx.msk $0xffff, v7  }
0x20b: {  	[tilespmem:v9+s23+$0x0] =	vst.idx.msk $0xffff, v2  }
0x20c: {  	v7 =	vld [tilespmem:s10+$0x6080]  }
0x20d: {  	v8 =	vor.u32 $0x8, v5  }
0x20e: {  	v9 =	vor.u32 $0x8, v6;
	_ =	sdelay $0x2  }
0x20f: {  	v7 =	vsub.f32 v7, v2;
	_ =	sdelay $0x1  }
0x210: {  	[tilespmem:v8+s23+$0x0] =	vst.idx.msk $0xffff, v7  }
0x211: {  	[tilespmem:v9+s23+$0x0] =	vst.idx.msk $0xffff, v2  }
0x212: {  	v7 =	vld [tilespmem:s10+$0x6480]  }
0x213: {  	v8 =	vor.u32 $0x9, v5  }
0x214: {  	v9 =	vor.u32 $0x9, v6;
	_ =	sdelay $0x2  }
0x215: {  	v7 =	vsub.f32 v7, v2;
	_ =	sdelay $0x1  }
0x216: {  	[tilespmem:v8+s23+$0x0] =	vst.idx.msk $0xffff, v7  }
0x217: {  	[tilespmem:v9+s23+$0x0] =	vst.idx.msk $0xffff, v2  }
0x218: {  	v7 =	vld [tilespmem:s10+$0x6880]  }
0x219: {  	v8 =	vor.u32 $0xA, v5  }
0x21a: {  	v9 =	vor.u32 $0xA, v6;
	_ =	sdelay $0x2  }
0x21b: {  	v7 =	vsub.f32 v7, v2;
	_ =	sdelay $0x1  }
0x21c: {  	[tilespmem:v8+s23+$0x0] =	vst.idx.msk $0xffff, v7  }
0x21d: {  	[tilespmem:v9+s23+$0x0] =	vst.idx.msk $0xffff, v2  }
0x21e: {  	v7 =	vld [tilespmem:s10+$0x6C80]  }
0x21f: {  	v8 =	vor.u32 $0xB, v5  }
0x220: {  	v9 =	vor.u32 $0xB, v6;
	_ =	sdelay $0x2  }
0x221: {  	v7 =	vsub.f32 v7, v2;
	_ =	sdelay $0x1  }
0x222: {  	[tilespmem:v8+s23+$0x0] =	vst.idx.msk $0xffff, v7  }
0x223: {  	[tilespmem:v9+s23+$0x0] =	vst.idx.msk $0xffff, v2  }
0x224: {  	v7 =	vld [tilespmem:s10+$0x7080]  }
0x225: {  	v8 =	vor.u32 $0xC, v5  }
0x226: {  	v9 =	vor.u32 $0xC, v6;
	_ =	sdelay $0x2  }
0x227: {  	v7 =	vsub.f32 v7, v2;
	_ =	sdelay $0x1  }
0x228: {  	[tilespmem:v8+s23+$0x0] =	vst.idx.msk $0xffff, v7  }
0x229: {  	[tilespmem:v9+s23+$0x0] =	vst.idx.msk $0xffff, v2  }
0x22a: {  	v7 =	vld [tilespmem:s10+$0x7480]  }
0x22b: {  	v8 =	vor.u32 $0xD, v5  }
0x22c: {  	v9 =	vor.u32 $0xD, v6;
	_ =	sdelay $0x2  }
0x22d: {  	v7 =	vsub.f32 v7, v2;
	_ =	sdelay $0x1  }
0x22e: {  	[tilespmem:v8+s23+$0x0] =	vst.idx.msk $0xffff, v7  }
0x22f: {  	[tilespmem:v9+s23+$0x0] =	vst.idx.msk $0xffff, v2  }
0x230: {  	v7 =	vld [tilespmem:s10+$0x7880]  }
0x231: {  	v8 =	vor.u32 $0xE, v5  }
0x232: {  	v9 =	vor.u32 $0xE, v6;
	_ =	sdelay $0x2  }
0x233: {  	v7 =	vsub.f32 v7, v2;
	_ =	sdelay $0x1  }
0x234: {  	[tilespmem:v8+s23+$0x0] =	vst.idx.msk $0xffff, v7  }
0x235: {  	[tilespmem:v9+s23+$0x0] =	vst.idx.msk $0xffff, v2  }
0x236: {  	v8 =	vld [tilespmem:s10+$0x7C80]  }
0x237: {  	v7 =	vor.u32 $0xF, v5  }
.Ltmp1:
0x238: {  	v5 =	vor.u32 $0xF, v6;
	(pc) =	sbr.rel @p0 .LBB2_5-.Ltmp1, $3  }
0x239: {  	_ =	sdelay $0x1  }
0x23a: {  	v6 =	vsub.f32 v8, v2  }
0x23b: {  	s1 =	sadd.s32 $0x10, s1;
	s14 =	smov.u32 s17;
	s10 =	sshll.u32 s0, $0x4  }
0x23c: {  	_ =	sdelay $0x3  }
0x23d: {  	s1 =	sand.u32 $0xFFFFFF00, s10;
	[tilespmem:v7+s23+$0x0] =	vst.idx.msk $0xffff, v6  }
0x23e: {  	s1 =	sor.u32 s30, s1;
	[tilespmem:v5+s23+$0x0] =	vst.idx.msk $0xffff, v2  }
0x23f: {  	v2 =	vld [tilespmem:s1+$0x8080]  }
0x240: {  	v5 =	vld [tilespmem:s1+$0x4080]  }
0x241: {  	s0 =	sand.u32 $0xFFFFFFF0, s0  }
0x242: {  	v3 =	vadd.s32 s0, v3  }
0x243: {  	v4 =	vadd.s32 s0, v4;
	_ =	sdelay $0x1  }
0x244: {  	v5 =	vsub.f32 v5, v2;
	_ =	sdelay $0x1  }
0x245: {  	s26 =	sand.u32 $0x3FFFFF00, s10;
	[tilespmem:v3+s23+$0x0] =	vst.idx.msk $0xffff, v5  }
0x246: {  	s0 =	sor.u32 s30, s26;
	[tilespmem:v4+s23+$0x0] =	vst.idx.msk $0xffff, v2  }
0x247: {  	v5 =	vld [tilespmem:s0+$0x4480];
	_ =	sdelay $0x1  }
0x248: {  	v36 =	vor.u32 $0x1, v3  }
0x249: {  	v37 =	vor.u32 $0x1, v4;
	_ =	sdelay $0x1  }
0x24a: {  	v5 =	vsub.f32 v5, v2;
	_ =	sdelay $0x1  }
0x24b: {  	[tilespmem:v36+s23+$0x0] =	vst.idx.msk $0xffff, v5  }
0x24c: {  	[tilespmem:v37+s23+$0x0] =	vst.idx.msk $0xffff, v2  }
0x24d: {  	v5 =	vld [tilespmem:s0+$0x4880];
	_ =	sdelay $0x1  }
0x24e: {  	v38 =	vor.u32 $0x2, v3  }
0x24f: {  	v39 =	vor.u32 $0x2, v4;
	_ =	sdelay $0x1  }
0x250: {  	v5 =	vsub.f32 v5, v2;
	_ =	sdelay $0x1  }
0x251: {  	[tilespmem:v38+s23+$0x0] =	vst.idx.msk $0xffff, v5  }
0x252: {  	[tilespmem:v39+s23+$0x0] =	vst.idx.msk $0xffff, v2  }
0x253: {  	v5 =	vld [tilespmem:s0+$0x4C80];
	_ =	sdelay $0x1  }
0x254: {  	v40 =	vor.u32 $0x3, v3  }
0x255: {  	v41 =	vor.u32 $0x3, v4;
	_ =	sdelay $0x1  }
0x256: {  	v5 =	vsub.f32 v5, v2;
	_ =	sdelay $0x1  }
0x257: {  	[tilespmem:v40+s23+$0x0] =	vst.idx.msk $0xffff, v5  }
0x258: {  	[tilespmem:v41+s23+$0x0] =	vst.idx.msk $0xffff, v2  }
0x259: {  	v5 =	vld [tilespmem:s0+$0x5080];
	_ =	sdelay $0x1  }
0x25a: {  	v42 =	vor.u32 $0x4, v3  }
0x25b: {  	v43 =	vor.u32 $0x4, v4;
	_ =	sdelay $0x1  }
0x25c: {  	v5 =	vsub.f32 v5, v2;
	_ =	sdelay $0x1  }
0x25d: {  	[tilespmem:v42+s23+$0x0] =	vst.idx.msk $0xffff, v5  }
0x25e: {  	[tilespmem:v43+s23+$0x0] =	vst.idx.msk $0xffff, v2  }
0x25f: {  	v5 =	vld [tilespmem:s0+$0x5480];
	_ =	sdelay $0x1  }
0x260: {  	v44 =	vor.u32 $0x5, v3  }
0x261: {  	v45 =	vor.u32 $0x5, v4;
	_ =	sdelay $0x1  }
0x262: {  	v5 =	vsub.f32 v5, v2;
	_ =	sdelay $0x1  }
0x263: {  	[tilespmem:v44+s23+$0x0] =	vst.idx.msk $0xffff, v5  }
0x264: {  	[tilespmem:v45+s23+$0x0] =	vst.idx.msk $0xffff, v2  }
0x265: {  	v5 =	vld [tilespmem:s0+$0x5880];
	_ =	sdelay $0x1  }
0x266: {  	v46 =	vor.u32 $0x6, v3  }
0x267: {  	v47 =	vor.u32 $0x6, v4;
	_ =	sdelay $0x1  }
0x268: {  	v5 =	vsub.f32 v5, v2;
	_ =	sdelay $0x1  }
0x269: {  	[tilespmem:v46+s23+$0x0] =	vst.idx.msk $0xffff, v5  }
0x26a: {  	[tilespmem:v47+s23+$0x0] =	vst.idx.msk $0xffff, v2  }
0x26b: {  	v5 =	vld [tilespmem:s0+$0x5C80];
	_ =	sdelay $0x1  }
0x26c: {  	v48 =	vor.u32 $0x7, v3  }
0x26d: {  	v49 =	vor.u32 $0x7, v4;
	_ =	sdelay $0x1  }
0x26e: {  	v5 =	vsub.f32 v5, v2;
	_ =	sdelay $0x1  }
0x26f: {  	[tilespmem:v48+s23+$0x0] =	vst.idx.msk $0xffff, v5  }
0x270: {  	[tilespmem:v49+s23+$0x0] =	vst.idx.msk $0xffff, v2  }
0x271: {  	v5 =	vld [tilespmem:s0+$0x6080];
	_ =	sdelay $0x1  }
0x272: {  	v50 =	vor.u32 $0x8, v3  }
0x273: {  	v51 =	vor.u32 $0x8, v4;
	_ =	sdelay $0x1  }
0x274: {  	v5 =	vsub.f32 v5, v2;
	_ =	sdelay $0x1  }
0x275: {  	[tilespmem:v50+s23+$0x0] =	vst.idx.msk $0xffff, v5  }
0x276: {  	[tilespmem:v51+s23+$0x0] =	vst.idx.msk $0xffff, v2  }
0x277: {  	v5 =	vld [tilespmem:s0+$0x6480];
	_ =	sdelay $0x1  }
0x278: {  	v52 =	vor.u32 $0x9, v3  }
0x279: {  	v53 =	vor.u32 $0x9, v4;
	_ =	sdelay $0x1  }
0x27a: {  	v5 =	vsub.f32 v5, v2;
	_ =	sdelay $0x1  }
0x27b: {  	[tilespmem:v52+s23+$0x0] =	vst.idx.msk $0xffff, v5  }
0x27c: {  	[tilespmem:v53+s23+$0x0] =	vst.idx.msk $0xffff, v2  }
0x27d: {  	v5 =	vld [tilespmem:s0+$0x6880];
	_ =	sdelay $0x1  }
0x27e: {  	v54 =	vor.u32 $0xA, v3  }
0x27f: {  	v55 =	vor.u32 $0xA, v4;
	_ =	sdelay $0x1  }
0x280: {  	v5 =	vsub.f32 v5, v2;
	_ =	sdelay $0x1  }
0x281: {  	[tilespmem:v54+s23+$0x0] =	vst.idx.msk $0xffff, v5  }
0x282: {  	[tilespmem:v55+s23+$0x0] =	vst.idx.msk $0xffff, v2  }
0x283: {  	v5 =	vld [tilespmem:s0+$0x6C80];
	_ =	sdelay $0x1  }
0x284: {  	v56 =	vor.u32 $0xB, v3  }
0x285: {  	v57 =	vor.u32 $0xB, v4;
	_ =	sdelay $0x1  }
0x286: {  	v5 =	vsub.f32 v5, v2;
	_ =	sdelay $0x1  }
0x287: {  	[tilespmem:v56+s23+$0x0] =	vst.idx.msk $0xffff, v5  }
0x288: {  	[tilespmem:v57+s23+$0x0] =	vst.idx.msk $0xffff, v2  }
0x289: {  	v5 =	vld [tilespmem:s0+$0x7080];
	_ =	sdelay $0x1  }
0x28a: {  	v58 =	vor.u32 $0xC, v3  }
0x28b: {  	v59 =	vor.u32 $0xC, v4;
	_ =	sdelay $0x1  }
0x28c: {  	v5 =	vsub.f32 v5, v2;
	_ =	sdelay $0x1  }
0x28d: {  	[tilespmem:v58+s23+$0x0] =	vst.idx.msk $0xffff, v5  }
0x28e: {  	[tilespmem:v59+s23+$0x0] =	vst.idx.msk $0xffff, v2  }
0x28f: {  	v5 =	vld [tilespmem:s0+$0x7480];
	_ =	sdelay $0x1  }
0x290: {  	v60 =	vor.u32 $0xD, v3  }
0x291: {  	v61 =	vor.u32 $0xD, v4;
	_ =	sdelay $0x1  }
0x292: {  	v5 =	vsub.f32 v5, v2;
	_ =	sdelay $0x1  }
0x293: {  	[tilespmem:v60+s23+$0x0] =	vst.idx.msk $0xffff, v5  }
0x294: {  	[tilespmem:v61+s23+$0x0] =	vst.idx.msk $0xffff, v2  }
0x295: {  	v5 =	vld [tilespmem:s0+$0x7880];
	_ =	sdelay $0x1  }
0x296: {  	v62 =	vor.u32 $0xE, v3  }
0x297: {  	v63 =	vor.u32 $0xE, v4;
	_ =	sdelay $0x1  }
0x298: {  	v5 =	vsub.f32 v5, v2;
	_ =	sdelay $0x1  }
0x299: {  	[tilespmem:v62+s23+$0x0] =	vst.idx.msk $0xffff, v5  }
0x29a: {  	[tilespmem:v63+s23+$0x0] =	vst.idx.msk $0xffff, v2  }
0x29b: {  	v5 =	vld [tilespmem:s0+$0x7C80];
	_ =	sdelay $0x1  }
0x29c: {  	v3 =	vor.u32 $0xF, v3  }
0x29d: {  	s28 =	sadd.s32 $0x1, s28;
	v4 =	vor.u32 $0xF, v4  }
0x29e: {  	p0 =	sne.s32 s28, $0x20  }
.Ltmp2:
0x29f: {  	s31 =	sshll.u32 s29, $0x4;
	v5 =	vsub.f32 v5, v2;
	(pc) =	sbr.rel @p0 .LBB2_2-.Ltmp2, $4  }
0x2a0: {  	s0 =	sadd.s32 s13, s31  }
0x2a1: {  	s0 =	sshrl.u32 s0, $0x3;
	[tilespmem:v3+s23+$0x0] =	vst.idx.msk $0xffff, v5  }
0x2a2: {  	s0 =	sadd.s32 s2, s0;
	[tilespmem:v4+s23+$0x0] =	vst.idx.msk $0xffff, v2  }
0x2a3: {  	[hbm4b:s0+s16] =	stream.strided.scatter [tilespmem:s23], [sflag:$0x4], $0x8000, s21, s16, $0x38;
	[tilespmem:$0x18480] =	vst v63  }
0x2a4: {  	s0 =	simm.s32 $0x3  }
0x2a5: {  	_ =	swait.ge [sflag:s0], $0x8000  }
0x2a6: {  	[sflag:s0] =	ssyncset.done $0x0  }
0x2a7: {  	s1 =	simm.s32 $0x4;
	[sflag:s0] =	ssyncadd.s32 $0xFFFF8000  }
0x2a8: {  	_ =	swait.ge [sflag:s1], $0x8000  }
0x2a9: {  	s10 =	rddreg [dreg:$0x5]  }
0x2aa: {  	s31 =	rddreg [dreg:$0x4];
	s10 =	sadd.s32 $0x1, s10  }
0x2ab: {  	p0 =	sne.s32 s10, s31  }
.Ltmp3:
0x2ac: {  	_ = 	snop;
	(pc) =	sbr.rel @p0 .LBB2_1-.Ltmp3, $3  }
0x2ad: {  	_ =	sdelay $0x1  }
0x2ae: {  	[sflag:s1] =	ssyncset.done $0x0  }
0x2af: {  	[sflag:s1] =	ssyncadd.s32 $0xFFFF8000  }
0x2b0: {  	_ =	sfence.sel $0x180000  }
0x2b1: {  	[bflag:$0x0] =	sbarrier.arrive $0xFFFF  }
0x2b2: {  	_ =	strace $0x9000004D  }
0x2b3: {  	s0 =	stileid.u32;
	[bflag:$0x2] =	sbarrier.arrive $0xFFFF  }
0x2b4: {  	p0 =	sne.s32 s0, $0x0;
	s0 =	rddreg [dreg:$0x2]  }
0x2b5: {  	s0 =	sadd.s32 @!p0 $0x100000, s0  }
0x2b6: {  	[sflag:s0] =	ssyncadd.tile.s32 @!p0 $0x1;
	_ =	shalt  }
.Lfunc_end2:
_tile_overlayer_lowered:
.L_overlay_start_2:
0x2b7: {  	(tag) =	ssettag $0x2  }
0x2b8: {  	s0 =	rddreg [dreg:$0x0];
	s2 =	stileid.u32  }
0x2b9: {  	s1 =	rddreg [dreg:$0x1];
	p0 =	sne.s32 s2, $0x0  }
0x2ba: {  	s3 =	rddreg [dreg:$0x2];
	[bflag:$0x3] =	sbarrier.arrive $0xFFFF;
	s2 =	simm.s32 @!p0 $0x1C05  }
0x2bb: {  	[timem:s3], [sflag:s2] =	dma.local @!p0 [hbm:s0], s1  }
0x2bc: {  	s0 =	simm.s32 @!p0 $0x5  }
0x2bd: {  	_ =	swait.ge @!p0 [sflag:s0], s1  }
0x2be: {  	s1 =	ssub.s32 @!p0 $0x0, s1;
	[sflag:s0] =	ssyncset.done @!p0 $0x0  }
0x2bf: {  	[sflag:s0] =	ssyncadd.s32 @!p0 s1  }
0x2c0: {  	[bflag:$0x3] =	sbarrier.arrive $0xFFFF  }
0x2c1: {  	_ =	shalt  }

// kernel: sparse-core-data-format-call.1.cloned.1.call-start
scs
called_computation.1_lowered:
.L_overlay_start_0:
0x0: {  	s2 =	sld [smem:$0x3FD9]  }
0x1: {  	s3 =	sld [smem:$0x3FFE];
	_ =	sdelay $0x1  }
0x2: {  	s1 =	srdreg.scid  }
0x3: {  	s0 =	sand.u32 $0x1, s1  }
0x4: {  	s18 =	sshll.u32 s0, $0xA;
	s2 =	sadd.s32 s3, s2  }
0x5: {  	s2 =	sadd.s32 s2, s18  }
0x6: {  	[smem:$0x3FC4] =	sst s2  }
0x7: {  	_ = 	snop  }
0x8: {  	s2 =	sld [smem:$0x3FD0];
	(tm) =	ssettm $0x1  }
0x9: {  	s19 =	sld [smem:$0x3FFB];
	_ =	sdelay $0x3  }
0xa: {  	_ =	strace s19  }
0xb: {  	s3 =	sld [smem:$0x3FFC];
	_ =	sdelay $0x3  }
0xc: {  	_ =	strace s3  }
0xd: {  	s3 =	sld [smem:$0x3FFD];
	_ =	sdelay $0x3  }
0xe: {  	_ =	strace s3  }
0xf: {  	_ =	strace $0x8FFFFFFF  }
0x10: {  	s20 =	sld [smem:$0x3FDB];
	_ =	sdelay $0x1  }
0x11: {  	s4 =	simm.s32 $_scs_section_size  }
0x12: {  	s5 =	simm.s32 $_size__tile_overlayer_lowered;
	s6 =	simm.s32 $_tile_overlayer_lowered  }
0x13: {  	s23 =	simm.s32 $0x1BFF;
	s22 =	sshll.u32 s6, $0x1;
	s3 =	sadd.s32 s4, s20  }
0x14: {  	s7 =	simm.s32 $0x0;
	s21 =	sshll.u32 s5, $0x1;
	s5 =	sadd.s32 s22, s3  }
0x15: {  	[timem:s7], [sflag:s23] =	dma.local [hbm:s5], s21  }
0x16: {  	_ =	swait.ge [sflag:s23], s21  }
0x17: {  	s4 =	ssub.s32 $0x0, s21;
	[sflag:s23] =	ssyncset.done $0x0  }
0x18: {  	[sflag:s23] =	ssyncadd.s32 s4;
	_ =	sdelay $0x1  }
0x19: {  	s24 =	simm.s32 $0x1B8B  }
0x1a: {  	_ =	swait.ge [sflag:s24], $0x1  }
0x1b: {  	[sflag:s24] =	ssyncset.done $0x0  }
0x1c: {  	s26 =	simm.s32 $0x1B8E;
	s25 =	sld [smem:$0x3FFE];
	[sflag:s24] =	ssyncadd.s32 $0xFFFFFFFF  }
0x1d: {  	s27 =	simm.s32 $execute0_lowered;
	[smem:$0x3FD2] =	sst s26  }
0x1e: {  	s5 =	sshll.u32 s27, $0x1;
	_ =	strace $0x80000046;
	[dreg:$0x1] =	wrdreg $0xFFFFFFFF  }
0x1f: {  	s28 =	simm.s32 $_size_execute0_lowered;
	s3 =	sadd.s32 s3, s5;
	[dreg:$0x0] =	wrdreg $0x0  }
0x20: {  	s5 =	sshll.u32 s28, $0x1;
	[dreg:$0x2] =	wrdreg s3  }
0x21: {  	[dreg:$0x3] =	wrdreg s5  }
0x22: {  	[dreg:$0x4] =	wrdreg $0xC0  }
0x23: {  	_ =	task [dreg:s7], $0x5FFFF  }
0x24: {  	[dreg:$0x1] =	wrdreg $0xFFFFFFFF  }
0x25: {  	[dreg:$0x0] =	wrdreg $0x60  }
0x26: {  	[dreg:$0x2] =	wrdreg s2  }
0x27: {  	[dreg:$0x3] =	wrdreg s25  }
0x28: {  	[dreg:$0x4] =	wrdreg $0x9  }
0x29: {  	_ =	task.clear_ibuf [dreg:s7], $0x5FFFF;
	_ =	strace $0x90000046  }
0x2a: {  	s29 =	simm.s32 $0x9;
	_ =	strace $0x80000048  }
0x2b: {  	_ =	swait.ge [sflag:s29], $0x1  }
0x2c: {  	[sflag:s29] =	ssyncadd.s32 $0xFFFFFFFF  }
0x2d: {  	_ =	strace $0x90000048  }
0x2e: {  	_ =	sfence  }
0x2f: {  	s30 =	sld [smem:$0x0];
	_ =	sdelay $0x2  }
0x30: {  	s31 =	sshll.u32 s1, $0xD;
	s1 =	sshrl.u32 s1, $0x2  }
0x31: {  	s3 =	sand.u32 $0x4000, s31;
	s1 =	sadd.s32 s1, s30  }
0x32: {  	s0 =	sor.u32 s3, s0;
	s1 =	sshll.u32 s1, $0x11  }
0x33: {  	s0 =	sor.u32 s1, s0  }
0x34: {  	s0 =	sadd.s32 $0x8F2B, s0  }
0x35: {  	[sflag:s0] =	ssyncadd.remote.s32 $0x1  }
0x36: {  	_ =	sfence.sel $0xFFFF  }
0x37: {  	[dreg:$0x0] =	wrdreg $0xFFFFFFFF;
	(pc) =	sbr.abs _section_cstart, $3  }
0x38: {  	[dreg:$0x1] =	wrdreg $0xFFFFFFFF  }
0x39: {  	_ =	task.clear_ibuf [dreg:s7], $0x2FFFF;
	_ =	strace $0x9FFFFFFF  }
0x3a: {  	(tm) =	ssettm $0x7FFFFFFF  }
0x3b: {  	_ =	shalt  }
tec
execute0_lowered:
.L_overlay_start_1:
0x0: {  	(tag) =	ssettag $0x1  }
0x1: {  	s0 =	srdreg.scid  }
0x2: {  	s1 =	sshll.u32 s0, $0x4  }
0x3: {  	s2 =	rddreg [dreg:$0x0];
	s0 =	stileid.u32;
	s1 =	sand.u32 $0x10, s1  }
0x4: {  	s4 =	rddreg [dreg:$0x1];
	s7 =	simm.s32 $0x1;
	s1 =	sor.u32 s0, s1  }
0x5: {  	s8 =	simm.s32 $0x2;
	s9 =	simm.s32 $0x0;
	s3 =	sshll.u32 s1, $0x3  }
0x6: {  	s12 =	simm.s32 $0x0;
	s11 =	simm.s32 $0x0;
	s6 =	ssub.s32 $0x1000, s3  }
.Ltmp0:
0x7: {  	s4 =	sadd.s32 $0x1C00, s4;
	s5 =	sand.u32 $0xF8, s6;
	(pc) =	sbr.rel .LBB1_1-.Ltmp0, $4  }
0x8: {  	s1 =	rddreg [dreg:$0x2];
	_ =	strace $0x80000047;
	p0 =	sne.s32 s5, $0x0  }
0x9: {  	s6 =	sshrl.u32 s6, $0x8;
	s5 =	simm.s32 $0x1;
	s7 =	simm.s32 @!p0 $0x0  }
0xa: {  	s10 =	smov.u32 s3;
	[sflag:s5] =	ssyncpa.u1 $0x0;
	s6 =	sadd.s32 s7, s6  }
0xb: {  	[sflag:s8] =	ssyncpa.u1 $0x0;
	s8 =	simm.s32 $0x0;
	s7 =	sadd.s32 $0x1, s6  }
.LBB1_9:
0xc: {  	s14 =	sadd.s32 $0x100, s10  }
0xd: {  	p1 =	sgt.s32 s14, $0xFFF  }
0xe: {  	s14 =	smov.u32 @p1 s3;
	p1 =	sne.s32 s11, s7  }
.Ltmp1:
0xf: {  	p0 =	slt.u32 s11, $0x2;
	(pc) =	sbr.rel @!p1 .LBB1_10-.Ltmp1, $4  }
0x10: {  	s13 =	simm.s32 @!p0 $0x2  }
0x11: {  	s15 =	sadd.s32 $0x1, s11;
	_ =	swait.ge @!p0 [sflag:s13], $0x4000  }
0x12: {  	s12 =	smov.u32 s10;
	s9 =	sadd.s32 $0x4000, s9;
	[sflag:s13] =	ssyncset.done @!p0 $0x0  }
0x13: {  	s11 =	smov.u32 s15;
	s10 =	smov.u32 s14;
	[sflag:s13] =	ssyncadd.s32 @!p0 $0xFFFFC000  }
.LBB1_1:
0x14: {  	p0 =	sge.u32 s11, s6  }
0x15: {  	s13 =	sxor.u32 @!p0 $0xFFFFFFFF, s11  }
0x16: {  	s31 =	sadd.s32 $0xFFFFFFFF, s11;
	s14 =	sshll.u32 @!p0 s10, $0x8;
	s13 =	sshll.u32 @!p0 s13, $0xE  }
0x17: {  	s15 =	simm.s32 @!p0 $0x0;
	s14 =	sadd.s32 @!p0 s2, s14;
	s13 =	sand.u32 @!p0 $0x4000, s13  }
0x18: {  	[tilespmem:s13], [sflag:$0x1] =	stream.linear.gather @!p0 [hbm4b:s14+s15], $0x4000, $0x38;
	[tilespmem:$0x10000] =	vst v63  }
0x19: {  	p0 =	sge.u32 s31, s6  }
.Ltmp2:
0x1a: {  	_ = 	snop;
	(pc) =	sbr.rel @p0 .LBB1_9-.Ltmp2, $1  }
0x1b: {  	_ =	sdelay $0x3  }
0x1c: {  	s13 =	sshll.u32 s9, $0x2;
	_ =	swait.ge [sflag:s5], $0x4000;
	s14 =	sshll.u32 s11, $0xE  }
0x1d: {  	s16 =	simm.s32 $0x0;
	s17 =	simm.s32 $0x0;
	s15 =	sand.u32 $0x10000, s13  }
0x1e: {  	[sflag:s5] =	ssyncset.done $0x0;
	s31 =	sand.u32 $0x4000, s14;
	s14 =	sshrl.u32 s15, $0x2  }
0x1f: {  	[sflag:s5] =	ssyncadd.s32 $0xFFFFC000;
	s13 =	sor.u32 $0x8000, s31;
	s15 =	sor.u32 $0x8000, s14  }
.LBB1_3:
0x20: {  	s18 =	sshra.s32 s16, $0x2  }
0x21: {  	v0 =	vmov s18;
	_ =	sdelay $0x3  }
0x22: {  	p1 =	por $0x1, $0x1;
	s18 =	simm.s32 $0x0  }
.LBB1_4:
0x23: {  	_ = 	snop  }
0x24: {  	s19 =	sshll.u32 s18, $0xA  }
0x25: {  	s19 =	sand.u32 $0x3FFFFC00, s19  }
0x26: {  	s19 =	sadd.s32 s19, s14  }
0x27: {  	v5 =	vld.idx.msk [tilespmem:v0+s19+$0x70 ss:$0x1], $0xffff  }
0x28: {  	v6 =	vld.idx.msk [tilespmem:v0+s19+$0x10 ss:$0x1], $0xffff  }
0x29: {  	v7 =	vld.idx.msk [tilespmem:v0+s19+$0x20 ss:$0x1], $0xffff  }
0x2a: {  	s31 =	sshll.u32 s18, $0x7;
	v1 =	vld.idx.msk [tilespmem:v0+s19+$0x30 ss:$0x1], $0xffff  }
0x2b: {  	s18 =	sand.u32 $0x3FFFFF80, s31;
	v2 =	vld.idx.msk [tilespmem:v0+s19+$0x40 ss:$0x1], $0xffff  }
0x2c: {  	s18 =	sadd.s32 s18, s15;
	v3 =	vld.idx.msk [tilespmem:v0+s19+$0x50 ss:$0x1], $0xffff  }
0x2d: {  	v4 =	vld.idx.msk [tilespmem:v0+s19+$0x60 ss:$0x1], $0xffff;
	[tilespmem:v0+s18+$0x70 ss:$0x1] =	vst.idx.msk $0xffff, v5  }
0x2e: {  	v5 =	vld.idx.msk [tilespmem:v0+s19+$0x0 ss:$0x1], $0xffff;
	[tilespmem:v0+s18+$0x10 ss:$0x1] =	vst.idx.msk $0xffff, v6;
	s19 =	sadd.s32 $0x80, s19  }
0x2f: {  	p0 =	por p1, p1;
	s20 =	simm.s32 $0x6;
	[tilespmem:v0+s18+$0x20 ss:$0x1] =	vst.idx.msk $0xffff, v7;
	v6 =	vld.idx.msk [tilespmem:v0+s19+$0x70 ss:$0x1], $0xffff  }
.LBB1_5:
0x30: {  	p1 =	sne.s32 s20, $0x1;
	v7 =	vld.idx.msk [tilespmem:v0+s19+$0x10 ss:$0x1], $0xffff;
	[tilespmem:v0+s18+$0x30 ss:$0x1] =	vst.idx.msk $0xffff, v1  }
0x31: {  	v8 =	vld.idx.msk [tilespmem:v0+s19+$0x20 ss:$0x1], $0xffff;
	[tilespmem:v0+s18+$0x40 ss:$0x1] =	vst.idx.msk $0xffff, v2  }
0x32: {  	v1 =	vld.idx.msk [tilespmem:v0+s19+$0x30 ss:$0x1], $0xffff;
	[tilespmem:v0+s18+$0x50 ss:$0x1] =	vst.idx.msk $0xffff, v3  }
.Ltmp3:
0x33: {  	v2 =	vld.idx.msk [tilespmem:v0+s19+$0x40 ss:$0x1], $0xffff;
	[tilespmem:v0+s18+$0x60 ss:$0x1] =	vst.idx.msk $0xffff, v4;
	(pc) =	sbr.rel @p1 .LBB1_5-.Ltmp3, $4  }
0x34: {  	v3 =	vld.idx.msk [tilespmem:v0+s19+$0x50 ss:$0x1], $0xffff;
	[tilespmem:v0+s18+$0x0 ss:$0x1] =	vst.idx.msk $0xffff, v5;
	s18 =	sadd.s32 $0x100, s18  }
0x35: {  	v4 =	vld.idx.msk [tilespmem:v0+s19+$0x60 ss:$0x1], $0xffff;
	[tilespmem:v0+s18+$0x70 ss:$0x1] =	vst.idx.msk $0xffff, v6  }
0x36: {  	v5 =	vld.idx.msk [tilespmem:v0+s19+$0x0 ss:$0x1], $0xffff;
	[tilespmem:v0+s18+$0x10 ss:$0x1] =	vst.idx.msk $0xffff, v7;
	s19 =	sadd.s32 $0x80, s19  }
0x37: {  	s20 =	sadd.s32 $0xFFFFFFFF, s20;
	v6 =	vld.idx.msk [tilespmem:v0+s19+$0x70 ss:$0x1], $0xffff;
	[tilespmem:v0+s18+$0x20 ss:$0x1] =	vst.idx.msk $0xffff, v8  }
0x38: {  	_ =	sdelay $0x3  }
0x39: {  	[tilespmem:v0+s18+$0x30 ss:$0x1] =	vst.idx.msk $0xffff, v1  }
0x3a: {  	v1 =	vld.idx.msk [tilespmem:v0+s19+$0x10 ss:$0x1], $0xffff;
	[tilespmem:v0+s18+$0x40 ss:$0x1] =	vst.idx.msk $0xffff, v2  }
0x3b: {  	v2 =	vld.idx.msk [tilespmem:v0+s19+$0x20 ss:$0x1], $0xffff;
	[tilespmem:v0+s18+$0x50 ss:$0x1] =	vst.idx.msk $0xffff, v3  }
0x3c: {  	v61 =	vld.idx.msk [tilespmem:v0+s19+$0x40 ss:$0x1], $0xffff;
	[tilespmem:v0+s18+$0x60 ss:$0x1] =	vst.idx.msk $0xffff, v4  }
0x3d: {  	s31 =	sadd.s32 $0x100, s18;
	v62 =	vld.idx.msk [tilespmem:v0+s19+$0x50 ss:$0x1], $0xffff;
	[tilespmem:v0+s18+$0x0 ss:$0x1] =	vst.idx.msk $0xffff, v5  }
0x3e: {  	v63 =	vld.idx.msk [tilespmem:v0+s19+$0x60 ss:$0x1], $0xffff;
	[tilespmem:v0+s31+$0x70 ss:$0x1] =	vst.idx.msk $0xffff, v6  }
0x3f: {  	v3 =	vld.idx.msk [tilespmem:v0+s19+$0x30 ss:$0x1], $0xffff;
	[tilespmem:v0+s31+$0x10 ss:$0x1] =	vst.idx.msk $0xffff, v1  }
0x40: {  	v1 =	vld.idx.msk [tilespmem:v0+s19+$0x0 ss:$0x1], $0xffff;
	[tilespmem:v0+s31+$0x20 ss:$0x1] =	vst.idx.msk $0xffff, v2  }
.Ltmp4:
0x41: {  	[tilespmem:v0+s31+$0x40 ss:$0x1] =	vst.idx.msk $0xffff, v61;
	(pc) =	sbr.rel @p0 .LBB1_4-.Ltmp4, $4  }
0x42: {  	[tilespmem:v0+s31+$0x50 ss:$0x1] =	vst.idx.msk $0xffff, v62  }
0x43: {  	[tilespmem:v0+s31+$0x60 ss:$0x1] =	vst.idx.msk $0xffff, v63  }
0x44: {  	[tilespmem:v0+s31+$0x30 ss:$0x1] =	vst.idx.msk $0xffff, v3  }
0x45: {  	p1 =	por $0x0, $0x0;
	s18 =	simm.s32 $0x1;
	[tilespmem:v0+s31+$0x0 ss:$0x1] =	vst.idx.msk $0xffff, v1  }
0x46: {  	s17 =	sadd.s32 $0x1, s17  }
0x47: {  	p0 =	sne.s32 s17, $0x8  }
.Ltmp5:
0x48: {  	_ = 	snop;
	(pc) =	sbr.rel @p0 .LBB1_3-.Ltmp5, $2  }
0x49: {  	_ =	sdelay $0x2  }
0x4a: {  	s16 =	sadd.s32 $0x2000, s16  }
.Ltmp6:
0x4b: {  	(pc) =	sbr.rel .LBB1_9-.Ltmp6, $4  }
0x4c: {  	_ = 	snop  }
0x4d: {  	s12 =	sshll.u32 s12, $0x8  }
0x4e: {  	s12 =	sadd.s32 s4, s12  }
0x4f: {  	[hbm4b:s12+s8] =	stream.linear.scatter [tilespmem:s13], [sflag:$0x2], $0x4000, $0x38;
	[tilespmem:$0x10000] =	vst v63  }
.LBB1_10:
0x50: {  	_ =	sfence.sel $0x180000  }
0x51: {  	s2 =	simm.s32 $0x1;
	[bflag:$0x0] =	sbarrier.arrive $0xFFFF  }
0x52: {  	s31 =	simm.s32 $0x2;
	[sflag:s2] =	ssyncpa.u1 $0x1  }
0x53: {  	[sflag:s31] =	ssyncpa.u1 $0x1  }
0x54: {  	p0 =	sne.s32 s0, $0x0;
	_ =	strace $0x90000047  }
0x55: {  	s0 =	sadd.s32 @!p0 $0x100000, s1;
	[bflag:$0x2] =	sbarrier.arrive $0xFFFF  }
0x56: {  	[sflag:s0] =	ssyncadd.tile.s32 @!p0 $0x1;
	_ =	shalt  }
.Lfunc_end1:
_tile_overlayer_lowered:
.L_overlay_start_2:
0x57: {  	(tag) =	ssettag $0x2  }
0x58: {  	s0 =	rddreg [dreg:$0x0];
	s2 =	stileid.u32  }
0x59: {  	s1 =	rddreg [dreg:$0x1];
	p0 =	sne.s32 s2, $0x0  }
0x5a: {  	s3 =	rddreg [dreg:$0x2];
	[bflag:$0x3] =	sbarrier.arrive $0xFFFF;
	s2 =	simm.s32 @!p0 $0x1C01  }
0x5b: {  	[timem:s3], [sflag:s2] =	dma.local @!p0 [hbm:s0], s1  }
0x5c: {  	s0 =	simm.s32 @!p0 $0x1  }
0x5d: {  	_ =	swait.ge @!p0 [sflag:s0], s1  }
0x5e: {  	s1 =	ssub.s32 @!p0 $0x0, s1;
	[sflag:s0] =	ssyncset.done @!p0 $0x0  }
0x5f: {  	[sflag:s0] =	ssyncadd.s32 @!p0 s1  }
0x60: {  	[bflag:$0x3] =	sbarrier.arrive $0xFFFF  }
0x61: {  	_ =	shalt  }

// kernel: sparse-core-data-format-call.cloned.1.call-start
scs
called_computation_lowered:
.L_overlay_start_0:
0x0: {  	s2 =	sld [smem:$0x3FD9]  }
0x1: {  	s3 =	sld [smem:$0x3FFE];
	_ =	sdelay $0x1  }
0x2: {  	s1 =	srdreg.scid  }
0x3: {  	s0 =	sand.u32 $0x1, s1  }
0x4: {  	s18 =	sshll.u32 s0, $0xA;
	s2 =	sadd.s32 s3, s2  }
0x5: {  	s2 =	sadd.s32 s2, s18  }
0x6: {  	[smem:$0x3FC4] =	sst s2  }
0x7: {  	_ = 	snop  }
0x8: {  	s2 =	sld [smem:$0x3FD0];
	(tm) =	ssettm $0x1  }
0x9: {  	s19 =	sld [smem:$0x3FFB];
	_ =	sdelay $0x3  }
0xa: {  	_ =	strace s19  }
0xb: {  	s3 =	sld [smem:$0x3FFC];
	_ =	sdelay $0x3  }
0xc: {  	_ =	strace s3  }
0xd: {  	s3 =	sld [smem:$0x3FFD];
	_ =	sdelay $0x3  }
0xe: {  	_ =	strace s3  }
0xf: {  	_ =	strace $0x8FFFFFFF  }
0x10: {  	s20 =	sld [smem:$0x3FDB];
	_ =	sdelay $0x1  }
0x11: {  	s4 =	simm.s32 $_scs_section_size  }
0x12: {  	s5 =	simm.s32 $_size__tile_overlayer_lowered;
	s6 =	simm.s32 $_tile_overlayer_lowered  }
0x13: {  	s23 =	simm.s32 $0x1BFF;
	s22 =	sshll.u32 s6, $0x1;
	s3 =	sadd.s32 s4, s20  }
0x14: {  	s7 =	simm.s32 $0x0;
	s21 =	sshll.u32 s5, $0x1;
	s5 =	sadd.s32 s22, s3  }
0x15: {  	[timem:s7], [sflag:s23] =	dma.local [hbm:s5], s21  }
0x16: {  	_ =	swait.ge [sflag:s23], s21  }
0x17: {  	s4 =	ssub.s32 $0x0, s21;
	[sflag:s23] =	ssyncset.done $0x0  }
0x18: {  	[sflag:s23] =	ssyncadd.s32 s4;
	_ =	sdelay $0x1  }
0x19: {  	s24 =	simm.s32 $0x1B8B  }
0x1a: {  	_ =	swait.ge [sflag:s24], $0x1  }
0x1b: {  	[sflag:s24] =	ssyncset.done $0x0  }
0x1c: {  	s26 =	simm.s32 $0x1B8E;
	s25 =	sld [smem:$0x3FFE];
	[sflag:s24] =	ssyncadd.s32 $0xFFFFFFFF  }
0x1d: {  	s27 =	simm.s32 $execute0_lowered;
	[smem:$0x3FD2] =	sst s26  }
0x1e: {  	s5 =	sshll.u32 s27, $0x1;
	_ =	strace $0x8000004F;
	[dreg:$0x1] =	wrdreg $0xFFFFFFFF  }
0x1f: {  	s28 =	simm.s32 $_size_execute0_lowered;
	s3 =	sadd.s32 s3, s5;
	[dreg:$0x0] =	wrdreg $0x0  }
0x20: {  	s5 =	sshll.u32 s28, $0x1;
	[dreg:$0x2] =	wrdreg s3  }
0x21: {  	[dreg:$0x3] =	wrdreg s5  }
0x22: {  	[dreg:$0x4] =	wrdreg $0xC0  }
0x23: {  	_ =	task [dreg:s7], $0x5FFFF  }
0x24: {  	[dreg:$0x1] =	wrdreg $0xFFFFFFFF  }
0x25: {  	[dreg:$0x0] =	wrdreg $0x60  }
0x26: {  	[dreg:$0x2] =	wrdreg s25  }
0x27: {  	[dreg:$0x3] =	wrdreg s2  }
0x28: {  	[dreg:$0x4] =	wrdreg $0x9  }
0x29: {  	_ =	task.clear_ibuf [dreg:s7], $0x5FFFF;
	_ =	strace $0x9000004F  }
0x2a: {  	s29 =	simm.s32 $0x9;
	_ =	strace $0x80000051  }
0x2b: {  	_ =	swait.ge [sflag:s29], $0x1  }
0x2c: {  	[sflag:s29] =	ssyncadd.s32 $0xFFFFFFFF  }
0x2d: {  	_ =	strace $0x90000051  }
0x2e: {  	_ =	sfence  }
0x2f: {  	s30 =	sld [smem:$0x0];
	_ =	sdelay $0x2  }
0x30: {  	s31 =	sshll.u32 s1, $0xD;
	s1 =	sshrl.u32 s1, $0x2  }
0x31: {  	s3 =	sand.u32 $0x4000, s31;
	s1 =	sadd.s32 s1, s30  }
0x32: {  	s0 =	sor.u32 s3, s0;
	s1 =	sshll.u32 s1, $0x11  }
0x33: {  	s0 =	sor.u32 s1, s0  }
0x34: {  	s0 =	sadd.s32 $0x8F2B, s0  }
0x35: {  	[sflag:s0] =	ssyncadd.remote.s32 $0x1  }
0x36: {  	_ =	sfence.sel $0xFFFF  }
0x37: {  	[dreg:$0x0] =	wrdreg $0xFFFFFFFF;
	(pc) =	sbr.abs _section_cstart, $3  }
0x38: {  	[dreg:$0x1] =	wrdreg $0xFFFFFFFF  }
0x39: {  	_ =	task.clear_ibuf [dreg:s7], $0x2FFFF;
	_ =	strace $0x9FFFFFFF  }
0x3a: {  	(tm) =	ssettm $0x7FFFFFFF  }
0x3b: {  	_ =	shalt  }
tec
execute0_lowered:
.L_overlay_start_1:
0x0: {  	(tag) =	ssettag $0x1  }
0x1: {  	s0 =	stileid.u32  }
0x2: {  	s1 =	srdreg.scid;
	s14 =	rddreg [dreg:$0x0]  }
0x3: {  	s7 =	simm.s32 $0x1;
	s8 =	simm.s32 $0x2;
	s21 =	simm.s32 $0x0  }
0x4: {  	s16 =	simm.s32 $0x4000;
	s22 =	simm.s32 $0x0;
	s23 =	simm.s32 $0x0  }
0x5: {  	s17 =	simm.s32 $0x0;
	s20 =	simm.s32 $0x0;
	s2 =	sshll.u32 s0, $0x1  }
0x6: {  	s1 =	sshll.u32 s1, $0x5;
	s4 =	sadd.s32 $0x1C00, s14;
	s9 =	sadd.s32 $0x11C00, s14  }
0x7: {  	s10 =	sadd.s32 $0x19C00, s14;
	s11 =	sadd.s32 $0x21C00, s14;
	s1 =	sor.u32 s2, s1  }
0x8: {  	s12 =	sadd.s32 $0x29C00, s14;
	s2 =	rddreg [dreg:$0x1];
	s3 =	sand.u32 $0x38, s1  }
0x9: {  	s13 =	sadd.s32 $0x31C00, s14;
	s1 =	rddreg [dreg:$0x2];
	s6 =	ssub.s32 $0x200, s3  }
0xa: {  	_ =	strace $0x80000050;
	s18 =	smov.u32 s3;
	s5 =	sand.u32 $0x38, s6  }
.Ltmp0:
0xb: {  	p0 =	sne.s32 s5, $0x0;
	s5 =	simm.s32 $0x1;
	(pc) =	sbr.rel .LBB1_1-.Ltmp0, $4  }
0xc: {  	s6 =	sshrl.u32 s6, $0x6;
	s7 =	simm.s32 @!p0 $0x0;
	[sflag:s5] =	ssyncpa.u1 $0x0  }
0xd: {  	p0 =	por $0x0, $0x0;
	s7 =	sadd.s32 s7, s6;
	s6 =	sand.u32 $0x3, s0  }
0xe: {  	[sflag:s8] =	ssyncpa.u1 $0x0;
	s8 =	sadd.s32 $0x9C00, s14;
	s7 =	sshll.u32 s7, $0x4  }
0xf: {  	s14 =	sadd.s32 $0x39C00, s14;
	s19 =	smov.u32 s6;
	s15 =	sor.u32 $0x1, s7  }
.LBB1_7:
0x10: {  	s24 =	sadd.s32 $0x80, s17  }
0x11: {  	s21 =	sadd.s32 $0x40, s18;
	s25 =	smov.u32 s18;
	p2 =	sgt.s32 s24, $0x7FF  }
0x12: {  	s25 =	smov.u32 @p2 s21  }
0x13: {  	s27 =	smov.u32 s19;
	s21 =	sadd.s32 $0x4, s19;
	p3 =	sgt.s32 s25, $0x1FF  }
0x14: {  	s27 =	smov.u32 @p3 s21  }
0x15: {  	s24 =	simm.s32 @p2 $0x0;
	p2 =	sgt.s32 s27, $0x3  }
0x16: {  	p1 =	slt.u32 s20, $0x2;
	s27 =	smov.u32 @p2 s6;
	p2 =	sne.s32 s20, s15  }
.Ltmp1:
0x17: {  	s26 =	simm.s32 @!p1 $0x2;
	(pc) =	sbr.rel @!p2 .LBB1_8-.Ltmp1, $4  }
0x18: {  	s22 =	smov.u32 s18;
	s23 =	smov.u32 s19;
	_ =	swait.ge @!p1 [sflag:s26], $0x4000  }
0x19: {  	p0 =	por !p0, !p0;
	[sflag:s26] =	ssyncset.done @!p1 $0x0;
	s25 =	smov.u32 @p3 s3  }
0x1a: {  	s21 =	smov.u32 s17;
	[sflag:s26] =	ssyncadd.s32 @!p1 $0xFFFFC000;
	s17 =	smov.u32 s24  }
0x1b: {  	s18 =	smov.u32 s25;
	s20 =	sadd.s32 $0x1, s20;
	s19 =	smov.u32 s27  }
.LBB1_1:
0x1c: {  	p1 =	sge.u32 s20, s7  }
0x1d: {  	s24 =	sxor.u32 @!p1 $0xFFFFFFFF, s20;
	s25 =	sshll.u32 @!p1 s19, $0x18;
	s26 =	sshll.u32 @!p1 s18, $0xF  }
0x1e: {  	s28 =	sshll.u32 @!p1 s17, $0x4;
	s29 =	simm.s32 @!p1 $0x10;
	s27 =	sadd.s32 @!p1 s25, s26  }
0x1f: {  	s24 =	sshll.u32 @!p1 s24, $0xE;
	s28 =	sand.u32 @!p1 $0x7FF0, s28;
	s27 =	sadd.s32 @!p1 s4, s27  }
0x20: {  	s30 =	simm.s32 @!p1 $0x80;
	s24 =	sand.u32 @!p1 $0x4000, s24;
	s27 =	sadd.s32 @!p1 s28, s27  }
0x21: {  	[tilespmem:s24], [sflag:$0x1] =	stream.strided.gather @!p1 [hbm4b:s27+s29], $0x800, s30, s29, $0x38;
	[tilespmem:$0x10100] =	vst v63  }
0x22: {  	s27 =	sadd.s32 @!p1 s25, s8  }
0x23: {  	s27 =	sadd.s32 @!p1 s26, s27  }
0x24: {  	s31 =	sor.u32 @!p1 $0x800, s24;
	s27 =	sadd.s32 @!p1 s28, s27  }
0x25: {  	[tilespmem:s31], [sflag:$0x1] =	stream.strided.gather @!p1 [hbm4b:s27+s29], $0x800, s30, s29, $0x38;
	[tilespmem:$0x10100] =	vst v63  }
0x26: {  	s27 =	sadd.s32 @!p1 s25, s9  }
0x27: {  	s27 =	sadd.s32 @!p1 s26, s27  }
0x28: {  	s31 =	sor.u32 @!p1 $0x1000, s24;
	s27 =	sadd.s32 @!p1 s28, s27  }
0x29: {  	[tilespmem:s31], [sflag:$0x1] =	stream.strided.gather @!p1 [hbm4b:s27+s29], $0x800, s30, s29, $0x38;
	[tilespmem:$0x10100] =	vst v63  }
0x2a: {  	s27 =	sadd.s32 @!p1 s25, s10  }
0x2b: {  	s27 =	sadd.s32 @!p1 s26, s27  }
0x2c: {  	s31 =	sor.u32 @!p1 $0x1800, s24;
	s27 =	sadd.s32 @!p1 s28, s27  }
0x2d: {  	[tilespmem:s31], [sflag:$0x1] =	stream.strided.gather @!p1 [hbm4b:s27+s29], $0x800, s30, s29, $0x38;
	[tilespmem:$0x10100] =	vst v63  }
0x2e: {  	s27 =	sadd.s32 @!p1 s25, s11  }
0x2f: {  	s27 =	sadd.s32 @!p1 s26, s27  }
0x30: {  	s31 =	sor.u32 @!p1 $0x2000, s24;
	s27 =	sadd.s32 @!p1 s28, s27  }
0x31: {  	[tilespmem:s31], [sflag:$0x1] =	stream.strided.gather @!p1 [hbm4b:s27+s29], $0x800, s30, s29, $0x38;
	[tilespmem:$0x10100] =	vst v63  }
0x32: {  	s27 =	sadd.s32 @!p1 s25, s12  }
0x33: {  	s27 =	sadd.s32 @!p1 s26, s27  }
0x34: {  	s31 =	sor.u32 @!p1 $0x2800, s24;
	s27 =	sadd.s32 @!p1 s28, s27  }
0x35: {  	[tilespmem:s31], [sflag:$0x1] =	stream.strided.gather @!p1 [hbm4b:s27+s29], $0x800, s30, s29, $0x38;
	[tilespmem:$0x10100] =	vst v63  }
0x36: {  	s27 =	sadd.s32 @!p1 s25, s13  }
0x37: {  	s25 =	sadd.s32 @!p1 s25, s14;
	s27 =	sadd.s32 @!p1 s26, s27  }
0x38: {  	s31 =	sor.u32 @!p1 $0x3000, s24;
	s25 =	sadd.s32 @!p1 s26, s25;
	s27 =	sadd.s32 @!p1 s28, s27  }
0x39: {  	[tilespmem:s31], [sflag:$0x1] =	stream.strided.gather @!p1 [hbm4b:s27+s29], $0x800, s30, s29, $0x38;
	[tilespmem:$0x10100] =	vst v63  }
0x3a: {  	s24 =	sor.u32 @!p1 $0x3800, s24;
	s25 =	sadd.s32 @!p1 s28, s25;
	s31 =	sadd.s32 $0xFFFFFFFF, s20  }
0x3b: {  	[tilespmem:s24], [sflag:$0x1] =	stream.strided.gather @!p1 [hbm4b:s25+s29], $0x800, s30, s29, $0x38;
	[tilespmem:$0x10100] =	vst v63  }
0x3c: {  	p1 =	sge.u32 s31, s7  }
.Ltmp2:
0x3d: {  	_ = 	snop;
	(pc) =	sbr.rel @p1 .LBB1_7-.Ltmp2, $1  }
0x3e: {  	_ =	sdelay $0x3  }
0x3f: {  	s24 =	simm.s32 $0x1;
	s26 =	sand.u32 $0x1, s20  }
0x40: {  	_ =	swait.ge [sflag:s5], $0x4000;
	s24 =	simm.s32 @!p0 $0x0;
	s27 =	smul.u32 $0x10200, s26  }
0x41: {  	[sflag:s5] =	ssyncset.done $0x0;
	s25 =	smul.u32 $0x10200, s24  }
0x42: {  	s24 =	sshll.u32 s24, $0xE;
	[sflag:s5] =	ssyncadd.s32 $0xFFFFC000  }
0x43: {  	s26 =	sor.u32 $0x40, s24;
	s31 =	sshrl.u32 s27, $0x2;
	s25 =	sshrl.u32 s25, $0x2  }
0x44: {  	s27 =	simm.s32 $0x0;
	s24 =	sor.u32 $0x8000, s31;
	s25 =	sor.u32 $0x8007, s25  }
.LBB1_3:
0x45: {  	v3 =	vld [tilespmem:s26+$0x30]  }
0x46: {  	v4 =	vld [tilespmem:s26+$0xFFFFFFD0]  }
0x47: {  	v5 =	vld [tilespmem:s26+$0xFFFFFFE0]  }
0x48: {  	v1 =	vld [tilespmem:s26+$0xFFFFFFF0]  }
0x49: {  	v0 =	vld [tilespmem:s26+$0x0]  }
0x4a: {  	v2 =	vld [tilespmem:s26+$0x10];
	[tilespmem:s25+$0x0 ss:$0x81] =	vst.msk $0xffff, v3  }
0x4b: {  	[tilespmem:s25+$0xFFFFFFFA ss:$0x81] =	vst.msk $0xffff, v4;
	v4 =	vld [tilespmem:s26+$0x20]  }
0x4c: {  	s29 =	simm.s32 $0x0;
	s30 =	sadd.s32 $0x80, s26;
	s28 =	smov.u32 s25;
	v3 =	vld [tilespmem:s26+$0xFFFFFFC0];
	[tilespmem:s25+$0xFFFFFFFB ss:$0x81] =	vst.msk $0xffff, v5  }
.LBB1_4:
0x4d: {  	v5 =	vld [tilespmem:s30+$0x30];
	s29 =	sadd.s32 $0x8, s29;
	[tilespmem:s28+$0xFFFFFFFC ss:$0x81] =	vst.msk $0xffff, v1  }
0x4e: {  	v6 =	vld [tilespmem:s30+$0xFFFFFFD0];
	p1 =	slt.u32 s29, $0x78;
	[tilespmem:s28+$0xFFFFFFFD ss:$0x81] =	vst.msk $0xffff, v0  }
0x4f: {  	v7 =	vld [tilespmem:s30+$0xFFFFFFE0];
	[tilespmem:s28+$0xFFFFFFFE ss:$0x81] =	vst.msk $0xffff, v2  }
.Ltmp3:
0x50: {  	v1 =	vld [tilespmem:s30+$0xFFFFFFF0];
	[tilespmem:s28+$0xFFFFFFFF ss:$0x81] =	vst.msk $0xffff, v4;
	(pc) =	sbr.rel @p1 .LBB1_4-.Ltmp3, $4  }
0x51: {  	v0 =	vld [tilespmem:s30+$0x0];
	[tilespmem:s28+$0xFFFFFFF9 ss:$0x81] =	vst.msk $0xffff, v3;
	s28 =	sadd.s32 $0x8, s28  }
0x52: {  	v2 =	vld [tilespmem:s30+$0x10];
	[tilespmem:s28+$0x0 ss:$0x81] =	vst.msk $0xffff, v5  }
0x53: {  	[tilespmem:s28+$0xFFFFFFFA ss:$0x81] =	vst.msk $0xffff, v6;
	v4 =	vld [tilespmem:s30+$0x20]  }
0x54: {  	v3 =	vld [tilespmem:s30+$0xFFFFFFC0];
	[tilespmem:s28+$0xFFFFFFFB ss:$0x81] =	vst.msk $0xffff, v7;
	s30 =	sadd.s32 $0x80, s30  }
0x55: {  	s27 =	sadd.s32 $0x1, s27  }
0x56: {  	p1 =	sne.s32 s27, $0x8  }
.Ltmp4:
0x57: {  	[tilespmem:s28+$0xFFFFFFFC ss:$0x81] =	vst.msk $0xffff, v1;
	(pc) =	sbr.rel @p1 .LBB1_3-.Ltmp4, $4  }
0x58: {  	[tilespmem:s28+$0xFFFFFFFD ss:$0x81] =	vst.msk $0xffff, v0  }
0x59: {  	[tilespmem:s28+$0xFFFFFFFE ss:$0x81] =	vst.msk $0xffff, v2  }
0x5a: {  	[tilespmem:s28+$0xFFFFFFFF ss:$0x81] =	vst.msk $0xffff, v4  }
0x5b: {  	s25 =	sadd.s32 $0x810, s25;
	s26 =	sadd.s32 $0x800, s26;
	[tilespmem:s28+$0xFFFFFFF9 ss:$0x81] =	vst.msk $0xffff, v3  }
0x5c: {  	s25 =	sshll.u32 s21, $0x3;
	s26 =	sand.u32 $0x78, s21  }
0x5d: {  	s23 =	sshll.u32 s23, $0x15;
	s22 =	sshll.u32 s22, $0xC;
	s29 =	sand.u32 $0xF00, s21  }
.Ltmp5:
0x5e: {  	s25 =	sand.u32 $0x400, s25;
	s23 =	sadd.s32 s2, s23;
	(pc) =	sbr.rel .LBB1_7-.Ltmp5, $4  }
0x5f: {  	s30 =	sand.u32 $0x7, s21;
	s25 =	sor.u32 s26, s25;
	s22 =	sadd.s32 s22, s23  }
0x60: {  	s21 =	sshll.u32 s30, $0x12;
	s31 =	sshrl.u32 s25, $0x3;
	s22 =	sadd.s32 s29, s22  }
0x61: {  	s21 =	sor.u32 $0x400, s21;
	s22 =	sadd.s32 s31, s22  }
0x62: {  	[hbm4b:s22+s21] =	stream.strided.scatter [tilespmem:s24], [sflag:$0x2], $0x4000, s16, s21, $0x20;
	[tilespmem:$0x10100] =	vst v63  }
.LBB1_8:
0x63: {  	_ =	sfence.sel $0x180000  }
0x64: {  	s2 =	simm.s32 $0x1;
	[bflag:$0x0] =	sbarrier.arrive $0xFFFF  }
0x65: {  	s31 =	simm.s32 $0x2;
	[sflag:s2] =	ssyncpa.u1 $0x1  }
0x66: {  	[sflag:s31] =	ssyncpa.u1 $0x1  }
0x67: {  	p0 =	sne.s32 s0, $0x0;
	_ =	strace $0x90000050  }
0x68: {  	s0 =	sadd.s32 @!p0 $0x100000, s1;
	[bflag:$0x2] =	sbarrier.arrive $0xFFFF  }
0x69: {  	[sflag:s0] =	ssyncadd.tile.s32 @!p0 $0x1;
	_ =	shalt  }
.Lfunc_end1:
_tile_overlayer_lowered:
.L_overlay_start_2:
0x6a: {  	(tag) =	ssettag $0x2  }
0x6b: {  	s0 =	rddreg [dreg:$0x0];
	s2 =	stileid.u32  }
0x6c: {  	s1 =	rddreg [dreg:$0x1];
	p0 =	sne.s32 s2, $0x0  }
0x6d: {  	s3 =	rddreg [dreg:$0x2];
	[bflag:$0x3] =	sbarrier.arrive $0xFFFF;
	s2 =	simm.s32 @!p0 $0x1C01  }
0x6e: {  	[timem:s3], [sflag:s2] =	dma.local @!p0 [hbm:s0], s1  }
0x6f: {  	s0 =	simm.s32 @!p0 $0x1  }
0x70: {  	_ =	swait.ge @!p0 [sflag:s0], s1  }
0x71: {  	s1 =	ssub.s32 @!p0 $0x0, s1;
	[sflag:s0] =	ssyncset.done @!p0 $0x0  }
0x72: {  	[sflag:s0] =	ssyncadd.s32 @!p0 s1  }
0x73: {  	[bflag:$0x3] =	sbarrier.arrive $0xFFFF  }
0x74: {  	_ =	shalt  }

</sc_bundles>
